<compile_context>
chip_gen: v7x
topology: tpu7x:2x2x1
jax: 0.10.2.dev20260603
libtpu: 0.0.44.dev20260713+nightly
codegen_flags: <defaults>
</compile_context>

<pallas_src>
import jax
import jax.numpy as jnp
from jax import lax
from jax.experimental import pallas as pl
from jax.experimental.pallas import tpu as pltpu
from jax.experimental.pallas import tpu_sc as plsc

N_NODES = 10000
N_EDGES = 320000
D_NODE = 128
D_EDGE = 16

NC = 2
NS = 16
NW = NC * NS
GRP_EDGES = 1024
GROUPS = 10
EDGES_PER_TILE = GRP_EDGES * GROUPS
E_PAD = NW * EDGES_PER_TILE


def _pq_body(ns_ref, wa_ref, wb_ref, t_ref):
    half = pl.num_programs(0) // 2
    t = pl.program_id(0)
    w = jnp.where(t < half, wa_ref[...], wb_ref[...])
    t_ref[...] = jnp.dot(ns_ref[...], w, preferred_element_type=jnp.float32)


def _precompute_table(ns, wa, wb):
    br = 2000
    nb = N_NODES // br
    return pl.pallas_call(
        _pq_body,
        grid=(2 * nb,),
        in_specs=[
            pl.BlockSpec((br, D_NODE), lambda t: (t % (N_NODES // 2000), 0)),
            pl.BlockSpec((D_NODE, D_EDGE), lambda t: (0, 0)),
            pl.BlockSpec((D_NODE, D_EDGE), lambda t: (0, 0)),
        ],
        out_specs=pl.BlockSpec((br, D_EDGE), lambda t: (t, 0)),
        out_shape=jax.ShapeDtypeStruct((2 * N_NODES, D_EDGE), jnp.float32),
    )(ns, wa, wb)


def _gather_body(t_hbm, cidx_hbm, st_hbm,
                 idx_v, a0, a1, b0, b1, c0, c1, gsem, wsem):
    wid = lax.axis_index("s") * NC + lax.axis_index("c")
    pltpu.sync_copy(cidx_hbm.at[wid], idx_v)
    base = wid * EDGES_PER_TILE
    ab = ((a0, b0), (a1, b1))
    cb = (c0, c1)
    iota16 = lax.iota(jnp.int32, 16)

    def g_pairs(g, par):
        sl = pl.ds(g * GRP_EDGES, GRP_EDGES)
        return ((t_hbm.at[idx_v.at[0, sl]], ab[par][0], gsem),
                (t_hbm.at[idx_v.at[1, sl]], ab[par][1], gsem))

    def w_pair(g, par):
        e0 = base + g * GRP_EDGES
        return ((cb[par], st_hbm.at[:, pl.ds(e0, GRP_EDGES)], wsem),)

    def fire(pairs):
        for s, d, sem in pairs:
            pltpu.async_copy(s, d, sem)

    def drain(pairs):
        for s, d, sem in pairs:
            pltpu.make_async_copy(s, d, sem).wait()

    fire(g_pairs(0, 0))
    for g in range(GROUPS):
        par = g & 1
        if g + 1 < GROUPS:
            fire(g_pairs(g + 1, 1 - par))
        drain(g_pairs(g, par))
        if g >= 2:
            drain(w_pair(g - 2, par))
        a, b = ab[par]
        c = cb[par]

        @pl.loop(0, GRP_EDGES // 16)
        def _addt(eb):
            rows = eb * 16 + iota16
            for j in range(D_EDGE):
                col = jnp.full((16,), j, jnp.int32)
                va = plsc.load_gather(a, [rows, col])
                vb = plsc.load_gather(b, [rows, col])
                c[j, pl.ds(eb * 16, 16)] = va + vb

        fire(w_pair(g, par))
    drain(w_pair(GROUPS - 2, (GROUPS - 2) & 1))
    drain(w_pair(GROUPS - 1, (GROUPS - 1) & 1))


def _gather_add(table, cidx):
    mesh = plsc.VectorSubcoreMesh(core_axis_name="c", subcore_axis_name="s")
    buf = pltpu.VMEM((GRP_EDGES, D_EDGE), jnp.float32)
    cbuf = pltpu.VMEM((D_EDGE, GRP_EDGES), jnp.float32)
    f = pl.kernel(
        _gather_body,
        out_type=jax.ShapeDtypeStruct((D_EDGE, E_PAD), jnp.float32),
        mesh=mesh,
        scratch_types=[
            pltpu.VMEM((2, EDGES_PER_TILE), jnp.int32),
            buf, buf, buf, buf, cbuf, cbuf,
            pltpu.SemaphoreType.DMA,
            pltpu.SemaphoreType.DMA,
        ],
        compiler_params=pltpu.CompilerParams(use_tc_tiling_on_sc=False,
                                             needs_layout_passes=False),
    )
    return f(table, cidx)


def _dense_body(st_ref, et_ref, w1t_ref, w2t_ref, pr_ref, o_ref):
    e = et_ref[...]
    x = (st_ref[...]
         + jnp.dot(w1t_ref[...], e, preferred_element_type=jnp.float32)
         + pr_ref[:, 0:1])
    h1 = x * (1.0 / (1.0 + jnp.exp(-x)))
    y = jnp.dot(w2t_ref[...], h1, preferred_element_type=jnp.float32) + pr_ref[:, 1:2]
    h2 = y * (1.0 / (1.0 + jnp.exp(-y)))
    z = e + h2
    m = jnp.mean(z, axis=0, keepdims=True)
    v = jnp.mean(z * z, axis=0, keepdims=True) - m * m
    o_ref[...] = (z - m) * lax.rsqrt(v + 1e-5) * pr_ref[:, 2:3] + pr_ref[:, 3:4]


def _dense(st, et, w1t, w2t, params_t):
    bc = 32000
    full = lambda t: (0, 0)
    col = lambda t: (0, t)
    return pl.pallas_call(
        _dense_body,
        grid=(N_EDGES // bc,),
        in_specs=[
            pl.BlockSpec((D_EDGE, bc), col),
            pl.BlockSpec((D_EDGE, bc), col),
            pl.BlockSpec((D_EDGE, D_EDGE), full),
            pl.BlockSpec((D_EDGE, D_EDGE), full),
            pl.BlockSpec((D_EDGE, 8), full),
        ],
        out_specs=pl.BlockSpec((D_EDGE, bc), col),
        out_shape=jax.ShapeDtypeStruct((D_EDGE, N_EDGES), jnp.float32),
    )(st, et, w1t, w2t, params_t)


def kernel(node_scalars, edge_index, edge_feats, W1, b1, W2, b2, gamma, beta):
    wa = W1[:D_NODE]
    wb = W1[D_NODE:2 * D_NODE]
    we = W1[2 * D_NODE:]

    table = _precompute_table(node_scalars, wa, wb)

    pad = E_PAD - N_EDGES
    src = jnp.pad(edge_index[0].astype(jnp.int32), (0, pad))
    dst = jnp.pad(edge_index[1].astype(jnp.int32), (0, pad)) + N_NODES
    cidx = jnp.stack([src.reshape(NW, EDGES_PER_TILE),
                      dst.reshape(NW, EDGES_PER_TILE)], axis=1)

    st = _gather_add(table, cidx)

    params_t = jnp.stack(
        [b1, b2, gamma, beta] + [jnp.zeros_like(b1)] * 4, axis=1)
    out_t = _dense(st, edge_feats.T, we.T, W2.T, params_t)
    return out_t.T

# --- scband reference (transcript-rebuilt; emitter-appended) ---
"""Pipeline reference for scband-edge-update-38311108280938 (READ-ONLY COPY).

The authoritative reference and input builder live on the scoring server;
editing this copy changes nothing except your own understanding.
"""

import jax, jax.numpy as jnp
import numpy as np

N_NODES = 10000
N_EDGES = 320000
D_NODE = 128
D_EDGE = 16


def setup_inputs(seed: int = 0) -> dict:
    key = jax.random.key(seed)
    ks = jax.random.split(key, 10)
    node_scalars = jax.random.normal(ks[0], (N_NODES, D_NODE), dtype=jnp.float32)
    edge_index = jax.random.randint(ks[1], (2, N_EDGES), 0, N_NODES, dtype=jnp.int64)
    edge_feats = jax.random.normal(ks[2], (N_EDGES, D_EDGE), dtype=jnp.float32)
    d_in = 2 * D_NODE + D_EDGE
    W1 = jax.random.normal(ks[3], (d_in, D_EDGE), dtype=jnp.float32) / np.sqrt(d_in)
    b1 = jnp.zeros((D_EDGE,), dtype=jnp.float32)
    W2 = jax.random.normal(ks[4], (D_EDGE, D_EDGE), dtype=jnp.float32) / np.sqrt(D_EDGE)
    b2 = jnp.zeros((D_EDGE,), dtype=jnp.float32)
    gamma = jnp.ones((D_EDGE,), dtype=jnp.float32)
    beta = jnp.zeros((D_EDGE,), dtype=jnp.float32)
    return {
        "node_scalars": node_scalars,
        "edge_index": edge_index,
        "edge_feats": edge_feats,
        "W1": W1, "b1": b1, "W2": W2, "b2": b2,
        "gamma": gamma, "beta": beta,
    }


def _layer_norm(x, gamma, beta, eps=1e-5):
    mean = jnp.mean(x, axis=-1, keepdims=True)
    var = jnp.var(x, axis=-1, keepdims=True)
    return (x - mean) / jnp.sqrt(var + eps) * gamma + beta


def reference(node_scalars, edge_index, edge_feats, W1, b1, W2, b2, gamma, beta):
    src_idxs = edge_index[0]
    dst_idxs = edge_index[1]
    # gather node scalars at edge endpoints (SparseCore gather)
    src_feats = jnp.take(node_scalars, src_idxs, axis=0)
    dst_feats = jnp.take(node_scalars, dst_idxs, axis=0)
    mlp_in = jnp.concatenate([src_feats, dst_feats, edge_feats], axis=-1)
    h = jax.nn.silu(mlp_in @ W1 + b1)
    h = jax.nn.silu(h @ W2 + b2)
    out = _layer_norm(edge_feats + h, gamma, beta)
    return out

if __name__ == "__main__":
    import jax
    _d = setup_inputs()
    print(jax.jit(kernel)(*tuple(_d.values())))

</pallas_src>

<mosaic_0001>
#map = affine_map<(d0, d1) -> (0, 0)>
#map1 = affine_map<(d0, d1) -> (0, 0, 0)>
module attributes {stable_mosaic.version = 14 : i64} {
  func.func @_gather_body(%arg0: i32, %arg1: i32, %arg2: memref<20000x16xf32, #tpu.memory_space<hbm>>, %arg3: memref<32x2x10240xi32, #tpu.memory_space<hbm>>, %arg4: memref<16x327680xf32, #tpu.memory_space<hbm>>, %arg5: memref<2x10240xi32, #tpu.memory_space<vmem>>, %arg6: memref<1024x16xf32, #tpu.memory_space<vmem>>, %arg7: memref<1024x16xf32, #tpu.memory_space<vmem>>, %arg8: memref<1024x16xf32, #tpu.memory_space<vmem>>, %arg9: memref<1024x16xf32, #tpu.memory_space<vmem>>, %arg10: memref<16x1024xf32, #tpu.memory_space<vmem>>, %arg11: memref<16x1024xf32, #tpu.memory_space<vmem>>, %arg12: memref<!tpu.dma_semaphore, #tpu.memory_space<semaphore_mem>>, %arg13: memref<!tpu.dma_semaphore, #tpu.memory_space<semaphore_mem>>) attributes {dimension_semantics = [#tpu.dimension_semantics<core_parallel>, #tpu.dimension_semantics<subcore_parallel>], iteration_bounds = array<i64: 2, 16>, scalar_prefetch = 0 : i64, scratch_operands = 9 : i64, tpu.core_type = #tpu.core_type<sc_vector_subcore>, window_params = [{transform_indices = #map}, {transform_indices = #map1}, {transform_indices = #map}]} {
    %mul3A = arith.constant 2 : i32
    %mul3A_0 = arith.muli %arg1, %mul3A : i32
    %add3A = arith.addi %mul3A_0, %arg0 : i32
    "tpu.region"() ({
      %run_scoped3A = tpu.sem_alloc : memref<!tpu.dma_semaphore, #tpu.memory_space<semaphore_mem>>
      %dma_start3A_450 = arith.constant 0 : i32
      %dma_start3A_451 = arith.constant 0 : i32
      %dma_start3A_452 = tpu.memref_slice %arg3[%add3A, %dma_start3A_450, %dma_start3A_451] : memref<32x2x10240xi32, #tpu.memory_space<hbm>> -> memref<1x2x10240xi32, #tpu.memory_space<hbm>>
      %dma_start3A_453 = tpu.memref_squeeze %dma_start3A_452 : memref<1x2x10240xi32, #tpu.memory_space<hbm>> -> memref<2x10240xi32, #tpu.memory_space<hbm>>
      %dma_start3A_454 = arith.constant 0 : i32
      %dma_start3A_455 = arith.constant 0 : i32
      %dma_start3A_456 = tpu.memref_slice %arg3[%add3A, %dma_start3A_454, %dma_start3A_455] : memref<32x2x10240xi32, #tpu.memory_space<hbm>> -> memref<1x2x10240xi32, #tpu.memory_space<hbm>>
      %dma_start3A_457 = tpu.memref_squeeze %dma_start3A_456 : memref<1x2x10240xi32, #tpu.memory_space<hbm>> -> memref<2x10240xi32, #tpu.memory_space<hbm>>
      tpu.enqueue_dma source(%dma_start3A_457 : memref<2x10240xi32, #tpu.memory_space<hbm>>) target(%arg5 : memref<2x10240xi32, #tpu.memory_space<vmem>>) target_semaphore(%run_scoped3A : memref<!tpu.dma_semaphore, #tpu.memory_space<semaphore_mem>>)
      %dma_wait3A_458 = arith.constant 0 : i32
      %dma_wait3A_459 = arith.constant 0 : i32
      %dma_wait3A_460 = tpu.memref_slice %arg3[%add3A, %dma_wait3A_458, %dma_wait3A_459] : memref<32x2x10240xi32, #tpu.memory_space<hbm>> -> memref<1x2x10240xi32, #tpu.memory_space<hbm>>
      %dma_wait3A_461 = tpu.memref_squeeze %dma_wait3A_460 : memref<1x2x10240xi32, #tpu.memory_space<hbm>> -> memref<2x10240xi32, #tpu.memory_space<hbm>>
      %dma_wait3A_462 = arith.constant 0 : i32
      %dma_wait3A_463 = arith.constant 0 : i32
      %dma_wait3A_464 = tpu.memref_slice %arg3[%add3A, %dma_wait3A_462, %dma_wait3A_463] : memref<32x2x10240xi32, #tpu.memory_space<hbm>> -> memref<1x2x10240xi32, #tpu.memory_space<hbm>>
      %dma_wait3A_465 = tpu.memref_squeeze %dma_wait3A_464 : memref<1x2x10240xi32, #tpu.memory_space<hbm>> -> memref<2x10240xi32, #tpu.memory_space<hbm>>
      tpu.wait_dma2 semaphore(%run_scoped3A : memref<!tpu.dma_semaphore, #tpu.memory_space<semaphore_mem>>) src(%dma_wait3A_465 : memref<2x10240xi32, #tpu.memory_space<hbm>>) dst(%arg5 : memref<2x10240xi32, #tpu.memory_space<vmem>>)
      tpu.yield
    }) : () -> ()
    %mul3A_1 = arith.constant 10240 : i32
    %mul3A_2 = arith.muli %add3A, %mul3A_1 : i32
    %iota3A = tpu.iota {dimensions = array<i32: 0>} : vector<16xi32>
    %dma_start3A = arith.constant 0 : i32
    %dma_start3A_3 = arith.constant 0 : i32
    %dma_start3A_4 = tpu.memref_slice %arg5[%dma_start3A, %dma_start3A_3] : memref<2x10240xi32, #tpu.memory_space<vmem>> -> memref<1x1024xi32, #tpu.memory_space<vmem>>
    %dma_start3A_5 = tpu.memref_squeeze %dma_start3A_4 : memref<1x1024xi32, #tpu.memory_space<vmem>> -> memref<1024xi32, #tpu.memory_space<vmem>>
    %dma_start3A_6 = arith.constant 0 : i32
    %dma_start3A_7 = arith.constant 0 : i32
    %dma_start3A_8 = tpu.memref_slice %arg2[%dma_start3A_6, %dma_start3A_7] : memref<20000x16xf32, #tpu.memory_space<hbm>> -> memref<20000x16xf32, #tpu.memory_space<hbm>>
    tpu.enqueue_indirect_dma source(%dma_start3A_8 : memref<20000x16xf32, #tpu.memory_space<hbm>>) target(%arg6 : memref<1024x16xf32, #tpu.memory_space<vmem>>) offsets(%dma_start3A_5 : memref<1024xi32, #tpu.memory_space<vmem>>) semaphore(%arg12 : memref<!tpu.dma_semaphore, #tpu.memory_space<semaphore_mem>>)
    %dma_start3A_9 = arith.constant 1 : i32
    %dma_start3A_10 = arith.constant 0 : i32
    %dma_start3A_11 = tpu.memref_slice %arg5[%dma_start3A_9, %dma_start3A_10] : memref<2x10240xi32, #tpu.memory_space<vmem>> -> memref<1x1024xi32, #tpu.memory_space<vmem>>
    %dma_start3A_12 = tpu.memref_squeeze %dma_start3A_11 : memref<1x1024xi32, #tpu.memory_space<vmem>> -> memref<1024xi32, #tpu.memory_space<vmem>>
    %dma_start3A_13 = arith.constant 0 : i32
    %dma_start3A_14 = arith.constant 0 : i32
    %dma_start3A_15 = tpu.memref_slice %arg2[%dma_start3A_13, %dma_start3A_14] : memref<20000x16xf32, #tpu.memory_space<hbm>> -> memref<20000x16xf32, #tpu.memory_space<hbm>>
    tpu.enqueue_indirect_dma source(%dma_start3A_15 : memref<20000x16xf32, #tpu.memory_space<hbm>>) target(%arg8 : memref<1024x16xf32, #tpu.memory_space<vmem>>) offsets(%dma_start3A_12 : memref<1024xi32, #tpu.memory_space<vmem>>) semaphore(%arg12 : memref<!tpu.dma_semaphore, #tpu.memory_space<semaphore_mem>>)
    %dma_start3A_16 = arith.constant 0 : i32
    %dma_start3A_17 = arith.constant 1024 : i32
    %dma_start3A_18 = tpu.memref_slice %arg5[%dma_start3A_16, %dma_start3A_17] : memref<2x10240xi32, #tpu.memory_space<vmem>> -> memref<1x1024xi32, #tpu.memory_space<vmem>>
    %dma_start3A_19 = tpu.memref_squeeze %dma_start3A_18 : memref<1x1024xi32, #tpu.memory_space<vmem>> -> memref<1024xi32, #tpu.memory_space<vmem>>
    %dma_start3A_20 = arith.constant 0 : i32
    %dma_start3A_21 = arith.constant 0 : i32
    %dma_start3A_22 = tpu.memref_slice %arg2[%dma_start3A_20, %dma_start3A_21] : memref<20000x16xf32, #tpu.memory_space<hbm>> -> memref<20000x16xf32, #tpu.memory_space<hbm>>
    tpu.enqueue_indirect_dma source(%dma_start3A_22 : memref<20000x16xf32, #tpu.memory_space<hbm>>) target(%arg7 : memref<1024x16xf32, #tpu.memory_space<vmem>>) offsets(%dma_start3A_19 : memref<1024xi32, #tpu.memory_space<vmem>>) semaphore(%arg12 : memref<!tpu.dma_semaphore, #tpu.memory_space<semaphore_mem>>)
    %dma_start3A_23 = arith.constant 1 : i32
    %dma_start3A_24 = arith.constant 1024 : i32
    %dma_start3A_25 = tpu.memref_slice %arg5[%dma_start3A_23, %dma_start3A_24] : memref<2x10240xi32, #tpu.memory_space<vmem>> -> memref<1x1024xi32, #tpu.memory_space<vmem>>
    %dma_start3A_26 = tpu.memref_squeeze %dma_start3A_25 : memref<1x1024xi32, #tpu.memory_space<vmem>> -> memref<1024xi32, #tpu.memory_space<vmem>>
    %dma_start3A_27 = arith.constant 0 : i32
    %dma_start3A_28 = arith.constant 0 : i32
    %dma_start3A_29 = tpu.memref_slice %arg2[%dma_start3A_27, %dma_start3A_28] : memref<20000x16xf32, #tpu.memory_space<hbm>> -> memref<20000x16xf32, #tpu.memory_space<hbm>>
    tpu.enqueue_indirect_dma source(%dma_start3A_29 : memref<20000x16xf32, #tpu.memory_space<hbm>>) target(%arg9 : memref<1024x16xf32, #tpu.memory_space<vmem>>) offsets(%dma_start3A_26 : memref<1024xi32, #tpu.memory_space<vmem>>) semaphore(%arg12 : memref<!tpu.dma_semaphore, #tpu.memory_space<semaphore_mem>>)
    %dma_wait3A = arith.constant 0 : i32
    %dma_wait3A_30 = arith.constant 0 : i32
    %dma_wait3A_31 = tpu.memref_slice %arg5[%dma_wait3A, %dma_wait3A_30] : memref<2x10240xi32, #tpu.memory_space<vmem>> -> memref<1x1024xi32, #tpu.memory_space<vmem>>
    %dma_wait3A_32 = tpu.memref_squeeze %dma_wait3A_31 : memref<1x1024xi32, #tpu.memory_space<vmem>> -> memref<1024xi32, #tpu.memory_space<vmem>>
    %dma_wait3A_33 = arith.constant 0 : i32
    %dma_wait3A_34 = arith.constant 0 : i32
    %dma_wait3A_35 = tpu.memref_slice %arg2[%dma_wait3A_33, %dma_wait3A_34] : memref<20000x16xf32, #tpu.memory_space<hbm>> -> memref<20000x16xf32, #tpu.memory_space<hbm>>
    tpu.wait_indirect_dma semaphore(%arg12 : memref<!tpu.dma_semaphore, #tpu.memory_space<semaphore_mem>>) src(%dma_wait3A_35 : memref<20000x16xf32, #tpu.memory_space<hbm>>) dst(%arg6 : memref<1024x16xf32, #tpu.memory_space<vmem>>)
    %dma_wait3A_36 = arith.constant 1 : i32
    %dma_wait3A_37 = arith.constant 0 : i32
    %dma_wait3A_38 = tpu.memref_slice %arg5[%dma_wait3A_36, %dma_wait3A_37] : memref<2x10240xi32, #tpu.memory_space<vmem>> -> memref<1x1024xi32, #tpu.memory_space<vmem>>
    %dma_wait3A_39 = tpu.memref_squeeze %dma_wait3A_38 : memref<1x1024xi32, #tpu.memory_space<vmem>> -> memref<1024xi32, #tpu.memory_space<vmem>>
    %dma_wait3A_40 = arith.constant 0 : i32
    %dma_wait3A_41 = arith.constant 0 : i32
    %dma_wait3A_42 = tpu.memref_slice %arg2[%dma_wait3A_40, %dma_wait3A_41] : memref<20000x16xf32, #tpu.memory_space<hbm>> -> memref<20000x16xf32, #tpu.memory_space<hbm>>
    tpu.wait_indirect_dma semaphore(%arg12 : memref<!tpu.dma_semaphore, #tpu.memory_space<semaphore_mem>>) src(%dma_wait3A_42 : memref<20000x16xf32, #tpu.memory_space<hbm>>) dst(%arg8 : memref<1024x16xf32, #tpu.memory_space<vmem>>)
    %scan3A = arith.constant 0 : i32
    %scan3A_43 = arith.constant 64 : i32
    %scan3A_44 = arith.addi %scan3A, %scan3A_43 : i32
    %scan3A_45 = arith.constant 1 : i32
    scf.for %scan3A_450 = %scan3A to %scan3A_44 step %scan3A_45  : i32 {
      %mul3A_451 = arith.constant 1 : i32
      %mul3A_452 = arith.muli %scan3A_450, %mul3A_451 : i32
      %add3A_453 = arith.constant 0 : i32
      %add3A_454 = arith.addi %add3A_453, %mul3A_452 : i32
      %mul3A_455 = arith.constant 16 : i32
      %mul3A_456 = arith.muli %add3A_454, %mul3A_455 : i32
      %add3A_457 = vector.broadcast %mul3A_456 : i32 to vector<16xi32>
      %add3A_458 = arith.addi %add3A_457, %iota3A : vector<16xi32>
      %broadcast_in_dim3A = arith.constant 0 : i32
      %broadcast_in_dim3A_459 = vector.broadcast %broadcast_in_dim3A : i32 to vector<16xi32>
      %gather3A = tpu.vector_load_idx %arg6[%add3A_458, %broadcast_in_dim3A_459] : memref<1024x16xf32, #tpu.memory_space<vmem>>[vector<16xi32>, vector<16xi32>], vector<16xf32>,
      %gather3A_460 = tpu.vector_load_idx %arg8[%add3A_458, %broadcast_in_dim3A_459] : memref<1024x16xf32, #tpu.memory_space<vmem>>[vector<16xi32>, vector<16xi32>], vector<16xf32>,
      %add3A_461 = arith.addf %gather3A, %gather3A_460 : vector<16xf32>
      %mul3A_462 = arith.constant 16 : i32
      %mul3A_463 = arith.muli %add3A_454, %mul3A_462 : i32
      %swap3A = arith.constant 0 : i32
      %swap3A_464 = arith.index_cast %swap3A : i32 to index
      %swap3A_465 = arith.index_cast %mul3A_463 : i32 to index
      %swap3A_466 = tpu.vector_load %arg10[%swap3A_464, %swap3A_465] {strides = array<i32>} : memref<16x1024xf32, #tpu.memory_space<vmem>>, vector<16xf32>,
      tpu.vector_store %arg10[%swap3A_464, %swap3A_465], %add3A_461 {strides = array<i32>} : memref<16x1024xf32, #tpu.memory_space<vmem>>, vector<16xf32>,
      %broadcast_in_dim3A_467 = arith.constant 1 : i32
      %broadcast_in_dim3A_468 = vector.broadcast %broadcast_in_dim3A_467 : i32 to vector<16xi32>
      %gather3A_469 = tpu.vector_load_idx %arg6[%add3A_458, %broadcast_in_dim3A_468] : memref<1024x16xf32, #tpu.memory_space<vmem>>[vector<16xi32>, vector<16xi32>], vector<16xf32>,
      %gather3A_470 = tpu.vector_load_idx %arg8[%add3A_458, %broadcast_in_dim3A_468] : memref<1024x16xf32, #tpu.memory_space<vmem>>[vector<16xi32>, vector<16xi32>], vector<16xf32>,
      %add3A_471 = arith.addf %gather3A_469, %gather3A_470 : vector<16xf32>
      %mul3A_472 = arith.constant 16 : i32
      %mul3A_473 = arith.muli %add3A_454, %mul3A_472 : i32
      %swap3A_474 = arith.constant 1 : i32
      %swap3A_475 = arith.index_cast %swap3A_474 : i32 to index
      %swap3A_476 = arith.index_cast %mul3A_473 : i32 to index
      %swap3A_477 = tpu.vector_load %arg10[%swap3A_475, %swap3A_476] {strides = array<i32>} : memref<16x1024xf32, #tpu.memory_space<vmem>>, vector<16xf32>,
      tpu.vector_store %arg10[%swap3A_475, %swap3A_476], %add3A_471 {strides = array<i32>} : memref<16x1024xf32, #tpu.memory_space<vmem>>, vector<16xf32>,
      %broadcast_in_dim3A_478 = arith.constant 2 : i32
      %broadcast_in_dim3A_479 = vector.broadcast %broadcast_in_dim3A_478 : i32 to vector<16xi32>
      %gather3A_480 = tpu.vector_load_idx %arg6[%add3A_458, %broadcast_in_dim3A_479] : memref<1024x16xf32, #tpu.memory_space<vmem>>[vector<16xi32>, vector<16xi32>], vector<16xf32>,
      %gather3A_481 = tpu.vector_load_idx %arg8[%add3A_458, %broadcast_in_dim3A_479] : memref<1024x16xf32, #tpu.memory_space<vmem>>[vector<16xi32>, vector<16xi32>], vector<16xf32>,
      %add3A_482 = arith.addf %gather3A_480, %gather3A_481 : vector<16xf32>
      %mul3A_483 = arith.constant 16 : i32
      %mul3A_484 = arith.muli %add3A_454, %mul3A_483 : i32
      %swap3A_485 = arith.constant 2 : i32
      %swap3A_486 = arith.index_cast %swap3A_485 : i32 to index
      %swap3A_487 = arith.index_cast %mul3A_484 : i32 to index
      %swap3A_488 = tpu.vector_load %arg10[%swap3A_486, %swap3A_487] {strides = array<i32>} : memref<16x1024xf32, #tpu.memory_space<vmem>>, vector<16xf32>,
      tpu.vector_store %arg10[%swap3A_486, %swap3A_487], %add3A_482 {strides = array<i32>} : memref<16x1024xf32, #tpu.memory_space<vmem>>, vector<16xf32>,
      %broadcast_in_dim3A_489 = arith.constant 3 : i32
      %broadcast_in_dim3A_490 = vector.broadcast %broadcast_in_dim3A_489 : i32 to vector<16xi32>
      %gather3A_491 = tpu.vector_load_idx %arg6[%add3A_458, %broadcast_in_dim3A_490] : memref<1024x16xf32, #tpu.memory_space<vmem>>[vector<16xi32>, vector<16xi32>], vector<16xf32>,
      %gather3A_492 = tpu.vector_load_idx %arg8[%add3A_458, %broadcast_in_dim3A_490] : memref<1024x16xf32, #tpu.memory_space<vmem>>[vector<16xi32>, vector<16xi32>], vector<16xf32>,
      %add3A_493 = arith.addf %gather3A_491, %gather3A_492 : vector<16xf32>
      %mul3A_494 = arith.constant 16 : i32
      %mul3A_495 = arith.muli %add3A_454, %mul3A_494 : i32
      %swap3A_496 = arith.constant 3 : i32
      %swap3A_497 = arith.index_cast %swap3A_496 : i32 to index
      %swap3A_498 = arith.index_cast %mul3A_495 : i32 to index
      %swap3A_499 = tpu.vector_load %arg10[%swap3A_497, %swap3A_498] {strides = array<i32>} : memref<16x1024xf32, #tpu.memory_space<vmem>>, vector<16xf32>,
      tpu.vector_store %arg10[%swap3A_497, %swap3A_498], %add3A_493 {strides = array<i32>} : memref<16x1024xf32, #tpu.memory_space<vmem>>, vector<16xf32>,
      %broadcast_in_dim3A_500 = arith.constant 4 : i32
      %broadcast_in_dim3A_501 = vector.broadcast %broadcast_in_dim3A_500 : i32 to vector<16xi32>
      %gather3A_502 = tpu.vector_load_idx %arg6[%add3A_458, %broadcast_in_dim3A_501] : memref<1024x16xf32, #tpu.memory_space<vmem>>[vector<16xi32>, vector<16xi32>], vector<16xf32>,
      %gather3A_503 = tpu.vector_load_idx %arg8[%add3A_458, %broadcast_in_dim3A_501] : memref<1024x16xf32, #tpu.memory_space<vmem>>[vector<16xi32>, vector<16xi32>], vector<16xf32>,
      %add3A_504 = arith.addf %gather3A_502, %gather3A_503 : vector<16xf32>
      %mul3A_505 = arith.constant 16 : i32
      %mul3A_506 = arith.muli %add3A_454, %mul3A_505 : i32
      %swap3A_507 = arith.constant 4 : i32
      %swap3A_508 = arith.index_cast %swap3A_507 : i32 to index
      %swap3A_509 = arith.index_cast %mul3A_506 : i32 to index
      %swap3A_510 = tpu.vector_load %arg10[%swap3A_508, %swap3A_509] {strides = array<i32>} : memref<16x1024xf32, #tpu.memory_space<vmem>>, vector<16xf32>,
      tpu.vector_store %arg10[%swap3A_508, %swap3A_509], %add3A_504 {strides = array<i32>} : memref<16x1024xf32, #tpu.memory_space<vmem>>, vector<16xf32>,
      %broadcast_in_dim3A_511 = arith.constant 5 : i32
      %broadcast_in_dim3A_512 = vector.broadcast %broadcast_in_dim3A_511 : i32 to vector<16xi32>
      %gather3A_513 = tpu.vector_load_idx %arg6[%add3A_458, %broadcast_in_dim3A_512] : memref<1024x16xf32, #tpu.memory_space<vmem>>[vector<16xi32>, vector<16xi32>], vector<16xf32>,
      %gather3A_514 = tpu.vector_load_idx %arg8[%add3A_458, %broadcast_in_dim3A_512] : memref<1024x16xf32, #tpu.memory_space<vmem>>[vector<16xi32>, vector<16xi32>], vector<16xf32>,
      %add3A_515 = arith.addf %gather3A_513, %gather3A_514 : vector<16xf32>
      %mul3A_516 = arith.constant 16 : i32
      %mul3A_517 = arith.muli %add3A_454, %mul3A_516 : i32
      %swap3A_518 = arith.constant 5 : i32
      %swap3A_519 = arith.index_cast %swap3A_518 : i32 to index
      %swap3A_520 = arith.index_cast %mul3A_517 : i32 to index
      %swap3A_521 = tpu.vector_load %arg10[%swap3A_519, %swap3A_520] {strides = array<i32>} : memref<16x1024xf32, #tpu.memory_space<vmem>>, vector<16xf32>,
      tpu.vector_store %arg10[%swap3A_519, %swap3A_520], %add3A_515 {strides = array<i32>} : memref<16x1024xf32, #tpu.memory_space<vmem>>, vector<16xf32>,
      %broadcast_in_dim3A_522 = arith.constant 6 : i32
      %broadcast_in_dim3A_523 = vector.broadcast %broadcast_in_dim3A_522 : i32 to vector<16xi32>
      %gather3A_524 = tpu.vector_load_idx %arg6[%add3A_458, %broadcast_in_dim3A_523] : memref<1024x16xf32, #tpu.memory_space<vmem>>[vector<16xi32>, vector<16xi32>], vector<16xf32>,
      %gather3A_525 = tpu.vector_load_idx %arg8[%add3A_458, %broadcast_in_dim3A_523] : memref<1024x16xf32, #tpu.memory_space<vmem>>[vector<16xi32>, vector<16xi32>], vector<16xf32>,
      %add3A_526 = arith.addf %gather3A_524, %gather3A_525 : vector<16xf32>
      %mul3A_527 = arith.constant 16 : i32
      %mul3A_528 = arith.muli %add3A_454, %mul3A_527 : i32
      %swap3A_529 = arith.constant 6 : i32
      %swap3A_530 = arith.index_cast %swap3A_529 : i32 to index
      %swap3A_531 = arith.index_cast %mul3A_528 : i32 to index
      %swap3A_532 = tpu.vector_load %arg10[%swap3A_530, %swap3A_531] {strides = array<i32>} : memref<16x1024xf32, #tpu.memory_space<vmem>>, vector<16xf32>,
      tpu.vector_store %arg10[%swap3A_530, %swap3A_531], %add3A_526 {strides = array<i32>} : memref<16x1024xf32, #tpu.memory_space<vmem>>, vector<16xf32>,
      %broadcast_in_dim3A_533 = arith.constant 7 : i32
      %broadcast_in_dim3A_534 = vector.broadcast %broadcast_in_dim3A_533 : i32 to vector<16xi32>
      %gather3A_535 = tpu.vector_load_idx %arg6[%add3A_458, %broadcast_in_dim3A_534] : memref<1024x16xf32, #tpu.memory_space<vmem>>[vector<16xi32>, vector<16xi32>], vector<16xf32>,
      %gather3A_536 = tpu.vector_load_idx %arg8[%add3A_458, %broadcast_in_dim3A_534] : memref<1024x16xf32, #tpu.memory_space<vmem>>[vector<16xi32>, vector<16xi32>], vector<16xf32>,
      %add3A_537 = arith.addf %gather3A_535, %gather3A_536 : vector<16xf32>
      %mul3A_538 = arith.constant 16 : i32
      %mul3A_539 = arith.muli %add3A_454, %mul3A_538 : i32
      %swap3A_540 = arith.constant 7 : i32
      %swap3A_541 = arith.index_cast %swap3A_540 : i32 to index
      %swap3A_542 = arith.index_cast %mul3A_539 : i32 to index
      %swap3A_543 = tpu.vector_load %arg10[%swap3A_541, %swap3A_542] {strides = array<i32>} : memref<16x1024xf32, #tpu.memory_space<vmem>>, vector<16xf32>,
      tpu.vector_store %arg10[%swap3A_541, %swap3A_542], %add3A_537 {strides = array<i32>} : memref<16x1024xf32, #tpu.memory_space<vmem>>, vector<16xf32>,
      %broadcast_in_dim3A_544 = arith.constant 8 : i32
      %broadcast_in_dim3A_545 = vector.broadcast %broadcast_in_dim3A_544 : i32 to vector<16xi32>
      %gather3A_546 = tpu.vector_load_idx %arg6[%add3A_458, %broadcast_in_dim3A_545] : memref<1024x16xf32, #tpu.memory_space<vmem>>[vector<16xi32>, vector<16xi32>], vector<16xf32>,
      %gather3A_547 = tpu.vector_load_idx %arg8[%add3A_458, %broadcast_in_dim3A_545] : memref<1024x16xf32, #tpu.memory_space<vmem>>[vector<16xi32>, vector<16xi32>], vector<16xf32>,
      %add3A_548 = arith.addf %gather3A_546, %gather3A_547 : vector<16xf32>
      %mul3A_549 = arith.constant 16 : i32
      %mul3A_550 = arith.muli %add3A_454, %mul3A_549 : i32
      %swap3A_551 = arith.constant 8 : i32
      %swap3A_552 = arith.index_cast %swap3A_551 : i32 to index
      %swap3A_553 = arith.index_cast %mul3A_550 : i32 to index
      %swap3A_554 = tpu.vector_load %arg10[%swap3A_552, %swap3A_553] {strides = array<i32>} : memref<16x1024xf32, #tpu.memory_space<vmem>>, vector<16xf32>,
      tpu.vector_store %arg10[%swap3A_552, %swap3A_553], %add3A_548 {strides = array<i32>} : memref<16x1024xf32, #tpu.memory_space<vmem>>, vector<16xf32>,
      %broadcast_in_dim3A_555 = arith.constant 9 : i32
      %broadcast_in_dim3A_556 = vector.broadcast %broadcast_in_dim3A_555 : i32 to vector<16xi32>
      %gather3A_557 = tpu.vector_load_idx %arg6[%add3A_458, %broadcast_in_dim3A_556] : memref<1024x16xf32, #tpu.memory_space<vmem>>[vector<16xi32>, vector<16xi32>], vector<16xf32>,
      %gather3A_558 = tpu.vector_load_idx %arg8[%add3A_458, %broadcast_in_dim3A_556] : memref<1024x16xf32, #tpu.memory_space<vmem>>[vector<16xi32>, vector<16xi32>], vector<16xf32>,
      %add3A_559 = arith.addf %gather3A_557, %gather3A_558 : vector<16xf32>
      %mul3A_560 = arith.constant 16 : i32
      %mul3A_561 = arith.muli %add3A_454, %mul3A_560 : i32
      %swap3A_562 = arith.constant 9 : i32
      %swap3A_563 = arith.index_cast %swap3A_562 : i32 to index
      %swap3A_564 = arith.index_cast %mul3A_561 : i32 to index
      %swap3A_565 = tpu.vector_load %arg10[%swap3A_563, %swap3A_564] {strides = array<i32>} : memref<16x1024xf32, #tpu.memory_space<vmem>>, vector<16xf32>,
      tpu.vector_store %arg10[%swap3A_563, %swap3A_564], %add3A_559 {strides = array<i32>} : memref<16x1024xf32, #tpu.memory_space<vmem>>, vector<16xf32>,
      %broadcast_in_dim3A_566 = arith.constant 10 : i32
      %broadcast_in_dim3A_567 = vector.broadcast %broadcast_in_dim3A_566 : i32 to vector<16xi32>
      %gather3A_568 = tpu.vector_load_idx %arg6[%add3A_458, %broadcast_in_dim3A_567] : memref<1024x16xf32, #tpu.memory_space<vmem>>[vector<16xi32>, vector<16xi32>], vector<16xf32>,
      %gather3A_569 = tpu.vector_load_idx %arg8[%add3A_458, %broadcast_in_dim3A_567] : memref<1024x16xf32, #tpu.memory_space<vmem>>[vector<16xi32>, vector<16xi32>], vector<16xf32>,
      %add3A_570 = arith.addf %gather3A_568, %gather3A_569 : vector<16xf32>
      %mul3A_571 = arith.constant 16 : i32
      %mul3A_572 = arith.muli %add3A_454, %mul3A_571 : i32
      %swap3A_573 = arith.constant 10 : i32
      %swap3A_574 = arith.index_cast %swap3A_573 : i32 to index
      %swap3A_575 = arith.index_cast %mul3A_572 : i32 to index
      %swap3A_576 = tpu.vector_load %arg10[%swap3A_574, %swap3A_575] {strides = array<i32>} : memref<16x1024xf32, #tpu.memory_space<vmem>>, vector<16xf32>,
      tpu.vector_store %arg10[%swap3A_574, %swap3A_575], %add3A_570 {strides = array<i32>} : memref<16x1024xf32, #tpu.memory_space<vmem>>, vector<16xf32>,
      %broadcast_in_dim3A_577 = arith.constant 11 : i32
      %broadcast_in_dim3A_578 = vector.broadcast %broadcast_in_dim3A_577 : i32 to vector<16xi32>
      %gather3A_579 = tpu.vector_load_idx %arg6[%add3A_458, %broadcast_in_dim3A_578] : memref<1024x16xf32, #tpu.memory_space<vmem>>[vector<16xi32>, vector<16xi32>], vector<16xf32>,
      %gather3A_580 = tpu.vector_load_idx %arg8[%add3A_458, %broadcast_in_dim3A_578] : memref<1024x16xf32, #tpu.memory_space<vmem>>[vector<16xi32>, vector<16xi32>], vector<16xf32>,
      %add3A_581 = arith.addf %gather3A_579, %gather3A_580 : vector<16xf32>
      %mul3A_582 = arith.constant 16 : i32
      %mul3A_583 = arith.muli %add3A_454, %mul3A_582 : i32
      %swap3A_584 = arith.constant 11 : i32
      %swap3A_585 = arith.index_cast %swap3A_584 : i32 to index
      %swap3A_586 = arith.index_cast %mul3A_583 : i32 to index
      %swap3A_587 = tpu.vector_load %arg10[%swap3A_585, %swap3A_586] {strides = array<i32>} : memref<16x1024xf32, #tpu.memory_space<vmem>>, vector<16xf32>,
      tpu.vector_store %arg10[%swap3A_585, %swap3A_586], %add3A_581 {strides = array<i32>} : memref<16x1024xf32, #tpu.memory_space<vmem>>, vector<16xf32>,
      %broadcast_in_dim3A_588 = arith.constant 12 : i32
      %broadcast_in_dim3A_589 = vector.broadcast %broadcast_in_dim3A_588 : i32 to vector<16xi32>
      %gather3A_590 = tpu.vector_load_idx %arg6[%add3A_458, %broadcast_in_dim3A_589] : memref<1024x16xf32, #tpu.memory_space<vmem>>[vector<16xi32>, vector<16xi32>], vector<16xf32>,
      %gather3A_591 = tpu.vector_load_idx %arg8[%add3A_458, %broadcast_in_dim3A_589] : memref<1024x16xf32, #tpu.memory_space<vmem>>[vector<16xi32>, vector<16xi32>], vector<16xf32>,
      %add3A_592 = arith.addf %gather3A_590, %gather3A_591 : vector<16xf32>
      %mul3A_593 = arith.constant 16 : i32
      %mul3A_594 = arith.muli %add3A_454, %mul3A_593 : i32
      %swap3A_595 = arith.constant 12 : i32
      %swap3A_596 = arith.index_cast %swap3A_595 : i32 to index
      %swap3A_597 = arith.index_cast %mul3A_594 : i32 to index
      %swap3A_598 = tpu.vector_load %arg10[%swap3A_596, %swap3A_597] {strides = array<i32>} : memref<16x1024xf32, #tpu.memory_space<vmem>>, vector<16xf32>,
      tpu.vector_store %arg10[%swap3A_596, %swap3A_597], %add3A_592 {strides = array<i32>} : memref<16x1024xf32, #tpu.memory_space<vmem>>, vector<16xf32>,
      %broadcast_in_dim3A_599 = arith.constant 13 : i32
      %broadcast_in_dim3A_600 = vector.broadcast %broadcast_in_dim3A_599 : i32 to vector<16xi32>
      %gather3A_601 = tpu.vector_load_idx %arg6[%add3A_458, %broadcast_in_dim3A_600] : memref<1024x16xf32, #tpu.memory_space<vmem>>[vector<16xi32>, vector<16xi32>], vector<16xf32>,
      %gather3A_602 = tpu.vector_load_idx %arg8[%add3A_458, %broadcast_in_dim3A_600] : memref<1024x16xf32, #tpu.memory_space<vmem>>[vector<16xi32>, vector<16xi32>], vector<16xf32>,
      %add3A_603 = arith.addf %gather3A_601, %gather3A_602 : vector<16xf32>
      %mul3A_604 = arith.constant 16 : i32
      %mul3A_605 = arith.muli %add3A_454, %mul3A_604 : i32
      %swap3A_606 = arith.constant 13 : i32
      %swap3A_607 = arith.index_cast %swap3A_606 : i32 to index
      %swap3A_608 = arith.index_cast %mul3A_605 : i32 to index
      %swap3A_609 = tpu.vector_load %arg10[%swap3A_607, %swap3A_608] {strides = array<i32>} : memref<16x1024xf32, #tpu.memory_space<vmem>>, vector<16xf32>,
      tpu.vector_store %arg10[%swap3A_607, %swap3A_608], %add3A_603 {strides = array<i32>} : memref<16x1024xf32, #tpu.memory_space<vmem>>, vector<16xf32>,
      %broadcast_in_dim3A_610 = arith.constant 14 : i32
      %broadcast_in_dim3A_611 = vector.broadcast %broadcast_in_dim3A_610 : i32 to vector<16xi32>
      %gather3A_612 = tpu.vector_load_idx %arg6[%add3A_458, %broadcast_in_dim3A_611] : memref<1024x16xf32, #tpu.memory_space<vmem>>[vector<16xi32>, vector<16xi32>], vector<16xf32>,
      %gather3A_613 = tpu.vector_load_idx %arg8[%add3A_458, %broadcast_in_dim3A_611] : memref<1024x16xf32, #tpu.memory_space<vmem>>[vector<16xi32>, vector<16xi32>], vector<16xf32>,
      %add3A_614 = arith.addf %gather3A_612, %gather3A_613 : vector<16xf32>
      %mul3A_615 = arith.constant 16 : i32
      %mul3A_616 = arith.muli %add3A_454, %mul3A_615 : i32
      %swap3A_617 = arith.constant 14 : i32
      %swap3A_618 = arith.index_cast %swap3A_617 : i32 to index
      %swap3A_619 = arith.index_cast %mul3A_616 : i32 to index
      %swap3A_620 = tpu.vector_load %arg10[%swap3A_618, %swap3A_619] {strides = array<i32>} : memref<16x1024xf32, #tpu.memory_space<vmem>>, vector<16xf32>,
      tpu.vector_store %arg10[%swap3A_618, %swap3A_619], %add3A_614 {strides = array<i32>} : memref<16x1024xf32, #tpu.memory_space<vmem>>, vector<16xf32>,
      %broadcast_in_dim3A_621 = arith.constant 15 : i32
      %broadcast_in_dim3A_622 = vector.broadcast %broadcast_in_dim3A_621 : i32 to vector<16xi32>
      %gather3A_623 = tpu.vector_load_idx %arg6[%add3A_458, %broadcast_in_dim3A_622] : memref<1024x16xf32, #tpu.memory_space<vmem>>[vector<16xi32>, vector<16xi32>], vector<16xf32>,
      %gather3A_624 = tpu.vector_load_idx %arg8[%add3A_458, %broadcast_in_dim3A_622] : memref<1024x16xf32, #tpu.memory_space<vmem>>[vector<16xi32>, vector<16xi32>], vector<16xf32>,
      %add3A_625 = arith.addf %gather3A_623, %gather3A_624 : vector<16xf32>
      %mul3A_626 = arith.constant 16 : i32
      %mul3A_627 = arith.muli %add3A_454, %mul3A_626 : i32
      %swap3A_628 = arith.constant 15 : i32
      %swap3A_629 = arith.index_cast %swap3A_628 : i32 to index
      %swap3A_630 = arith.index_cast %mul3A_627 : i32 to index
      %swap3A_631 = tpu.vector_load %arg10[%swap3A_629, %swap3A_630] {strides = array<i32>} : memref<16x1024xf32, #tpu.memory_space<vmem>>, vector<16xf32>,
      tpu.vector_store %arg10[%swap3A_629, %swap3A_630], %add3A_625 {strides = array<i32>} : memref<16x1024xf32, #tpu.memory_space<vmem>>, vector<16xf32>,
    }
    %scan3A_46 = arith.constant 64 : i32
    %add3A_47 = arith.constant 0 : i32
    %add3A_48 = arith.addi %mul3A_2, %add3A_47 : i32
    %dma_start3A_49 = arith.constant 0 : i32
    %dma_start3A_50 = tpu.memref_slice %arg4[%dma_start3A_49, %add3A_48] : memref<16x327680xf32, #tpu.memory_space<hbm>> -> memref<16x1024xf32, #tpu.memory_space<hbm>>
    %dma_start3A_51 = arith.constant 0 : i32
    %dma_start3A_52 = tpu.memref_slice %arg4[%dma_start3A_51, %add3A_48] : memref<16x327680xf32, #tpu.memory_space<hbm>> -> memref<16x1024xf32, #tpu.memory_space<hbm>>
    tpu.enqueue_dma source(%arg10 : memref<16x1024xf32, #tpu.memory_space<vmem>>) target(%dma_start3A_52 : memref<16x1024xf32, #tpu.memory_space<hbm>>) target_semaphore(%arg13 : memref<!tpu.dma_semaphore, #tpu.memory_space<semaphore_mem>>)
    %dma_start3A_53 = arith.constant 0 : i32
    %dma_start3A_54 = arith.constant 2048 : i32
    %dma_start3A_55 = tpu.memref_slice %arg5[%dma_start3A_53, %dma_start3A_54] : memref<2x10240xi32, #tpu.memory_space<vmem>> -> memref<1x1024xi32, #tpu.memory_space<vmem>>
    %dma_start3A_56 = tpu.memref_squeeze %dma_start3A_55 : memref<1x1024xi32, #tpu.memory_space<vmem>> -> memref<1024xi32, #tpu.memory_space<vmem>>
    %dma_start3A_57 = arith.constant 0 : i32
    %dma_start3A_58 = arith.constant 0 : i32
    %dma_start3A_59 = tpu.memref_slice %arg2[%dma_start3A_57, %dma_start3A_58] : memref<20000x16xf32, #tpu.memory_space<hbm>> -> memref<20000x16xf32, #tpu.memory_space<hbm>>
    tpu.enqueue_indirect_dma source(%dma_start3A_59 : memref<20000x16xf32, #tpu.memory_space<hbm>>) target(%arg6 : memref<1024x16xf32, #tpu.memory_space<vmem>>) offsets(%dma_start3A_56 : memref<1024xi32, #tpu.memory_space<vmem>>) semaphore(%arg12 : memref<!tpu.dma_semaphore, #tpu.memory_space<semaphore_mem>>)
    %dma_start3A_60 = arith.constant 1 : i32
    %dma_start3A_61 = arith.constant 2048 : i32
    %dma_start3A_62 = tpu.memref_slice %arg5[%dma_start3A_60, %dma_start3A_61] : memref<2x10240xi32, #tpu.memory_space<vmem>> -> memref<1x1024xi32, #tpu.memory_space<vmem>>
    %dma_start3A_63 = tpu.memref_squeeze %dma_start3A_62 : memref<1x1024xi32, #tpu.memory_space<vmem>> -> memref<1024xi32, #tpu.memory_space<vmem>>
    %dma_start3A_64 = arith.constant 0 : i32
    %dma_start3A_65 = arith.constant 0 : i32
    %dma_start3A_66 = tpu.memref_slice %arg2[%dma_start3A_64, %dma_start3A_65] : memref<20000x16xf32, #tpu.memory_space<hbm>> -> memref<20000x16xf32, #tpu.memory_space<hbm>>
    tpu.enqueue_indirect_dma source(%dma_start3A_66 : memref<20000x16xf32, #tpu.memory_space<hbm>>) target(%arg8 : memref<1024x16xf32, #tpu.memory_space<vmem>>) offsets(%dma_start3A_63 : memref<1024xi32, #tpu.memory_space<vmem>>) semaphore(%arg12 : memref<!tpu.dma_semaphore, #tpu.memory_space<semaphore_mem>>)
    %dma_wait3A_67 = arith.constant 0 : i32
    %dma_wait3A_68 = arith.constant 1024 : i32
    %dma_wait3A_69 = tpu.memref_slice %arg5[%dma_wait3A_67, %dma_wait3A_68] : memref<2x10240xi32, #tpu.memory_space<vmem>> -> memref<1x1024xi32, #tpu.memory_space<vmem>>
    %dma_wait3A_70 = tpu.memref_squeeze %dma_wait3A_69 : memref<1x1024xi32, #tpu.memory_space<vmem>> -> memref<1024xi32, #tpu.memory_space<vmem>>
    %dma_wait3A_71 = arith.constant 0 : i32
    %dma_wait3A_72 = arith.constant 0 : i32
    %dma_wait3A_73 = tpu.memref_slice %arg2[%dma_wait3A_71, %dma_wait3A_72] : memref<20000x16xf32, #tpu.memory_space<hbm>> -> memref<20000x16xf32, #tpu.memory_space<hbm>>
    tpu.wait_indirect_dma semaphore(%arg12 : memref<!tpu.dma_semaphore, #tpu.memory_space<semaphore_mem>>) src(%dma_wait3A_73 : memref<20000x16xf32, #tpu.memory_space<hbm>>) dst(%arg7 : memref<1024x16xf32, #tpu.memory_space<vmem>>)
    %dma_wait3A_74 = arith.constant 1 : i32
    %dma_wait3A_75 = arith.constant 1024 : i32
    %dma_wait3A_76 = tpu.memref_slice %arg5[%dma_wait3A_74, %dma_wait3A_75] : memref<2x10240xi32, #tpu.memory_space<vmem>> -> memref<1x1024xi32, #tpu.memory_space<vmem>>
    %dma_wait3A_77 = tpu.memref_squeeze %dma_wait3A_76 : memref<1x1024xi32, #tpu.memory_space<vmem>> -> memref<1024xi32, #tpu.memory_space<vmem>>
    %dma_wait3A_78 = arith.constant 0 : i32
    %dma_wait3A_79 = arith.constant 0 : i32
    %dma_wait3A_80 = tpu.memref_slice %arg2[%dma_wait3A_78, %dma_wait3A_79] : memref<20000x16xf32, #tpu.memory_space<hbm>> -> memref<20000x16xf32, #tpu.memory_space<hbm>>
    tpu.wait_indirect_dma semaphore(%arg12 : memref<!tpu.dma_semaphore, #tpu.memory_space<semaphore_mem>>) src(%dma_wait3A_80 : memref<20000x16xf32, #tpu.memory_space<hbm>>) dst(%arg9 : memref<1024x16xf32, #tpu.memory_space<vmem>>)
    %scan3A_81 = arith.constant 0 : i32
    %scan3A_82 = arith.constant 64 : i32
    %scan3A_83 = arith.addi %scan3A_81, %scan3A_82 : i32
    %scan3A_84 = arith.constant 1 : i32
    scf.for %scan3A_450 = %scan3A_81 to %scan3A_83 step %scan3A_84  : i32 {
      %mul3A_451 = arith.constant 1 : i32
      %mul3A_452 = arith.muli %scan3A_450, %mul3A_451 : i32
      %add3A_453 = arith.constant 0 : i32
      %add3A_454 = arith.addi %add3A_453, %mul3A_452 : i32
      %mul3A_455 = arith.constant 16 : i32
      %mul3A_456 = arith.muli %add3A_454, %mul3A_455 : i32
      %add3A_457 = vector.broadcast %mul3A_456 : i32 to vector<16xi32>
      %add3A_458 = arith.addi %add3A_457, %iota3A : vector<16xi32>
      %broadcast_in_dim3A = arith.constant 0 : i32
      %broadcast_in_dim3A_459 = vector.broadcast %broadcast_in_dim3A : i32 to vector<16xi32>
      %gather3A = tpu.vector_load_idx %arg7[%add3A_458, %broadcast_in_dim3A_459] : memref<1024x16xf32, #tpu.memory_space<vmem>>[vector<16xi32>, vector<16xi32>], vector<16xf32>,
      %gather3A_460 = tpu.vector_load_idx %arg9[%add3A_458, %broadcast_in_dim3A_459] : memref<1024x16xf32, #tpu.memory_space<vmem>>[vector<16xi32>, vector<16xi32>], vector<16xf32>,
      %add3A_461 = arith.addf %gather3A, %gather3A_460 : vector<16xf32>
      %mul3A_462 = arith.constant 16 : i32
      %mul3A_463 = arith.muli %add3A_454, %mul3A_462 : i32
      %swap3A = arith.constant 0 : i32
      %swap3A_464 = arith.index_cast %swap3A : i32 to index
      %swap3A_465 = arith.index_cast %mul3A_463 : i32 to index
      %swap3A_466 = tpu.vector_load %arg11[%swap3A_464, %swap3A_465] {strides = array<i32>} : memref<16x1024xf32, #tpu.memory_space<vmem>>, vector<16xf32>,
      tpu.vector_store %arg11[%swap3A_464, %swap3A_465], %add3A_461 {strides = array<i32>} : memref<16x1024xf32, #tpu.memory_space<vmem>>, vector<16xf32>,
      %broadcast_in_dim3A_467 = arith.constant 1 : i32
      %broadcast_in_dim3A_468 = vector.broadcast %broadcast_in_dim3A_467 : i32 to vector<16xi32>
      %gather3A_469 = tpu.vector_load_idx %arg7[%add3A_458, %broadcast_in_dim3A_468] : memref<1024x16xf32, #tpu.memory_space<vmem>>[vector<16xi32>, vector<16xi32>], vector<16xf32>,
      %gather3A_470 = tpu.vector_load_idx %arg9[%add3A_458, %broadcast_in_dim3A_468] : memref<1024x16xf32, #tpu.memory_space<vmem>>[vector<16xi32>, vector<16xi32>], vector<16xf32>,
      %add3A_471 = arith.addf %gather3A_469, %gather3A_470 : vector<16xf32>
      %mul3A_472 = arith.constant 16 : i32
      %mul3A_473 = arith.muli %add3A_454, %mul3A_472 : i32
      %swap3A_474 = arith.constant 1 : i32
      %swap3A_475 = arith.index_cast %swap3A_474 : i32 to index
      %swap3A_476 = arith.index_cast %mul3A_473 : i32 to index
      %swap3A_477 = tpu.vector_load %arg11[%swap3A_475, %swap3A_476] {strides = array<i32>} : memref<16x1024xf32, #tpu.memory_space<vmem>>, vector<16xf32>,
      tpu.vector_store %arg11[%swap3A_475, %swap3A_476], %add3A_471 {strides = array<i32>} : memref<16x1024xf32, #tpu.memory_space<vmem>>, vector<16xf32>,
      %broadcast_in_dim3A_478 = arith.constant 2 : i32
      %broadcast_in_dim3A_479 = vector.broadcast %broadcast_in_dim3A_478 : i32 to vector<16xi32>
      %gather3A_480 = tpu.vector_load_idx %arg7[%add3A_458, %broadcast_in_dim3A_479] : memref<1024x16xf32, #tpu.memory_space<vmem>>[vector<16xi32>, vector<16xi32>], vector<16xf32>,
      %gather3A_481 = tpu.vector_load_idx %arg9[%add3A_458, %broadcast_in_dim3A_479] : memref<1024x16xf32, #tpu.memory_space<vmem>>[vector<16xi32>, vector<16xi32>], vector<16xf32>,
      %add3A_482 = arith.addf %gather3A_480, %gather3A_481 : vector<16xf32>
      %mul3A_483 = arith.constant 16 : i32
      %mul3A_484 = arith.muli %add3A_454, %mul3A_483 : i32
      %swap3A_485 = arith.constant 2 : i32
      %swap3A_486 = arith.index_cast %swap3A_485 : i32 to index
      %swap3A_487 = arith.index_cast %mul3A_484 : i32 to index
      %swap3A_488 = tpu.vector_load %arg11[%swap3A_486, %swap3A_487] {strides = array<i32>} : memref<16x1024xf32, #tpu.memory_space<vmem>>, vector<16xf32>,
      tpu.vector_store %arg11[%swap3A_486, %swap3A_487], %add3A_482 {strides = array<i32>} : memref<16x1024xf32, #tpu.memory_space<vmem>>, vector<16xf32>,
      %broadcast_in_dim3A_489 = arith.constant 3 : i32
      %broadcast_in_dim3A_490 = vector.broadcast %broadcast_in_dim3A_489 : i32 to vector<16xi32>
      %gather3A_491 = tpu.vector_load_idx %arg7[%add3A_458, %broadcast_in_dim3A_490] : memref<1024x16xf32, #tpu.memory_space<vmem>>[vector<16xi32>, vector<16xi32>], vector<16xf32>,
      %gather3A_492 = tpu.vector_load_idx %arg9[%add3A_458, %broadcast_in_dim3A_490] : memref<1024x16xf32, #tpu.memory_space<vmem>>[vector<16xi32>, vector<16xi32>], vector<16xf32>,
      %add3A_493 = arith.addf %gather3A_491, %gather3A_492 : vector<16xf32>
      %mul3A_494 = arith.constant 16 : i32
      %mul3A_495 = arith.muli %add3A_454, %mul3A_494 : i32
      %swap3A_496 = arith.constant 3 : i32
      %swap3A_497 = arith.index_cast %swap3A_496 : i32 to index
      %swap3A_498 = arith.index_cast %mul3A_495 : i32 to index
      %swap3A_499 = tpu.vector_load %arg11[%swap3A_497, %swap3A_498] {strides = array<i32>} : memref<16x1024xf32, #tpu.memory_space<vmem>>, vector<16xf32>,
      tpu.vector_store %arg11[%swap3A_497, %swap3A_498], %add3A_493 {strides = array<i32>} : memref<16x1024xf32, #tpu.memory_space<vmem>>, vector<16xf32>,
      %broadcast_in_dim3A_500 = arith.constant 4 : i32
      %broadcast_in_dim3A_501 = vector.broadcast %broadcast_in_dim3A_500 : i32 to vector<16xi32>
      %gather3A_502 = tpu.vector_load_idx %arg7[%add3A_458, %broadcast_in_dim3A_501] : memref<1024x16xf32, #tpu.memory_space<vmem>>[vector<16xi32>, vector<16xi32>], vector<16xf32>,
      %gather3A_503 = tpu.vector_load_idx %arg9[%add3A_458, %broadcast_in_dim3A_501] : memref<1024x16xf32, #tpu.memory_space<vmem>>[vector<16xi32>, vector<16xi32>], vector<16xf32>,
      %add3A_504 = arith.addf %gather3A_502, %gather3A_503 : vector<16xf32>
      %mul3A_505 = arith.constant 16 : i32
      %mul3A_506 = arith.muli %add3A_454, %mul3A_505 : i32
      %swap3A_507 = arith.constant 4 : i32
      %swap3A_508 = arith.index_cast %swap3A_507 : i32 to index
      %swap3A_509 = arith.index_cast %mul3A_506 : i32 to index
      %swap3A_510 = tpu.vector_load %arg11[%swap3A_508, %swap3A_509] {strides = array<i32>} : memref<16x1024xf32, #tpu.memory_space<vmem>>, vector<16xf32>,
      tpu.vector_store %arg11[%swap3A_508, %swap3A_509], %add3A_504 {strides = array<i32>} : memref<16x1024xf32, #tpu.memory_space<vmem>>, vector<16xf32>,
      %broadcast_in_dim3A_511 = arith.constant 5 : i32
      %broadcast_in_dim3A_512 = vector.broadcast %broadcast_in_dim3A_511 : i32 to vector<16xi32>
      %gather3A_513 = tpu.vector_load_idx %arg7[%add3A_458, %broadcast_in_dim3A_512] : memref<1024x16xf32, #tpu.memory_space<vmem>>[vector<16xi32>, vector<16xi32>], vector<16xf32>,
      %gather3A_514 = tpu.vector_load_idx %arg9[%add3A_458, %broadcast_in_dim3A_512] : memref<1024x16xf32, #tpu.memory_space<vmem>>[vector<16xi32>, vector<16xi32>], vector<16xf32>,
      %add3A_515 = arith.addf %gather3A_513, %gather3A_514 : vector<16xf32>
      %mul3A_516 = arith.constant 16 : i32
      %mul3A_517 = arith.muli %add3A_454, %mul3A_516 : i32
      %swap3A_518 = arith.constant 5 : i32
      %swap3A_519 = arith.index_cast %swap3A_518 : i32 to index
      %swap3A_520 = arith.index_cast %mul3A_517 : i32 to index
      %swap3A_521 = tpu.vector_load %arg11[%swap3A_519, %swap3A_520] {strides = array<i32>} : memref<16x1024xf32, #tpu.memory_space<vmem>>, vector<16xf32>,
      tpu.vector_store %arg11[%swap3A_519, %swap3A_520], %add3A_515 {strides = array<i32>} : memref<16x1024xf32, #tpu.memory_space<vmem>>, vector<16xf32>,
      %broadcast_in_dim3A_522 = arith.constant 6 : i32
      %broadcast_in_dim3A_523 = vector.broadcast %broadcast_in_dim3A_522 : i32 to vector<16xi32>
      %gather3A_524 = tpu.vector_load_idx %arg7[%add3A_458, %broadcast_in_dim3A_523] : memref<1024x16xf32, #tpu.memory_space<vmem>>[vector<16xi32>, vector<16xi32>], vector<16xf32>,
      %gather3A_525 = tpu.vector_load_idx %arg9[%add3A_458, %broadcast_in_dim3A_523] : memref<1024x16xf32, #tpu.memory_space<vmem>>[vector<16xi32>, vector<16xi32>], vector<16xf32>,
      %add3A_526 = arith.addf %gather3A_524, %gather3A_525 : vector<16xf32>
      %mul3A_527 = arith.constant 16 : i32
      %mul3A_528 = arith.muli %add3A_454, %mul3A_527 : i32
      %swap3A_529 = arith.constant 6 : i32
      %swap3A_530 = arith.index_cast %swap3A_529 : i32 to index
      %swap3A_531 = arith.index_cast %mul3A_528 : i32 to index
      %swap3A_532 = tpu.vector_load %arg11[%swap3A_530, %swap3A_531] {strides = array<i32>} : memref<16x1024xf32, #tpu.memory_space<vmem>>, vector<16xf32>,
      tpu.vector_store %arg11[%swap3A_530, %swap3A_531], %add3A_526 {strides = array<i32>} : memref<16x1024xf32, #tpu.memory_space<vmem>>, vector<16xf32>,
      %broadcast_in_dim3A_533 = arith.constant 7 : i32
      %broadcast_in_dim3A_534 = vector.broadcast %broadcast_in_dim3A_533 : i32 to vector<16xi32>
      %gather3A_535 = tpu.vector_load_idx %arg7[%add3A_458, %broadcast_in_dim3A_534] : memref<1024x16xf32, #tpu.memory_space<vmem>>[vector<16xi32>, vector<16xi32>], vector<16xf32>,
      %gather3A_536 = tpu.vector_load_idx %arg9[%add3A_458, %broadcast_in_dim3A_534] : memref<1024x16xf32, #tpu.memory_space<vmem>>[vector<16xi32>, vector<16xi32>], vector<16xf32>,
      %add3A_537 = arith.addf %gather3A_535, %gather3A_536 : vector<16xf32>
      %mul3A_538 = arith.constant 16 : i32
      %mul3A_539 = arith.muli %add3A_454, %mul3A_538 : i32
      %swap3A_540 = arith.constant 7 : i32
      %swap3A_541 = arith.index_cast %swap3A_540 : i32 to index
      %swap3A_542 = arith.index_cast %mul3A_539 : i32 to index
      %swap3A_543 = tpu.vector_load %arg11[%swap3A_541, %swap3A_542] {strides = array<i32>} : memref<16x1024xf32, #tpu.memory_space<vmem>>, vector<16xf32>,
      tpu.vector_store %arg11[%swap3A_541, %swap3A_542], %add3A_537 {strides = array<i32>} : memref<16x1024xf32, #tpu.memory_space<vmem>>, vector<16xf32>,
      %broadcast_in_dim3A_544 = arith.constant 8 : i32
      %broadcast_in_dim3A_545 = vector.broadcast %broadcast_in_dim3A_544 : i32 to vector<16xi32>
      %gather3A_546 = tpu.vector_load_idx %arg7[%add3A_458, %broadcast_in_dim3A_545] : memref<1024x16xf32, #tpu.memory_space<vmem>>[vector<16xi32>, vector<16xi32>], vector<16xf32>,
      %gather3A_547 = tpu.vector_load_idx %arg9[%add3A_458, %broadcast_in_dim3A_545] : memref<1024x16xf32, #tpu.memory_space<vmem>>[vector<16xi32>, vector<16xi32>], vector<16xf32>,
      %add3A_548 = arith.addf %gather3A_546, %gather3A_547 : vector<16xf32>
      %mul3A_549 = arith.constant 16 : i32
      %mul3A_550 = arith.muli %add3A_454, %mul3A_549 : i32
      %swap3A_551 = arith.constant 8 : i32
      %swap3A_552 = arith.index_cast %swap3A_551 : i32 to index
      %swap3A_553 = arith.index_cast %mul3A_550 : i32 to index
      %swap3A_554 = tpu.vector_load %arg11[%swap3A_552, %swap3A_553] {strides = array<i32>} : memref<16x1024xf32, #tpu.memory_space<vmem>>, vector<16xf32>,
      tpu.vector_store %arg11[%swap3A_552, %swap3A_553], %add3A_548 {strides = array<i32>} : memref<16x1024xf32, #tpu.memory_space<vmem>>, vector<16xf32>,
      %broadcast_in_dim3A_555 = arith.constant 9 : i32
      %broadcast_in_dim3A_556 = vector.broadcast %broadcast_in_dim3A_555 : i32 to vector<16xi32>
      %gather3A_557 = tpu.vector_load_idx %arg7[%add3A_458, %broadcast_in_dim3A_556] : memref<1024x16xf32, #tpu.memory_space<vmem>>[vector<16xi32>, vector<16xi32>], vector<16xf32>,
      %gather3A_558 = tpu.vector_load_idx %arg9[%add3A_458, %broadcast_in_dim3A_556] : memref<1024x16xf32, #tpu.memory_space<vmem>>[vector<16xi32>, vector<16xi32>], vector<16xf32>,
      %add3A_559 = arith.addf %gather3A_557, %gather3A_558 : vector<16xf32>
      %mul3A_560 = arith.constant 16 : i32
      %mul3A_561 = arith.muli %add3A_454, %mul3A_560 : i32
      %swap3A_562 = arith.constant 9 : i32
      %swap3A_563 = arith.index_cast %swap3A_562 : i32 to index
      %swap3A_564 = arith.index_cast %mul3A_561 : i32 to index
      %swap3A_565 = tpu.vector_load %arg11[%swap3A_563, %swap3A_564] {strides = array<i32>} : memref<16x1024xf32, #tpu.memory_space<vmem>>, vector<16xf32>,
      tpu.vector_store %arg11[%swap3A_563, %swap3A_564], %add3A_559 {strides = array<i32>} : memref<16x1024xf32, #tpu.memory_space<vmem>>, vector<16xf32>,
      %broadcast_in_dim3A_566 = arith.constant 10 : i32
      %broadcast_in_dim3A_567 = vector.broadcast %broadcast_in_dim3A_566 : i32 to vector<16xi32>
      %gather3A_568 = tpu.vector_load_idx %arg7[%add3A_458, %broadcast_in_dim3A_567] : memref<1024x16xf32, #tpu.memory_space<vmem>>[vector<16xi32>, vector<16xi32>], vector<16xf32>,
      %gather3A_569 = tpu.vector_load_idx %arg9[%add3A_458, %broadcast_in_dim3A_567] : memref<1024x16xf32, #tpu.memory_space<vmem>>[vector<16xi32>, vector<16xi32>], vector<16xf32>,
      %add3A_570 = arith.addf %gather3A_568, %gather3A_569 : vector<16xf32>
      %mul3A_571 = arith.constant 16 : i32
      %mul3A_572 = arith.muli %add3A_454, %mul3A_571 : i32
      %swap3A_573 = arith.constant 10 : i32
      %swap3A_574 = arith.index_cast %swap3A_573 : i32 to index
      %swap3A_575 = arith.index_cast %mul3A_572 : i32 to index
      %swap3A_576 = tpu.vector_load %arg11[%swap3A_574, %swap3A_575] {strides = array<i32>} : memref<16x1024xf32, #tpu.memory_space<vmem>>, vector<16xf32>,
      tpu.vector_store %arg11[%swap3A_574, %swap3A_575], %add3A_570 {strides = array<i32>} : memref<16x1024xf32, #tpu.memory_space<vmem>>, vector<16xf32>,
      %broadcast_in_dim3A_577 = arith.constant 11 : i32
      %broadcast_in_dim3A_578 = vector.broadcast %broadcast_in_dim3A_577 : i32 to vector<16xi32>
      %gather3A_579 = tpu.vector_load_idx %arg7[%add3A_458, %broadcast_in_dim3A_578] : memref<1024x16xf32, #tpu.memory_space<vmem>>[vector<16xi32>, vector<16xi32>], vector<16xf32>,
      %gather3A_580 = tpu.vector_load_idx %arg9[%add3A_458, %broadcast_in_dim3A_578] : memref<1024x16xf32, #tpu.memory_space<vmem>>[vector<16xi32>, vector<16xi32>], vector<16xf32>,
      %add3A_581 = arith.addf %gather3A_579, %gather3A_580 : vector<16xf32>
      %mul3A_582 = arith.constant 16 : i32
      %mul3A_583 = arith.muli %add3A_454, %mul3A_582 : i32
      %swap3A_584 = arith.constant 11 : i32
      %swap3A_585 = arith.index_cast %swap3A_584 : i32 to index
      %swap3A_586 = arith.index_cast %mul3A_583 : i32 to index
      %swap3A_587 = tpu.vector_load %arg11[%swap3A_585, %swap3A_586] {strides = array<i32>} : memref<16x1024xf32, #tpu.memory_space<vmem>>, vector<16xf32>,
      tpu.vector_store %arg11[%swap3A_585, %swap3A_586], %add3A_581 {strides = array<i32>} : memref<16x1024xf32, #tpu.memory_space<vmem>>, vector<16xf32>,
      %broadcast_in_dim3A_588 = arith.constant 12 : i32
      %broadcast_in_dim3A_589 = vector.broadcast %broadcast_in_dim3A_588 : i32 to vector<16xi32>
      %gather3A_590 = tpu.vector_load_idx %arg7[%add3A_458, %broadcast_in_dim3A_589] : memref<1024x16xf32, #tpu.memory_space<vmem>>[vector<16xi32>, vector<16xi32>], vector<16xf32>,
      %gather3A_591 = tpu.vector_load_idx %arg9[%add3A_458, %broadcast_in_dim3A_589] : memref<1024x16xf32, #tpu.memory_space<vmem>>[vector<16xi32>, vector<16xi32>], vector<16xf32>,
      %add3A_592 = arith.addf %gather3A_590, %gather3A_591 : vector<16xf32>
      %mul3A_593 = arith.constant 16 : i32
      %mul3A_594 = arith.muli %add3A_454, %mul3A_593 : i32
      %swap3A_595 = arith.constant 12 : i32
      %swap3A_596 = arith.index_cast %swap3A_595 : i32 to index
      %swap3A_597 = arith.index_cast %mul3A_594 : i32 to index
      %swap3A_598 = tpu.vector_load %arg11[%swap3A_596, %swap3A_597] {strides = array<i32>} : memref<16x1024xf32, #tpu.memory_space<vmem>>, vector<16xf32>,
      tpu.vector_store %arg11[%swap3A_596, %swap3A_597], %add3A_592 {strides = array<i32>} : memref<16x1024xf32, #tpu.memory_space<vmem>>, vector<16xf32>,
      %broadcast_in_dim3A_599 = arith.constant 13 : i32
      %broadcast_in_dim3A_600 = vector.broadcast %broadcast_in_dim3A_599 : i32 to vector<16xi32>
      %gather3A_601 = tpu.vector_load_idx %arg7[%add3A_458, %broadcast_in_dim3A_600] : memref<1024x16xf32, #tpu.memory_space<vmem>>[vector<16xi32>, vector<16xi32>], vector<16xf32>,
      %gather3A_602 = tpu.vector_load_idx %arg9[%add3A_458, %broadcast_in_dim3A_600] : memref<1024x16xf32, #tpu.memory_space<vmem>>[vector<16xi32>, vector<16xi32>], vector<16xf32>,
      %add3A_603 = arith.addf %gather3A_601, %gather3A_602 : vector<16xf32>
      %mul3A_604 = arith.constant 16 : i32
      %mul3A_605 = arith.muli %add3A_454, %mul3A_604 : i32
      %swap3A_606 = arith.constant 13 : i32
      %swap3A_607 = arith.index_cast %swap3A_606 : i32 to index
      %swap3A_608 = arith.index_cast %mul3A_605 : i32 to index
      %swap3A_609 = tpu.vector_load %arg11[%swap3A_607, %swap3A_608] {strides = array<i32>} : memref<16x1024xf32, #tpu.memory_space<vmem>>, vector<16xf32>,
      tpu.vector_store %arg11[%swap3A_607, %swap3A_608], %add3A_603 {strides = array<i32>} : memref<16x1024xf32, #tpu.memory_space<vmem>>, vector<16xf32>,
      %broadcast_in_dim3A_610 = arith.constant 14 : i32
      %broadcast_in_dim3A_611 = vector.broadcast %broadcast_in_dim3A_610 : i32 to vector<16xi32>
      %gather3A_612 = tpu.vector_load_idx %arg7[%add3A_458, %broadcast_in_dim3A_611] : memref<1024x16xf32, #tpu.memory_space<vmem>>[vector<16xi32>, vector<16xi32>], vector<16xf32>,
      %gather3A_613 = tpu.vector_load_idx %arg9[%add3A_458, %broadcast_in_dim3A_611] : memref<1024x16xf32, #tpu.memory_space<vmem>>[vector<16xi32>, vector<16xi32>], vector<16xf32>,
      %add3A_614 = arith.addf %gather3A_612, %gather3A_613 : vector<16xf32>
      %mul3A_615 = arith.constant 16 : i32
      %mul3A_616 = arith.muli %add3A_454, %mul3A_615 : i32
      %swap3A_617 = arith.constant 14 : i32
      %swap3A_618 = arith.index_cast %swap3A_617 : i32 to index
      %swap3A_619 = arith.index_cast %mul3A_616 : i32 to index
      %swap3A_620 = tpu.vector_load %arg11[%swap3A_618, %swap3A_619] {strides = array<i32>} : memref<16x1024xf32, #tpu.memory_space<vmem>>, vector<16xf32>,
      tpu.vector_store %arg11[%swap3A_618, %swap3A_619], %add3A_614 {strides = array<i32>} : memref<16x1024xf32, #tpu.memory_space<vmem>>, vector<16xf32>,
      %broadcast_in_dim3A_621 = arith.constant 15 : i32
      %broadcast_in_dim3A_622 = vector.broadcast %broadcast_in_dim3A_621 : i32 to vector<16xi32>
      %gather3A_623 = tpu.vector_load_idx %arg7[%add3A_458, %broadcast_in_dim3A_622] : memref<1024x16xf32, #tpu.memory_space<vmem>>[vector<16xi32>, vector<16xi32>], vector<16xf32>,
      %gather3A_624 = tpu.vector_load_idx %arg9[%add3A_458, %broadcast_in_dim3A_622] : memref<1024x16xf32, #tpu.memory_space<vmem>>[vector<16xi32>, vector<16xi32>], vector<16xf32>,
      %add3A_625 = arith.addf %gather3A_623, %gather3A_624 : vector<16xf32>
      %mul3A_626 = arith.constant 16 : i32
      %mul3A_627 = arith.muli %add3A_454, %mul3A_626 : i32
      %swap3A_628 = arith.constant 15 : i32
      %swap3A_629 = arith.index_cast %swap3A_628 : i32 to index
      %swap3A_630 = arith.index_cast %mul3A_627 : i32 to index
      %swap3A_631 = tpu.vector_load %arg11[%swap3A_629, %swap3A_630] {strides = array<i32>} : memref<16x1024xf32, #tpu.memory_space<vmem>>, vector<16xf32>,
      tpu.vector_store %arg11[%swap3A_629, %swap3A_630], %add3A_625 {strides = array<i32>} : memref<16x1024xf32, #tpu.memory_space<vmem>>, vector<16xf32>,
    }
    %scan3A_85 = arith.constant 64 : i32
    %add3A_86 = arith.constant 1024 : i32
    %add3A_87 = arith.addi %mul3A_2, %add3A_86 : i32
    %dma_start3A_88 = arith.constant 0 : i32
    %dma_start3A_89 = tpu.memref_slice %arg4[%dma_start3A_88, %add3A_87] : memref<16x327680xf32, #tpu.memory_space<hbm>> -> memref<16x1024xf32, #tpu.memory_space<hbm>>
    %dma_start3A_90 = arith.constant 0 : i32
    %dma_start3A_91 = tpu.memref_slice %arg4[%dma_start3A_90, %add3A_87] : memref<16x327680xf32, #tpu.memory_space<hbm>> -> memref<16x1024xf32, #tpu.memory_space<hbm>>
    tpu.enqueue_dma source(%arg11 : memref<16x1024xf32, #tpu.memory_space<vmem>>) target(%dma_start3A_91 : memref<16x1024xf32, #tpu.memory_space<hbm>>) target_semaphore(%arg13 : memref<!tpu.dma_semaphore, #tpu.memory_space<semaphore_mem>>)
    %dma_start3A_92 = arith.constant 0 : i32
    %dma_start3A_93 = arith.constant 3072 : i32
    %dma_start3A_94 = tpu.memref_slice %arg5[%dma_start3A_92, %dma_start3A_93] : memref<2x10240xi32, #tpu.memory_space<vmem>> -> memref<1x1024xi32, #tpu.memory_space<vmem>>
    %dma_start3A_95 = tpu.memref_squeeze %dma_start3A_94 : memref<1x1024xi32, #tpu.memory_space<vmem>> -> memref<1024xi32, #tpu.memory_space<vmem>>
    %dma_start3A_96 = arith.constant 0 : i32
    %dma_start3A_97 = arith.constant 0 : i32
    %dma_start3A_98 = tpu.memref_slice %arg2[%dma_start3A_96, %dma_start3A_97] : memref<20000x16xf32, #tpu.memory_space<hbm>> -> memref<20000x16xf32, #tpu.memory_space<hbm>>
    tpu.enqueue_indirect_dma source(%dma_start3A_98 : memref<20000x16xf32, #tpu.memory_space<hbm>>) target(%arg7 : memref<1024x16xf32, #tpu.memory_space<vmem>>) offsets(%dma_start3A_95 : memref<1024xi32, #tpu.memory_space<vmem>>) semaphore(%arg12 : memref<!tpu.dma_semaphore, #tpu.memory_space<semaphore_mem>>)
    %dma_start3A_99 = arith.constant 1 : i32
    %dma_start3A_100 = arith.constant 3072 : i32
    %dma_start3A_101 = tpu.memref_slice %arg5[%dma_start3A_99, %dma_start3A_100] : memref<2x10240xi32, #tpu.memory_space<vmem>> -> memref<1x1024xi32, #tpu.memory_space<vmem>>
    %dma_start3A_102 = tpu.memref_squeeze %dma_start3A_101 : memref<1x1024xi32, #tpu.memory_space<vmem>> -> memref<1024xi32, #tpu.memory_space<vmem>>
    %dma_start3A_103 = arith.constant 0 : i32
    %dma_start3A_104 = arith.constant 0 : i32
    %dma_start3A_105 = tpu.memref_slice %arg2[%dma_start3A_103, %dma_start3A_104] : memref<20000x16xf32, #tpu.memory_space<hbm>> -> memref<20000x16xf32, #tpu.memory_space<hbm>>
    tpu.enqueue_indirect_dma source(%dma_start3A_105 : memref<20000x16xf32, #tpu.memory_space<hbm>>) target(%arg9 : memref<1024x16xf32, #tpu.memory_space<vmem>>) offsets(%dma_start3A_102 : memref<1024xi32, #tpu.memory_space<vmem>>) semaphore(%arg12 : memref<!tpu.dma_semaphore, #tpu.memory_space<semaphore_mem>>)
    %dma_wait3A_106 = arith.constant 0 : i32
    %dma_wait3A_107 = arith.constant 2048 : i32
    %dma_wait3A_108 = tpu.memref_slice %arg5[%dma_wait3A_106, %dma_wait3A_107] : memref<2x10240xi32, #tpu.memory_space<vmem>> -> memref<1x1024xi32, #tpu.memory_space<vmem>>
    %dma_wait3A_109 = tpu.memref_squeeze %dma_wait3A_108 : memref<1x1024xi32, #tpu.memory_space<vmem>> -> memref<1024xi32, #tpu.memory_space<vmem>>
    %dma_wait3A_110 = arith.constant 0 : i32
    %dma_wait3A_111 = arith.constant 0 : i32
    %dma_wait3A_112 = tpu.memref_slice %arg2[%dma_wait3A_110, %dma_wait3A_111] : memref<20000x16xf32, #tpu.memory_space<hbm>> -> memref<20000x16xf32, #tpu.memory_space<hbm>>
    tpu.wait_indirect_dma semaphore(%arg12 : memref<!tpu.dma_semaphore, #tpu.memory_space<semaphore_mem>>) src(%dma_wait3A_112 : memref<20000x16xf32, #tpu.memory_space<hbm>>) dst(%arg6 : memref<1024x16xf32, #tpu.memory_space<vmem>>)
    %dma_wait3A_113 = arith.constant 1 : i32
    %dma_wait3A_114 = arith.constant 2048 : i32
    %dma_wait3A_115 = tpu.memref_slice %arg5[%dma_wait3A_113, %dma_wait3A_114] : memref<2x10240xi32, #tpu.memory_space<vmem>> -> memref<1x1024xi32, #tpu.memory_space<vmem>>
    %dma_wait3A_116 = tpu.memref_squeeze %dma_wait3A_115 : memref<1x1024xi32, #tpu.memory_space<vmem>> -> memref<1024xi32, #tpu.memory_space<vmem>>
    %dma_wait3A_117 = arith.constant 0 : i32
    %dma_wait3A_118 = arith.constant 0 : i32
    %dma_wait3A_119 = tpu.memref_slice %arg2[%dma_wait3A_117, %dma_wait3A_118] : memref<20000x16xf32, #tpu.memory_space<hbm>> -> memref<20000x16xf32, #tpu.memory_space<hbm>>
    tpu.wait_indirect_dma semaphore(%arg12 : memref<!tpu.dma_semaphore, #tpu.memory_space<semaphore_mem>>) src(%dma_wait3A_119 : memref<20000x16xf32, #tpu.memory_space<hbm>>) dst(%arg8 : memref<1024x16xf32, #tpu.memory_space<vmem>>)
    %add3A_120 = arith.constant 0 : i32
    %add3A_121 = arith.addi %mul3A_2, %add3A_120 : i32
    %dma_wait3A_122 = arith.constant 0 : i32
    %dma_wait3A_123 = tpu.memref_slice %arg4[%dma_wait3A_122, %add3A_121] : memref<16x327680xf32, #tpu.memory_space<hbm>> -> memref<16x1024xf32, #tpu.memory_space<hbm>>
    %dma_wait3A_124 = arith.constant 0 : i32
    %dma_wait3A_125 = tpu.memref_slice %arg4[%dma_wait3A_124, %add3A_121] : memref<16x327680xf32, #tpu.memory_space<hbm>> -> memref<16x1024xf32, #tpu.memory_space<hbm>>
    tpu.wait_dma2 semaphore(%arg13 : memref<!tpu.dma_semaphore, #tpu.memory_space<semaphore_mem>>) src(%arg10 : memref<16x1024xf32, #tpu.memory_space<vmem>>) dst(%dma_wait3A_125 : memref<16x1024xf32, #tpu.memory_space<hbm>>)
    %scan3A_126 = arith.constant 0 : i32
    %scan3A_127 = arith.constant 64 : i32
    %scan3A_128 = arith.addi %scan3A_126, %scan3A_127 : i32
    %scan3A_129 = arith.constant 1 : i32
    scf.for %scan3A_450 = %scan3A_126 to %scan3A_128 step %scan3A_129  : i32 {
      %mul3A_451 = arith.constant 1 : i32
      %mul3A_452 = arith.muli %scan3A_450, %mul3A_451 : i32
      %add3A_453 = arith.constant 0 : i32
      %add3A_454 = arith.addi %add3A_453, %mul3A_452 : i32
      %mul3A_455 = arith.constant 16 : i32
      %mul3A_456 = arith.muli %add3A_454, %mul3A_455 : i32
      %add3A_457 = vector.broadcast %mul3A_456 : i32 to vector<16xi32>
      %add3A_458 = arith.addi %add3A_457, %iota3A : vector<16xi32>
      %broadcast_in_dim3A = arith.constant 0 : i32
      %broadcast_in_dim3A_459 = vector.broadcast %broadcast_in_dim3A : i32 to vector<16xi32>
      %gather3A = tpu.vector_load_idx %arg6[%add3A_458, %broadcast_in_dim3A_459] : memref<1024x16xf32, #tpu.memory_space<vmem>>[vector<16xi32>, vector<16xi32>], vector<16xf32>,
      %gather3A_460 = tpu.vector_load_idx %arg8[%add3A_458, %broadcast_in_dim3A_459] : memref<1024x16xf32, #tpu.memory_space<vmem>>[vector<16xi32>, vector<16xi32>], vector<16xf32>,
      %add3A_461 = arith.addf %gather3A, %gather3A_460 : vector<16xf32>
      %mul3A_462 = arith.constant 16 : i32
      %mul3A_463 = arith.muli %add3A_454, %mul3A_462 : i32
      %swap3A = arith.constant 0 : i32
      %swap3A_464 = arith.index_cast %swap3A : i32 to index
      %swap3A_465 = arith.index_cast %mul3A_463 : i32 to index
      %swap3A_466 = tpu.vector_load %arg10[%swap3A_464, %swap3A_465] {strides = array<i32>} : memref<16x1024xf32, #tpu.memory_space<vmem>>, vector<16xf32>,
      tpu.vector_store %arg10[%swap3A_464, %swap3A_465], %add3A_461 {strides = array<i32>} : memref<16x1024xf32, #tpu.memory_space<vmem>>, vector<16xf32>,
      %broadcast_in_dim3A_467 = arith.constant 1 : i32
      %broadcast_in_dim3A_468 = vector.broadcast %broadcast_in_dim3A_467 : i32 to vector<16xi32>
      %gather3A_469 = tpu.vector_load_idx %arg6[%add3A_458, %broadcast_in_dim3A_468] : memref<1024x16xf32, #tpu.memory_space<vmem>>[vector<16xi32>, vector<16xi32>], vector<16xf32>,
      %gather3A_470 = tpu.vector_load_idx %arg8[%add3A_458, %broadcast_in_dim3A_468] : memref<1024x16xf32, #tpu.memory_space<vmem>>[vector<16xi32>, vector<16xi32>], vector<16xf32>,
      %add3A_471 = arith.addf %gather3A_469, %gather3A_470 : vector<16xf32>
      %mul3A_472 = arith.constant 16 : i32
      %mul3A_473 = arith.muli %add3A_454, %mul3A_472 : i32
      %swap3A_474 = arith.constant 1 : i32
      %swap3A_475 = arith.index_cast %swap3A_474 : i32 to index
      %swap3A_476 = arith.index_cast %mul3A_473 : i32 to index
      %swap3A_477 = tpu.vector_load %arg10[%swap3A_475, %swap3A_476] {strides = array<i32>} : memref<16x1024xf32, #tpu.memory_space<vmem>>, vector<16xf32>,
      tpu.vector_store %arg10[%swap3A_475, %swap3A_476], %add3A_471 {strides = array<i32>} : memref<16x1024xf32, #tpu.memory_space<vmem>>, vector<16xf32>,
      %broadcast_in_dim3A_478 = arith.constant 2 : i32
      %broadcast_in_dim3A_479 = vector.broadcast %broadcast_in_dim3A_478 : i32 to vector<16xi32>
      %gather3A_480 = tpu.vector_load_idx %arg6[%add3A_458, %broadcast_in_dim3A_479] : memref<1024x16xf32, #tpu.memory_space<vmem>>[vector<16xi32>, vector<16xi32>], vector<16xf32>,
      %gather3A_481 = tpu.vector_load_idx %arg8[%add3A_458, %broadcast_in_dim3A_479] : memref<1024x16xf32, #tpu.memory_space<vmem>>[vector<16xi32>, vector<16xi32>], vector<16xf32>,
      %add3A_482 = arith.addf %gather3A_480, %gather3A_481 : vector<16xf32>
      %mul3A_483 = arith.constant 16 : i32
      %mul3A_484 = arith.muli %add3A_454, %mul3A_483 : i32
      %swap3A_485 = arith.constant 2 : i32
      %swap3A_486 = arith.index_cast %swap3A_485 : i32 to index
      %swap3A_487 = arith.index_cast %mul3A_484 : i32 to index
      %swap3A_488 = tpu.vector_load %arg10[%swap3A_486, %swap3A_487] {strides = array<i32>} : memref<16x1024xf32, #tpu.memory_space<vmem>>, vector<16xf32>,
      tpu.vector_store %arg10[%swap3A_486, %swap3A_487], %add3A_482 {strides = array<i32>} : memref<16x1024xf32, #tpu.memory_space<vmem>>, vector<16xf32>,
      %broadcast_in_dim3A_489 = arith.constant 3 : i32
      %broadcast_in_dim3A_490 = vector.broadcast %broadcast_in_dim3A_489 : i32 to vector<16xi32>
      %gather3A_491 = tpu.vector_load_idx %arg6[%add3A_458, %broadcast_in_dim3A_490] : memref<1024x16xf32, #tpu.memory_space<vmem>>[vector<16xi32>, vector<16xi32>], vector<16xf32>,
      %gather3A_492 = tpu.vector_load_idx %arg8[%add3A_458, %broadcast_in_dim3A_490] : memref<1024x16xf32, #tpu.memory_space<vmem>>[vector<16xi32>, vector<16xi32>], vector<16xf32>,
      %add3A_493 = arith.addf %gather3A_491, %gather3A_492 : vector<16xf32>
      %mul3A_494 = arith.constant 16 : i32
      %mul3A_495 = arith.muli %add3A_454, %mul3A_494 : i32
      %swap3A_496 = arith.constant 3 : i32
      %swap3A_497 = arith.index_cast %swap3A_496 : i32 to index
      %swap3A_498 = arith.index_cast %mul3A_495 : i32 to index
      %swap3A_499 = tpu.vector_load %arg10[%swap3A_497, %swap3A_498] {strides = array<i32>} : memref<16x1024xf32, #tpu.memory_space<vmem>>, vector<16xf32>,
      tpu.vector_store %arg10[%swap3A_497, %swap3A_498], %add3A_493 {strides = array<i32>} : memref<16x1024xf32, #tpu.memory_space<vmem>>, vector<16xf32>,
      %broadcast_in_dim3A_500 = arith.constant 4 : i32
      %broadcast_in_dim3A_501 = vector.broadcast %broadcast_in_dim3A_500 : i32 to vector<16xi32>
      %gather3A_502 = tpu.vector_load_idx %arg6[%add3A_458, %broadcast_in_dim3A_501] : memref<1024x16xf32, #tpu.memory_space<vmem>>[vector<16xi32>, vector<16xi32>], vector<16xf32>,
      %gather3A_503 = tpu.vector_load_idx %arg8[%add3A_458, %broadcast_in_dim3A_501] : memref<1024x16xf32, #tpu.memory_space<vmem>>[vector<16xi32>, vector<16xi32>], vector<16xf32>,
      %add3A_504 = arith.addf %gather3A_502, %gather3A_503 : vector<16xf32>
      %mul3A_505 = arith.constant 16 : i32
      %mul3A_506 = arith.muli %add3A_454, %mul3A_505 : i32
      %swap3A_507 = arith.constant 4 : i32
      %swap3A_508 = arith.index_cast %swap3A_507 : i32 to index
      %swap3A_509 = arith.index_cast %mul3A_506 : i32 to index
      %swap3A_510 = tpu.vector_load %arg10[%swap3A_508, %swap3A_509] {strides = array<i32>} : memref<16x1024xf32, #tpu.memory_space<vmem>>, vector<16xf32>,
      tpu.vector_store %arg10[%swap3A_508, %swap3A_509], %add3A_504 {strides = array<i32>} : memref<16x1024xf32, #tpu.memory_space<vmem>>, vector<16xf32>,
      %broadcast_in_dim3A_511 = arith.constant 5 : i32
      %broadcast_in_dim3A_512 = vector.broadcast %broadcast_in_dim3A_511 : i32 to vector<16xi32>
      %gather3A_513 = tpu.vector_load_idx %arg6[%add3A_458, %broadcast_in_dim3A_512] : memref<1024x16xf32, #tpu.memory_space<vmem>>[vector<16xi32>, vector<16xi32>], vector<16xf32>,
      %gather3A_514 = tpu.vector_load_idx %arg8[%add3A_458, %broadcast_in_dim3A_512] : memref<1024x16xf32, #tpu.memory_space<vmem>>[vector<16xi32>, vector<16xi32>], vector<16xf32>,
      %add3A_515 = arith.addf %gather3A_513, %gather3A_514 : vector<16xf32>
      %mul3A_516 = arith.constant 16 : i32
      %mul3A_517 = arith.muli %add3A_454, %mul3A_516 : i32
      %swap3A_518 = arith.constant 5 : i32
      %swap3A_519 = arith.index_cast %swap3A_518 : i32 to index
      %swap3A_520 = arith.index_cast %mul3A_517 : i32 to index
      %swap3A_521 = tpu.vector_load %arg10[%swap3A_519, %swap3A_520] {strides = array<i32>} : memref<16x1024xf32, #tpu.memory_space<vmem>>, vector<16xf32>,
      tpu.vector_store %arg10[%swap3A_519, %swap3A_520], %add3A_515 {strides = array<i32>} : memref<16x1024xf32, #tpu.memory_space<vmem>>, vector<16xf32>,
      %broadcast_in_dim3A_522 = arith.constant 6 : i32
      %broadcast_in_dim3A_523 = vector.broadcast %broadcast_in_dim3A_522 : i32 to vector<16xi32>
      %gather3A_524 = tpu.vector_load_idx %arg6[%add3A_458, %broadcast_in_dim3A_523] : memref<1024x16xf32, #tpu.memory_space<vmem>>[vector<16xi32>, vector<16xi32>], vector<16xf32>,
      %gather3A_525 = tpu.vector_load_idx %arg8[%add3A_458, %broadcast_in_dim3A_523] : memref<1024x16xf32, #tpu.memory_space<vmem>>[vector<16xi32>, vector<16xi32>], vector<16xf32>,
      %add3A_526 = arith.addf %gather3A_524, %gather3A_525 : vector<16xf32>
      %mul3A_527 = arith.constant 16 : i32
      %mul3A_528 = arith.muli %add3A_454, %mul3A_527 : i32
      %swap3A_529 = arith.constant 6 : i32
      %swap3A_530 = arith.index_cast %swap3A_529 : i32 to index
      %swap3A_531 = arith.index_cast %mul3A_528 : i32 to index
      %swap3A_532 = tpu.vector_load %arg10[%swap3A_530, %swap3A_531] {strides = array<i32>} : memref<16x1024xf32, #tpu.memory_space<vmem>>, vector<16xf32>,
      tpu.vector_store %arg10[%swap3A_530, %swap3A_531], %add3A_526 {strides = array<i32>} : memref<16x1024xf32, #tpu.memory_space<vmem>>, vector<16xf32>,
      %broadcast_in_dim3A_533 = arith.constant 7 : i32
      %broadcast_in_dim3A_534 = vector.broadcast %broadcast_in_dim3A_533 : i32 to vector<16xi32>
      %gather3A_535 = tpu.vector_load_idx %arg6[%add3A_458, %broadcast_in_dim3A_534] : memref<1024x16xf32, #tpu.memory_space<vmem>>[vector<16xi32>, vector<16xi32>], vector<16xf32>,
      %gather3A_536 = tpu.vector_load_idx %arg8[%add3A_458, %broadcast_in_dim3A_534] : memref<1024x16xf32, #tpu.memory_space<vmem>>[vector<16xi32>, vector<16xi32>], vector<16xf32>,
      %add3A_537 = arith.addf %gather3A_535, %gather3A_536 : vector<16xf32>
      %mul3A_538 = arith.constant 16 : i32
      %mul3A_539 = arith.muli %add3A_454, %mul3A_538 : i32
      %swap3A_540 = arith.constant 7 : i32
      %swap3A_541 = arith.index_cast %swap3A_540 : i32 to index
      %swap3A_542 = arith.index_cast %mul3A_539 : i32 to index
      %swap3A_543 = tpu.vector_load %arg10[%swap3A_541, %swap3A_542] {strides = array<i32>} : memref<16x1024xf32, #tpu.memory_space<vmem>>, vector<16xf32>,
      tpu.vector_store %arg10[%swap3A_541, %swap3A_542], %add3A_537 {strides = array<i32>} : memref<16x1024xf32, #tpu.memory_space<vmem>>, vector<16xf32>,
      %broadcast_in_dim3A_544 = arith.constant 8 : i32
      %broadcast_in_dim3A_545 = vector.broadcast %broadcast_in_dim3A_544 : i32 to vector<16xi32>
      %gather3A_546 = tpu.vector_load_idx %arg6[%add3A_458, %broadcast_in_dim3A_545] : memref<1024x16xf32, #tpu.memory_space<vmem>>[vector<16xi32>, vector<16xi32>], vector<16xf32>,
      %gather3A_547 = tpu.vector_load_idx %arg8[%add3A_458, %broadcast_in_dim3A_545] : memref<1024x16xf32, #tpu.memory_space<vmem>>[vector<16xi32>, vector<16xi32>], vector<16xf32>,
      %add3A_548 = arith.addf %gather3A_546, %gather3A_547 : vector<16xf32>
      %mul3A_549 = arith.constant 16 : i32
      %mul3A_550 = arith.muli %add3A_454, %mul3A_549 : i32
      %swap3A_551 = arith.constant 8 : i32
      %swap3A_552 = arith.index_cast %swap3A_551 : i32 to index
      %swap3A_553 = arith.index_cast %mul3A_550 : i32 to index
      %swap3A_554 = tpu.vector_load %arg10[%swap3A_552, %swap3A_553] {strides = array<i32>} : memref<16x1024xf32, #tpu.memory_space<vmem>>, vector<16xf32>,
      tpu.vector_store %arg10[%swap3A_552, %swap3A_553], %add3A_548 {strides = array<i32>} : memref<16x1024xf32, #tpu.memory_space<vmem>>, vector<16xf32>,
      %broadcast_in_dim3A_555 = arith.constant 9 : i32
      %broadcast_in_dim3A_556 = vector.broadcast %broadcast_in_dim3A_555 : i32 to vector<16xi32>
      %gather3A_557 = tpu.vector_load_idx %arg6[%add3A_458, %broadcast_in_dim3A_556] : memref<1024x16xf32, #tpu.memory_space<vmem>>[vector<16xi32>, vector<16xi32>], vector<16xf32>,
      %gather3A_558 = tpu.vector_load_idx %arg8[%add3A_458, %broadcast_in_dim3A_556] : memref<1024x16xf32, #tpu.memory_space<vmem>>[vector<16xi32>, vector<16xi32>], vector<16xf32>,
      %add3A_559 = arith.addf %gather3A_557, %gather3A_558 : vector<16xf32>
      %mul3A_560 = arith.constant 16 : i32
      %mul3A_561 = arith.muli %add3A_454, %mul3A_560 : i32
      %swap3A_562 = arith.constant 9 : i32
      %swap3A_563 = arith.index_cast %swap3A_562 : i32 to index
      %swap3A_564 = arith.index_cast %mul3A_561 : i32 to index
      %swap3A_565 = tpu.vector_load %arg10[%swap3A_563, %swap3A_564] {strides = array<i32>} : memref<16x1024xf32, #tpu.memory_space<vmem>>, vector<16xf32>,
      tpu.vector_store %arg10[%swap3A_563, %swap3A_564], %add3A_559 {strides = array<i32>} : memref<16x1024xf32, #tpu.memory_space<vmem>>, vector<16xf32>,
      %broadcast_in_dim3A_566 = arith.constant 10 : i32
      %broadcast_in_dim3A_567 = vector.broadcast %broadcast_in_dim3A_566 : i32 to vector<16xi32>
      %gather3A_568 = tpu.vector_load_idx %arg6[%add3A_458, %broadcast_in_dim3A_567] : memref<1024x16xf32, #tpu.memory_space<vmem>>[vector<16xi32>, vector<16xi32>], vector<16xf32>,
      %gather3A_569 = tpu.vector_load_idx %arg8[%add3A_458, %broadcast_in_dim3A_567] : memref<1024x16xf32, #tpu.memory_space<vmem>>[vector<16xi32>, vector<16xi32>], vector<16xf32>,
      %add3A_570 = arith.addf %gather3A_568, %gather3A_569 : vector<16xf32>
      %mul3A_571 = arith.constant 16 : i32
      %mul3A_572 = arith.muli %add3A_454, %mul3A_571 : i32
      %swap3A_573 = arith.constant 10 : i32
      %swap3A_574 = arith.index_cast %swap3A_573 : i32 to index
      %swap3A_575 = arith.index_cast %mul3A_572 : i32 to index
      %swap3A_576 = tpu.vector_load %arg10[%swap3A_574, %swap3A_575] {strides = array<i32>} : memref<16x1024xf32, #tpu.memory_space<vmem>>, vector<16xf32>,
      tpu.vector_store %arg10[%swap3A_574, %swap3A_575], %add3A_570 {strides = array<i32>} : memref<16x1024xf32, #tpu.memory_space<vmem>>, vector<16xf32>,
      %broadcast_in_dim3A_577 = arith.constant 11 : i32
      %broadcast_in_dim3A_578 = vector.broadcast %broadcast_in_dim3A_577 : i32 to vector<16xi32>
      %gather3A_579 = tpu.vector_load_idx %arg6[%add3A_458, %broadcast_in_dim3A_578] : memref<1024x16xf32, #tpu.memory_space<vmem>>[vector<16xi32>, vector<16xi32>], vector<16xf32>,
      %gather3A_580 = tpu.vector_load_idx %arg8[%add3A_458, %broadcast_in_dim3A_578] : memref<1024x16xf32, #tpu.memory_space<vmem>>[vector<16xi32>, vector<16xi32>], vector<16xf32>,
      %add3A_581 = arith.addf %gather3A_579, %gather3A_580 : vector<16xf32>
      %mul3A_582 = arith.constant 16 : i32
      %mul3A_583 = arith.muli %add3A_454, %mul3A_582 : i32
      %swap3A_584 = arith.constant 11 : i32
      %swap3A_585 = arith.index_cast %swap3A_584 : i32 to index
      %swap3A_586 = arith.index_cast %mul3A_583 : i32 to index
      %swap3A_587 = tpu.vector_load %arg10[%swap3A_585, %swap3A_586] {strides = array<i32>} : memref<16x1024xf32, #tpu.memory_space<vmem>>, vector<16xf32>,
      tpu.vector_store %arg10[%swap3A_585, %swap3A_586], %add3A_581 {strides = array<i32>} : memref<16x1024xf32, #tpu.memory_space<vmem>>, vector<16xf32>,
      %broadcast_in_dim3A_588 = arith.constant 12 : i32
      %broadcast_in_dim3A_589 = vector.broadcast %broadcast_in_dim3A_588 : i32 to vector<16xi32>
      %gather3A_590 = tpu.vector_load_idx %arg6[%add3A_458, %broadcast_in_dim3A_589] : memref<1024x16xf32, #tpu.memory_space<vmem>>[vector<16xi32>, vector<16xi32>], vector<16xf32>,
      %gather3A_591 = tpu.vector_load_idx %arg8[%add3A_458, %broadcast_in_dim3A_589] : memref<1024x16xf32, #tpu.memory_space<vmem>>[vector<16xi32>, vector<16xi32>], vector<16xf32>,
      %add3A_592 = arith.addf %gather3A_590, %gather3A_591 : vector<16xf32>
      %mul3A_593 = arith.constant 16 : i32
      %mul3A_594 = arith.muli %add3A_454, %mul3A_593 : i32
      %swap3A_595 = arith.constant 12 : i32
      %swap3A_596 = arith.index_cast %swap3A_595 : i32 to index
      %swap3A_597 = arith.index_cast %mul3A_594 : i32 to index
      %swap3A_598 = tpu.vector_load %arg10[%swap3A_596, %swap3A_597] {strides = array<i32>} : memref<16x1024xf32, #tpu.memory_space<vmem>>, vector<16xf32>,
      tpu.vector_store %arg10[%swap3A_596, %swap3A_597], %add3A_592 {strides = array<i32>} : memref<16x1024xf32, #tpu.memory_space<vmem>>, vector<16xf32>,
      %broadcast_in_dim3A_599 = arith.constant 13 : i32
      %broadcast_in_dim3A_600 = vector.broadcast %broadcast_in_dim3A_599 : i32 to vector<16xi32>
      %gather3A_601 = tpu.vector_load_idx %arg6[%add3A_458, %broadcast_in_dim3A_600] : memref<1024x16xf32, #tpu.memory_space<vmem>>[vector<16xi32>, vector<16xi32>], vector<16xf32>,
      %gather3A_602 = tpu.vector_load_idx %arg8[%add3A_458, %broadcast_in_dim3A_600] : memref<1024x16xf32, #tpu.memory_space<vmem>>[vector<16xi32>, vector<16xi32>], vector<16xf32>,
      %add3A_603 = arith.addf %gather3A_601, %gather3A_602 : vector<16xf32>
      %mul3A_604 = arith.constant 16 : i32
      %mul3A_605 = arith.muli %add3A_454, %mul3A_604 : i32
      %swap3A_606 = arith.constant 13 : i32
      %swap3A_607 = arith.index_cast %swap3A_606 : i32 to index
      %swap3A_608 = arith.index_cast %mul3A_605 : i32 to index
      %swap3A_609 = tpu.vector_load %arg10[%swap3A_607, %swap3A_608] {strides = array<i32>} : memref<16x1024xf32, #tpu.memory_space<vmem>>, vector<16xf32>,
      tpu.vector_store %arg10[%swap3A_607, %swap3A_608], %add3A_603 {strides = array<i32>} : memref<16x1024xf32, #tpu.memory_space<vmem>>, vector<16xf32>,
      %broadcast_in_dim3A_610 = arith.constant 14 : i32
      %broadcast_in_dim3A_611 = vector.broadcast %broadcast_in_dim3A_610 : i32 to vector<16xi32>
      %gather3A_612 = tpu.vector_load_idx %arg6[%add3A_458, %broadcast_in_dim3A_611] : memref<1024x16xf32, #tpu.memory_space<vmem>>[vector<16xi32>, vector<16xi32>], vector<16xf32>,
      %gather3A_613 = tpu.vector_load_idx %arg8[%add3A_458, %broadcast_in_dim3A_611] : memref<1024x16xf32, #tpu.memory_space<vmem>>[vector<16xi32>, vector<16xi32>], vector<16xf32>,
      %add3A_614 = arith.addf %gather3A_612, %gather3A_613 : vector<16xf32>
      %mul3A_615 = arith.constant 16 : i32
      %mul3A_616 = arith.muli %add3A_454, %mul3A_615 : i32
      %swap3A_617 = arith.constant 14 : i32
      %swap3A_618 = arith.index_cast %swap3A_617 : i32 to index
      %swap3A_619 = arith.index_cast %mul3A_616 : i32 to index
      %swap3A_620 = tpu.vector_load %arg10[%swap3A_618, %swap3A_619] {strides = array<i32>} : memref<16x1024xf32, #tpu.memory_space<vmem>>, vector<16xf32>,
      tpu.vector_store %arg10[%swap3A_618, %swap3A_619], %add3A_614 {strides = array<i32>} : memref<16x1024xf32, #tpu.memory_space<vmem>>, vector<16xf32>,
      %broadcast_in_dim3A_621 = arith.constant 15 : i32
      %broadcast_in_dim3A_622 = vector.broadcast %broadcast_in_dim3A_621 : i32 to vector<16xi32>
      %gather3A_623 = tpu.vector_load_idx %arg6[%add3A_458, %broadcast_in_dim3A_622] : memref<1024x16xf32, #tpu.memory_space<vmem>>[vector<16xi32>, vector<16xi32>], vector<16xf32>,
      %gather3A_624 = tpu.vector_load_idx %arg8[%add3A_458, %broadcast_in_dim3A_622] : memref<1024x16xf32, #tpu.memory_space<vmem>>[vector<16xi32>, vector<16xi32>], vector<16xf32>,
      %add3A_625 = arith.addf %gather3A_623, %gather3A_624 : vector<16xf32>
      %mul3A_626 = arith.constant 16 : i32
      %mul3A_627 = arith.muli %add3A_454, %mul3A_626 : i32
      %swap3A_628 = arith.constant 15 : i32
      %swap3A_629 = arith.index_cast %swap3A_628 : i32 to index
      %swap3A_630 = arith.index_cast %mul3A_627 : i32 to index
      %swap3A_631 = tpu.vector_load %arg10[%swap3A_629, %swap3A_630] {strides = array<i32>} : memref<16x1024xf32, #tpu.memory_space<vmem>>, vector<16xf32>,
      tpu.vector_store %arg10[%swap3A_629, %swap3A_630], %add3A_625 {strides = array<i32>} : memref<16x1024xf32, #tpu.memory_space<vmem>>, vector<16xf32>,
    }
    %scan3A_130 = arith.constant 64 : i32
    %add3A_131 = arith.constant 2048 : i32
    %add3A_132 = arith.addi %mul3A_2, %add3A_131 : i32
    %dma_start3A_133 = arith.constant 0 : i32
    %dma_start3A_134 = tpu.memref_slice %arg4[%dma_start3A_133, %add3A_132] : memref<16x327680xf32, #tpu.memory_space<hbm>> -> memref<16x1024xf32, #tpu.memory_space<hbm>>
    %dma_start3A_135 = arith.constant 0 : i32
    %dma_start3A_136 = tpu.memref_slice %arg4[%dma_start3A_135, %add3A_132] : memref<16x327680xf32, #tpu.memory_space<hbm>> -> memref<16x1024xf32, #tpu.memory_space<hbm>>
    tpu.enqueue_dma source(%arg10 : memref<16x1024xf32, #tpu.memory_space<vmem>>) target(%dma_start3A_136 : memref<16x1024xf32, #tpu.memory_space<hbm>>) target_semaphore(%arg13 : memref<!tpu.dma_semaphore, #tpu.memory_space<semaphore_mem>>)
    %dma_start3A_137 = arith.constant 0 : i32
    %dma_start3A_138 = arith.constant 4096 : i32
    %dma_start3A_139 = tpu.memref_slice %arg5[%dma_start3A_137, %dma_start3A_138] : memref<2x10240xi32, #tpu.memory_space<vmem>> -> memref<1x1024xi32, #tpu.memory_space<vmem>>
    %dma_start3A_140 = tpu.memref_squeeze %dma_start3A_139 : memref<1x1024xi32, #tpu.memory_space<vmem>> -> memref<1024xi32, #tpu.memory_space<vmem>>
    %dma_start3A_141 = arith.constant 0 : i32
    %dma_start3A_142 = arith.constant 0 : i32
    %dma_start3A_143 = tpu.memref_slice %arg2[%dma_start3A_141, %dma_start3A_142] : memref<20000x16xf32, #tpu.memory_space<hbm>> -> memref<20000x16xf32, #tpu.memory_space<hbm>>
    tpu.enqueue_indirect_dma source(%dma_start3A_143 : memref<20000x16xf32, #tpu.memory_space<hbm>>) target(%arg6 : memref<1024x16xf32, #tpu.memory_space<vmem>>) offsets(%dma_start3A_140 : memref<1024xi32, #tpu.memory_space<vmem>>) semaphore(%arg12 : memref<!tpu.dma_semaphore, #tpu.memory_space<semaphore_mem>>)
    %dma_start3A_144 = arith.constant 1 : i32
    %dma_start3A_145 = arith.constant 4096 : i32
    %dma_start3A_146 = tpu.memref_slice %arg5[%dma_start3A_144, %dma_start3A_145] : memref<2x10240xi32, #tpu.memory_space<vmem>> -> memref<1x1024xi32, #tpu.memory_space<vmem>>
    %dma_start3A_147 = tpu.memref_squeeze %dma_start3A_146 : memref<1x1024xi32, #tpu.memory_space<vmem>> -> memref<1024xi32, #tpu.memory_space<vmem>>
    %dma_start3A_148 = arith.constant 0 : i32
    %dma_start3A_149 = arith.constant 0 : i32
    %dma_start3A_150 = tpu.memref_slice %arg2[%dma_start3A_148, %dma_start3A_149] : memref<20000x16xf32, #tpu.memory_space<hbm>> -> memref<20000x16xf32, #tpu.memory_space<hbm>>
    tpu.enqueue_indirect_dma source(%dma_start3A_150 : memref<20000x16xf32, #tpu.memory_space<hbm>>) target(%arg8 : memref<1024x16xf32, #tpu.memory_space<vmem>>) offsets(%dma_start3A_147 : memref<1024xi32, #tpu.memory_space<vmem>>) semaphore(%arg12 : memref<!tpu.dma_semaphore, #tpu.memory_space<semaphore_mem>>)
    %dma_wait3A_151 = arith.constant 0 : i32
    %dma_wait3A_152 = arith.constant 3072 : i32
    %dma_wait3A_153 = tpu.memref_slice %arg5[%dma_wait3A_151, %dma_wait3A_152] : memref<2x10240xi32, #tpu.memory_space<vmem>> -> memref<1x1024xi32, #tpu.memory_space<vmem>>
    %dma_wait3A_154 = tpu.memref_squeeze %dma_wait3A_153 : memref<1x1024xi32, #tpu.memory_space<vmem>> -> memref<1024xi32, #tpu.memory_space<vmem>>
    %dma_wait3A_155 = arith.constant 0 : i32
    %dma_wait3A_156 = arith.constant 0 : i32
    %dma_wait3A_157 = tpu.memref_slice %arg2[%dma_wait3A_155, %dma_wait3A_156] : memref<20000x16xf32, #tpu.memory_space<hbm>> -> memref<20000x16xf32, #tpu.memory_space<hbm>>
    tpu.wait_indirect_dma semaphore(%arg12 : memref<!tpu.dma_semaphore, #tpu.memory_space<semaphore_mem>>) src(%dma_wait3A_157 : memref<20000x16xf32, #tpu.memory_space<hbm>>) dst(%arg7 : memref<1024x16xf32, #tpu.memory_space<vmem>>)
    %dma_wait3A_158 = arith.constant 1 : i32
    %dma_wait3A_159 = arith.constant 3072 : i32
    %dma_wait3A_160 = tpu.memref_slice %arg5[%dma_wait3A_158, %dma_wait3A_159] : memref<2x10240xi32, #tpu.memory_space<vmem>> -> memref<1x1024xi32, #tpu.memory_space<vmem>>
    %dma_wait3A_161 = tpu.memref_squeeze %dma_wait3A_160 : memref<1x1024xi32, #tpu.memory_space<vmem>> -> memref<1024xi32, #tpu.memory_space<vmem>>
    %dma_wait3A_162 = arith.constant 0 : i32
    %dma_wait3A_163 = arith.constant 0 : i32
    %dma_wait3A_164 = tpu.memref_slice %arg2[%dma_wait3A_162, %dma_wait3A_163] : memref<20000x16xf32, #tpu.memory_space<hbm>> -> memref<20000x16xf32, #tpu.memory_space<hbm>>
    tpu.wait_indirect_dma semaphore(%arg12 : memref<!tpu.dma_semaphore, #tpu.memory_space<semaphore_mem>>) src(%dma_wait3A_164 : memref<20000x16xf32, #tpu.memory_space<hbm>>) dst(%arg9 : memref<1024x16xf32, #tpu.memory_space<vmem>>)
    %add3A_165 = arith.constant 1024 : i32
    %add3A_166 = arith.addi %mul3A_2, %add3A_165 : i32
    %dma_wait3A_167 = arith.constant 0 : i32
    %dma_wait3A_168 = tpu.memref_slice %arg4[%dma_wait3A_167, %add3A_166] : memref<16x327680xf32, #tpu.memory_space<hbm>> -> memref<16x1024xf32, #tpu.memory_space<hbm>>
    %dma_wait3A_169 = arith.constant 0 : i32
    %dma_wait3A_170 = tpu.memref_slice %arg4[%dma_wait3A_169, %add3A_166] : memref<16x327680xf32, #tpu.memory_space<hbm>> -> memref<16x1024xf32, #tpu.memory_space<hbm>>
    tpu.wait_dma2 semaphore(%arg13 : memref<!tpu.dma_semaphore, #tpu.memory_space<semaphore_mem>>) src(%arg11 : memref<16x1024xf32, #tpu.memory_space<vmem>>) dst(%dma_wait3A_170 : memref<16x1024xf32, #tpu.memory_space<hbm>>)
    %scan3A_171 = arith.constant 0 : i32
    %scan3A_172 = arith.constant 64 : i32
    %scan3A_173 = arith.addi %scan3A_171, %scan3A_172 : i32
    %scan3A_174 = arith.constant 1 : i32
    scf.for %scan3A_450 = %scan3A_171 to %scan3A_173 step %scan3A_174  : i32 {
      %mul3A_451 = arith.constant 1 : i32
      %mul3A_452 = arith.muli %scan3A_450, %mul3A_451 : i32
      %add3A_453 = arith.constant 0 : i32
      %add3A_454 = arith.addi %add3A_453, %mul3A_452 : i32
      %mul3A_455 = arith.constant 16 : i32
      %mul3A_456 = arith.muli %add3A_454, %mul3A_455 : i32
      %add3A_457 = vector.broadcast %mul3A_456 : i32 to vector<16xi32>
      %add3A_458 = arith.addi %add3A_457, %iota3A : vector<16xi32>
      %broadcast_in_dim3A = arith.constant 0 : i32
      %broadcast_in_dim3A_459 = vector.broadcast %broadcast_in_dim3A : i32 to vector<16xi32>
      %gather3A = tpu.vector_load_idx %arg7[%add3A_458, %broadcast_in_dim3A_459] : memref<1024x16xf32, #tpu.memory_space<vmem>>[vector<16xi32>, vector<16xi32>], vector<16xf32>,
      %gather3A_460 = tpu.vector_load_idx %arg9[%add3A_458, %broadcast_in_dim3A_459] : memref<1024x16xf32, #tpu.memory_space<vmem>>[vector<16xi32>, vector<16xi32>], vector<16xf32>,
      %add3A_461 = arith.addf %gather3A, %gather3A_460 : vector<16xf32>
      %mul3A_462 = arith.constant 16 : i32
      %mul3A_463 = arith.muli %add3A_454, %mul3A_462 : i32
      %swap3A = arith.constant 0 : i32
      %swap3A_464 = arith.index_cast %swap3A : i32 to index
      %swap3A_465 = arith.index_cast %mul3A_463 : i32 to index
      %swap3A_466 = tpu.vector_load %arg11[%swap3A_464, %swap3A_465] {strides = array<i32>} : memref<16x1024xf32, #tpu.memory_space<vmem>>, vector<16xf32>,
      tpu.vector_store %arg11[%swap3A_464, %swap3A_465], %add3A_461 {strides = array<i32>} : memref<16x1024xf32, #tpu.memory_space<vmem>>, vector<16xf32>,
      %broadcast_in_dim3A_467 = arith.constant 1 : i32
      %broadcast_in_dim3A_468 = vector.broadcast %broadcast_in_dim3A_467 : i32 to vector<16xi32>
      %gather3A_469 = tpu.vector_load_idx %arg7[%add3A_458, %broadcast_in_dim3A_468] : memref<1024x16xf32, #tpu.memory_space<vmem>>[vector<16xi32>, vector<16xi32>], vector<16xf32>,
      %gather3A_470 = tpu.vector_load_idx %arg9[%add3A_458, %broadcast_in_dim3A_468] : memref<1024x16xf32, #tpu.memory_space<vmem>>[vector<16xi32>, vector<16xi32>], vector<16xf32>,
      %add3A_471 = arith.addf %gather3A_469, %gather3A_470 : vector<16xf32>
      %mul3A_472 = arith.constant 16 : i32
      %mul3A_473 = arith.muli %add3A_454, %mul3A_472 : i32
      %swap3A_474 = arith.constant 1 : i32
      %swap3A_475 = arith.index_cast %swap3A_474 : i32 to index
      %swap3A_476 = arith.index_cast %mul3A_473 : i32 to index
      %swap3A_477 = tpu.vector_load %arg11[%swap3A_475, %swap3A_476] {strides = array<i32>} : memref<16x1024xf32, #tpu.memory_space<vmem>>, vector<16xf32>,
      tpu.vector_store %arg11[%swap3A_475, %swap3A_476], %add3A_471 {strides = array<i32>} : memref<16x1024xf32, #tpu.memory_space<vmem>>, vector<16xf32>,
      %broadcast_in_dim3A_478 = arith.constant 2 : i32
      %broadcast_in_dim3A_479 = vector.broadcast %broadcast_in_dim3A_478 : i32 to vector<16xi32>
      %gather3A_480 = tpu.vector_load_idx %arg7[%add3A_458, %broadcast_in_dim3A_479] : memref<1024x16xf32, #tpu.memory_space<vmem>>[vector<16xi32>, vector<16xi32>], vector<16xf32>,
      %gather3A_481 = tpu.vector_load_idx %arg9[%add3A_458, %broadcast_in_dim3A_479] : memref<1024x16xf32, #tpu.memory_space<vmem>>[vector<16xi32>, vector<16xi32>], vector<16xf32>,
      %add3A_482 = arith.addf %gather3A_480, %gather3A_481 : vector<16xf32>
      %mul3A_483 = arith.constant 16 : i32
      %mul3A_484 = arith.muli %add3A_454, %mul3A_483 : i32
      %swap3A_485 = arith.constant 2 : i32
      %swap3A_486 = arith.index_cast %swap3A_485 : i32 to index
      %swap3A_487 = arith.index_cast %mul3A_484 : i32 to index
      %swap3A_488 = tpu.vector_load %arg11[%swap3A_486, %swap3A_487] {strides = array<i32>} : memref<16x1024xf32, #tpu.memory_space<vmem>>, vector<16xf32>,
      tpu.vector_store %arg11[%swap3A_486, %swap3A_487], %add3A_482 {strides = array<i32>} : memref<16x1024xf32, #tpu.memory_space<vmem>>, vector<16xf32>,
      %broadcast_in_dim3A_489 = arith.constant 3 : i32
      %broadcast_in_dim3A_490 = vector.broadcast %broadcast_in_dim3A_489 : i32 to vector<16xi32>
      %gather3A_491 = tpu.vector_load_idx %arg7[%add3A_458, %broadcast_in_dim3A_490] : memref<1024x16xf32, #tpu.memory_space<vmem>>[vector<16xi32>, vector<16xi32>], vector<16xf32>,
      %gather3A_492 = tpu.vector_load_idx %arg9[%add3A_458, %broadcast_in_dim3A_490] : memref<1024x16xf32, #tpu.memory_space<vmem>>[vector<16xi32>, vector<16xi32>], vector<16xf32>,
      %add3A_493 = arith.addf %gather3A_491, %gather3A_492 : vector<16xf32>
      %mul3A_494 = arith.constant 16 : i32
      %mul3A_495 = arith.muli %add3A_454, %mul3A_494 : i32
      %swap3A_496 = arith.constant 3 : i32
      %swap3A_497 = arith.index_cast %swap3A_496 : i32 to index
      %swap3A_498 = arith.index_cast %mul3A_495 : i32 to index
      %swap3A_499 = tpu.vector_load %arg11[%swap3A_497, %swap3A_498] {strides = array<i32>} : memref<16x1024xf32, #tpu.memory_space<vmem>>, vector<16xf32>,
      tpu.vector_store %arg11[%swap3A_497, %swap3A_498], %add3A_493 {strides = array<i32>} : memref<16x1024xf32, #tpu.memory_space<vmem>>, vector<16xf32>,
      %broadcast_in_dim3A_500 = arith.constant 4 : i32
      %broadcast_in_dim3A_501 = vector.broadcast %broadcast_in_dim3A_500 : i32 to vector<16xi32>
      %gather3A_502 = tpu.vector_load_idx %arg7[%add3A_458, %broadcast_in_dim3A_501] : memref<1024x16xf32, #tpu.memory_space<vmem>>[vector<16xi32>, vector<16xi32>], vector<16xf32>,
      %gather3A_503 = tpu.vector_load_idx %arg9[%add3A_458, %broadcast_in_dim3A_501] : memref<1024x16xf32, #tpu.memory_space<vmem>>[vector<16xi32>, vector<16xi32>], vector<16xf32>,
      %add3A_504 = arith.addf %gather3A_502, %gather3A_503 : vector<16xf32>
      %mul3A_505 = arith.constant 16 : i32
      %mul3A_506 = arith.muli %add3A_454, %mul3A_505 : i32
      %swap3A_507 = arith.constant 4 : i32
      %swap3A_508 = arith.index_cast %swap3A_507 : i32 to index
      %swap3A_509 = arith.index_cast %mul3A_506 : i32 to index
      %swap3A_510 = tpu.vector_load %arg11[%swap3A_508, %swap3A_509] {strides = array<i32>} : memref<16x1024xf32, #tpu.memory_space<vmem>>, vector<16xf32>,
      tpu.vector_store %arg11[%swap3A_508, %swap3A_509], %add3A_504 {strides = array<i32>} : memref<16x1024xf32, #tpu.memory_space<vmem>>, vector<16xf32>,
      %broadcast_in_dim3A_511 = arith.constant 5 : i32
      %broadcast_in_dim3A_512 = vector.broadcast %broadcast_in_dim3A_511 : i32 to vector<16xi32>
      %gather3A_513 = tpu.vector_load_idx %arg7[%add3A_458, %broadcast_in_dim3A_512] : memref<1024x16xf32, #tpu.memory_space<vmem>>[vector<16xi32>, vector<16xi32>], vector<16xf32>,
      %gather3A_514 = tpu.vector_load_idx %arg9[%add3A_458, %broadcast_in_dim3A_512] : memref<1024x16xf32, #tpu.memory_space<vmem>>[vector<16xi32>, vector<16xi32>], vector<16xf32>,
      %add3A_515 = arith.addf %gather3A_513, %gather3A_514 : vector<16xf32>
      %mul3A_516 = arith.constant 16 : i32
      %mul3A_517 = arith.muli %add3A_454, %mul3A_516 : i32
      %swap3A_518 = arith.constant 5 : i32
      %swap3A_519 = arith.index_cast %swap3A_518 : i32 to index
      %swap3A_520 = arith.index_cast %mul3A_517 : i32 to index
      %swap3A_521 = tpu.vector_load %arg11[%swap3A_519, %swap3A_520] {strides = array<i32>} : memref<16x1024xf32, #tpu.memory_space<vmem>>, vector<16xf32>,
      tpu.vector_store %arg11[%swap3A_519, %swap3A_520], %add3A_515 {strides = array<i32>} : memref<16x1024xf32, #tpu.memory_space<vmem>>, vector<16xf32>,
      %broadcast_in_dim3A_522 = arith.constant 6 : i32
      %broadcast_in_dim3A_523 = vector.broadcast %broadcast_in_dim3A_522 : i32 to vector<16xi32>
      %gather3A_524 = tpu.vector_load_idx %arg7[%add3A_458, %broadcast_in_dim3A_523] : memref<1024x16xf32, #tpu.memory_space<vmem>>[vector<16xi32>, vector<16xi32>], vector<16xf32>,
      %gather3A_525 = tpu.vector_load_idx %arg9[%add3A_458, %broadcast_in_dim3A_523] : memref<1024x16xf32, #tpu.memory_space<vmem>>[vector<16xi32>, vector<16xi32>], vector<16xf32>,
      %add3A_526 = arith.addf %gather3A_524, %gather3A_525 : vector<16xf32>
      %mul3A_527 = arith.constant 16 : i32
      %mul3A_528 = arith.muli %add3A_454, %mul3A_527 : i32
      %swap3A_529 = arith.constant 6 : i32
      %swap3A_530 = arith.index_cast %swap3A_529 : i32 to index
      %swap3A_531 = arith.index_cast %mul3A_528 : i32 to index
      %swap3A_532 = tpu.vector_load %arg11[%swap3A_530, %swap3A_531] {strides = array<i32>} : memref<16x1024xf32, #tpu.memory_space<vmem>>, vector<16xf32>,
      tpu.vector_store %arg11[%swap3A_530, %swap3A_531], %add3A_526 {strides = array<i32>} : memref<16x1024xf32, #tpu.memory_space<vmem>>, vector<16xf32>,
      %broadcast_in_dim3A_533 = arith.constant 7 : i32
      %broadcast_in_dim3A_534 = vector.broadcast %broadcast_in_dim3A_533 : i32 to vector<16xi32>
      %gather3A_535 = tpu.vector_load_idx %arg7[%add3A_458, %broadcast_in_dim3A_534] : memref<1024x16xf32, #tpu.memory_space<vmem>>[vector<16xi32>, vector<16xi32>], vector<16xf32>,
      %gather3A_536 = tpu.vector_load_idx %arg9[%add3A_458, %broadcast_in_dim3A_534] : memref<1024x16xf32, #tpu.memory_space<vmem>>[vector<16xi32>, vector<16xi32>], vector<16xf32>,
      %add3A_537 = arith.addf %gather3A_535, %gather3A_536 : vector<16xf32>
      %mul3A_538 = arith.constant 16 : i32
      %mul3A_539 = arith.muli %add3A_454, %mul3A_538 : i32
      %swap3A_540 = arith.constant 7 : i32
      %swap3A_541 = arith.index_cast %swap3A_540 : i32 to index
      %swap3A_542 = arith.index_cast %mul3A_539 : i32 to index
      %swap3A_543 = tpu.vector_load %arg11[%swap3A_541, %swap3A_542] {strides = array<i32>} : memref<16x1024xf32, #tpu.memory_space<vmem>>, vector<16xf32>,
      tpu.vector_store %arg11[%swap3A_541, %swap3A_542], %add3A_537 {strides = array<i32>} : memref<16x1024xf32, #tpu.memory_space<vmem>>, vector<16xf32>,
      %broadcast_in_dim3A_544 = arith.constant 8 : i32
      %broadcast_in_dim3A_545 = vector.broadcast %broadcast_in_dim3A_544 : i32 to vector<16xi32>
      %gather3A_546 = tpu.vector_load_idx %arg7[%add3A_458, %broadcast_in_dim3A_545] : memref<1024x16xf32, #tpu.memory_space<vmem>>[vector<16xi32>, vector<16xi32>], vector<16xf32>,
      %gather3A_547 = tpu.vector_load_idx %arg9[%add3A_458, %broadcast_in_dim3A_545] : memref<1024x16xf32, #tpu.memory_space<vmem>>[vector<16xi32>, vector<16xi32>], vector<16xf32>,
      %add3A_548 = arith.addf %gather3A_546, %gather3A_547 : vector<16xf32>
      %mul3A_549 = arith.constant 16 : i32
      %mul3A_550 = arith.muli %add3A_454, %mul3A_549 : i32
      %swap3A_551 = arith.constant 8 : i32
      %swap3A_552 = arith.index_cast %swap3A_551 : i32 to index
      %swap3A_553 = arith.index_cast %mul3A_550 : i32 to index
      %swap3A_554 = tpu.vector_load %arg11[%swap3A_552, %swap3A_553] {strides = array<i32>} : memref<16x1024xf32, #tpu.memory_space<vmem>>, vector<16xf32>,
      tpu.vector_store %arg11[%swap3A_552, %swap3A_553], %add3A_548 {strides = array<i32>} : memref<16x1024xf32, #tpu.memory_space<vmem>>, vector<16xf32>,
      %broadcast_in_dim3A_555 = arith.constant 9 : i32
      %broadcast_in_dim3A_556 = vector.broadcast %broadcast_in_dim3A_555 : i32 to vector<16xi32>
      %gather3A_557 = tpu.vector_load_idx %arg7[%add3A_458, %broadcast_in_dim3A_556] : memref<1024x16xf32, #tpu.memory_space<vmem>>[vector<16xi32>, vector<16xi32>], vector<16xf32>,
      %gather3A_558 = tpu.vector_load_idx %arg9[%add3A_458, %broadcast_in_dim3A_556] : memref<1024x16xf32, #tpu.memory_space<vmem>>[vector<16xi32>, vector<16xi32>], vector<16xf32>,
      %add3A_559 = arith.addf %gather3A_557, %gather3A_558 : vector<16xf32>
      %mul3A_560 = arith.constant 16 : i32
      %mul3A_561 = arith.muli %add3A_454, %mul3A_560 : i32
      %swap3A_562 = arith.constant 9 : i32
      %swap3A_563 = arith.index_cast %swap3A_562 : i32 to index
      %swap3A_564 = arith.index_cast %mul3A_561 : i32 to index
      %swap3A_565 = tpu.vector_load %arg11[%swap3A_563, %swap3A_564] {strides = array<i32>} : memref<16x1024xf32, #tpu.memory_space<vmem>>, vector<16xf32>,
      tpu.vector_store %arg11[%swap3A_563, %swap3A_564], %add3A_559 {strides = array<i32>} : memref<16x1024xf32, #tpu.memory_space<vmem>>, vector<16xf32>,
      %broadcast_in_dim3A_566 = arith.constant 10 : i32
      %broadcast_in_dim3A_567 = vector.broadcast %broadcast_in_dim3A_566 : i32 to vector<16xi32>
      %gather3A_568 = tpu.vector_load_idx %arg7[%add3A_458, %broadcast_in_dim3A_567] : memref<1024x16xf32, #tpu.memory_space<vmem>>[vector<16xi32>, vector<16xi32>], vector<16xf32>,
      %gather3A_569 = tpu.vector_load_idx %arg9[%add3A_458, %broadcast_in_dim3A_567] : memref<1024x16xf32, #tpu.memory_space<vmem>>[vector<16xi32>, vector<16xi32>], vector<16xf32>,
      %add3A_570 = arith.addf %gather3A_568, %gather3A_569 : vector<16xf32>
      %mul3A_571 = arith.constant 16 : i32
      %mul3A_572 = arith.muli %add3A_454, %mul3A_571 : i32
      %swap3A_573 = arith.constant 10 : i32
      %swap3A_574 = arith.index_cast %swap3A_573 : i32 to index
      %swap3A_575 = arith.index_cast %mul3A_572 : i32 to index
      %swap3A_576 = tpu.vector_load %arg11[%swap3A_574, %swap3A_575] {strides = array<i32>} : memref<16x1024xf32, #tpu.memory_space<vmem>>, vector<16xf32>,
      tpu.vector_store %arg11[%swap3A_574, %swap3A_575], %add3A_570 {strides = array<i32>} : memref<16x1024xf32, #tpu.memory_space<vmem>>, vector<16xf32>,
      %broadcast_in_dim3A_577 = arith.constant 11 : i32
      %broadcast_in_dim3A_578 = vector.broadcast %broadcast_in_dim3A_577 : i32 to vector<16xi32>
      %gather3A_579 = tpu.vector_load_idx %arg7[%add3A_458, %broadcast_in_dim3A_578] : memref<1024x16xf32, #tpu.memory_space<vmem>>[vector<16xi32>, vector<16xi32>], vector<16xf32>,
      %gather3A_580 = tpu.vector_load_idx %arg9[%add3A_458, %broadcast_in_dim3A_578] : memref<1024x16xf32, #tpu.memory_space<vmem>>[vector<16xi32>, vector<16xi32>], vector<16xf32>,
      %add3A_581 = arith.addf %gather3A_579, %gather3A_580 : vector<16xf32>
      %mul3A_582 = arith.constant 16 : i32
      %mul3A_583 = arith.muli %add3A_454, %mul3A_582 : i32
      %swap3A_584 = arith.constant 11 : i32
      %swap3A_585 = arith.index_cast %swap3A_584 : i32 to index
      %swap3A_586 = arith.index_cast %mul3A_583 : i32 to index
      %swap3A_587 = tpu.vector_load %arg11[%swap3A_585, %swap3A_586] {strides = array<i32>} : memref<16x1024xf32, #tpu.memory_space<vmem>>, vector<16xf32>,
      tpu.vector_store %arg11[%swap3A_585, %swap3A_586], %add3A_581 {strides = array<i32>} : memref<16x1024xf32, #tpu.memory_space<vmem>>, vector<16xf32>,
      %broadcast_in_dim3A_588 = arith.constant 12 : i32
      %broadcast_in_dim3A_589 = vector.broadcast %broadcast_in_dim3A_588 : i32 to vector<16xi32>
      %gather3A_590 = tpu.vector_load_idx %arg7[%add3A_458, %broadcast_in_dim3A_589] : memref<1024x16xf32, #tpu.memory_space<vmem>>[vector<16xi32>, vector<16xi32>], vector<16xf32>,
      %gather3A_591 = tpu.vector_load_idx %arg9[%add3A_458, %broadcast_in_dim3A_589] : memref<1024x16xf32, #tpu.memory_space<vmem>>[vector<16xi32>, vector<16xi32>], vector<16xf32>,
      %add3A_592 = arith.addf %gather3A_590, %gather3A_591 : vector<16xf32>
      %mul3A_593 = arith.constant 16 : i32
      %mul3A_594 = arith.muli %add3A_454, %mul3A_593 : i32
      %swap3A_595 = arith.constant 12 : i32
      %swap3A_596 = arith.index_cast %swap3A_595 : i32 to index
      %swap3A_597 = arith.index_cast %mul3A_594 : i32 to index
      %swap3A_598 = tpu.vector_load %arg11[%swap3A_596, %swap3A_597] {strides = array<i32>} : memref<16x1024xf32, #tpu.memory_space<vmem>>, vector<16xf32>,
      tpu.vector_store %arg11[%swap3A_596, %swap3A_597], %add3A_592 {strides = array<i32>} : memref<16x1024xf32, #tpu.memory_space<vmem>>, vector<16xf32>,
      %broadcast_in_dim3A_599 = arith.constant 13 : i32
      %broadcast_in_dim3A_600 = vector.broadcast %broadcast_in_dim3A_599 : i32 to vector<16xi32>
      %gather3A_601 = tpu.vector_load_idx %arg7[%add3A_458, %broadcast_in_dim3A_600] : memref<1024x16xf32, #tpu.memory_space<vmem>>[vector<16xi32>, vector<16xi32>], vector<16xf32>,
      %gather3A_602 = tpu.vector_load_idx %arg9[%add3A_458, %broadcast_in_dim3A_600] : memref<1024x16xf32, #tpu.memory_space<vmem>>[vector<16xi32>, vector<16xi32>], vector<16xf32>,
      %add3A_603 = arith.addf %gather3A_601, %gather3A_602 : vector<16xf32>
      %mul3A_604 = arith.constant 16 : i32
      %mul3A_605 = arith.muli %add3A_454, %mul3A_604 : i32
      %swap3A_606 = arith.constant 13 : i32
      %swap3A_607 = arith.index_cast %swap3A_606 : i32 to index
      %swap3A_608 = arith.index_cast %mul3A_605 : i32 to index
      %swap3A_609 = tpu.vector_load %arg11[%swap3A_607, %swap3A_608] {strides = array<i32>} : memref<16x1024xf32, #tpu.memory_space<vmem>>, vector<16xf32>,
      tpu.vector_store %arg11[%swap3A_607, %swap3A_608], %add3A_603 {strides = array<i32>} : memref<16x1024xf32, #tpu.memory_space<vmem>>, vector<16xf32>,
      %broadcast_in_dim3A_610 = arith.constant 14 : i32
      %broadcast_in_dim3A_611 = vector.broadcast %broadcast_in_dim3A_610 : i32 to vector<16xi32>
      %gather3A_612 = tpu.vector_load_idx %arg7[%add3A_458, %broadcast_in_dim3A_611] : memref<1024x16xf32, #tpu.memory_space<vmem>>[vector<16xi32>, vector<16xi32>], vector<16xf32>,
      %gather3A_613 = tpu.vector_load_idx %arg9[%add3A_458, %broadcast_in_dim3A_611] : memref<1024x16xf32, #tpu.memory_space<vmem>>[vector<16xi32>, vector<16xi32>], vector<16xf32>,
      %add3A_614 = arith.addf %gather3A_612, %gather3A_613 : vector<16xf32>
      %mul3A_615 = arith.constant 16 : i32
      %mul3A_616 = arith.muli %add3A_454, %mul3A_615 : i32
      %swap3A_617 = arith.constant 14 : i32
      %swap3A_618 = arith.index_cast %swap3A_617 : i32 to index
      %swap3A_619 = arith.index_cast %mul3A_616 : i32 to index
      %swap3A_620 = tpu.vector_load %arg11[%swap3A_618, %swap3A_619] {strides = array<i32>} : memref<16x1024xf32, #tpu.memory_space<vmem>>, vector<16xf32>,
      tpu.vector_store %arg11[%swap3A_618, %swap3A_619], %add3A_614 {strides = array<i32>} : memref<16x1024xf32, #tpu.memory_space<vmem>>, vector<16xf32>,
      %broadcast_in_dim3A_621 = arith.constant 15 : i32
      %broadcast_in_dim3A_622 = vector.broadcast %broadcast_in_dim3A_621 : i32 to vector<16xi32>
      %gather3A_623 = tpu.vector_load_idx %arg7[%add3A_458, %broadcast_in_dim3A_622] : memref<1024x16xf32, #tpu.memory_space<vmem>>[vector<16xi32>, vector<16xi32>], vector<16xf32>,
      %gather3A_624 = tpu.vector_load_idx %arg9[%add3A_458, %broadcast_in_dim3A_622] : memref<1024x16xf32, #tpu.memory_space<vmem>>[vector<16xi32>, vector<16xi32>], vector<16xf32>,
      %add3A_625 = arith.addf %gather3A_623, %gather3A_624 : vector<16xf32>
      %mul3A_626 = arith.constant 16 : i32
      %mul3A_627 = arith.muli %add3A_454, %mul3A_626 : i32
      %swap3A_628 = arith.constant 15 : i32
      %swap3A_629 = arith.index_cast %swap3A_628 : i32 to index
      %swap3A_630 = arith.index_cast %mul3A_627 : i32 to index
      %swap3A_631 = tpu.vector_load %arg11[%swap3A_629, %swap3A_630] {strides = array<i32>} : memref<16x1024xf32, #tpu.memory_space<vmem>>, vector<16xf32>,
      tpu.vector_store %arg11[%swap3A_629, %swap3A_630], %add3A_625 {strides = array<i32>} : memref<16x1024xf32, #tpu.memory_space<vmem>>, vector<16xf32>,
    }
    %scan3A_175 = arith.constant 64 : i32
    %add3A_176 = arith.constant 3072 : i32
    %add3A_177 = arith.addi %mul3A_2, %add3A_176 : i32
    %dma_start3A_178 = arith.constant 0 : i32
    %dma_start3A_179 = tpu.memref_slice %arg4[%dma_start3A_178, %add3A_177] : memref<16x327680xf32, #tpu.memory_space<hbm>> -> memref<16x1024xf32, #tpu.memory_space<hbm>>
    %dma_start3A_180 = arith.constant 0 : i32
    %dma_start3A_181 = tpu.memref_slice %arg4[%dma_start3A_180, %add3A_177] : memref<16x327680xf32, #tpu.memory_space<hbm>> -> memref<16x1024xf32, #tpu.memory_space<hbm>>
    tpu.enqueue_dma source(%arg11 : memref<16x1024xf32, #tpu.memory_space<vmem>>) target(%dma_start3A_181 : memref<16x1024xf32, #tpu.memory_space<hbm>>) target_semaphore(%arg13 : memref<!tpu.dma_semaphore, #tpu.memory_space<semaphore_mem>>)
    %dma_start3A_182 = arith.constant 0 : i32
    %dma_start3A_183 = arith.constant 5120 : i32
    %dma_start3A_184 = tpu.memref_slice %arg5[%dma_start3A_182, %dma_start3A_183] : memref<2x10240xi32, #tpu.memory_space<vmem>> -> memref<1x1024xi32, #tpu.memory_space<vmem>>
    %dma_start3A_185 = tpu.memref_squeeze %dma_start3A_184 : memref<1x1024xi32, #tpu.memory_space<vmem>> -> memref<1024xi32, #tpu.memory_space<vmem>>
    %dma_start3A_186 = arith.constant 0 : i32
    %dma_start3A_187 = arith.constant 0 : i32
    %dma_start3A_188 = tpu.memref_slice %arg2[%dma_start3A_186, %dma_start3A_187] : memref<20000x16xf32, #tpu.memory_space<hbm>> -> memref<20000x16xf32, #tpu.memory_space<hbm>>
    tpu.enqueue_indirect_dma source(%dma_start3A_188 : memref<20000x16xf32, #tpu.memory_space<hbm>>) target(%arg7 : memref<1024x16xf32, #tpu.memory_space<vmem>>) offsets(%dma_start3A_185 : memref<1024xi32, #tpu.memory_space<vmem>>) semaphore(%arg12 : memref<!tpu.dma_semaphore, #tpu.memory_space<semaphore_mem>>)
    %dma_start3A_189 = arith.constant 1 : i32
    %dma_start3A_190 = arith.constant 5120 : i32
    %dma_start3A_191 = tpu.memref_slice %arg5[%dma_start3A_189, %dma_start3A_190] : memref<2x10240xi32, #tpu.memory_space<vmem>> -> memref<1x1024xi32, #tpu.memory_space<vmem>>
    %dma_start3A_192 = tpu.memref_squeeze %dma_start3A_191 : memref<1x1024xi32, #tpu.memory_space<vmem>> -> memref<1024xi32, #tpu.memory_space<vmem>>
    %dma_start3A_193 = arith.constant 0 : i32
    %dma_start3A_194 = arith.constant 0 : i32
    %dma_start3A_195 = tpu.memref_slice %arg2[%dma_start3A_193, %dma_start3A_194] : memref<20000x16xf32, #tpu.memory_space<hbm>> -> memref<20000x16xf32, #tpu.memory_space<hbm>>
    tpu.enqueue_indirect_dma source(%dma_start3A_195 : memref<20000x16xf32, #tpu.memory_space<hbm>>) target(%arg9 : memref<1024x16xf32, #tpu.memory_space<vmem>>) offsets(%dma_start3A_192 : memref<1024xi32, #tpu.memory_space<vmem>>) semaphore(%arg12 : memref<!tpu.dma_semaphore, #tpu.memory_space<semaphore_mem>>)
    %dma_wait3A_196 = arith.constant 0 : i32
    %dma_wait3A_197 = arith.constant 4096 : i32
    %dma_wait3A_198 = tpu.memref_slice %arg5[%dma_wait3A_196, %dma_wait3A_197] : memref<2x10240xi32, #tpu.memory_space<vmem>> -> memref<1x1024xi32, #tpu.memory_space<vmem>>
    %dma_wait3A_199 = tpu.memref_squeeze %dma_wait3A_198 : memref<1x1024xi32, #tpu.memory_space<vmem>> -> memref<1024xi32, #tpu.memory_space<vmem>>
    %dma_wait3A_200 = arith.constant 0 : i32
    %dma_wait3A_201 = arith.constant 0 : i32
    %dma_wait3A_202 = tpu.memref_slice %arg2[%dma_wait3A_200, %dma_wait3A_201] : memref<20000x16xf32, #tpu.memory_space<hbm>> -> memref<20000x16xf32, #tpu.memory_space<hbm>>
    tpu.wait_indirect_dma semaphore(%arg12 : memref<!tpu.dma_semaphore, #tpu.memory_space<semaphore_mem>>) src(%dma_wait3A_202 : memref<20000x16xf32, #tpu.memory_space<hbm>>) dst(%arg6 : memref<1024x16xf32, #tpu.memory_space<vmem>>)
    %dma_wait3A_203 = arith.constant 1 : i32
    %dma_wait3A_204 = arith.constant 4096 : i32
    %dma_wait3A_205 = tpu.memref_slice %arg5[%dma_wait3A_203, %dma_wait3A_204] : memref<2x10240xi32, #tpu.memory_space<vmem>> -> memref<1x1024xi32, #tpu.memory_space<vmem>>
    %dma_wait3A_206 = tpu.memref_squeeze %dma_wait3A_205 : memref<1x1024xi32, #tpu.memory_space<vmem>> -> memref<1024xi32, #tpu.memory_space<vmem>>
    %dma_wait3A_207 = arith.constant 0 : i32
    %dma_wait3A_208 = arith.constant 0 : i32
    %dma_wait3A_209 = tpu.memref_slice %arg2[%dma_wait3A_207, %dma_wait3A_208] : memref<20000x16xf32, #tpu.memory_space<hbm>> -> memref<20000x16xf32, #tpu.memory_space<hbm>>
    tpu.wait_indirect_dma semaphore(%arg12 : memref<!tpu.dma_semaphore, #tpu.memory_space<semaphore_mem>>) src(%dma_wait3A_209 : memref<20000x16xf32, #tpu.memory_space<hbm>>) dst(%arg8 : memref<1024x16xf32, #tpu.memory_space<vmem>>)
    %add3A_210 = arith.constant 2048 : i32
    %add3A_211 = arith.addi %mul3A_2, %add3A_210 : i32
    %dma_wait3A_212 = arith.constant 0 : i32
    %dma_wait3A_213 = tpu.memref_slice %arg4[%dma_wait3A_212, %add3A_211] : memref<16x327680xf32, #tpu.memory_space<hbm>> -> memref<16x1024xf32, #tpu.memory_space<hbm>>
    %dma_wait3A_214 = arith.constant 0 : i32
    %dma_wait3A_215 = tpu.memref_slice %arg4[%dma_wait3A_214, %add3A_211] : memref<16x327680xf32, #tpu.memory_space<hbm>> -> memref<16x1024xf32, #tpu.memory_space<hbm>>
    tpu.wait_dma2 semaphore(%arg13 : memref<!tpu.dma_semaphore, #tpu.memory_space<semaphore_mem>>) src(%arg10 : memref<16x1024xf32, #tpu.memory_space<vmem>>) dst(%dma_wait3A_215 : memref<16x1024xf32, #tpu.memory_space<hbm>>)
    %scan3A_216 = arith.constant 0 : i32
    %scan3A_217 = arith.constant 64 : i32
    %scan3A_218 = arith.addi %scan3A_216, %scan3A_217 : i32
    %scan3A_219 = arith.constant 1 : i32
    scf.for %scan3A_450 = %scan3A_216 to %scan3A_218 step %scan3A_219  : i32 {
      %mul3A_451 = arith.constant 1 : i32
      %mul3A_452 = arith.muli %scan3A_450, %mul3A_451 : i32
      %add3A_453 = arith.constant 0 : i32
      %add3A_454 = arith.addi %add3A_453, %mul3A_452 : i32
      %mul3A_455 = arith.constant 16 : i32
      %mul3A_456 = arith.muli %add3A_454, %mul3A_455 : i32
      %add3A_457 = vector.broadcast %mul3A_456 : i32 to vector<16xi32>
      %add3A_458 = arith.addi %add3A_457, %iota3A : vector<16xi32>
      %broadcast_in_dim3A = arith.constant 0 : i32
      %broadcast_in_dim3A_459 = vector.broadcast %broadcast_in_dim3A : i32 to vector<16xi32>
      %gather3A = tpu.vector_load_idx %arg6[%add3A_458, %broadcast_in_dim3A_459] : memref<1024x16xf32, #tpu.memory_space<vmem>>[vector<16xi32>, vector<16xi32>], vector<16xf32>,
      %gather3A_460 = tpu.vector_load_idx %arg8[%add3A_458, %broadcast_in_dim3A_459] : memref<1024x16xf32, #tpu.memory_space<vmem>>[vector<16xi32>, vector<16xi32>], vector<16xf32>,
      %add3A_461 = arith.addf %gather3A, %gather3A_460 : vector<16xf32>
      %mul3A_462 = arith.constant 16 : i32
      %mul3A_463 = arith.muli %add3A_454, %mul3A_462 : i32
      %swap3A = arith.constant 0 : i32
      %swap3A_464 = arith.index_cast %swap3A : i32 to index
      %swap3A_465 = arith.index_cast %mul3A_463 : i32 to index
      %swap3A_466 = tpu.vector_load %arg10[%swap3A_464, %swap3A_465] {strides = array<i32>} : memref<16x1024xf32, #tpu.memory_space<vmem>>, vector<16xf32>,
      tpu.vector_store %arg10[%swap3A_464, %swap3A_465], %add3A_461 {strides = array<i32>} : memref<16x1024xf32, #tpu.memory_space<vmem>>, vector<16xf32>,
      %broadcast_in_dim3A_467 = arith.constant 1 : i32
      %broadcast_in_dim3A_468 = vector.broadcast %broadcast_in_dim3A_467 : i32 to vector<16xi32>
      %gather3A_469 = tpu.vector_load_idx %arg6[%add3A_458, %broadcast_in_dim3A_468] : memref<1024x16xf32, #tpu.memory_space<vmem>>[vector<16xi32>, vector<16xi32>], vector<16xf32>,
      %gather3A_470 = tpu.vector_load_idx %arg8[%add3A_458, %broadcast_in_dim3A_468] : memref<1024x16xf32, #tpu.memory_space<vmem>>[vector<16xi32>, vector<16xi32>], vector<16xf32>,
      %add3A_471 = arith.addf %gather3A_469, %gather3A_470 : vector<16xf32>
      %mul3A_472 = arith.constant 16 : i32
      %mul3A_473 = arith.muli %add3A_454, %mul3A_472 : i32
      %swap3A_474 = arith.constant 1 : i32
      %swap3A_475 = arith.index_cast %swap3A_474 : i32 to index
      %swap3A_476 = arith.index_cast %mul3A_473 : i32 to index
      %swap3A_477 = tpu.vector_load %arg10[%swap3A_475, %swap3A_476] {strides = array<i32>} : memref<16x1024xf32, #tpu.memory_space<vmem>>, vector<16xf32>,
      tpu.vector_store %arg10[%swap3A_475, %swap3A_476], %add3A_471 {strides = array<i32>} : memref<16x1024xf32, #tpu.memory_space<vmem>>, vector<16xf32>,
      %broadcast_in_dim3A_478 = arith.constant 2 : i32
      %broadcast_in_dim3A_479 = vector.broadcast %broadcast_in_dim3A_478 : i32 to vector<16xi32>
      %gather3A_480 = tpu.vector_load_idx %arg6[%add3A_458, %broadcast_in_dim3A_479] : memref<1024x16xf32, #tpu.memory_space<vmem>>[vector<16xi32>, vector<16xi32>], vector<16xf32>,
      %gather3A_481 = tpu.vector_load_idx %arg8[%add3A_458, %broadcast_in_dim3A_479] : memref<1024x16xf32, #tpu.memory_space<vmem>>[vector<16xi32>, vector<16xi32>], vector<16xf32>,
      %add3A_482 = arith.addf %gather3A_480, %gather3A_481 : vector<16xf32>
      %mul3A_483 = arith.constant 16 : i32
      %mul3A_484 = arith.muli %add3A_454, %mul3A_483 : i32
      %swap3A_485 = arith.constant 2 : i32
      %swap3A_486 = arith.index_cast %swap3A_485 : i32 to index
      %swap3A_487 = arith.index_cast %mul3A_484 : i32 to index
      %swap3A_488 = tpu.vector_load %arg10[%swap3A_486, %swap3A_487] {strides = array<i32>} : memref<16x1024xf32, #tpu.memory_space<vmem>>, vector<16xf32>,
      tpu.vector_store %arg10[%swap3A_486, %swap3A_487], %add3A_482 {strides = array<i32>} : memref<16x1024xf32, #tpu.memory_space<vmem>>, vector<16xf32>,
      %broadcast_in_dim3A_489 = arith.constant 3 : i32
      %broadcast_in_dim3A_490 = vector.broadcast %broadcast_in_dim3A_489 : i32 to vector<16xi32>
      %gather3A_491 = tpu.vector_load_idx %arg6[%add3A_458, %broadcast_in_dim3A_490] : memref<1024x16xf32, #tpu.memory_space<vmem>>[vector<16xi32>, vector<16xi32>], vector<16xf32>,
      %gather3A_492 = tpu.vector_load_idx %arg8[%add3A_458, %broadcast_in_dim3A_490] : memref<1024x16xf32, #tpu.memory_space<vmem>>[vector<16xi32>, vector<16xi32>], vector<16xf32>,
      %add3A_493 = arith.addf %gather3A_491, %gather3A_492 : vector<16xf32>
      %mul3A_494 = arith.constant 16 : i32
      %mul3A_495 = arith.muli %add3A_454, %mul3A_494 : i32
      %swap3A_496 = arith.constant 3 : i32
      %swap3A_497 = arith.index_cast %swap3A_496 : i32 to index
      %swap3A_498 = arith.index_cast %mul3A_495 : i32 to index
      %swap3A_499 = tpu.vector_load %arg10[%swap3A_497, %swap3A_498] {strides = array<i32>} : memref<16x1024xf32, #tpu.memory_space<vmem>>, vector<16xf32>,
      tpu.vector_store %arg10[%swap3A_497, %swap3A_498], %add3A_493 {strides = array<i32>} : memref<16x1024xf32, #tpu.memory_space<vmem>>, vector<16xf32>,
      %broadcast_in_dim3A_500 = arith.constant 4 : i32
      %broadcast_in_dim3A_501 = vector.broadcast %broadcast_in_dim3A_500 : i32 to vector<16xi32>
      %gather3A_502 = tpu.vector_load_idx %arg6[%add3A_458, %broadcast_in_dim3A_501] : memref<1024x16xf32, #tpu.memory_space<vmem>>[vector<16xi32>, vector<16xi32>], vector<16xf32>,
      %gather3A_503 = tpu.vector_load_idx %arg8[%add3A_458, %broadcast_in_dim3A_501] : memref<1024x16xf32, #tpu.memory_space<vmem>>[vector<16xi32>, vector<16xi32>], vector<16xf32>,
      %add3A_504 = arith.addf %gather3A_502, %gather3A_503 : vector<16xf32>
      %mul3A_505 = arith.constant 16 : i32
      %mul3A_506 = arith.muli %add3A_454, %mul3A_505 : i32
      %swap3A_507 = arith.constant 4 : i32
      %swap3A_508 = arith.index_cast %swap3A_507 : i32 to index
      %swap3A_509 = arith.index_cast %mul3A_506 : i32 to index
      %swap3A_510 = tpu.vector_load %arg10[%swap3A_508, %swap3A_509] {strides = array<i32>} : memref<16x1024xf32, #tpu.memory_space<vmem>>, vector<16xf32>,
      tpu.vector_store %arg10[%swap3A_508, %swap3A_509], %add3A_504 {strides = array<i32>} : memref<16x1024xf32, #tpu.memory_space<vmem>>, vector<16xf32>,
      %broadcast_in_dim3A_511 = arith.constant 5 : i32
      %broadcast_in_dim3A_512 = vector.broadcast %broadcast_in_dim3A_511 : i32 to vector<16xi32>
      %gather3A_513 = tpu.vector_load_idx %arg6[%add3A_458, %broadcast_in_dim3A_512] : memref<1024x16xf32, #tpu.memory_space<vmem>>[vector<16xi32>, vector<16xi32>], vector<16xf32>,
      %gather3A_514 = tpu.vector_load_idx %arg8[%add3A_458, %broadcast_in_dim3A_512] : memref<1024x16xf32, #tpu.memory_space<vmem>>[vector<16xi32>, vector<16xi32>], vector<16xf32>,
      %add3A_515 = arith.addf %gather3A_513, %gather3A_514 : vector<16xf32>
      %mul3A_516 = arith.constant 16 : i32
      %mul3A_517 = arith.muli %add3A_454, %mul3A_516 : i32
      %swap3A_518 = arith.constant 5 : i32
      %swap3A_519 = arith.index_cast %swap3A_518 : i32 to index
      %swap3A_520 = arith.index_cast %mul3A_517 : i32 to index
      %swap3A_521 = tpu.vector_load %arg10[%swap3A_519, %swap3A_520] {strides = array<i32>} : memref<16x1024xf32, #tpu.memory_space<vmem>>, vector<16xf32>,
      tpu.vector_store %arg10[%swap3A_519, %swap3A_520], %add3A_515 {strides = array<i32>} : memref<16x1024xf32, #tpu.memory_space<vmem>>, vector<16xf32>,
      %broadcast_in_dim3A_522 = arith.constant 6 : i32
      %broadcast_in_dim3A_523 = vector.broadcast %broadcast_in_dim3A_522 : i32 to vector<16xi32>
      %gather3A_524 = tpu.vector_load_idx %arg6[%add3A_458, %broadcast_in_dim3A_523] : memref<1024x16xf32, #tpu.memory_space<vmem>>[vector<16xi32>, vector<16xi32>], vector<16xf32>,
      %gather3A_525 = tpu.vector_load_idx %arg8[%add3A_458, %broadcast_in_dim3A_523] : memref<1024x16xf32, #tpu.memory_space<vmem>>[vector<16xi32>, vector<16xi32>], vector<16xf32>,
      %add3A_526 = arith.addf %gather3A_524, %gather3A_525 : vector<16xf32>
      %mul3A_527 = arith.constant 16 : i32
      %mul3A_528 = arith.muli %add3A_454, %mul3A_527 : i32
      %swap3A_529 = arith.constant 6 : i32
      %swap3A_530 = arith.index_cast %swap3A_529 : i32 to index
      %swap3A_531 = arith.index_cast %mul3A_528 : i32 to index
      %swap3A_532 = tpu.vector_load %arg10[%swap3A_530, %swap3A_531] {strides = array<i32>} : memref<16x1024xf32, #tpu.memory_space<vmem>>, vector<16xf32>,
      tpu.vector_store %arg10[%swap3A_530, %swap3A_531], %add3A_526 {strides = array<i32>} : memref<16x1024xf32, #tpu.memory_space<vmem>>, vector<16xf32>,
      %broadcast_in_dim3A_533 = arith.constant 7 : i32
      %broadcast_in_dim3A_534 = vector.broadcast %broadcast_in_dim3A_533 : i32 to vector<16xi32>
      %gather3A_535 = tpu.vector_load_idx %arg6[%add3A_458, %broadcast_in_dim3A_534] : memref<1024x16xf32, #tpu.memory_space<vmem>>[vector<16xi32>, vector<16xi32>], vector<16xf32>,
      %gather3A_536 = tpu.vector_load_idx %arg8[%add3A_458, %broadcast_in_dim3A_534] : memref<1024x16xf32, #tpu.memory_space<vmem>>[vector<16xi32>, vector<16xi32>], vector<16xf32>,
      %add3A_537 = arith.addf %gather3A_535, %gather3A_536 : vector<16xf32>
      %mul3A_538 = arith.constant 16 : i32
      %mul3A_539 = arith.muli %add3A_454, %mul3A_538 : i32
      %swap3A_540 = arith.constant 7 : i32
      %swap3A_541 = arith.index_cast %swap3A_540 : i32 to index
      %swap3A_542 = arith.index_cast %mul3A_539 : i32 to index
      %swap3A_543 = tpu.vector_load %arg10[%swap3A_541, %swap3A_542] {strides = array<i32>} : memref<16x1024xf32, #tpu.memory_space<vmem>>, vector<16xf32>,
      tpu.vector_store %arg10[%swap3A_541, %swap3A_542], %add3A_537 {strides = array<i32>} : memref<16x1024xf32, #tpu.memory_space<vmem>>, vector<16xf32>,
      %broadcast_in_dim3A_544 = arith.constant 8 : i32
      %broadcast_in_dim3A_545 = vector.broadcast %broadcast_in_dim3A_544 : i32 to vector<16xi32>
      %gather3A_546 = tpu.vector_load_idx %arg6[%add3A_458, %broadcast_in_dim3A_545] : memref<1024x16xf32, #tpu.memory_space<vmem>>[vector<16xi32>, vector<16xi32>], vector<16xf32>,
      %gather3A_547 = tpu.vector_load_idx %arg8[%add3A_458, %broadcast_in_dim3A_545] : memref<1024x16xf32, #tpu.memory_space<vmem>>[vector<16xi32>, vector<16xi32>], vector<16xf32>,
      %add3A_548 = arith.addf %gather3A_546, %gather3A_547 : vector<16xf32>
      %mul3A_549 = arith.constant 16 : i32
      %mul3A_550 = arith.muli %add3A_454, %mul3A_549 : i32
      %swap3A_551 = arith.constant 8 : i32
      %swap3A_552 = arith.index_cast %swap3A_551 : i32 to index
      %swap3A_553 = arith.index_cast %mul3A_550 : i32 to index
      %swap3A_554 = tpu.vector_load %arg10[%swap3A_552, %swap3A_553] {strides = array<i32>} : memref<16x1024xf32, #tpu.memory_space<vmem>>, vector<16xf32>,
      tpu.vector_store %arg10[%swap3A_552, %swap3A_553], %add3A_548 {strides = array<i32>} : memref<16x1024xf32, #tpu.memory_space<vmem>>, vector<16xf32>,
      %broadcast_in_dim3A_555 = arith.constant 9 : i32
      %broadcast_in_dim3A_556 = vector.broadcast %broadcast_in_dim3A_555 : i32 to vector<16xi32>
      %gather3A_557 = tpu.vector_load_idx %arg6[%add3A_458, %broadcast_in_dim3A_556] : memref<1024x16xf32, #tpu.memory_space<vmem>>[vector<16xi32>, vector<16xi32>], vector<16xf32>,
      %gather3A_558 = tpu.vector_load_idx %arg8[%add3A_458, %broadcast_in_dim3A_556] : memref<1024x16xf32, #tpu.memory_space<vmem>>[vector<16xi32>, vector<16xi32>], vector<16xf32>,
      %add3A_559 = arith.addf %gather3A_557, %gather3A_558 : vector<16xf32>
      %mul3A_560 = arith.constant 16 : i32
      %mul3A_561 = arith.muli %add3A_454, %mul3A_560 : i32
      %swap3A_562 = arith.constant 9 : i32
      %swap3A_563 = arith.index_cast %swap3A_562 : i32 to index
      %swap3A_564 = arith.index_cast %mul3A_561 : i32 to index
      %swap3A_565 = tpu.vector_load %arg10[%swap3A_563, %swap3A_564] {strides = array<i32>} : memref<16x1024xf32, #tpu.memory_space<vmem>>, vector<16xf32>,
      tpu.vector_store %arg10[%swap3A_563, %swap3A_564], %add3A_559 {strides = array<i32>} : memref<16x1024xf32, #tpu.memory_space<vmem>>, vector<16xf32>,
      %broadcast_in_dim3A_566 = arith.constant 10 : i32
      %broadcast_in_dim3A_567 = vector.broadcast %broadcast_in_dim3A_566 : i32 to vector<16xi32>
      %gather3A_568 = tpu.vector_load_idx %arg6[%add3A_458, %broadcast_in_dim3A_567] : memref<1024x16xf32, #tpu.memory_space<vmem>>[vector<16xi32>, vector<16xi32>], vector<16xf32>,
      %gather3A_569 = tpu.vector_load_idx %arg8[%add3A_458, %broadcast_in_dim3A_567] : memref<1024x16xf32, #tpu.memory_space<vmem>>[vector<16xi32>, vector<16xi32>], vector<16xf32>,
      %add3A_570 = arith.addf %gather3A_568, %gather3A_569 : vector<16xf32>
      %mul3A_571 = arith.constant 16 : i32
      %mul3A_572 = arith.muli %add3A_454, %mul3A_571 : i32
      %swap3A_573 = arith.constant 10 : i32
      %swap3A_574 = arith.index_cast %swap3A_573 : i32 to index
      %swap3A_575 = arith.index_cast %mul3A_572 : i32 to index
      %swap3A_576 = tpu.vector_load %arg10[%swap3A_574, %swap3A_575] {strides = array<i32>} : memref<16x1024xf32, #tpu.memory_space<vmem>>, vector<16xf32>,
      tpu.vector_store %arg10[%swap3A_574, %swap3A_575], %add3A_570 {strides = array<i32>} : memref<16x1024xf32, #tpu.memory_space<vmem>>, vector<16xf32>,
      %broadcast_in_dim3A_577 = arith.constant 11 : i32
      %broadcast_in_dim3A_578 = vector.broadcast %broadcast_in_dim3A_577 : i32 to vector<16xi32>
      %gather3A_579 = tpu.vector_load_idx %arg6[%add3A_458, %broadcast_in_dim3A_578] : memref<1024x16xf32, #tpu.memory_space<vmem>>[vector<16xi32>, vector<16xi32>], vector<16xf32>,
      %gather3A_580 = tpu.vector_load_idx %arg8[%add3A_458, %broadcast_in_dim3A_578] : memref<1024x16xf32, #tpu.memory_space<vmem>>[vector<16xi32>, vector<16xi32>], vector<16xf32>,
      %add3A_581 = arith.addf %gather3A_579, %gather3A_580 : vector<16xf32>
      %mul3A_582 = arith.constant 16 : i32
      %mul3A_583 = arith.muli %add3A_454, %mul3A_582 : i32
      %swap3A_584 = arith.constant 11 : i32
      %swap3A_585 = arith.index_cast %swap3A_584 : i32 to index
      %swap3A_586 = arith.index_cast %mul3A_583 : i32 to index
      %swap3A_587 = tpu.vector_load %arg10[%swap3A_585, %swap3A_586] {strides = array<i32>} : memref<16x1024xf32, #tpu.memory_space<vmem>>, vector<16xf32>,
      tpu.vector_store %arg10[%swap3A_585, %swap3A_586], %add3A_581 {strides = array<i32>} : memref<16x1024xf32, #tpu.memory_space<vmem>>, vector<16xf32>,
      %broadcast_in_dim3A_588 = arith.constant 12 : i32
      %broadcast_in_dim3A_589 = vector.broadcast %broadcast_in_dim3A_588 : i32 to vector<16xi32>
      %gather3A_590 = tpu.vector_load_idx %arg6[%add3A_458, %broadcast_in_dim3A_589] : memref<1024x16xf32, #tpu.memory_space<vmem>>[vector<16xi32>, vector<16xi32>], vector<16xf32>,
      %gather3A_591 = tpu.vector_load_idx %arg8[%add3A_458, %broadcast_in_dim3A_589] : memref<1024x16xf32, #tpu.memory_space<vmem>>[vector<16xi32>, vector<16xi32>], vector<16xf32>,
      %add3A_592 = arith.addf %gather3A_590, %gather3A_591 : vector<16xf32>
      %mul3A_593 = arith.constant 16 : i32
      %mul3A_594 = arith.muli %add3A_454, %mul3A_593 : i32
      %swap3A_595 = arith.constant 12 : i32
      %swap3A_596 = arith.index_cast %swap3A_595 : i32 to index
      %swap3A_597 = arith.index_cast %mul3A_594 : i32 to index
      %swap3A_598 = tpu.vector_load %arg10[%swap3A_596, %swap3A_597] {strides = array<i32>} : memref<16x1024xf32, #tpu.memory_space<vmem>>, vector<16xf32>,
      tpu.vector_store %arg10[%swap3A_596, %swap3A_597], %add3A_592 {strides = array<i32>} : memref<16x1024xf32, #tpu.memory_space<vmem>>, vector<16xf32>,
      %broadcast_in_dim3A_599 = arith.constant 13 : i32
      %broadcast_in_dim3A_600 = vector.broadcast %broadcast_in_dim3A_599 : i32 to vector<16xi32>
      %gather3A_601 = tpu.vector_load_idx %arg6[%add3A_458, %broadcast_in_dim3A_600] : memref<1024x16xf32, #tpu.memory_space<vmem>>[vector<16xi32>, vector<16xi32>], vector<16xf32>,
      %gather3A_602 = tpu.vector_load_idx %arg8[%add3A_458, %broadcast_in_dim3A_600] : memref<1024x16xf32, #tpu.memory_space<vmem>>[vector<16xi32>, vector<16xi32>], vector<16xf32>,
      %add3A_603 = arith.addf %gather3A_601, %gather3A_602 : vector<16xf32>
      %mul3A_604 = arith.constant 16 : i32
      %mul3A_605 = arith.muli %add3A_454, %mul3A_604 : i32
      %swap3A_606 = arith.constant 13 : i32
      %swap3A_607 = arith.index_cast %swap3A_606 : i32 to index
      %swap3A_608 = arith.index_cast %mul3A_605 : i32 to index
      %swap3A_609 = tpu.vector_load %arg10[%swap3A_607, %swap3A_608] {strides = array<i32>} : memref<16x1024xf32, #tpu.memory_space<vmem>>, vector<16xf32>,
      tpu.vector_store %arg10[%swap3A_607, %swap3A_608], %add3A_603 {strides = array<i32>} : memref<16x1024xf32, #tpu.memory_space<vmem>>, vector<16xf32>,
      %broadcast_in_dim3A_610 = arith.constant 14 : i32
      %broadcast_in_dim3A_611 = vector.broadcast %broadcast_in_dim3A_610 : i32 to vector<16xi32>
      %gather3A_612 = tpu.vector_load_idx %arg6[%add3A_458, %broadcast_in_dim3A_611] : memref<1024x16xf32, #tpu.memory_space<vmem>>[vector<16xi32>, vector<16xi32>], vector<16xf32>,
      %gather3A_613 = tpu.vector_load_idx %arg8[%add3A_458, %broadcast_in_dim3A_611] : memref<1024x16xf32, #tpu.memory_space<vmem>>[vector<16xi32>, vector<16xi32>], vector<16xf32>,
      %add3A_614 = arith.addf %gather3A_612, %gather3A_613 : vector<16xf32>
      %mul3A_615 = arith.constant 16 : i32
      %mul3A_616 = arith.muli %add3A_454, %mul3A_615 : i32
      %swap3A_617 = arith.constant 14 : i32
      %swap3A_618 = arith.index_cast %swap3A_617 : i32 to index
      %swap3A_619 = arith.index_cast %mul3A_616 : i32 to index
      %swap3A_620 = tpu.vector_load %arg10[%swap3A_618, %swap3A_619] {strides = array<i32>} : memref<16x1024xf32, #tpu.memory_space<vmem>>, vector<16xf32>,
      tpu.vector_store %arg10[%swap3A_618, %swap3A_619], %add3A_614 {strides = array<i32>} : memref<16x1024xf32, #tpu.memory_space<vmem>>, vector<16xf32>,
      %broadcast_in_dim3A_621 = arith.constant 15 : i32
      %broadcast_in_dim3A_622 = vector.broadcast %broadcast_in_dim3A_621 : i32 to vector<16xi32>
      %gather3A_623 = tpu.vector_load_idx %arg6[%add3A_458, %broadcast_in_dim3A_622] : memref<1024x16xf32, #tpu.memory_space<vmem>>[vector<16xi32>, vector<16xi32>], vector<16xf32>,
      %gather3A_624 = tpu.vector_load_idx %arg8[%add3A_458, %broadcast_in_dim3A_622] : memref<1024x16xf32, #tpu.memory_space<vmem>>[vector<16xi32>, vector<16xi32>], vector<16xf32>,
      %add3A_625 = arith.addf %gather3A_623, %gather3A_624 : vector<16xf32>
      %mul3A_626 = arith.constant 16 : i32
      %mul3A_627 = arith.muli %add3A_454, %mul3A_626 : i32
      %swap3A_628 = arith.constant 15 : i32
      %swap3A_629 = arith.index_cast %swap3A_628 : i32 to index
      %swap3A_630 = arith.index_cast %mul3A_627 : i32 to index
      %swap3A_631 = tpu.vector_load %arg10[%swap3A_629, %swap3A_630] {strides = array<i32>} : memref<16x1024xf32, #tpu.memory_space<vmem>>, vector<16xf32>,
      tpu.vector_store %arg10[%swap3A_629, %swap3A_630], %add3A_625 {strides = array<i32>} : memref<16x1024xf32, #tpu.memory_space<vmem>>, vector<16xf32>,
    }
    %scan3A_220 = arith.constant 64 : i32
    %add3A_221 = arith.constant 4096 : i32
    %add3A_222 = arith.addi %mul3A_2, %add3A_221 : i32
    %dma_start3A_223 = arith.constant 0 : i32
    %dma_start3A_224 = tpu.memref_slice %arg4[%dma_start3A_223, %add3A_222] : memref<16x327680xf32, #tpu.memory_space<hbm>> -> memref<16x1024xf32, #tpu.memory_space<hbm>>
    %dma_start3A_225 = arith.constant 0 : i32
    %dma_start3A_226 = tpu.memref_slice %arg4[%dma_start3A_225, %add3A_222] : memref<16x327680xf32, #tpu.memory_space<hbm>> -> memref<16x1024xf32, #tpu.memory_space<hbm>>
    tpu.enqueue_dma source(%arg10 : memref<16x1024xf32, #tpu.memory_space<vmem>>) target(%dma_start3A_226 : memref<16x1024xf32, #tpu.memory_space<hbm>>) target_semaphore(%arg13 : memref<!tpu.dma_semaphore, #tpu.memory_space<semaphore_mem>>)
    %dma_start3A_227 = arith.constant 0 : i32
    %dma_start3A_228 = arith.constant 6144 : i32
    %dma_start3A_229 = tpu.memref_slice %arg5[%dma_start3A_227, %dma_start3A_228] : memref<2x10240xi32, #tpu.memory_space<vmem>> -> memref<1x1024xi32, #tpu.memory_space<vmem>>
    %dma_start3A_230 = tpu.memref_squeeze %dma_start3A_229 : memref<1x1024xi32, #tpu.memory_space<vmem>> -> memref<1024xi32, #tpu.memory_space<vmem>>
    %dma_start3A_231 = arith.constant 0 : i32
    %dma_start3A_232 = arith.constant 0 : i32
    %dma_start3A_233 = tpu.memref_slice %arg2[%dma_start3A_231, %dma_start3A_232] : memref<20000x16xf32, #tpu.memory_space<hbm>> -> memref<20000x16xf32, #tpu.memory_space<hbm>>
    tpu.enqueue_indirect_dma source(%dma_start3A_233 : memref<20000x16xf32, #tpu.memory_space<hbm>>) target(%arg6 : memref<1024x16xf32, #tpu.memory_space<vmem>>) offsets(%dma_start3A_230 : memref<1024xi32, #tpu.memory_space<vmem>>) semaphore(%arg12 : memref<!tpu.dma_semaphore, #tpu.memory_space<semaphore_mem>>)
    %dma_start3A_234 = arith.constant 1 : i32
    %dma_start3A_235 = arith.constant 6144 : i32
    %dma_start3A_236 = tpu.memref_slice %arg5[%dma_start3A_234, %dma_start3A_235] : memref<2x10240xi32, #tpu.memory_space<vmem>> -> memref<1x1024xi32, #tpu.memory_space<vmem>>
    %dma_start3A_237 = tpu.memref_squeeze %dma_start3A_236 : memref<1x1024xi32, #tpu.memory_space<vmem>> -> memref<1024xi32, #tpu.memory_space<vmem>>
    %dma_start3A_238 = arith.constant 0 : i32
    %dma_start3A_239 = arith.constant 0 : i32
    %dma_start3A_240 = tpu.memref_slice %arg2[%dma_start3A_238, %dma_start3A_239] : memref<20000x16xf32, #tpu.memory_space<hbm>> -> memref<20000x16xf32, #tpu.memory_space<hbm>>
    tpu.enqueue_indirect_dma source(%dma_start3A_240 : memref<20000x16xf32, #tpu.memory_space<hbm>>) target(%arg8 : memref<1024x16xf32, #tpu.memory_space<vmem>>) offsets(%dma_start3A_237 : memref<1024xi32, #tpu.memory_space<vmem>>) semaphore(%arg12 : memref<!tpu.dma_semaphore, #tpu.memory_space<semaphore_mem>>)
    %dma_wait3A_241 = arith.constant 0 : i32
    %dma_wait3A_242 = arith.constant 5120 : i32
    %dma_wait3A_243 = tpu.memref_slice %arg5[%dma_wait3A_241, %dma_wait3A_242] : memref<2x10240xi32, #tpu.memory_space<vmem>> -> memref<1x1024xi32, #tpu.memory_space<vmem>>
    %dma_wait3A_244 = tpu.memref_squeeze %dma_wait3A_243 : memref<1x1024xi32, #tpu.memory_space<vmem>> -> memref<1024xi32, #tpu.memory_space<vmem>>
    %dma_wait3A_245 = arith.constant 0 : i32
    %dma_wait3A_246 = arith.constant 0 : i32
    %dma_wait3A_247 = tpu.memref_slice %arg2[%dma_wait3A_245, %dma_wait3A_246] : memref<20000x16xf32, #tpu.memory_space<hbm>> -> memref<20000x16xf32, #tpu.memory_space<hbm>>
    tpu.wait_indirect_dma semaphore(%arg12 : memref<!tpu.dma_semaphore, #tpu.memory_space<semaphore_mem>>) src(%dma_wait3A_247 : memref<20000x16xf32, #tpu.memory_space<hbm>>) dst(%arg7 : memref<1024x16xf32, #tpu.memory_space<vmem>>)
    %dma_wait3A_248 = arith.constant 1 : i32
    %dma_wait3A_249 = arith.constant 5120 : i32
    %dma_wait3A_250 = tpu.memref_slice %arg5[%dma_wait3A_248, %dma_wait3A_249] : memref<2x10240xi32, #tpu.memory_space<vmem>> -> memref<1x1024xi32, #tpu.memory_space<vmem>>
    %dma_wait3A_251 = tpu.memref_squeeze %dma_wait3A_250 : memref<1x1024xi32, #tpu.memory_space<vmem>> -> memref<1024xi32, #tpu.memory_space<vmem>>
    %dma_wait3A_252 = arith.constant 0 : i32
    %dma_wait3A_253 = arith.constant 0 : i32
    %dma_wait3A_254 = tpu.memref_slice %arg2[%dma_wait3A_252, %dma_wait3A_253] : memref<20000x16xf32, #tpu.memory_space<hbm>> -> memref<20000x16xf32, #tpu.memory_space<hbm>>
    tpu.wait_indirect_dma semaphore(%arg12 : memref<!tpu.dma_semaphore, #tpu.memory_space<semaphore_mem>>) src(%dma_wait3A_254 : memref<20000x16xf32, #tpu.memory_space<hbm>>) dst(%arg9 : memref<1024x16xf32, #tpu.memory_space<vmem>>)
    %add3A_255 = arith.constant 3072 : i32
    %add3A_256 = arith.addi %mul3A_2, %add3A_255 : i32
    %dma_wait3A_257 = arith.constant 0 : i32
    %dma_wait3A_258 = tpu.memref_slice %arg4[%dma_wait3A_257, %add3A_256] : memref<16x327680xf32, #tpu.memory_space<hbm>> -> memref<16x1024xf32, #tpu.memory_space<hbm>>
    %dma_wait3A_259 = arith.constant 0 : i32
    %dma_wait3A_260 = tpu.memref_slice %arg4[%dma_wait3A_259, %add3A_256] : memref<16x327680xf32, #tpu.memory_space<hbm>> -> memref<16x1024xf32, #tpu.memory_space<hbm>>
    tpu.wait_dma2 semaphore(%arg13 : memref<!tpu.dma_semaphore, #tpu.memory_space<semaphore_mem>>) src(%arg11 : memref<16x1024xf32, #tpu.memory_space<vmem>>) dst(%dma_wait3A_260 : memref<16x1024xf32, #tpu.memory_space<hbm>>)
    %scan3A_261 = arith.constant 0 : i32
    %scan3A_262 = arith.constant 64 : i32
    %scan3A_263 = arith.addi %scan3A_261, %scan3A_262 : i32
    %scan3A_264 = arith.constant 1 : i32
    scf.for %scan3A_450 = %scan3A_261 to %scan3A_263 step %scan3A_264  : i32 {
      %mul3A_451 = arith.constant 1 : i32
      %mul3A_452 = arith.muli %scan3A_450, %mul3A_451 : i32
      %add3A_453 = arith.constant 0 : i32
      %add3A_454 = arith.addi %add3A_453, %mul3A_452 : i32
      %mul3A_455 = arith.constant 16 : i32
      %mul3A_456 = arith.muli %add3A_454, %mul3A_455 : i32
      %add3A_457 = vector.broadcast %mul3A_456 : i32 to vector<16xi32>
      %add3A_458 = arith.addi %add3A_457, %iota3A : vector<16xi32>
      %broadcast_in_dim3A = arith.constant 0 : i32
      %broadcast_in_dim3A_459 = vector.broadcast %broadcast_in_dim3A : i32 to vector<16xi32>
      %gather3A = tpu.vector_load_idx %arg7[%add3A_458, %broadcast_in_dim3A_459] : memref<1024x16xf32, #tpu.memory_space<vmem>>[vector<16xi32>, vector<16xi32>], vector<16xf32>,
      %gather3A_460 = tpu.vector_load_idx %arg9[%add3A_458, %broadcast_in_dim3A_459] : memref<1024x16xf32, #tpu.memory_space<vmem>>[vector<16xi32>, vector<16xi32>], vector<16xf32>,
      %add3A_461 = arith.addf %gather3A, %gather3A_460 : vector<16xf32>
      %mul3A_462 = arith.constant 16 : i32
      %mul3A_463 = arith.muli %add3A_454, %mul3A_462 : i32
      %swap3A = arith.constant 0 : i32
      %swap3A_464 = arith.index_cast %swap3A : i32 to index
      %swap3A_465 = arith.index_cast %mul3A_463 : i32 to index
      %swap3A_466 = tpu.vector_load %arg11[%swap3A_464, %swap3A_465] {strides = array<i32>} : memref<16x1024xf32, #tpu.memory_space<vmem>>, vector<16xf32>,
      tpu.vector_store %arg11[%swap3A_464, %swap3A_465], %add3A_461 {strides = array<i32>} : memref<16x1024xf32, #tpu.memory_space<vmem>>, vector<16xf32>,
      %broadcast_in_dim3A_467 = arith.constant 1 : i32
      %broadcast_in_dim3A_468 = vector.broadcast %broadcast_in_dim3A_467 : i32 to vector<16xi32>
      %gather3A_469 = tpu.vector_load_idx %arg7[%add3A_458, %broadcast_in_dim3A_468] : memref<1024x16xf32, #tpu.memory_space<vmem>>[vector<16xi32>, vector<16xi32>], vector<16xf32>,
      %gather3A_470 = tpu.vector_load_idx %arg9[%add3A_458, %broadcast_in_dim3A_468] : memref<1024x16xf32, #tpu.memory_space<vmem>>[vector<16xi32>, vector<16xi32>], vector<16xf32>,
      %add3A_471 = arith.addf %gather3A_469, %gather3A_470 : vector<16xf32>
      %mul3A_472 = arith.constant 16 : i32
      %mul3A_473 = arith.muli %add3A_454, %mul3A_472 : i32
      %swap3A_474 = arith.constant 1 : i32
      %swap3A_475 = arith.index_cast %swap3A_474 : i32 to index
      %swap3A_476 = arith.index_cast %mul3A_473 : i32 to index
      %swap3A_477 = tpu.vector_load %arg11[%swap3A_475, %swap3A_476] {strides = array<i32>} : memref<16x1024xf32, #tpu.memory_space<vmem>>, vector<16xf32>,
      tpu.vector_store %arg11[%swap3A_475, %swap3A_476], %add3A_471 {strides = array<i32>} : memref<16x1024xf32, #tpu.memory_space<vmem>>, vector<16xf32>,
      %broadcast_in_dim3A_478 = arith.constant 2 : i32
      %broadcast_in_dim3A_479 = vector.broadcast %broadcast_in_dim3A_478 : i32 to vector<16xi32>
      %gather3A_480 = tpu.vector_load_idx %arg7[%add3A_458, %broadcast_in_dim3A_479] : memref<1024x16xf32, #tpu.memory_space<vmem>>[vector<16xi32>, vector<16xi32>], vector<16xf32>,
      %gather3A_481 = tpu.vector_load_idx %arg9[%add3A_458, %broadcast_in_dim3A_479] : memref<1024x16xf32, #tpu.memory_space<vmem>>[vector<16xi32>, vector<16xi32>], vector<16xf32>,
      %add3A_482 = arith.addf %gather3A_480, %gather3A_481 : vector<16xf32>
      %mul3A_483 = arith.constant 16 : i32
      %mul3A_484 = arith.muli %add3A_454, %mul3A_483 : i32
      %swap3A_485 = arith.constant 2 : i32
      %swap3A_486 = arith.index_cast %swap3A_485 : i32 to index
      %swap3A_487 = arith.index_cast %mul3A_484 : i32 to index
      %swap3A_488 = tpu.vector_load %arg11[%swap3A_486, %swap3A_487] {strides = array<i32>} : memref<16x1024xf32, #tpu.memory_space<vmem>>, vector<16xf32>,
      tpu.vector_store %arg11[%swap3A_486, %swap3A_487], %add3A_482 {strides = array<i32>} : memref<16x1024xf32, #tpu.memory_space<vmem>>, vector<16xf32>,
      %broadcast_in_dim3A_489 = arith.constant 3 : i32
      %broadcast_in_dim3A_490 = vector.broadcast %broadcast_in_dim3A_489 : i32 to vector<16xi32>
      %gather3A_491 = tpu.vector_load_idx %arg7[%add3A_458, %broadcast_in_dim3A_490] : memref<1024x16xf32, #tpu.memory_space<vmem>>[vector<16xi32>, vector<16xi32>], vector<16xf32>,
      %gather3A_492 = tpu.vector_load_idx %arg9[%add3A_458, %broadcast_in_dim3A_490] : memref<1024x16xf32, #tpu.memory_space<vmem>>[vector<16xi32>, vector<16xi32>], vector<16xf32>,
      %add3A_493 = arith.addf %gather3A_491, %gather3A_492 : vector<16xf32>
      %mul3A_494 = arith.constant 16 : i32
      %mul3A_495 = arith.muli %add3A_454, %mul3A_494 : i32
      %swap3A_496 = arith.constant 3 : i32
      %swap3A_497 = arith.index_cast %swap3A_496 : i32 to index
      %swap3A_498 = arith.index_cast %mul3A_495 : i32 to index
      %swap3A_499 = tpu.vector_load %arg11[%swap3A_497, %swap3A_498] {strides = array<i32>} : memref<16x1024xf32, #tpu.memory_space<vmem>>, vector<16xf32>,
      tpu.vector_store %arg11[%swap3A_497, %swap3A_498], %add3A_493 {strides = array<i32>} : memref<16x1024xf32, #tpu.memory_space<vmem>>, vector<16xf32>,
      %broadcast_in_dim3A_500 = arith.constant 4 : i32
      %broadcast_in_dim3A_501 = vector.broadcast %broadcast_in_dim3A_500 : i32 to vector<16xi32>
      %gather3A_502 = tpu.vector_load_idx %arg7[%add3A_458, %broadcast_in_dim3A_501] : memref<1024x16xf32, #tpu.memory_space<vmem>>[vector<16xi32>, vector<16xi32>], vector<16xf32>,
      %gather3A_503 = tpu.vector_load_idx %arg9[%add3A_458, %broadcast_in_dim3A_501] : memref<1024x16xf32, #tpu.memory_space<vmem>>[vector<16xi32>, vector<16xi32>], vector<16xf32>,
      %add3A_504 = arith.addf %gather3A_502, %gather3A_503 : vector<16xf32>
      %mul3A_505 = arith.constant 16 : i32
      %mul3A_506 = arith.muli %add3A_454, %mul3A_505 : i32
      %swap3A_507 = arith.constant 4 : i32
      %swap3A_508 = arith.index_cast %swap3A_507 : i32 to index
      %swap3A_509 = arith.index_cast %mul3A_506 : i32 to index
      %swap3A_510 = tpu.vector_load %arg11[%swap3A_508, %swap3A_509] {strides = array<i32>} : memref<16x1024xf32, #tpu.memory_space<vmem>>, vector<16xf32>,
      tpu.vector_store %arg11[%swap3A_508, %swap3A_509], %add3A_504 {strides = array<i32>} : memref<16x1024xf32, #tpu.memory_space<vmem>>, vector<16xf32>,
      %broadcast_in_dim3A_511 = arith.constant 5 : i32
      %broadcast_in_dim3A_512 = vector.broadcast %broadcast_in_dim3A_511 : i32 to vector<16xi32>
      %gather3A_513 = tpu.vector_load_idx %arg7[%add3A_458, %broadcast_in_dim3A_512] : memref<1024x16xf32, #tpu.memory_space<vmem>>[vector<16xi32>, vector<16xi32>], vector<16xf32>,
      %gather3A_514 = tpu.vector_load_idx %arg9[%add3A_458, %broadcast_in_dim3A_512] : memref<1024x16xf32, #tpu.memory_space<vmem>>[vector<16xi32>, vector<16xi32>], vector<16xf32>,
      %add3A_515 = arith.addf %gather3A_513, %gather3A_514 : vector<16xf32>
      %mul3A_516 = arith.constant 16 : i32
      %mul3A_517 = arith.muli %add3A_454, %mul3A_516 : i32
      %swap3A_518 = arith.constant 5 : i32
      %swap3A_519 = arith.index_cast %swap3A_518 : i32 to index
      %swap3A_520 = arith.index_cast %mul3A_517 : i32 to index
      %swap3A_521 = tpu.vector_load %arg11[%swap3A_519, %swap3A_520] {strides = array<i32>} : memref<16x1024xf32, #tpu.memory_space<vmem>>, vector<16xf32>,
      tpu.vector_store %arg11[%swap3A_519, %swap3A_520], %add3A_515 {strides = array<i32>} : memref<16x1024xf32, #tpu.memory_space<vmem>>, vector<16xf32>,
      %broadcast_in_dim3A_522 = arith.constant 6 : i32
      %broadcast_in_dim3A_523 = vector.broadcast %broadcast_in_dim3A_522 : i32 to vector<16xi32>
      %gather3A_524 = tpu.vector_load_idx %arg7[%add3A_458, %broadcast_in_dim3A_523] : memref<1024x16xf32, #tpu.memory_space<vmem>>[vector<16xi32>, vector<16xi32>], vector<16xf32>,
      %gather3A_525 = tpu.vector_load_idx %arg9[%add3A_458, %broadcast_in_dim3A_523] : memref<1024x16xf32, #tpu.memory_space<vmem>>[vector<16xi32>, vector<16xi32>], vector<16xf32>,
      %add3A_526 = arith.addf %gather3A_524, %gather3A_525 : vector<16xf32>
      %mul3A_527 = arith.constant 16 : i32
      %mul3A_528 = arith.muli %add3A_454, %mul3A_527 : i32
      %swap3A_529 = arith.constant 6 : i32
      %swap3A_530 = arith.index_cast %swap3A_529 : i32 to index
      %swap3A_531 = arith.index_cast %mul3A_528 : i32 to index
      %swap3A_532 = tpu.vector_load %arg11[%swap3A_530, %swap3A_531] {strides = array<i32>} : memref<16x1024xf32, #tpu.memory_space<vmem>>, vector<16xf32>,
      tpu.vector_store %arg11[%swap3A_530, %swap3A_531], %add3A_526 {strides = array<i32>} : memref<16x1024xf32, #tpu.memory_space<vmem>>, vector<16xf32>,
      %broadcast_in_dim3A_533 = arith.constant 7 : i32
      %broadcast_in_dim3A_534 = vector.broadcast %broadcast_in_dim3A_533 : i32 to vector<16xi32>
      %gather3A_535 = tpu.vector_load_idx %arg7[%add3A_458, %broadcast_in_dim3A_534] : memref<1024x16xf32, #tpu.memory_space<vmem>>[vector<16xi32>, vector<16xi32>], vector<16xf32>,
      %gather3A_536 = tpu.vector_load_idx %arg9[%add3A_458, %broadcast_in_dim3A_534] : memref<1024x16xf32, #tpu.memory_space<vmem>>[vector<16xi32>, vector<16xi32>], vector<16xf32>,
      %add3A_537 = arith.addf %gather3A_535, %gather3A_536 : vector<16xf32>
      %mul3A_538 = arith.constant 16 : i32
      %mul3A_539 = arith.muli %add3A_454, %mul3A_538 : i32
      %swap3A_540 = arith.constant 7 : i32
      %swap3A_541 = arith.index_cast %swap3A_540 : i32 to index
      %swap3A_542 = arith.index_cast %mul3A_539 : i32 to index
      %swap3A_543 = tpu.vector_load %arg11[%swap3A_541, %swap3A_542] {strides = array<i32>} : memref<16x1024xf32, #tpu.memory_space<vmem>>, vector<16xf32>,
      tpu.vector_store %arg11[%swap3A_541, %swap3A_542], %add3A_537 {strides = array<i32>} : memref<16x1024xf32, #tpu.memory_space<vmem>>, vector<16xf32>,
      %broadcast_in_dim3A_544 = arith.constant 8 : i32
      %broadcast_in_dim3A_545 = vector.broadcast %broadcast_in_dim3A_544 : i32 to vector<16xi32>
      %gather3A_546 = tpu.vector_load_idx %arg7[%add3A_458, %broadcast_in_dim3A_545] : memref<1024x16xf32, #tpu.memory_space<vmem>>[vector<16xi32>, vector<16xi32>], vector<16xf32>,
      %gather3A_547 = tpu.vector_load_idx %arg9[%add3A_458, %broadcast_in_dim3A_545] : memref<1024x16xf32, #tpu.memory_space<vmem>>[vector<16xi32>, vector<16xi32>], vector<16xf32>,
      %add3A_548 = arith.addf %gather3A_546, %gather3A_547 : vector<16xf32>
      %mul3A_549 = arith.constant 16 : i32
      %mul3A_550 = arith.muli %add3A_454, %mul3A_549 : i32
      %swap3A_551 = arith.constant 8 : i32
      %swap3A_552 = arith.index_cast %swap3A_551 : i32 to index
      %swap3A_553 = arith.index_cast %mul3A_550 : i32 to index
      %swap3A_554 = tpu.vector_load %arg11[%swap3A_552, %swap3A_553] {strides = array<i32>} : memref<16x1024xf32, #tpu.memory_space<vmem>>, vector<16xf32>,
      tpu.vector_store %arg11[%swap3A_552, %swap3A_553], %add3A_548 {strides = array<i32>} : memref<16x1024xf32, #tpu.memory_space<vmem>>, vector<16xf32>,
      %broadcast_in_dim3A_555 = arith.constant 9 : i32
      %broadcast_in_dim3A_556 = vector.broadcast %broadcast_in_dim3A_555 : i32 to vector<16xi32>
      %gather3A_557 = tpu.vector_load_idx %arg7[%add3A_458, %broadcast_in_dim3A_556] : memref<1024x16xf32, #tpu.memory_space<vmem>>[vector<16xi32>, vector<16xi32>], vector<16xf32>,
      %gather3A_558 = tpu.vector_load_idx %arg9[%add3A_458, %broadcast_in_dim3A_556] : memref<1024x16xf32, #tpu.memory_space<vmem>>[vector<16xi32>, vector<16xi32>], vector<16xf32>,
      %add3A_559 = arith.addf %gather3A_557, %gather3A_558 : vector<16xf32>
      %mul3A_560 = arith.constant 16 : i32
      %mul3A_561 = arith.muli %add3A_454, %mul3A_560 : i32
      %swap3A_562 = arith.constant 9 : i32
      %swap3A_563 = arith.index_cast %swap3A_562 : i32 to index
      %swap3A_564 = arith.index_cast %mul3A_561 : i32 to index
      %swap3A_565 = tpu.vector_load %arg11[%swap3A_563, %swap3A_564] {strides = array<i32>} : memref<16x1024xf32, #tpu.memory_space<vmem>>, vector<16xf32>,
      tpu.vector_store %arg11[%swap3A_563, %swap3A_564], %add3A_559 {strides = array<i32>} : memref<16x1024xf32, #tpu.memory_space<vmem>>, vector<16xf32>,
      %broadcast_in_dim3A_566 = arith.constant 10 : i32
      %broadcast_in_dim3A_567 = vector.broadcast %broadcast_in_dim3A_566 : i32 to vector<16xi32>
      %gather3A_568 = tpu.vector_load_idx %arg7[%add3A_458, %broadcast_in_dim3A_567] : memref<1024x16xf32, #tpu.memory_space<vmem>>[vector<16xi32>, vector<16xi32>], vector<16xf32>,
      %gather3A_569 = tpu.vector_load_idx %arg9[%add3A_458, %broadcast_in_dim3A_567] : memref<1024x16xf32, #tpu.memory_space<vmem>>[vector<16xi32>, vector<16xi32>], vector<16xf32>,
      %add3A_570 = arith.addf %gather3A_568, %gather3A_569 : vector<16xf32>
      %mul3A_571 = arith.constant 16 : i32
      %mul3A_572 = arith.muli %add3A_454, %mul3A_571 : i32
      %swap3A_573 = arith.constant 10 : i32
      %swap3A_574 = arith.index_cast %swap3A_573 : i32 to index
      %swap3A_575 = arith.index_cast %mul3A_572 : i32 to index
      %swap3A_576 = tpu.vector_load %arg11[%swap3A_574, %swap3A_575] {strides = array<i32>} : memref<16x1024xf32, #tpu.memory_space<vmem>>, vector<16xf32>,
      tpu.vector_store %arg11[%swap3A_574, %swap3A_575], %add3A_570 {strides = array<i32>} : memref<16x1024xf32, #tpu.memory_space<vmem>>, vector<16xf32>,
      %broadcast_in_dim3A_577 = arith.constant 11 : i32
      %broadcast_in_dim3A_578 = vector.broadcast %broadcast_in_dim3A_577 : i32 to vector<16xi32>
      %gather3A_579 = tpu.vector_load_idx %arg7[%add3A_458, %broadcast_in_dim3A_578] : memref<1024x16xf32, #tpu.memory_space<vmem>>[vector<16xi32>, vector<16xi32>], vector<16xf32>,
      %gather3A_580 = tpu.vector_load_idx %arg9[%add3A_458, %broadcast_in_dim3A_578] : memref<1024x16xf32, #tpu.memory_space<vmem>>[vector<16xi32>, vector<16xi32>], vector<16xf32>,
      %add3A_581 = arith.addf %gather3A_579, %gather3A_580 : vector<16xf32>
      %mul3A_582 = arith.constant 16 : i32
      %mul3A_583 = arith.muli %add3A_454, %mul3A_582 : i32
      %swap3A_584 = arith.constant 11 : i32
      %swap3A_585 = arith.index_cast %swap3A_584 : i32 to index
      %swap3A_586 = arith.index_cast %mul3A_583 : i32 to index
      %swap3A_587 = tpu.vector_load %arg11[%swap3A_585, %swap3A_586] {strides = array<i32>} : memref<16x1024xf32, #tpu.memory_space<vmem>>, vector<16xf32>,
      tpu.vector_store %arg11[%swap3A_585, %swap3A_586], %add3A_581 {strides = array<i32>} : memref<16x1024xf32, #tpu.memory_space<vmem>>, vector<16xf32>,
      %broadcast_in_dim3A_588 = arith.constant 12 : i32
      %broadcast_in_dim3A_589 = vector.broadcast %broadcast_in_dim3A_588 : i32 to vector<16xi32>
      %gather3A_590 = tpu.vector_load_idx %arg7[%add3A_458, %broadcast_in_dim3A_589] : memref<1024x16xf32, #tpu.memory_space<vmem>>[vector<16xi32>, vector<16xi32>], vector<16xf32>,
      %gather3A_591 = tpu.vector_load_idx %arg9[%add3A_458, %broadcast_in_dim3A_589] : memref<1024x16xf32, #tpu.memory_space<vmem>>[vector<16xi32>, vector<16xi32>], vector<16xf32>,
      %add3A_592 = arith.addf %gather3A_590, %gather3A_591 : vector<16xf32>
      %mul3A_593 = arith.constant 16 : i32
      %mul3A_594 = arith.muli %add3A_454, %mul3A_593 : i32
      %swap3A_595 = arith.constant 12 : i32
      %swap3A_596 = arith.index_cast %swap3A_595 : i32 to index
      %swap3A_597 = arith.index_cast %mul3A_594 : i32 to index
      %swap3A_598 = tpu.vector_load %arg11[%swap3A_596, %swap3A_597] {strides = array<i32>} : memref<16x1024xf32, #tpu.memory_space<vmem>>, vector<16xf32>,
      tpu.vector_store %arg11[%swap3A_596, %swap3A_597], %add3A_592 {strides = array<i32>} : memref<16x1024xf32, #tpu.memory_space<vmem>>, vector<16xf32>,
      %broadcast_in_dim3A_599 = arith.constant 13 : i32
      %broadcast_in_dim3A_600 = vector.broadcast %broadcast_in_dim3A_599 : i32 to vector<16xi32>
      %gather3A_601 = tpu.vector_load_idx %arg7[%add3A_458, %broadcast_in_dim3A_600] : memref<1024x16xf32, #tpu.memory_space<vmem>>[vector<16xi32>, vector<16xi32>], vector<16xf32>,
      %gather3A_602 = tpu.vector_load_idx %arg9[%add3A_458, %broadcast_in_dim3A_600] : memref<1024x16xf32, #tpu.memory_space<vmem>>[vector<16xi32>, vector<16xi32>], vector<16xf32>,
      %add3A_603 = arith.addf %gather3A_601, %gather3A_602 : vector<16xf32>
      %mul3A_604 = arith.constant 16 : i32
      %mul3A_605 = arith.muli %add3A_454, %mul3A_604 : i32
      %swap3A_606 = arith.constant 13 : i32
      %swap3A_607 = arith.index_cast %swap3A_606 : i32 to index
      %swap3A_608 = arith.index_cast %mul3A_605 : i32 to index
      %swap3A_609 = tpu.vector_load %arg11[%swap3A_607, %swap3A_608] {strides = array<i32>} : memref<16x1024xf32, #tpu.memory_space<vmem>>, vector<16xf32>,
      tpu.vector_store %arg11[%swap3A_607, %swap3A_608], %add3A_603 {strides = array<i32>} : memref<16x1024xf32, #tpu.memory_space<vmem>>, vector<16xf32>,
      %broadcast_in_dim3A_610 = arith.constant 14 : i32
      %broadcast_in_dim3A_611 = vector.broadcast %broadcast_in_dim3A_610 : i32 to vector<16xi32>
      %gather3A_612 = tpu.vector_load_idx %arg7[%add3A_458, %broadcast_in_dim3A_611] : memref<1024x16xf32, #tpu.memory_space<vmem>>[vector<16xi32>, vector<16xi32>], vector<16xf32>,
      %gather3A_613 = tpu.vector_load_idx %arg9[%add3A_458, %broadcast_in_dim3A_611] : memref<1024x16xf32, #tpu.memory_space<vmem>>[vector<16xi32>, vector<16xi32>], vector<16xf32>,
      %add3A_614 = arith.addf %gather3A_612, %gather3A_613 : vector<16xf32>
      %mul3A_615 = arith.constant 16 : i32
      %mul3A_616 = arith.muli %add3A_454, %mul3A_615 : i32
      %swap3A_617 = arith.constant 14 : i32
      %swap3A_618 = arith.index_cast %swap3A_617 : i32 to index
      %swap3A_619 = arith.index_cast %mul3A_616 : i32 to index
      %swap3A_620 = tpu.vector_load %arg11[%swap3A_618, %swap3A_619] {strides = array<i32>} : memref<16x1024xf32, #tpu.memory_space<vmem>>, vector<16xf32>,
      tpu.vector_store %arg11[%swap3A_618, %swap3A_619], %add3A_614 {strides = array<i32>} : memref<16x1024xf32, #tpu.memory_space<vmem>>, vector<16xf32>,
      %broadcast_in_dim3A_621 = arith.constant 15 : i32
      %broadcast_in_dim3A_622 = vector.broadcast %broadcast_in_dim3A_621 : i32 to vector<16xi32>
      %gather3A_623 = tpu.vector_load_idx %arg7[%add3A_458, %broadcast_in_dim3A_622] : memref<1024x16xf32, #tpu.memory_space<vmem>>[vector<16xi32>, vector<16xi32>], vector<16xf32>,
      %gather3A_624 = tpu.vector_load_idx %arg9[%add3A_458, %broadcast_in_dim3A_622] : memref<1024x16xf32, #tpu.memory_space<vmem>>[vector<16xi32>, vector<16xi32>], vector<16xf32>,
      %add3A_625 = arith.addf %gather3A_623, %gather3A_624 : vector<16xf32>
      %mul3A_626 = arith.constant 16 : i32
      %mul3A_627 = arith.muli %add3A_454, %mul3A_626 : i32
      %swap3A_628 = arith.constant 15 : i32
      %swap3A_629 = arith.index_cast %swap3A_628 : i32 to index
      %swap3A_630 = arith.index_cast %mul3A_627 : i32 to index
      %swap3A_631 = tpu.vector_load %arg11[%swap3A_629, %swap3A_630] {strides = array<i32>} : memref<16x1024xf32, #tpu.memory_space<vmem>>, vector<16xf32>,
      tpu.vector_store %arg11[%swap3A_629, %swap3A_630], %add3A_625 {strides = array<i32>} : memref<16x1024xf32, #tpu.memory_space<vmem>>, vector<16xf32>,
    }
    %scan3A_265 = arith.constant 64 : i32
    %add3A_266 = arith.constant 5120 : i32
    %add3A_267 = arith.addi %mul3A_2, %add3A_266 : i32
    %dma_start3A_268 = arith.constant 0 : i32
    %dma_start3A_269 = tpu.memref_slice %arg4[%dma_start3A_268, %add3A_267] : memref<16x327680xf32, #tpu.memory_space<hbm>> -> memref<16x1024xf32, #tpu.memory_space<hbm>>
    %dma_start3A_270 = arith.constant 0 : i32
    %dma_start3A_271 = tpu.memref_slice %arg4[%dma_start3A_270, %add3A_267] : memref<16x327680xf32, #tpu.memory_space<hbm>> -> memref<16x1024xf32, #tpu.memory_space<hbm>>
    tpu.enqueue_dma source(%arg11 : memref<16x1024xf32, #tpu.memory_space<vmem>>) target(%dma_start3A_271 : memref<16x1024xf32, #tpu.memory_space<hbm>>) target_semaphore(%arg13 : memref<!tpu.dma_semaphore, #tpu.memory_space<semaphore_mem>>)
    %dma_start3A_272 = arith.constant 0 : i32
    %dma_start3A_273 = arith.constant 7168 : i32
    %dma_start3A_274 = tpu.memref_slice %arg5[%dma_start3A_272, %dma_start3A_273] : memref<2x10240xi32, #tpu.memory_space<vmem>> -> memref<1x1024xi32, #tpu.memory_space<vmem>>
    %dma_start3A_275 = tpu.memref_squeeze %dma_start3A_274 : memref<1x1024xi32, #tpu.memory_space<vmem>> -> memref<1024xi32, #tpu.memory_space<vmem>>
    %dma_start3A_276 = arith.constant 0 : i32
    %dma_start3A_277 = arith.constant 0 : i32
    %dma_start3A_278 = tpu.memref_slice %arg2[%dma_start3A_276, %dma_start3A_277] : memref<20000x16xf32, #tpu.memory_space<hbm>> -> memref<20000x16xf32, #tpu.memory_space<hbm>>
    tpu.enqueue_indirect_dma source(%dma_start3A_278 : memref<20000x16xf32, #tpu.memory_space<hbm>>) target(%arg7 : memref<1024x16xf32, #tpu.memory_space<vmem>>) offsets(%dma_start3A_275 : memref<1024xi32, #tpu.memory_space<vmem>>) semaphore(%arg12 : memref<!tpu.dma_semaphore, #tpu.memory_space<semaphore_mem>>)
    %dma_start3A_279 = arith.constant 1 : i32
    %dma_start3A_280 = arith.constant 7168 : i32
    %dma_start3A_281 = tpu.memref_slice %arg5[%dma_start3A_279, %dma_start3A_280] : memref<2x10240xi32, #tpu.memory_space<vmem>> -> memref<1x1024xi32, #tpu.memory_space<vmem>>
    %dma_start3A_282 = tpu.memref_squeeze %dma_start3A_281 : memref<1x1024xi32, #tpu.memory_space<vmem>> -> memref<1024xi32, #tpu.memory_space<vmem>>
    %dma_start3A_283 = arith.constant 0 : i32
    %dma_start3A_284 = arith.constant 0 : i32
    %dma_start3A_285 = tpu.memref_slice %arg2[%dma_start3A_283, %dma_start3A_284] : memref<20000x16xf32, #tpu.memory_space<hbm>> -> memref<20000x16xf32, #tpu.memory_space<hbm>>
    tpu.enqueue_indirect_dma source(%dma_start3A_285 : memref<20000x16xf32, #tpu.memory_space<hbm>>) target(%arg9 : memref<1024x16xf32, #tpu.memory_space<vmem>>) offsets(%dma_start3A_282 : memref<1024xi32, #tpu.memory_space<vmem>>) semaphore(%arg12 : memref<!tpu.dma_semaphore, #tpu.memory_space<semaphore_mem>>)
    %dma_wait3A_286 = arith.constant 0 : i32
    %dma_wait3A_287 = arith.constant 6144 : i32
    %dma_wait3A_288 = tpu.memref_slice %arg5[%dma_wait3A_286, %dma_wait3A_287] : memref<2x10240xi32, #tpu.memory_space<vmem>> -> memref<1x1024xi32, #tpu.memory_space<vmem>>
    %dma_wait3A_289 = tpu.memref_squeeze %dma_wait3A_288 : memref<1x1024xi32, #tpu.memory_space<vmem>> -> memref<1024xi32, #tpu.memory_space<vmem>>
    %dma_wait3A_290 = arith.constant 0 : i32
    %dma_wait3A_291 = arith.constant 0 : i32
    %dma_wait3A_292 = tpu.memref_slice %arg2[%dma_wait3A_290, %dma_wait3A_291] : memref<20000x16xf32, #tpu.memory_space<hbm>> -> memref<20000x16xf32, #tpu.memory_space<hbm>>
    tpu.wait_indirect_dma semaphore(%arg12 : memref<!tpu.dma_semaphore, #tpu.memory_space<semaphore_mem>>) src(%dma_wait3A_292 : memref<20000x16xf32, #tpu.memory_space<hbm>>) dst(%arg6 : memref<1024x16xf32, #tpu.memory_space<vmem>>)
    %dma_wait3A_293 = arith.constant 1 : i32
    %dma_wait3A_294 = arith.constant 6144 : i32
    %dma_wait3A_295 = tpu.memref_slice %arg5[%dma_wait3A_293, %dma_wait3A_294] : memref<2x10240xi32, #tpu.memory_space<vmem>> -> memref<1x1024xi32, #tpu.memory_space<vmem>>
    %dma_wait3A_296 = tpu.memref_squeeze %dma_wait3A_295 : memref<1x1024xi32, #tpu.memory_space<vmem>> -> memref<1024xi32, #tpu.memory_space<vmem>>
    %dma_wait3A_297 = arith.constant 0 : i32
    %dma_wait3A_298 = arith.constant 0 : i32
    %dma_wait3A_299 = tpu.memref_slice %arg2[%dma_wait3A_297, %dma_wait3A_298] : memref<20000x16xf32, #tpu.memory_space<hbm>> -> memref<20000x16xf32, #tpu.memory_space<hbm>>
    tpu.wait_indirect_dma semaphore(%arg12 : memref<!tpu.dma_semaphore, #tpu.memory_space<semaphore_mem>>) src(%dma_wait3A_299 : memref<20000x16xf32, #tpu.memory_space<hbm>>) dst(%arg8 : memref<1024x16xf32, #tpu.memory_space<vmem>>)
    %add3A_300 = arith.constant 4096 : i32
    %add3A_301 = arith.addi %mul3A_2, %add3A_300 : i32
    %dma_wait3A_302 = arith.constant 0 : i32
    %dma_wait3A_303 = tpu.memref_slice %arg4[%dma_wait3A_302, %add3A_301] : memref<16x327680xf32, #tpu.memory_space<hbm>> -> memref<16x1024xf32, #tpu.memory_space<hbm>>
    %dma_wait3A_304 = arith.constant 0 : i32
    %dma_wait3A_305 = tpu.memref_slice %arg4[%dma_wait3A_304, %add3A_301] : memref<16x327680xf32, #tpu.memory_space<hbm>> -> memref<16x1024xf32, #tpu.memory_space<hbm>>
    tpu.wait_dma2 semaphore(%arg13 : memref<!tpu.dma_semaphore, #tpu.memory_space<semaphore_mem>>) src(%arg10 : memref<16x1024xf32, #tpu.memory_space<vmem>>) dst(%dma_wait3A_305 : memref<16x1024xf32, #tpu.memory_space<hbm>>)
    %scan3A_306 = arith.constant 0 : i32
    %scan3A_307 = arith.constant 64 : i32
    %scan3A_308 = arith.addi %scan3A_306, %scan3A_307 : i32
    %scan3A_309 = arith.constant 1 : i32
    scf.for %scan3A_450 = %scan3A_306 to %scan3A_308 step %scan3A_309  : i32 {
      %mul3A_451 = arith.constant 1 : i32
      %mul3A_452 = arith.muli %scan3A_450, %mul3A_451 : i32
      %add3A_453 = arith.constant 0 : i32
      %add3A_454 = arith.addi %add3A_453, %mul3A_452 : i32
      %mul3A_455 = arith.constant 16 : i32
      %mul3A_456 = arith.muli %add3A_454, %mul3A_455 : i32
      %add3A_457 = vector.broadcast %mul3A_456 : i32 to vector<16xi32>
      %add3A_458 = arith.addi %add3A_457, %iota3A : vector<16xi32>
      %broadcast_in_dim3A = arith.constant 0 : i32
      %broadcast_in_dim3A_459 = vector.broadcast %broadcast_in_dim3A : i32 to vector<16xi32>
      %gather3A = tpu.vector_load_idx %arg6[%add3A_458, %broadcast_in_dim3A_459] : memref<1024x16xf32, #tpu.memory_space<vmem>>[vector<16xi32>, vector<16xi32>], vector<16xf32>,
      %gather3A_460 = tpu.vector_load_idx %arg8[%add3A_458, %broadcast_in_dim3A_459] : memref<1024x16xf32, #tpu.memory_space<vmem>>[vector<16xi32>, vector<16xi32>], vector<16xf32>,
      %add3A_461 = arith.addf %gather3A, %gather3A_460 : vector<16xf32>
      %mul3A_462 = arith.constant 16 : i32
      %mul3A_463 = arith.muli %add3A_454, %mul3A_462 : i32
      %swap3A = arith.constant 0 : i32
      %swap3A_464 = arith.index_cast %swap3A : i32 to index
      %swap3A_465 = arith.index_cast %mul3A_463 : i32 to index
      %swap3A_466 = tpu.vector_load %arg10[%swap3A_464, %swap3A_465] {strides = array<i32>} : memref<16x1024xf32, #tpu.memory_space<vmem>>, vector<16xf32>,
      tpu.vector_store %arg10[%swap3A_464, %swap3A_465], %add3A_461 {strides = array<i32>} : memref<16x1024xf32, #tpu.memory_space<vmem>>, vector<16xf32>,
      %broadcast_in_dim3A_467 = arith.constant 1 : i32
      %broadcast_in_dim3A_468 = vector.broadcast %broadcast_in_dim3A_467 : i32 to vector<16xi32>
      %gather3A_469 = tpu.vector_load_idx %arg6[%add3A_458, %broadcast_in_dim3A_468] : memref<1024x16xf32, #tpu.memory_space<vmem>>[vector<16xi32>, vector<16xi32>], vector<16xf32>,
      %gather3A_470 = tpu.vector_load_idx %arg8[%add3A_458, %broadcast_in_dim3A_468] : memref<1024x16xf32, #tpu.memory_space<vmem>>[vector<16xi32>, vector<16xi32>], vector<16xf32>,
      %add3A_471 = arith.addf %gather3A_469, %gather3A_470 : vector<16xf32>
      %mul3A_472 = arith.constant 16 : i32
      %mul3A_473 = arith.muli %add3A_454, %mul3A_472 : i32
      %swap3A_474 = arith.constant 1 : i32
      %swap3A_475 = arith.index_cast %swap3A_474 : i32 to index
      %swap3A_476 = arith.index_cast %mul3A_473 : i32 to index
      %swap3A_477 = tpu.vector_load %arg10[%swap3A_475, %swap3A_476] {strides = array<i32>} : memref<16x1024xf32, #tpu.memory_space<vmem>>, vector<16xf32>,
      tpu.vector_store %arg10[%swap3A_475, %swap3A_476], %add3A_471 {strides = array<i32>} : memref<16x1024xf32, #tpu.memory_space<vmem>>, vector<16xf32>,
      %broadcast_in_dim3A_478 = arith.constant 2 : i32
      %broadcast_in_dim3A_479 = vector.broadcast %broadcast_in_dim3A_478 : i32 to vector<16xi32>
      %gather3A_480 = tpu.vector_load_idx %arg6[%add3A_458, %broadcast_in_dim3A_479] : memref<1024x16xf32, #tpu.memory_space<vmem>>[vector<16xi32>, vector<16xi32>], vector<16xf32>,
      %gather3A_481 = tpu.vector_load_idx %arg8[%add3A_458, %broadcast_in_dim3A_479] : memref<1024x16xf32, #tpu.memory_space<vmem>>[vector<16xi32>, vector<16xi32>], vector<16xf32>,
      %add3A_482 = arith.addf %gather3A_480, %gather3A_481 : vector<16xf32>
      %mul3A_483 = arith.constant 16 : i32
      %mul3A_484 = arith.muli %add3A_454, %mul3A_483 : i32
      %swap3A_485 = arith.constant 2 : i32
      %swap3A_486 = arith.index_cast %swap3A_485 : i32 to index
      %swap3A_487 = arith.index_cast %mul3A_484 : i32 to index
      %swap3A_488 = tpu.vector_load %arg10[%swap3A_486, %swap3A_487] {strides = array<i32>} : memref<16x1024xf32, #tpu.memory_space<vmem>>, vector<16xf32>,
      tpu.vector_store %arg10[%swap3A_486, %swap3A_487], %add3A_482 {strides = array<i32>} : memref<16x1024xf32, #tpu.memory_space<vmem>>, vector<16xf32>,
      %broadcast_in_dim3A_489 = arith.constant 3 : i32
      %broadcast_in_dim3A_490 = vector.broadcast %broadcast_in_dim3A_489 : i32 to vector<16xi32>
      %gather3A_491 = tpu.vector_load_idx %arg6[%add3A_458, %broadcast_in_dim3A_490] : memref<1024x16xf32, #tpu.memory_space<vmem>>[vector<16xi32>, vector<16xi32>], vector<16xf32>,
      %gather3A_492 = tpu.vector_load_idx %arg8[%add3A_458, %broadcast_in_dim3A_490] : memref<1024x16xf32, #tpu.memory_space<vmem>>[vector<16xi32>, vector<16xi32>], vector<16xf32>,
      %add3A_493 = arith.addf %gather3A_491, %gather3A_492 : vector<16xf32>
      %mul3A_494 = arith.constant 16 : i32
      %mul3A_495 = arith.muli %add3A_454, %mul3A_494 : i32
      %swap3A_496 = arith.constant 3 : i32
      %swap3A_497 = arith.index_cast %swap3A_496 : i32 to index
      %swap3A_498 = arith.index_cast %mul3A_495 : i32 to index
      %swap3A_499 = tpu.vector_load %arg10[%swap3A_497, %swap3A_498] {strides = array<i32>} : memref<16x1024xf32, #tpu.memory_space<vmem>>, vector<16xf32>,
      tpu.vector_store %arg10[%swap3A_497, %swap3A_498], %add3A_493 {strides = array<i32>} : memref<16x1024xf32, #tpu.memory_space<vmem>>, vector<16xf32>,
      %broadcast_in_dim3A_500 = arith.constant 4 : i32
      %broadcast_in_dim3A_501 = vector.broadcast %broadcast_in_dim3A_500 : i32 to vector<16xi32>
      %gather3A_502 = tpu.vector_load_idx %arg6[%add3A_458, %broadcast_in_dim3A_501] : memref<1024x16xf32, #tpu.memory_space<vmem>>[vector<16xi32>, vector<16xi32>], vector<16xf32>,
      %gather3A_503 = tpu.vector_load_idx %arg8[%add3A_458, %broadcast_in_dim3A_501] : memref<1024x16xf32, #tpu.memory_space<vmem>>[vector<16xi32>, vector<16xi32>], vector<16xf32>,
      %add3A_504 = arith.addf %gather3A_502, %gather3A_503 : vector<16xf32>
      %mul3A_505 = arith.constant 16 : i32
      %mul3A_506 = arith.muli %add3A_454, %mul3A_505 : i32
      %swap3A_507 = arith.constant 4 : i32
      %swap3A_508 = arith.index_cast %swap3A_507 : i32 to index
      %swap3A_509 = arith.index_cast %mul3A_506 : i32 to index
      %swap3A_510 = tpu.vector_load %arg10[%swap3A_508, %swap3A_509] {strides = array<i32>} : memref<16x1024xf32, #tpu.memory_space<vmem>>, vector<16xf32>,
      tpu.vector_store %arg10[%swap3A_508, %swap3A_509], %add3A_504 {strides = array<i32>} : memref<16x1024xf32, #tpu.memory_space<vmem>>, vector<16xf32>,
      %broadcast_in_dim3A_511 = arith.constant 5 : i32
      %broadcast_in_dim3A_512 = vector.broadcast %broadcast_in_dim3A_511 : i32 to vector<16xi32>
      %gather3A_513 = tpu.vector_load_idx %arg6[%add3A_458, %broadcast_in_dim3A_512] : memref<1024x16xf32, #tpu.memory_space<vmem>>[vector<16xi32>, vector<16xi32>], vector<16xf32>,
      %gather3A_514 = tpu.vector_load_idx %arg8[%add3A_458, %broadcast_in_dim3A_512] : memref<1024x16xf32, #tpu.memory_space<vmem>>[vector<16xi32>, vector<16xi32>], vector<16xf32>,
      %add3A_515 = arith.addf %gather3A_513, %gather3A_514 : vector<16xf32>
      %mul3A_516 = arith.constant 16 : i32
      %mul3A_517 = arith.muli %add3A_454, %mul3A_516 : i32
      %swap3A_518 = arith.constant 5 : i32
      %swap3A_519 = arith.index_cast %swap3A_518 : i32 to index
      %swap3A_520 = arith.index_cast %mul3A_517 : i32 to index
      %swap3A_521 = tpu.vector_load %arg10[%swap3A_519, %swap3A_520] {strides = array<i32>} : memref<16x1024xf32, #tpu.memory_space<vmem>>, vector<16xf32>,
      tpu.vector_store %arg10[%swap3A_519, %swap3A_520], %add3A_515 {strides = array<i32>} : memref<16x1024xf32, #tpu.memory_space<vmem>>, vector<16xf32>,
      %broadcast_in_dim3A_522 = arith.constant 6 : i32
      %broadcast_in_dim3A_523 = vector.broadcast %broadcast_in_dim3A_522 : i32 to vector<16xi32>
      %gather3A_524 = tpu.vector_load_idx %arg6[%add3A_458, %broadcast_in_dim3A_523] : memref<1024x16xf32, #tpu.memory_space<vmem>>[vector<16xi32>, vector<16xi32>], vector<16xf32>,
      %gather3A_525 = tpu.vector_load_idx %arg8[%add3A_458, %broadcast_in_dim3A_523] : memref<1024x16xf32, #tpu.memory_space<vmem>>[vector<16xi32>, vector<16xi32>], vector<16xf32>,
      %add3A_526 = arith.addf %gather3A_524, %gather3A_525 : vector<16xf32>
      %mul3A_527 = arith.constant 16 : i32
      %mul3A_528 = arith.muli %add3A_454, %mul3A_527 : i32
      %swap3A_529 = arith.constant 6 : i32
      %swap3A_530 = arith.index_cast %swap3A_529 : i32 to index
      %swap3A_531 = arith.index_cast %mul3A_528 : i32 to index
      %swap3A_532 = tpu.vector_load %arg10[%swap3A_530, %swap3A_531] {strides = array<i32>} : memref<16x1024xf32, #tpu.memory_space<vmem>>, vector<16xf32>,
      tpu.vector_store %arg10[%swap3A_530, %swap3A_531], %add3A_526 {strides = array<i32>} : memref<16x1024xf32, #tpu.memory_space<vmem>>, vector<16xf32>,
      %broadcast_in_dim3A_533 = arith.constant 7 : i32
      %broadcast_in_dim3A_534 = vector.broadcast %broadcast_in_dim3A_533 : i32 to vector<16xi32>
      %gather3A_535 = tpu.vector_load_idx %arg6[%add3A_458, %broadcast_in_dim3A_534] : memref<1024x16xf32, #tpu.memory_space<vmem>>[vector<16xi32>, vector<16xi32>], vector<16xf32>,
      %gather3A_536 = tpu.vector_load_idx %arg8[%add3A_458, %broadcast_in_dim3A_534] : memref<1024x16xf32, #tpu.memory_space<vmem>>[vector<16xi32>, vector<16xi32>], vector<16xf32>,
      %add3A_537 = arith.addf %gather3A_535, %gather3A_536 : vector<16xf32>
      %mul3A_538 = arith.constant 16 : i32
      %mul3A_539 = arith.muli %add3A_454, %mul3A_538 : i32
      %swap3A_540 = arith.constant 7 : i32
      %swap3A_541 = arith.index_cast %swap3A_540 : i32 to index
      %swap3A_542 = arith.index_cast %mul3A_539 : i32 to index
      %swap3A_543 = tpu.vector_load %arg10[%swap3A_541, %swap3A_542] {strides = array<i32>} : memref<16x1024xf32, #tpu.memory_space<vmem>>, vector<16xf32>,
      tpu.vector_store %arg10[%swap3A_541, %swap3A_542], %add3A_537 {strides = array<i32>} : memref<16x1024xf32, #tpu.memory_space<vmem>>, vector<16xf32>,
      %broadcast_in_dim3A_544 = arith.constant 8 : i32
      %broadcast_in_dim3A_545 = vector.broadcast %broadcast_in_dim3A_544 : i32 to vector<16xi32>
      %gather3A_546 = tpu.vector_load_idx %arg6[%add3A_458, %broadcast_in_dim3A_545] : memref<1024x16xf32, #tpu.memory_space<vmem>>[vector<16xi32>, vector<16xi32>], vector<16xf32>,
      %gather3A_547 = tpu.vector_load_idx %arg8[%add3A_458, %broadcast_in_dim3A_545] : memref<1024x16xf32, #tpu.memory_space<vmem>>[vector<16xi32>, vector<16xi32>], vector<16xf32>,
      %add3A_548 = arith.addf %gather3A_546, %gather3A_547 : vector<16xf32>
      %mul3A_549 = arith.constant 16 : i32
      %mul3A_550 = arith.muli %add3A_454, %mul3A_549 : i32
      %swap3A_551 = arith.constant 8 : i32
      %swap3A_552 = arith.index_cast %swap3A_551 : i32 to index
      %swap3A_553 = arith.index_cast %mul3A_550 : i32 to index
      %swap3A_554 = tpu.vector_load %arg10[%swap3A_552, %swap3A_553] {strides = array<i32>} : memref<16x1024xf32, #tpu.memory_space<vmem>>, vector<16xf32>,
      tpu.vector_store %arg10[%swap3A_552, %swap3A_553], %add3A_548 {strides = array<i32>} : memref<16x1024xf32, #tpu.memory_space<vmem>>, vector<16xf32>,
      %broadcast_in_dim3A_555 = arith.constant 9 : i32
      %broadcast_in_dim3A_556 = vector.broadcast %broadcast_in_dim3A_555 : i32 to vector<16xi32>
      %gather3A_557 = tpu.vector_load_idx %arg6[%add3A_458, %broadcast_in_dim3A_556] : memref<1024x16xf32, #tpu.memory_space<vmem>>[vector<16xi32>, vector<16xi32>], vector<16xf32>,
      %gather3A_558 = tpu.vector_load_idx %arg8[%add3A_458, %broadcast_in_dim3A_556] : memref<1024x16xf32, #tpu.memory_space<vmem>>[vector<16xi32>, vector<16xi32>], vector<16xf32>,
      %add3A_559 = arith.addf %gather3A_557, %gather3A_558 : vector<16xf32>
      %mul3A_560 = arith.constant 16 : i32
      %mul3A_561 = arith.muli %add3A_454, %mul3A_560 : i32
      %swap3A_562 = arith.constant 9 : i32
      %swap3A_563 = arith.index_cast %swap3A_562 : i32 to index
      %swap3A_564 = arith.index_cast %mul3A_561 : i32 to index
      %swap3A_565 = tpu.vector_load %arg10[%swap3A_563, %swap3A_564] {strides = array<i32>} : memref<16x1024xf32, #tpu.memory_space<vmem>>, vector<16xf32>,
      tpu.vector_store %arg10[%swap3A_563, %swap3A_564], %add3A_559 {strides = array<i32>} : memref<16x1024xf32, #tpu.memory_space<vmem>>, vector<16xf32>,
      %broadcast_in_dim3A_566 = arith.constant 10 : i32
      %broadcast_in_dim3A_567 = vector.broadcast %broadcast_in_dim3A_566 : i32 to vector<16xi32>
      %gather3A_568 = tpu.vector_load_idx %arg6[%add3A_458, %broadcast_in_dim3A_567] : memref<1024x16xf32, #tpu.memory_space<vmem>>[vector<16xi32>, vector<16xi32>], vector<16xf32>,
      %gather3A_569 = tpu.vector_load_idx %arg8[%add3A_458, %broadcast_in_dim3A_567] : memref<1024x16xf32, #tpu.memory_space<vmem>>[vector<16xi32>, vector<16xi32>], vector<16xf32>,
      %add3A_570 = arith.addf %gather3A_568, %gather3A_569 : vector<16xf32>
      %mul3A_571 = arith.constant 16 : i32
      %mul3A_572 = arith.muli %add3A_454, %mul3A_571 : i32
      %swap3A_573 = arith.constant 10 : i32
      %swap3A_574 = arith.index_cast %swap3A_573 : i32 to index
      %swap3A_575 = arith.index_cast %mul3A_572 : i32 to index
      %swap3A_576 = tpu.vector_load %arg10[%swap3A_574, %swap3A_575] {strides = array<i32>} : memref<16x1024xf32, #tpu.memory_space<vmem>>, vector<16xf32>,
      tpu.vector_store %arg10[%swap3A_574, %swap3A_575], %add3A_570 {strides = array<i32>} : memref<16x1024xf32, #tpu.memory_space<vmem>>, vector<16xf32>,
      %broadcast_in_dim3A_577 = arith.constant 11 : i32
      %broadcast_in_dim3A_578 = vector.broadcast %broadcast_in_dim3A_577 : i32 to vector<16xi32>
      %gather3A_579 = tpu.vector_load_idx %arg6[%add3A_458, %broadcast_in_dim3A_578] : memref<1024x16xf32, #tpu.memory_space<vmem>>[vector<16xi32>, vector<16xi32>], vector<16xf32>,
      %gather3A_580 = tpu.vector_load_idx %arg8[%add3A_458, %broadcast_in_dim3A_578] : memref<1024x16xf32, #tpu.memory_space<vmem>>[vector<16xi32>, vector<16xi32>], vector<16xf32>,
      %add3A_581 = arith.addf %gather3A_579, %gather3A_580 : vector<16xf32>
      %mul3A_582 = arith.constant 16 : i32
      %mul3A_583 = arith.muli %add3A_454, %mul3A_582 : i32
      %swap3A_584 = arith.constant 11 : i32
      %swap3A_585 = arith.index_cast %swap3A_584 : i32 to index
      %swap3A_586 = arith.index_cast %mul3A_583 : i32 to index
      %swap3A_587 = tpu.vector_load %arg10[%swap3A_585, %swap3A_586] {strides = array<i32>} : memref<16x1024xf32, #tpu.memory_space<vmem>>, vector<16xf32>,
      tpu.vector_store %arg10[%swap3A_585, %swap3A_586], %add3A_581 {strides = array<i32>} : memref<16x1024xf32, #tpu.memory_space<vmem>>, vector<16xf32>,
      %broadcast_in_dim3A_588 = arith.constant 12 : i32
      %broadcast_in_dim3A_589 = vector.broadcast %broadcast_in_dim3A_588 : i32 to vector<16xi32>
      %gather3A_590 = tpu.vector_load_idx %arg6[%add3A_458, %broadcast_in_dim3A_589] : memref<1024x16xf32, #tpu.memory_space<vmem>>[vector<16xi32>, vector<16xi32>], vector<16xf32>,
      %gather3A_591 = tpu.vector_load_idx %arg8[%add3A_458, %broadcast_in_dim3A_589] : memref<1024x16xf32, #tpu.memory_space<vmem>>[vector<16xi32>, vector<16xi32>], vector<16xf32>,
      %add3A_592 = arith.addf %gather3A_590, %gather3A_591 : vector<16xf32>
      %mul3A_593 = arith.constant 16 : i32
      %mul3A_594 = arith.muli %add3A_454, %mul3A_593 : i32
      %swap3A_595 = arith.constant 12 : i32
      %swap3A_596 = arith.index_cast %swap3A_595 : i32 to index
      %swap3A_597 = arith.index_cast %mul3A_594 : i32 to index
      %swap3A_598 = tpu.vector_load %arg10[%swap3A_596, %swap3A_597] {strides = array<i32>} : memref<16x1024xf32, #tpu.memory_space<vmem>>, vector<16xf32>,
      tpu.vector_store %arg10[%swap3A_596, %swap3A_597], %add3A_592 {strides = array<i32>} : memref<16x1024xf32, #tpu.memory_space<vmem>>, vector<16xf32>,
      %broadcast_in_dim3A_599 = arith.constant 13 : i32
      %broadcast_in_dim3A_600 = vector.broadcast %broadcast_in_dim3A_599 : i32 to vector<16xi32>
      %gather3A_601 = tpu.vector_load_idx %arg6[%add3A_458, %broadcast_in_dim3A_600] : memref<1024x16xf32, #tpu.memory_space<vmem>>[vector<16xi32>, vector<16xi32>], vector<16xf32>,
      %gather3A_602 = tpu.vector_load_idx %arg8[%add3A_458, %broadcast_in_dim3A_600] : memref<1024x16xf32, #tpu.memory_space<vmem>>[vector<16xi32>, vector<16xi32>], vector<16xf32>,
      %add3A_603 = arith.addf %gather3A_601, %gather3A_602 : vector<16xf32>
      %mul3A_604 = arith.constant 16 : i32
      %mul3A_605 = arith.muli %add3A_454, %mul3A_604 : i32
      %swap3A_606 = arith.constant 13 : i32
      %swap3A_607 = arith.index_cast %swap3A_606 : i32 to index
      %swap3A_608 = arith.index_cast %mul3A_605 : i32 to index
      %swap3A_609 = tpu.vector_load %arg10[%swap3A_607, %swap3A_608] {strides = array<i32>} : memref<16x1024xf32, #tpu.memory_space<vmem>>, vector<16xf32>,
      tpu.vector_store %arg10[%swap3A_607, %swap3A_608], %add3A_603 {strides = array<i32>} : memref<16x1024xf32, #tpu.memory_space<vmem>>, vector<16xf32>,
      %broadcast_in_dim3A_610 = arith.constant 14 : i32
      %broadcast_in_dim3A_611 = vector.broadcast %broadcast_in_dim3A_610 : i32 to vector<16xi32>
      %gather3A_612 = tpu.vector_load_idx %arg6[%add3A_458, %broadcast_in_dim3A_611] : memref<1024x16xf32, #tpu.memory_space<vmem>>[vector<16xi32>, vector<16xi32>], vector<16xf32>,
      %gather3A_613 = tpu.vector_load_idx %arg8[%add3A_458, %broadcast_in_dim3A_611] : memref<1024x16xf32, #tpu.memory_space<vmem>>[vector<16xi32>, vector<16xi32>], vector<16xf32>,
      %add3A_614 = arith.addf %gather3A_612, %gather3A_613 : vector<16xf32>
      %mul3A_615 = arith.constant 16 : i32
      %mul3A_616 = arith.muli %add3A_454, %mul3A_615 : i32
      %swap3A_617 = arith.constant 14 : i32
      %swap3A_618 = arith.index_cast %swap3A_617 : i32 to index
      %swap3A_619 = arith.index_cast %mul3A_616 : i32 to index
      %swap3A_620 = tpu.vector_load %arg10[%swap3A_618, %swap3A_619] {strides = array<i32>} : memref<16x1024xf32, #tpu.memory_space<vmem>>, vector<16xf32>,
      tpu.vector_store %arg10[%swap3A_618, %swap3A_619], %add3A_614 {strides = array<i32>} : memref<16x1024xf32, #tpu.memory_space<vmem>>, vector<16xf32>,
      %broadcast_in_dim3A_621 = arith.constant 15 : i32
      %broadcast_in_dim3A_622 = vector.broadcast %broadcast_in_dim3A_621 : i32 to vector<16xi32>
      %gather3A_623 = tpu.vector_load_idx %arg6[%add3A_458, %broadcast_in_dim3A_622] : memref<1024x16xf32, #tpu.memory_space<vmem>>[vector<16xi32>, vector<16xi32>], vector<16xf32>,
      %gather3A_624 = tpu.vector_load_idx %arg8[%add3A_458, %broadcast_in_dim3A_622] : memref<1024x16xf32, #tpu.memory_space<vmem>>[vector<16xi32>, vector<16xi32>], vector<16xf32>,
      %add3A_625 = arith.addf %gather3A_623, %gather3A_624 : vector<16xf32>
      %mul3A_626 = arith.constant 16 : i32
      %mul3A_627 = arith.muli %add3A_454, %mul3A_626 : i32
      %swap3A_628 = arith.constant 15 : i32
      %swap3A_629 = arith.index_cast %swap3A_628 : i32 to index
      %swap3A_630 = arith.index_cast %mul3A_627 : i32 to index
      %swap3A_631 = tpu.vector_load %arg10[%swap3A_629, %swap3A_630] {strides = array<i32>} : memref<16x1024xf32, #tpu.memory_space<vmem>>, vector<16xf32>,
      tpu.vector_store %arg10[%swap3A_629, %swap3A_630], %add3A_625 {strides = array<i32>} : memref<16x1024xf32, #tpu.memory_space<vmem>>, vector<16xf32>,
    }
    %scan3A_310 = arith.constant 64 : i32
    %add3A_311 = arith.constant 6144 : i32
    %add3A_312 = arith.addi %mul3A_2, %add3A_311 : i32
    %dma_start3A_313 = arith.constant 0 : i32
    %dma_start3A_314 = tpu.memref_slice %arg4[%dma_start3A_313, %add3A_312] : memref<16x327680xf32, #tpu.memory_space<hbm>> -> memref<16x1024xf32, #tpu.memory_space<hbm>>
    %dma_start3A_315 = arith.constant 0 : i32
    %dma_start3A_316 = tpu.memref_slice %arg4[%dma_start3A_315, %add3A_312] : memref<16x327680xf32, #tpu.memory_space<hbm>> -> memref<16x1024xf32, #tpu.memory_space<hbm>>
    tpu.enqueue_dma source(%arg10 : memref<16x1024xf32, #tpu.memory_space<vmem>>) target(%dma_start3A_316 : memref<16x1024xf32, #tpu.memory_space<hbm>>) target_semaphore(%arg13 : memref<!tpu.dma_semaphore, #tpu.memory_space<semaphore_mem>>)
    %dma_start3A_317 = arith.constant 0 : i32
    %dma_start3A_318 = arith.constant 8192 : i32
    %dma_start3A_319 = tpu.memref_slice %arg5[%dma_start3A_317, %dma_start3A_318] : memref<2x10240xi32, #tpu.memory_space<vmem>> -> memref<1x1024xi32, #tpu.memory_space<vmem>>
    %dma_start3A_320 = tpu.memref_squeeze %dma_start3A_319 : memref<1x1024xi32, #tpu.memory_space<vmem>> -> memref<1024xi32, #tpu.memory_space<vmem>>
    %dma_start3A_321 = arith.constant 0 : i32
    %dma_start3A_322 = arith.constant 0 : i32
    %dma_start3A_323 = tpu.memref_slice %arg2[%dma_start3A_321, %dma_start3A_322] : memref<20000x16xf32, #tpu.memory_space<hbm>> -> memref<20000x16xf32, #tpu.memory_space<hbm>>
    tpu.enqueue_indirect_dma source(%dma_start3A_323 : memref<20000x16xf32, #tpu.memory_space<hbm>>) target(%arg6 : memref<1024x16xf32, #tpu.memory_space<vmem>>) offsets(%dma_start3A_320 : memref<1024xi32, #tpu.memory_space<vmem>>) semaphore(%arg12 : memref<!tpu.dma_semaphore, #tpu.memory_space<semaphore_mem>>)
    %dma_start3A_324 = arith.constant 1 : i32
    %dma_start3A_325 = arith.constant 8192 : i32
    %dma_start3A_326 = tpu.memref_slice %arg5[%dma_start3A_324, %dma_start3A_325] : memref<2x10240xi32, #tpu.memory_space<vmem>> -> memref<1x1024xi32, #tpu.memory_space<vmem>>
    %dma_start3A_327 = tpu.memref_squeeze %dma_start3A_326 : memref<1x1024xi32, #tpu.memory_space<vmem>> -> memref<1024xi32, #tpu.memory_space<vmem>>
    %dma_start3A_328 = arith.constant 0 : i32
    %dma_start3A_329 = arith.constant 0 : i32
    %dma_start3A_330 = tpu.memref_slice %arg2[%dma_start3A_328, %dma_start3A_329] : memref<20000x16xf32, #tpu.memory_space<hbm>> -> memref<20000x16xf32, #tpu.memory_space<hbm>>
    tpu.enqueue_indirect_dma source(%dma_start3A_330 : memref<20000x16xf32, #tpu.memory_space<hbm>>) target(%arg8 : memref<1024x16xf32, #tpu.memory_space<vmem>>) offsets(%dma_start3A_327 : memref<1024xi32, #tpu.memory_space<vmem>>) semaphore(%arg12 : memref<!tpu.dma_semaphore, #tpu.memory_space<semaphore_mem>>)
    %dma_wait3A_331 = arith.constant 0 : i32
    %dma_wait3A_332 = arith.constant 7168 : i32
    %dma_wait3A_333 = tpu.memref_slice %arg5[%dma_wait3A_331, %dma_wait3A_332] : memref<2x10240xi32, #tpu.memory_space<vmem>> -> memref<1x1024xi32, #tpu.memory_space<vmem>>
    %dma_wait3A_334 = tpu.memref_squeeze %dma_wait3A_333 : memref<1x1024xi32, #tpu.memory_space<vmem>> -> memref<1024xi32, #tpu.memory_space<vmem>>
    %dma_wait3A_335 = arith.constant 0 : i32
    %dma_wait3A_336 = arith.constant 0 : i32
    %dma_wait3A_337 = tpu.memref_slice %arg2[%dma_wait3A_335, %dma_wait3A_336] : memref<20000x16xf32, #tpu.memory_space<hbm>> -> memref<20000x16xf32, #tpu.memory_space<hbm>>
    tpu.wait_indirect_dma semaphore(%arg12 : memref<!tpu.dma_semaphore, #tpu.memory_space<semaphore_mem>>) src(%dma_wait3A_337 : memref<20000x16xf32, #tpu.memory_space<hbm>>) dst(%arg7 : memref<1024x16xf32, #tpu.memory_space<vmem>>)
    %dma_wait3A_338 = arith.constant 1 : i32
    %dma_wait3A_339 = arith.constant 7168 : i32
    %dma_wait3A_340 = tpu.memref_slice %arg5[%dma_wait3A_338, %dma_wait3A_339] : memref<2x10240xi32, #tpu.memory_space<vmem>> -> memref<1x1024xi32, #tpu.memory_space<vmem>>
    %dma_wait3A_341 = tpu.memref_squeeze %dma_wait3A_340 : memref<1x1024xi32, #tpu.memory_space<vmem>> -> memref<1024xi32, #tpu.memory_space<vmem>>
    %dma_wait3A_342 = arith.constant 0 : i32
    %dma_wait3A_343 = arith.constant 0 : i32
    %dma_wait3A_344 = tpu.memref_slice %arg2[%dma_wait3A_342, %dma_wait3A_343] : memref<20000x16xf32, #tpu.memory_space<hbm>> -> memref<20000x16xf32, #tpu.memory_space<hbm>>
    tpu.wait_indirect_dma semaphore(%arg12 : memref<!tpu.dma_semaphore, #tpu.memory_space<semaphore_mem>>) src(%dma_wait3A_344 : memref<20000x16xf32, #tpu.memory_space<hbm>>) dst(%arg9 : memref<1024x16xf32, #tpu.memory_space<vmem>>)
    %add3A_345 = arith.constant 5120 : i32
    %add3A_346 = arith.addi %mul3A_2, %add3A_345 : i32
    %dma_wait3A_347 = arith.constant 0 : i32
    %dma_wait3A_348 = tpu.memref_slice %arg4[%dma_wait3A_347, %add3A_346] : memref<16x327680xf32, #tpu.memory_space<hbm>> -> memref<16x1024xf32, #tpu.memory_space<hbm>>
    %dma_wait3A_349 = arith.constant 0 : i32
    %dma_wait3A_350 = tpu.memref_slice %arg4[%dma_wait3A_349, %add3A_346] : memref<16x327680xf32, #tpu.memory_space<hbm>> -> memref<16x1024xf32, #tpu.memory_space<hbm>>
    tpu.wait_dma2 semaphore(%arg13 : memref<!tpu.dma_semaphore, #tpu.memory_space<semaphore_mem>>) src(%arg11 : memref<16x1024xf32, #tpu.memory_space<vmem>>) dst(%dma_wait3A_350 : memref<16x1024xf32, #tpu.memory_space<hbm>>)
    %scan3A_351 = arith.constant 0 : i32
    %scan3A_352 = arith.constant 64 : i32
    %scan3A_353 = arith.addi %scan3A_351, %scan3A_352 : i32
    %scan3A_354 = arith.constant 1 : i32
    scf.for %scan3A_450 = %scan3A_351 to %scan3A_353 step %scan3A_354  : i32 {
      %mul3A_451 = arith.constant 1 : i32
      %mul3A_452 = arith.muli %scan3A_450, %mul3A_451 : i32
      %add3A_453 = arith.constant 0 : i32
      %add3A_454 = arith.addi %add3A_453, %mul3A_452 : i32
      %mul3A_455 = arith.constant 16 : i32
      %mul3A_456 = arith.muli %add3A_454, %mul3A_455 : i32
      %add3A_457 = vector.broadcast %mul3A_456 : i32 to vector<16xi32>
      %add3A_458 = arith.addi %add3A_457, %iota3A : vector<16xi32>
      %broadcast_in_dim3A = arith.constant 0 : i32
      %broadcast_in_dim3A_459 = vector.broadcast %broadcast_in_dim3A : i32 to vector<16xi32>
      %gather3A = tpu.vector_load_idx %arg7[%add3A_458, %broadcast_in_dim3A_459] : memref<1024x16xf32, #tpu.memory_space<vmem>>[vector<16xi32>, vector<16xi32>], vector<16xf32>,
      %gather3A_460 = tpu.vector_load_idx %arg9[%add3A_458, %broadcast_in_dim3A_459] : memref<1024x16xf32, #tpu.memory_space<vmem>>[vector<16xi32>, vector<16xi32>], vector<16xf32>,
      %add3A_461 = arith.addf %gather3A, %gather3A_460 : vector<16xf32>
      %mul3A_462 = arith.constant 16 : i32
      %mul3A_463 = arith.muli %add3A_454, %mul3A_462 : i32
      %swap3A = arith.constant 0 : i32
      %swap3A_464 = arith.index_cast %swap3A : i32 to index
      %swap3A_465 = arith.index_cast %mul3A_463 : i32 to index
      %swap3A_466 = tpu.vector_load %arg11[%swap3A_464, %swap3A_465] {strides = array<i32>} : memref<16x1024xf32, #tpu.memory_space<vmem>>, vector<16xf32>,
      tpu.vector_store %arg11[%swap3A_464, %swap3A_465], %add3A_461 {strides = array<i32>} : memref<16x1024xf32, #tpu.memory_space<vmem>>, vector<16xf32>,
      %broadcast_in_dim3A_467 = arith.constant 1 : i32
      %broadcast_in_dim3A_468 = vector.broadcast %broadcast_in_dim3A_467 : i32 to vector<16xi32>
      %gather3A_469 = tpu.vector_load_idx %arg7[%add3A_458, %broadcast_in_dim3A_468] : memref<1024x16xf32, #tpu.memory_space<vmem>>[vector<16xi32>, vector<16xi32>], vector<16xf32>,
      %gather3A_470 = tpu.vector_load_idx %arg9[%add3A_458, %broadcast_in_dim3A_468] : memref<1024x16xf32, #tpu.memory_space<vmem>>[vector<16xi32>, vector<16xi32>], vector<16xf32>,
      %add3A_471 = arith.addf %gather3A_469, %gather3A_470 : vector<16xf32>
      %mul3A_472 = arith.constant 16 : i32
      %mul3A_473 = arith.muli %add3A_454, %mul3A_472 : i32
      %swap3A_474 = arith.constant 1 : i32
      %swap3A_475 = arith.index_cast %swap3A_474 : i32 to index
      %swap3A_476 = arith.index_cast %mul3A_473 : i32 to index
      %swap3A_477 = tpu.vector_load %arg11[%swap3A_475, %swap3A_476] {strides = array<i32>} : memref<16x1024xf32, #tpu.memory_space<vmem>>, vector<16xf32>,
      tpu.vector_store %arg11[%swap3A_475, %swap3A_476], %add3A_471 {strides = array<i32>} : memref<16x1024xf32, #tpu.memory_space<vmem>>, vector<16xf32>,
      %broadcast_in_dim3A_478 = arith.constant 2 : i32
      %broadcast_in_dim3A_479 = vector.broadcast %broadcast_in_dim3A_478 : i32 to vector<16xi32>
      %gather3A_480 = tpu.vector_load_idx %arg7[%add3A_458, %broadcast_in_dim3A_479] : memref<1024x16xf32, #tpu.memory_space<vmem>>[vector<16xi32>, vector<16xi32>], vector<16xf32>,
      %gather3A_481 = tpu.vector_load_idx %arg9[%add3A_458, %broadcast_in_dim3A_479] : memref<1024x16xf32, #tpu.memory_space<vmem>>[vector<16xi32>, vector<16xi32>], vector<16xf32>,
      %add3A_482 = arith.addf %gather3A_480, %gather3A_481 : vector<16xf32>
      %mul3A_483 = arith.constant 16 : i32
      %mul3A_484 = arith.muli %add3A_454, %mul3A_483 : i32
      %swap3A_485 = arith.constant 2 : i32
      %swap3A_486 = arith.index_cast %swap3A_485 : i32 to index
      %swap3A_487 = arith.index_cast %mul3A_484 : i32 to index
      %swap3A_488 = tpu.vector_load %arg11[%swap3A_486, %swap3A_487] {strides = array<i32>} : memref<16x1024xf32, #tpu.memory_space<vmem>>, vector<16xf32>,
      tpu.vector_store %arg11[%swap3A_486, %swap3A_487], %add3A_482 {strides = array<i32>} : memref<16x1024xf32, #tpu.memory_space<vmem>>, vector<16xf32>,
      %broadcast_in_dim3A_489 = arith.constant 3 : i32
      %broadcast_in_dim3A_490 = vector.broadcast %broadcast_in_dim3A_489 : i32 to vector<16xi32>
      %gather3A_491 = tpu.vector_load_idx %arg7[%add3A_458, %broadcast_in_dim3A_490] : memref<1024x16xf32, #tpu.memory_space<vmem>>[vector<16xi32>, vector<16xi32>], vector<16xf32>,
      %gather3A_492 = tpu.vector_load_idx %arg9[%add3A_458, %broadcast_in_dim3A_490] : memref<1024x16xf32, #tpu.memory_space<vmem>>[vector<16xi32>, vector<16xi32>], vector<16xf32>,
      %add3A_493 = arith.addf %gather3A_491, %gather3A_492 : vector<16xf32>
      %mul3A_494 = arith.constant 16 : i32
      %mul3A_495 = arith.muli %add3A_454, %mul3A_494 : i32
      %swap3A_496 = arith.constant 3 : i32
      %swap3A_497 = arith.index_cast %swap3A_496 : i32 to index
      %swap3A_498 = arith.index_cast %mul3A_495 : i32 to index
      %swap3A_499 = tpu.vector_load %arg11[%swap3A_497, %swap3A_498] {strides = array<i32>} : memref<16x1024xf32, #tpu.memory_space<vmem>>, vector<16xf32>,
      tpu.vector_store %arg11[%swap3A_497, %swap3A_498], %add3A_493 {strides = array<i32>} : memref<16x1024xf32, #tpu.memory_space<vmem>>, vector<16xf32>,
      %broadcast_in_dim3A_500 = arith.constant 4 : i32
      %broadcast_in_dim3A_501 = vector.broadcast %broadcast_in_dim3A_500 : i32 to vector<16xi32>
      %gather3A_502 = tpu.vector_load_idx %arg7[%add3A_458, %broadcast_in_dim3A_501] : memref<1024x16xf32, #tpu.memory_space<vmem>>[vector<16xi32>, vector<16xi32>], vector<16xf32>,
      %gather3A_503 = tpu.vector_load_idx %arg9[%add3A_458, %broadcast_in_dim3A_501] : memref<1024x16xf32, #tpu.memory_space<vmem>>[vector<16xi32>, vector<16xi32>], vector<16xf32>,
      %add3A_504 = arith.addf %gather3A_502, %gather3A_503 : vector<16xf32>
      %mul3A_505 = arith.constant 16 : i32
      %mul3A_506 = arith.muli %add3A_454, %mul3A_505 : i32
      %swap3A_507 = arith.constant 4 : i32
      %swap3A_508 = arith.index_cast %swap3A_507 : i32 to index
      %swap3A_509 = arith.index_cast %mul3A_506 : i32 to index
      %swap3A_510 = tpu.vector_load %arg11[%swap3A_508, %swap3A_509] {strides = array<i32>} : memref<16x1024xf32, #tpu.memory_space<vmem>>, vector<16xf32>,
      tpu.vector_store %arg11[%swap3A_508, %swap3A_509], %add3A_504 {strides = array<i32>} : memref<16x1024xf32, #tpu.memory_space<vmem>>, vector<16xf32>,
      %broadcast_in_dim3A_511 = arith.constant 5 : i32
      %broadcast_in_dim3A_512 = vector.broadcast %broadcast_in_dim3A_511 : i32 to vector<16xi32>
      %gather3A_513 = tpu.vector_load_idx %arg7[%add3A_458, %broadcast_in_dim3A_512] : memref<1024x16xf32, #tpu.memory_space<vmem>>[vector<16xi32>, vector<16xi32>], vector<16xf32>,
      %gather3A_514 = tpu.vector_load_idx %arg9[%add3A_458, %broadcast_in_dim3A_512] : memref<1024x16xf32, #tpu.memory_space<vmem>>[vector<16xi32>, vector<16xi32>], vector<16xf32>,
      %add3A_515 = arith.addf %gather3A_513, %gather3A_514 : vector<16xf32>
      %mul3A_516 = arith.constant 16 : i32
      %mul3A_517 = arith.muli %add3A_454, %mul3A_516 : i32
      %swap3A_518 = arith.constant 5 : i32
      %swap3A_519 = arith.index_cast %swap3A_518 : i32 to index
      %swap3A_520 = arith.index_cast %mul3A_517 : i32 to index
      %swap3A_521 = tpu.vector_load %arg11[%swap3A_519, %swap3A_520] {strides = array<i32>} : memref<16x1024xf32, #tpu.memory_space<vmem>>, vector<16xf32>,
      tpu.vector_store %arg11[%swap3A_519, %swap3A_520], %add3A_515 {strides = array<i32>} : memref<16x1024xf32, #tpu.memory_space<vmem>>, vector<16xf32>,
      %broadcast_in_dim3A_522 = arith.constant 6 : i32
      %broadcast_in_dim3A_523 = vector.broadcast %broadcast_in_dim3A_522 : i32 to vector<16xi32>
      %gather3A_524 = tpu.vector_load_idx %arg7[%add3A_458, %broadcast_in_dim3A_523] : memref<1024x16xf32, #tpu.memory_space<vmem>>[vector<16xi32>, vector<16xi32>], vector<16xf32>,
      %gather3A_525 = tpu.vector_load_idx %arg9[%add3A_458, %broadcast_in_dim3A_523] : memref<1024x16xf32, #tpu.memory_space<vmem>>[vector<16xi32>, vector<16xi32>], vector<16xf32>,
      %add3A_526 = arith.addf %gather3A_524, %gather3A_525 : vector<16xf32>
      %mul3A_527 = arith.constant 16 : i32
      %mul3A_528 = arith.muli %add3A_454, %mul3A_527 : i32
      %swap3A_529 = arith.constant 6 : i32
      %swap3A_530 = arith.index_cast %swap3A_529 : i32 to index
      %swap3A_531 = arith.index_cast %mul3A_528 : i32 to index
      %swap3A_532 = tpu.vector_load %arg11[%swap3A_530, %swap3A_531] {strides = array<i32>} : memref<16x1024xf32, #tpu.memory_space<vmem>>, vector<16xf32>,
      tpu.vector_store %arg11[%swap3A_530, %swap3A_531], %add3A_526 {strides = array<i32>} : memref<16x1024xf32, #tpu.memory_space<vmem>>, vector<16xf32>,
      %broadcast_in_dim3A_533 = arith.constant 7 : i32
      %broadcast_in_dim3A_534 = vector.broadcast %broadcast_in_dim3A_533 : i32 to vector<16xi32>
      %gather3A_535 = tpu.vector_load_idx %arg7[%add3A_458, %broadcast_in_dim3A_534] : memref<1024x16xf32, #tpu.memory_space<vmem>>[vector<16xi32>, vector<16xi32>], vector<16xf32>,
      %gather3A_536 = tpu.vector_load_idx %arg9[%add3A_458, %broadcast_in_dim3A_534] : memref<1024x16xf32, #tpu.memory_space<vmem>>[vector<16xi32>, vector<16xi32>], vector<16xf32>,
      %add3A_537 = arith.addf %gather3A_535, %gather3A_536 : vector<16xf32>
      %mul3A_538 = arith.constant 16 : i32
      %mul3A_539 = arith.muli %add3A_454, %mul3A_538 : i32
      %swap3A_540 = arith.constant 7 : i32
      %swap3A_541 = arith.index_cast %swap3A_540 : i32 to index
      %swap3A_542 = arith.index_cast %mul3A_539 : i32 to index
      %swap3A_543 = tpu.vector_load %arg11[%swap3A_541, %swap3A_542] {strides = array<i32>} : memref<16x1024xf32, #tpu.memory_space<vmem>>, vector<16xf32>,
      tpu.vector_store %arg11[%swap3A_541, %swap3A_542], %add3A_537 {strides = array<i32>} : memref<16x1024xf32, #tpu.memory_space<vmem>>, vector<16xf32>,
      %broadcast_in_dim3A_544 = arith.constant 8 : i32
      %broadcast_in_dim3A_545 = vector.broadcast %broadcast_in_dim3A_544 : i32 to vector<16xi32>
      %gather3A_546 = tpu.vector_load_idx %arg7[%add3A_458, %broadcast_in_dim3A_545] : memref<1024x16xf32, #tpu.memory_space<vmem>>[vector<16xi32>, vector<16xi32>], vector<16xf32>,
      %gather3A_547 = tpu.vector_load_idx %arg9[%add3A_458, %broadcast_in_dim3A_545] : memref<1024x16xf32, #tpu.memory_space<vmem>>[vector<16xi32>, vector<16xi32>], vector<16xf32>,
      %add3A_548 = arith.addf %gather3A_546, %gather3A_547 : vector<16xf32>
      %mul3A_549 = arith.constant 16 : i32
      %mul3A_550 = arith.muli %add3A_454, %mul3A_549 : i32
      %swap3A_551 = arith.constant 8 : i32
      %swap3A_552 = arith.index_cast %swap3A_551 : i32 to index
      %swap3A_553 = arith.index_cast %mul3A_550 : i32 to index
      %swap3A_554 = tpu.vector_load %arg11[%swap3A_552, %swap3A_553] {strides = array<i32>} : memref<16x1024xf32, #tpu.memory_space<vmem>>, vector<16xf32>,
      tpu.vector_store %arg11[%swap3A_552, %swap3A_553], %add3A_548 {strides = array<i32>} : memref<16x1024xf32, #tpu.memory_space<vmem>>, vector<16xf32>,
      %broadcast_in_dim3A_555 = arith.constant 9 : i32
      %broadcast_in_dim3A_556 = vector.broadcast %broadcast_in_dim3A_555 : i32 to vector<16xi32>
      %gather3A_557 = tpu.vector_load_idx %arg7[%add3A_458, %broadcast_in_dim3A_556] : memref<1024x16xf32, #tpu.memory_space<vmem>>[vector<16xi32>, vector<16xi32>], vector<16xf32>,
      %gather3A_558 = tpu.vector_load_idx %arg9[%add3A_458, %broadcast_in_dim3A_556] : memref<1024x16xf32, #tpu.memory_space<vmem>>[vector<16xi32>, vector<16xi32>], vector<16xf32>,
      %add3A_559 = arith.addf %gather3A_557, %gather3A_558 : vector<16xf32>
      %mul3A_560 = arith.constant 16 : i32
      %mul3A_561 = arith.muli %add3A_454, %mul3A_560 : i32
      %swap3A_562 = arith.constant 9 : i32
      %swap3A_563 = arith.index_cast %swap3A_562 : i32 to index
      %swap3A_564 = arith.index_cast %mul3A_561 : i32 to index
      %swap3A_565 = tpu.vector_load %arg11[%swap3A_563, %swap3A_564] {strides = array<i32>} : memref<16x1024xf32, #tpu.memory_space<vmem>>, vector<16xf32>,
      tpu.vector_store %arg11[%swap3A_563, %swap3A_564], %add3A_559 {strides = array<i32>} : memref<16x1024xf32, #tpu.memory_space<vmem>>, vector<16xf32>,
      %broadcast_in_dim3A_566 = arith.constant 10 : i32
      %broadcast_in_dim3A_567 = vector.broadcast %broadcast_in_dim3A_566 : i32 to vector<16xi32>
      %gather3A_568 = tpu.vector_load_idx %arg7[%add3A_458, %broadcast_in_dim3A_567] : memref<1024x16xf32, #tpu.memory_space<vmem>>[vector<16xi32>, vector<16xi32>], vector<16xf32>,
      %gather3A_569 = tpu.vector_load_idx %arg9[%add3A_458, %broadcast_in_dim3A_567] : memref<1024x16xf32, #tpu.memory_space<vmem>>[vector<16xi32>, vector<16xi32>], vector<16xf32>,
      %add3A_570 = arith.addf %gather3A_568, %gather3A_569 : vector<16xf32>
      %mul3A_571 = arith.constant 16 : i32
      %mul3A_572 = arith.muli %add3A_454, %mul3A_571 : i32
      %swap3A_573 = arith.constant 10 : i32
      %swap3A_574 = arith.index_cast %swap3A_573 : i32 to index
      %swap3A_575 = arith.index_cast %mul3A_572 : i32 to index
      %swap3A_576 = tpu.vector_load %arg11[%swap3A_574, %swap3A_575] {strides = array<i32>} : memref<16x1024xf32, #tpu.memory_space<vmem>>, vector<16xf32>,
      tpu.vector_store %arg11[%swap3A_574, %swap3A_575], %add3A_570 {strides = array<i32>} : memref<16x1024xf32, #tpu.memory_space<vmem>>, vector<16xf32>,
      %broadcast_in_dim3A_577 = arith.constant 11 : i32
      %broadcast_in_dim3A_578 = vector.broadcast %broadcast_in_dim3A_577 : i32 to vector<16xi32>
      %gather3A_579 = tpu.vector_load_idx %arg7[%add3A_458, %broadcast_in_dim3A_578] : memref<1024x16xf32, #tpu.memory_space<vmem>>[vector<16xi32>, vector<16xi32>], vector<16xf32>,
      %gather3A_580 = tpu.vector_load_idx %arg9[%add3A_458, %broadcast_in_dim3A_578] : memref<1024x16xf32, #tpu.memory_space<vmem>>[vector<16xi32>, vector<16xi32>], vector<16xf32>,
      %add3A_581 = arith.addf %gather3A_579, %gather3A_580 : vector<16xf32>
      %mul3A_582 = arith.constant 16 : i32
      %mul3A_583 = arith.muli %add3A_454, %mul3A_582 : i32
      %swap3A_584 = arith.constant 11 : i32
      %swap3A_585 = arith.index_cast %swap3A_584 : i32 to index
      %swap3A_586 = arith.index_cast %mul3A_583 : i32 to index
      %swap3A_587 = tpu.vector_load %arg11[%swap3A_585, %swap3A_586] {strides = array<i32>} : memref<16x1024xf32, #tpu.memory_space<vmem>>, vector<16xf32>,
      tpu.vector_store %arg11[%swap3A_585, %swap3A_586], %add3A_581 {strides = array<i32>} : memref<16x1024xf32, #tpu.memory_space<vmem>>, vector<16xf32>,
      %broadcast_in_dim3A_588 = arith.constant 12 : i32
      %broadcast_in_dim3A_589 = vector.broadcast %broadcast_in_dim3A_588 : i32 to vector<16xi32>
      %gather3A_590 = tpu.vector_load_idx %arg7[%add3A_458, %broadcast_in_dim3A_589] : memref<1024x16xf32, #tpu.memory_space<vmem>>[vector<16xi32>, vector<16xi32>], vector<16xf32>,
      %gather3A_591 = tpu.vector_load_idx %arg9[%add3A_458, %broadcast_in_dim3A_589] : memref<1024x16xf32, #tpu.memory_space<vmem>>[vector<16xi32>, vector<16xi32>], vector<16xf32>,
      %add3A_592 = arith.addf %gather3A_590, %gather3A_591 : vector<16xf32>
      %mul3A_593 = arith.constant 16 : i32
      %mul3A_594 = arith.muli %add3A_454, %mul3A_593 : i32
      %swap3A_595 = arith.constant 12 : i32
      %swap3A_596 = arith.index_cast %swap3A_595 : i32 to index
      %swap3A_597 = arith.index_cast %mul3A_594 : i32 to index
      %swap3A_598 = tpu.vector_load %arg11[%swap3A_596, %swap3A_597] {strides = array<i32>} : memref<16x1024xf32, #tpu.memory_space<vmem>>, vector<16xf32>,
      tpu.vector_store %arg11[%swap3A_596, %swap3A_597], %add3A_592 {strides = array<i32>} : memref<16x1024xf32, #tpu.memory_space<vmem>>, vector<16xf32>,
      %broadcast_in_dim3A_599 = arith.constant 13 : i32
      %broadcast_in_dim3A_600 = vector.broadcast %broadcast_in_dim3A_599 : i32 to vector<16xi32>
      %gather3A_601 = tpu.vector_load_idx %arg7[%add3A_458, %broadcast_in_dim3A_600] : memref<1024x16xf32, #tpu.memory_space<vmem>>[vector<16xi32>, vector<16xi32>], vector<16xf32>,
      %gather3A_602 = tpu.vector_load_idx %arg9[%add3A_458, %broadcast_in_dim3A_600] : memref<1024x16xf32, #tpu.memory_space<vmem>>[vector<16xi32>, vector<16xi32>], vector<16xf32>,
      %add3A_603 = arith.addf %gather3A_601, %gather3A_602 : vector<16xf32>
      %mul3A_604 = arith.constant 16 : i32
      %mul3A_605 = arith.muli %add3A_454, %mul3A_604 : i32
      %swap3A_606 = arith.constant 13 : i32
      %swap3A_607 = arith.index_cast %swap3A_606 : i32 to index
      %swap3A_608 = arith.index_cast %mul3A_605 : i32 to index
      %swap3A_609 = tpu.vector_load %arg11[%swap3A_607, %swap3A_608] {strides = array<i32>} : memref<16x1024xf32, #tpu.memory_space<vmem>>, vector<16xf32>,
      tpu.vector_store %arg11[%swap3A_607, %swap3A_608], %add3A_603 {strides = array<i32>} : memref<16x1024xf32, #tpu.memory_space<vmem>>, vector<16xf32>,
      %broadcast_in_dim3A_610 = arith.constant 14 : i32
      %broadcast_in_dim3A_611 = vector.broadcast %broadcast_in_dim3A_610 : i32 to vector<16xi32>
      %gather3A_612 = tpu.vector_load_idx %arg7[%add3A_458, %broadcast_in_dim3A_611] : memref<1024x16xf32, #tpu.memory_space<vmem>>[vector<16xi32>, vector<16xi32>], vector<16xf32>,
      %gather3A_613 = tpu.vector_load_idx %arg9[%add3A_458, %broadcast_in_dim3A_611] : memref<1024x16xf32, #tpu.memory_space<vmem>>[vector<16xi32>, vector<16xi32>], vector<16xf32>,
      %add3A_614 = arith.addf %gather3A_612, %gather3A_613 : vector<16xf32>
      %mul3A_615 = arith.constant 16 : i32
      %mul3A_616 = arith.muli %add3A_454, %mul3A_615 : i32
      %swap3A_617 = arith.constant 14 : i32
      %swap3A_618 = arith.index_cast %swap3A_617 : i32 to index
      %swap3A_619 = arith.index_cast %mul3A_616 : i32 to index
      %swap3A_620 = tpu.vector_load %arg11[%swap3A_618, %swap3A_619] {strides = array<i32>} : memref<16x1024xf32, #tpu.memory_space<vmem>>, vector<16xf32>,
      tpu.vector_store %arg11[%swap3A_618, %swap3A_619], %add3A_614 {strides = array<i32>} : memref<16x1024xf32, #tpu.memory_space<vmem>>, vector<16xf32>,
      %broadcast_in_dim3A_621 = arith.constant 15 : i32
      %broadcast_in_dim3A_622 = vector.broadcast %broadcast_in_dim3A_621 : i32 to vector<16xi32>
      %gather3A_623 = tpu.vector_load_idx %arg7[%add3A_458, %broadcast_in_dim3A_622] : memref<1024x16xf32, #tpu.memory_space<vmem>>[vector<16xi32>, vector<16xi32>], vector<16xf32>,
      %gather3A_624 = tpu.vector_load_idx %arg9[%add3A_458, %broadcast_in_dim3A_622] : memref<1024x16xf32, #tpu.memory_space<vmem>>[vector<16xi32>, vector<16xi32>], vector<16xf32>,
      %add3A_625 = arith.addf %gather3A_623, %gather3A_624 : vector<16xf32>
      %mul3A_626 = arith.constant 16 : i32
      %mul3A_627 = arith.muli %add3A_454, %mul3A_626 : i32
      %swap3A_628 = arith.constant 15 : i32
      %swap3A_629 = arith.index_cast %swap3A_628 : i32 to index
      %swap3A_630 = arith.index_cast %mul3A_627 : i32 to index
      %swap3A_631 = tpu.vector_load %arg11[%swap3A_629, %swap3A_630] {strides = array<i32>} : memref<16x1024xf32, #tpu.memory_space<vmem>>, vector<16xf32>,
      tpu.vector_store %arg11[%swap3A_629, %swap3A_630], %add3A_625 {strides = array<i32>} : memref<16x1024xf32, #tpu.memory_space<vmem>>, vector<16xf32>,
    }
    %scan3A_355 = arith.constant 64 : i32
    %add3A_356 = arith.constant 7168 : i32
    %add3A_357 = arith.addi %mul3A_2, %add3A_356 : i32
    %dma_start3A_358 = arith.constant 0 : i32
    %dma_start3A_359 = tpu.memref_slice %arg4[%dma_start3A_358, %add3A_357] : memref<16x327680xf32, #tpu.memory_space<hbm>> -> memref<16x1024xf32, #tpu.memory_space<hbm>>
    %dma_start3A_360 = arith.constant 0 : i32
    %dma_start3A_361 = tpu.memref_slice %arg4[%dma_start3A_360, %add3A_357] : memref<16x327680xf32, #tpu.memory_space<hbm>> -> memref<16x1024xf32, #tpu.memory_space<hbm>>
    tpu.enqueue_dma source(%arg11 : memref<16x1024xf32, #tpu.memory_space<vmem>>) target(%dma_start3A_361 : memref<16x1024xf32, #tpu.memory_space<hbm>>) target_semaphore(%arg13 : memref<!tpu.dma_semaphore, #tpu.memory_space<semaphore_mem>>)
    %dma_start3A_362 = arith.constant 0 : i32
    %dma_start3A_363 = arith.constant 9216 : i32
    %dma_start3A_364 = tpu.memref_slice %arg5[%dma_start3A_362, %dma_start3A_363] : memref<2x10240xi32, #tpu.memory_space<vmem>> -> memref<1x1024xi32, #tpu.memory_space<vmem>>
    %dma_start3A_365 = tpu.memref_squeeze %dma_start3A_364 : memref<1x1024xi32, #tpu.memory_space<vmem>> -> memref<1024xi32, #tpu.memory_space<vmem>>
    %dma_start3A_366 = arith.constant 0 : i32
    %dma_start3A_367 = arith.constant 0 : i32
    %dma_start3A_368 = tpu.memref_slice %arg2[%dma_start3A_366, %dma_start3A_367] : memref<20000x16xf32, #tpu.memory_space<hbm>> -> memref<20000x16xf32, #tpu.memory_space<hbm>>
    tpu.enqueue_indirect_dma source(%dma_start3A_368 : memref<20000x16xf32, #tpu.memory_space<hbm>>) target(%arg7 : memref<1024x16xf32, #tpu.memory_space<vmem>>) offsets(%dma_start3A_365 : memref<1024xi32, #tpu.memory_space<vmem>>) semaphore(%arg12 : memref<!tpu.dma_semaphore, #tpu.memory_space<semaphore_mem>>)
    %dma_start3A_369 = arith.constant 1 : i32
    %dma_start3A_370 = arith.constant 9216 : i32
    %dma_start3A_371 = tpu.memref_slice %arg5[%dma_start3A_369, %dma_start3A_370] : memref<2x10240xi32, #tpu.memory_space<vmem>> -> memref<1x1024xi32, #tpu.memory_space<vmem>>
    %dma_start3A_372 = tpu.memref_squeeze %dma_start3A_371 : memref<1x1024xi32, #tpu.memory_space<vmem>> -> memref<1024xi32, #tpu.memory_space<vmem>>
    %dma_start3A_373 = arith.constant 0 : i32
    %dma_start3A_374 = arith.constant 0 : i32
    %dma_start3A_375 = tpu.memref_slice %arg2[%dma_start3A_373, %dma_start3A_374] : memref<20000x16xf32, #tpu.memory_space<hbm>> -> memref<20000x16xf32, #tpu.memory_space<hbm>>
    tpu.enqueue_indirect_dma source(%dma_start3A_375 : memref<20000x16xf32, #tpu.memory_space<hbm>>) target(%arg9 : memref<1024x16xf32, #tpu.memory_space<vmem>>) offsets(%dma_start3A_372 : memref<1024xi32, #tpu.memory_space<vmem>>) semaphore(%arg12 : memref<!tpu.dma_semaphore, #tpu.memory_space<semaphore_mem>>)
    %dma_wait3A_376 = arith.constant 0 : i32
    %dma_wait3A_377 = arith.constant 8192 : i32
    %dma_wait3A_378 = tpu.memref_slice %arg5[%dma_wait3A_376, %dma_wait3A_377] : memref<2x10240xi32, #tpu.memory_space<vmem>> -> memref<1x1024xi32, #tpu.memory_space<vmem>>
    %dma_wait3A_379 = tpu.memref_squeeze %dma_wait3A_378 : memref<1x1024xi32, #tpu.memory_space<vmem>> -> memref<1024xi32, #tpu.memory_space<vmem>>
    %dma_wait3A_380 = arith.constant 0 : i32
    %dma_wait3A_381 = arith.constant 0 : i32
    %dma_wait3A_382 = tpu.memref_slice %arg2[%dma_wait3A_380, %dma_wait3A_381] : memref<20000x16xf32, #tpu.memory_space<hbm>> -> memref<20000x16xf32, #tpu.memory_space<hbm>>
    tpu.wait_indirect_dma semaphore(%arg12 : memref<!tpu.dma_semaphore, #tpu.memory_space<semaphore_mem>>) src(%dma_wait3A_382 : memref<20000x16xf32, #tpu.memory_space<hbm>>) dst(%arg6 : memref<1024x16xf32, #tpu.memory_space<vmem>>)
    %dma_wait3A_383 = arith.constant 1 : i32
    %dma_wait3A_384 = arith.constant 8192 : i32
    %dma_wait3A_385 = tpu.memref_slice %arg5[%dma_wait3A_383, %dma_wait3A_384] : memref<2x10240xi32, #tpu.memory_space<vmem>> -> memref<1x1024xi32, #tpu.memory_space<vmem>>
    %dma_wait3A_386 = tpu.memref_squeeze %dma_wait3A_385 : memref<1x1024xi32, #tpu.memory_space<vmem>> -> memref<1024xi32, #tpu.memory_space<vmem>>
    %dma_wait3A_387 = arith.constant 0 : i32
    %dma_wait3A_388 = arith.constant 0 : i32
    %dma_wait3A_389 = tpu.memref_slice %arg2[%dma_wait3A_387, %dma_wait3A_388] : memref<20000x16xf32, #tpu.memory_space<hbm>> -> memref<20000x16xf32, #tpu.memory_space<hbm>>
    tpu.wait_indirect_dma semaphore(%arg12 : memref<!tpu.dma_semaphore, #tpu.memory_space<semaphore_mem>>) src(%dma_wait3A_389 : memref<20000x16xf32, #tpu.memory_space<hbm>>) dst(%arg8 : memref<1024x16xf32, #tpu.memory_space<vmem>>)
    %add3A_390 = arith.constant 6144 : i32
    %add3A_391 = arith.addi %mul3A_2, %add3A_390 : i32
    %dma_wait3A_392 = arith.constant 0 : i32
    %dma_wait3A_393 = tpu.memref_slice %arg4[%dma_wait3A_392, %add3A_391] : memref<16x327680xf32, #tpu.memory_space<hbm>> -> memref<16x1024xf32, #tpu.memory_space<hbm>>
    %dma_wait3A_394 = arith.constant 0 : i32
    %dma_wait3A_395 = tpu.memref_slice %arg4[%dma_wait3A_394, %add3A_391] : memref<16x327680xf32, #tpu.memory_space<hbm>> -> memref<16x1024xf32, #tpu.memory_space<hbm>>
    tpu.wait_dma2 semaphore(%arg13 : memref<!tpu.dma_semaphore, #tpu.memory_space<semaphore_mem>>) src(%arg10 : memref<16x1024xf32, #tpu.memory_space<vmem>>) dst(%dma_wait3A_395 : memref<16x1024xf32, #tpu.memory_space<hbm>>)
    %scan3A_396 = arith.constant 0 : i32
    %scan3A_397 = arith.constant 64 : i32
    %scan3A_398 = arith.addi %scan3A_396, %scan3A_397 : i32
    %scan3A_399 = arith.constant 1 : i32
    scf.for %scan3A_450 = %scan3A_396 to %scan3A_398 step %scan3A_399  : i32 {
      %mul3A_451 = arith.constant 1 : i32
      %mul3A_452 = arith.muli %scan3A_450, %mul3A_451 : i32
      %add3A_453 = arith.constant 0 : i32
      %add3A_454 = arith.addi %add3A_453, %mul3A_452 : i32
      %mul3A_455 = arith.constant 16 : i32
      %mul3A_456 = arith.muli %add3A_454, %mul3A_455 : i32
      %add3A_457 = vector.broadcast %mul3A_456 : i32 to vector<16xi32>
      %add3A_458 = arith.addi %add3A_457, %iota3A : vector<16xi32>
      %broadcast_in_dim3A = arith.constant 0 : i32
      %broadcast_in_dim3A_459 = vector.broadcast %broadcast_in_dim3A : i32 to vector<16xi32>
      %gather3A = tpu.vector_load_idx %arg6[%add3A_458, %broadcast_in_dim3A_459] : memref<1024x16xf32, #tpu.memory_space<vmem>>[vector<16xi32>, vector<16xi32>], vector<16xf32>,
      %gather3A_460 = tpu.vector_load_idx %arg8[%add3A_458, %broadcast_in_dim3A_459] : memref<1024x16xf32, #tpu.memory_space<vmem>>[vector<16xi32>, vector<16xi32>], vector<16xf32>,
      %add3A_461 = arith.addf %gather3A, %gather3A_460 : vector<16xf32>
      %mul3A_462 = arith.constant 16 : i32
      %mul3A_463 = arith.muli %add3A_454, %mul3A_462 : i32
      %swap3A = arith.constant 0 : i32
      %swap3A_464 = arith.index_cast %swap3A : i32 to index
      %swap3A_465 = arith.index_cast %mul3A_463 : i32 to index
      %swap3A_466 = tpu.vector_load %arg10[%swap3A_464, %swap3A_465] {strides = array<i32>} : memref<16x1024xf32, #tpu.memory_space<vmem>>, vector<16xf32>,
      tpu.vector_store %arg10[%swap3A_464, %swap3A_465], %add3A_461 {strides = array<i32>} : memref<16x1024xf32, #tpu.memory_space<vmem>>, vector<16xf32>,
      %broadcast_in_dim3A_467 = arith.constant 1 : i32
      %broadcast_in_dim3A_468 = vector.broadcast %broadcast_in_dim3A_467 : i32 to vector<16xi32>
      %gather3A_469 = tpu.vector_load_idx %arg6[%add3A_458, %broadcast_in_dim3A_468] : memref<1024x16xf32, #tpu.memory_space<vmem>>[vector<16xi32>, vector<16xi32>], vector<16xf32>,
      %gather3A_470 = tpu.vector_load_idx %arg8[%add3A_458, %broadcast_in_dim3A_468] : memref<1024x16xf32, #tpu.memory_space<vmem>>[vector<16xi32>, vector<16xi32>], vector<16xf32>,
      %add3A_471 = arith.addf %gather3A_469, %gather3A_470 : vector<16xf32>
      %mul3A_472 = arith.constant 16 : i32
      %mul3A_473 = arith.muli %add3A_454, %mul3A_472 : i32
      %swap3A_474 = arith.constant 1 : i32
      %swap3A_475 = arith.index_cast %swap3A_474 : i32 to index
      %swap3A_476 = arith.index_cast %mul3A_473 : i32 to index
      %swap3A_477 = tpu.vector_load %arg10[%swap3A_475, %swap3A_476] {strides = array<i32>} : memref<16x1024xf32, #tpu.memory_space<vmem>>, vector<16xf32>,
      tpu.vector_store %arg10[%swap3A_475, %swap3A_476], %add3A_471 {strides = array<i32>} : memref<16x1024xf32, #tpu.memory_space<vmem>>, vector<16xf32>,
      %broadcast_in_dim3A_478 = arith.constant 2 : i32
      %broadcast_in_dim3A_479 = vector.broadcast %broadcast_in_dim3A_478 : i32 to vector<16xi32>
      %gather3A_480 = tpu.vector_load_idx %arg6[%add3A_458, %broadcast_in_dim3A_479] : memref<1024x16xf32, #tpu.memory_space<vmem>>[vector<16xi32>, vector<16xi32>], vector<16xf32>,
      %gather3A_481 = tpu.vector_load_idx %arg8[%add3A_458, %broadcast_in_dim3A_479] : memref<1024x16xf32, #tpu.memory_space<vmem>>[vector<16xi32>, vector<16xi32>], vector<16xf32>,
      %add3A_482 = arith.addf %gather3A_480, %gather3A_481 : vector<16xf32>
      %mul3A_483 = arith.constant 16 : i32
      %mul3A_484 = arith.muli %add3A_454, %mul3A_483 : i32
      %swap3A_485 = arith.constant 2 : i32
      %swap3A_486 = arith.index_cast %swap3A_485 : i32 to index
      %swap3A_487 = arith.index_cast %mul3A_484 : i32 to index
      %swap3A_488 = tpu.vector_load %arg10[%swap3A_486, %swap3A_487] {strides = array<i32>} : memref<16x1024xf32, #tpu.memory_space<vmem>>, vector<16xf32>,
      tpu.vector_store %arg10[%swap3A_486, %swap3A_487], %add3A_482 {strides = array<i32>} : memref<16x1024xf32, #tpu.memory_space<vmem>>, vector<16xf32>,
      %broadcast_in_dim3A_489 = arith.constant 3 : i32
      %broadcast_in_dim3A_490 = vector.broadcast %broadcast_in_dim3A_489 : i32 to vector<16xi32>
      %gather3A_491 = tpu.vector_load_idx %arg6[%add3A_458, %broadcast_in_dim3A_490] : memref<1024x16xf32, #tpu.memory_space<vmem>>[vector<16xi32>, vector<16xi32>], vector<16xf32>,
      %gather3A_492 = tpu.vector_load_idx %arg8[%add3A_458, %broadcast_in_dim3A_490] : memref<1024x16xf32, #tpu.memory_space<vmem>>[vector<16xi32>, vector<16xi32>], vector<16xf32>,
      %add3A_493 = arith.addf %gather3A_491, %gather3A_492 : vector<16xf32>
      %mul3A_494 = arith.constant 16 : i32
      %mul3A_495 = arith.muli %add3A_454, %mul3A_494 : i32
      %swap3A_496 = arith.constant 3 : i32
      %swap3A_497 = arith.index_cast %swap3A_496 : i32 to index
      %swap3A_498 = arith.index_cast %mul3A_495 : i32 to index
      %swap3A_499 = tpu.vector_load %arg10[%swap3A_497, %swap3A_498] {strides = array<i32>} : memref<16x1024xf32, #tpu.memory_space<vmem>>, vector<16xf32>,
      tpu.vector_store %arg10[%swap3A_497, %swap3A_498], %add3A_493 {strides = array<i32>} : memref<16x1024xf32, #tpu.memory_space<vmem>>, vector<16xf32>,
      %broadcast_in_dim3A_500 = arith.constant 4 : i32
      %broadcast_in_dim3A_501 = vector.broadcast %broadcast_in_dim3A_500 : i32 to vector<16xi32>
      %gather3A_502 = tpu.vector_load_idx %arg6[%add3A_458, %broadcast_in_dim3A_501] : memref<1024x16xf32, #tpu.memory_space<vmem>>[vector<16xi32>, vector<16xi32>], vector<16xf32>,
      %gather3A_503 = tpu.vector_load_idx %arg8[%add3A_458, %broadcast_in_dim3A_501] : memref<1024x16xf32, #tpu.memory_space<vmem>>[vector<16xi32>, vector<16xi32>], vector<16xf32>,
      %add3A_504 = arith.addf %gather3A_502, %gather3A_503 : vector<16xf32>
      %mul3A_505 = arith.constant 16 : i32
      %mul3A_506 = arith.muli %add3A_454, %mul3A_505 : i32
      %swap3A_507 = arith.constant 4 : i32
      %swap3A_508 = arith.index_cast %swap3A_507 : i32 to index
      %swap3A_509 = arith.index_cast %mul3A_506 : i32 to index
      %swap3A_510 = tpu.vector_load %arg10[%swap3A_508, %swap3A_509] {strides = array<i32>} : memref<16x1024xf32, #tpu.memory_space<vmem>>, vector<16xf32>,
      tpu.vector_store %arg10[%swap3A_508, %swap3A_509], %add3A_504 {strides = array<i32>} : memref<16x1024xf32, #tpu.memory_space<vmem>>, vector<16xf32>,
      %broadcast_in_dim3A_511 = arith.constant 5 : i32
      %broadcast_in_dim3A_512 = vector.broadcast %broadcast_in_dim3A_511 : i32 to vector<16xi32>
      %gather3A_513 = tpu.vector_load_idx %arg6[%add3A_458, %broadcast_in_dim3A_512] : memref<1024x16xf32, #tpu.memory_space<vmem>>[vector<16xi32>, vector<16xi32>], vector<16xf32>,
      %gather3A_514 = tpu.vector_load_idx %arg8[%add3A_458, %broadcast_in_dim3A_512] : memref<1024x16xf32, #tpu.memory_space<vmem>>[vector<16xi32>, vector<16xi32>], vector<16xf32>,
      %add3A_515 = arith.addf %gather3A_513, %gather3A_514 : vector<16xf32>
      %mul3A_516 = arith.constant 16 : i32
      %mul3A_517 = arith.muli %add3A_454, %mul3A_516 : i32
      %swap3A_518 = arith.constant 5 : i32
      %swap3A_519 = arith.index_cast %swap3A_518 : i32 to index
      %swap3A_520 = arith.index_cast %mul3A_517 : i32 to index
      %swap3A_521 = tpu.vector_load %arg10[%swap3A_519, %swap3A_520] {strides = array<i32>} : memref<16x1024xf32, #tpu.memory_space<vmem>>, vector<16xf32>,
      tpu.vector_store %arg10[%swap3A_519, %swap3A_520], %add3A_515 {strides = array<i32>} : memref<16x1024xf32, #tpu.memory_space<vmem>>, vector<16xf32>,
      %broadcast_in_dim3A_522 = arith.constant 6 : i32
      %broadcast_in_dim3A_523 = vector.broadcast %broadcast_in_dim3A_522 : i32 to vector<16xi32>
      %gather3A_524 = tpu.vector_load_idx %arg6[%add3A_458, %broadcast_in_dim3A_523] : memref<1024x16xf32, #tpu.memory_space<vmem>>[vector<16xi32>, vector<16xi32>], vector<16xf32>,
      %gather3A_525 = tpu.vector_load_idx %arg8[%add3A_458, %broadcast_in_dim3A_523] : memref<1024x16xf32, #tpu.memory_space<vmem>>[vector<16xi32>, vector<16xi32>], vector<16xf32>,
      %add3A_526 = arith.addf %gather3A_524, %gather3A_525 : vector<16xf32>
      %mul3A_527 = arith.constant 16 : i32
      %mul3A_528 = arith.muli %add3A_454, %mul3A_527 : i32
      %swap3A_529 = arith.constant 6 : i32
      %swap3A_530 = arith.index_cast %swap3A_529 : i32 to index
      %swap3A_531 = arith.index_cast %mul3A_528 : i32 to index
      %swap3A_532 = tpu.vector_load %arg10[%swap3A_530, %swap3A_531] {strides = array<i32>} : memref<16x1024xf32, #tpu.memory_space<vmem>>, vector<16xf32>,
      tpu.vector_store %arg10[%swap3A_530, %swap3A_531], %add3A_526 {strides = array<i32>} : memref<16x1024xf32, #tpu.memory_space<vmem>>, vector<16xf32>,
      %broadcast_in_dim3A_533 = arith.constant 7 : i32
      %broadcast_in_dim3A_534 = vector.broadcast %broadcast_in_dim3A_533 : i32 to vector<16xi32>
      %gather3A_535 = tpu.vector_load_idx %arg6[%add3A_458, %broadcast_in_dim3A_534] : memref<1024x16xf32, #tpu.memory_space<vmem>>[vector<16xi32>, vector<16xi32>], vector<16xf32>,
      %gather3A_536 = tpu.vector_load_idx %arg8[%add3A_458, %broadcast_in_dim3A_534] : memref<1024x16xf32, #tpu.memory_space<vmem>>[vector<16xi32>, vector<16xi32>], vector<16xf32>,
      %add3A_537 = arith.addf %gather3A_535, %gather3A_536 : vector<16xf32>
      %mul3A_538 = arith.constant 16 : i32
      %mul3A_539 = arith.muli %add3A_454, %mul3A_538 : i32
      %swap3A_540 = arith.constant 7 : i32
      %swap3A_541 = arith.index_cast %swap3A_540 : i32 to index
      %swap3A_542 = arith.index_cast %mul3A_539 : i32 to index
      %swap3A_543 = tpu.vector_load %arg10[%swap3A_541, %swap3A_542] {strides = array<i32>} : memref<16x1024xf32, #tpu.memory_space<vmem>>, vector<16xf32>,
      tpu.vector_store %arg10[%swap3A_541, %swap3A_542], %add3A_537 {strides = array<i32>} : memref<16x1024xf32, #tpu.memory_space<vmem>>, vector<16xf32>,
      %broadcast_in_dim3A_544 = arith.constant 8 : i32
      %broadcast_in_dim3A_545 = vector.broadcast %broadcast_in_dim3A_544 : i32 to vector<16xi32>
      %gather3A_546 = tpu.vector_load_idx %arg6[%add3A_458, %broadcast_in_dim3A_545] : memref<1024x16xf32, #tpu.memory_space<vmem>>[vector<16xi32>, vector<16xi32>], vector<16xf32>,
      %gather3A_547 = tpu.vector_load_idx %arg8[%add3A_458, %broadcast_in_dim3A_545] : memref<1024x16xf32, #tpu.memory_space<vmem>>[vector<16xi32>, vector<16xi32>], vector<16xf32>,
      %add3A_548 = arith.addf %gather3A_546, %gather3A_547 : vector<16xf32>
      %mul3A_549 = arith.constant 16 : i32
      %mul3A_550 = arith.muli %add3A_454, %mul3A_549 : i32
      %swap3A_551 = arith.constant 8 : i32
      %swap3A_552 = arith.index_cast %swap3A_551 : i32 to index
      %swap3A_553 = arith.index_cast %mul3A_550 : i32 to index
      %swap3A_554 = tpu.vector_load %arg10[%swap3A_552, %swap3A_553] {strides = array<i32>} : memref<16x1024xf32, #tpu.memory_space<vmem>>, vector<16xf32>,
      tpu.vector_store %arg10[%swap3A_552, %swap3A_553], %add3A_548 {strides = array<i32>} : memref<16x1024xf32, #tpu.memory_space<vmem>>, vector<16xf32>,
      %broadcast_in_dim3A_555 = arith.constant 9 : i32
      %broadcast_in_dim3A_556 = vector.broadcast %broadcast_in_dim3A_555 : i32 to vector<16xi32>
      %gather3A_557 = tpu.vector_load_idx %arg6[%add3A_458, %broadcast_in_dim3A_556] : memref<1024x16xf32, #tpu.memory_space<vmem>>[vector<16xi32>, vector<16xi32>], vector<16xf32>,
      %gather3A_558 = tpu.vector_load_idx %arg8[%add3A_458, %broadcast_in_dim3A_556] : memref<1024x16xf32, #tpu.memory_space<vmem>>[vector<16xi32>, vector<16xi32>], vector<16xf32>,
      %add3A_559 = arith.addf %gather3A_557, %gather3A_558 : vector<16xf32>
      %mul3A_560 = arith.constant 16 : i32
      %mul3A_561 = arith.muli %add3A_454, %mul3A_560 : i32
      %swap3A_562 = arith.constant 9 : i32
      %swap3A_563 = arith.index_cast %swap3A_562 : i32 to index
      %swap3A_564 = arith.index_cast %mul3A_561 : i32 to index
      %swap3A_565 = tpu.vector_load %arg10[%swap3A_563, %swap3A_564] {strides = array<i32>} : memref<16x1024xf32, #tpu.memory_space<vmem>>, vector<16xf32>,
      tpu.vector_store %arg10[%swap3A_563, %swap3A_564], %add3A_559 {strides = array<i32>} : memref<16x1024xf32, #tpu.memory_space<vmem>>, vector<16xf32>,
      %broadcast_in_dim3A_566 = arith.constant 10 : i32
      %broadcast_in_dim3A_567 = vector.broadcast %broadcast_in_dim3A_566 : i32 to vector<16xi32>
      %gather3A_568 = tpu.vector_load_idx %arg6[%add3A_458, %broadcast_in_dim3A_567] : memref<1024x16xf32, #tpu.memory_space<vmem>>[vector<16xi32>, vector<16xi32>], vector<16xf32>,
      %gather3A_569 = tpu.vector_load_idx %arg8[%add3A_458, %broadcast_in_dim3A_567] : memref<1024x16xf32, #tpu.memory_space<vmem>>[vector<16xi32>, vector<16xi32>], vector<16xf32>,
      %add3A_570 = arith.addf %gather3A_568, %gather3A_569 : vector<16xf32>
      %mul3A_571 = arith.constant 16 : i32
      %mul3A_572 = arith.muli %add3A_454, %mul3A_571 : i32
      %swap3A_573 = arith.constant 10 : i32
      %swap3A_574 = arith.index_cast %swap3A_573 : i32 to index
      %swap3A_575 = arith.index_cast %mul3A_572 : i32 to index
      %swap3A_576 = tpu.vector_load %arg10[%swap3A_574, %swap3A_575] {strides = array<i32>} : memref<16x1024xf32, #tpu.memory_space<vmem>>, vector<16xf32>,
      tpu.vector_store %arg10[%swap3A_574, %swap3A_575], %add3A_570 {strides = array<i32>} : memref<16x1024xf32, #tpu.memory_space<vmem>>, vector<16xf32>,
      %broadcast_in_dim3A_577 = arith.constant 11 : i32
      %broadcast_in_dim3A_578 = vector.broadcast %broadcast_in_dim3A_577 : i32 to vector<16xi32>
      %gather3A_579 = tpu.vector_load_idx %arg6[%add3A_458, %broadcast_in_dim3A_578] : memref<1024x16xf32, #tpu.memory_space<vmem>>[vector<16xi32>, vector<16xi32>], vector<16xf32>,
      %gather3A_580 = tpu.vector_load_idx %arg8[%add3A_458, %broadcast_in_dim3A_578] : memref<1024x16xf32, #tpu.memory_space<vmem>>[vector<16xi32>, vector<16xi32>], vector<16xf32>,
      %add3A_581 = arith.addf %gather3A_579, %gather3A_580 : vector<16xf32>
      %mul3A_582 = arith.constant 16 : i32
      %mul3A_583 = arith.muli %add3A_454, %mul3A_582 : i32
      %swap3A_584 = arith.constant 11 : i32
      %swap3A_585 = arith.index_cast %swap3A_584 : i32 to index
      %swap3A_586 = arith.index_cast %mul3A_583 : i32 to index
      %swap3A_587 = tpu.vector_load %arg10[%swap3A_585, %swap3A_586] {strides = array<i32>} : memref<16x1024xf32, #tpu.memory_space<vmem>>, vector<16xf32>,
      tpu.vector_store %arg10[%swap3A_585, %swap3A_586], %add3A_581 {strides = array<i32>} : memref<16x1024xf32, #tpu.memory_space<vmem>>, vector<16xf32>,
      %broadcast_in_dim3A_588 = arith.constant 12 : i32
      %broadcast_in_dim3A_589 = vector.broadcast %broadcast_in_dim3A_588 : i32 to vector<16xi32>
      %gather3A_590 = tpu.vector_load_idx %arg6[%add3A_458, %broadcast_in_dim3A_589] : memref<1024x16xf32, #tpu.memory_space<vmem>>[vector<16xi32>, vector<16xi32>], vector<16xf32>,
      %gather3A_591 = tpu.vector_load_idx %arg8[%add3A_458, %broadcast_in_dim3A_589] : memref<1024x16xf32, #tpu.memory_space<vmem>>[vector<16xi32>, vector<16xi32>], vector<16xf32>,
      %add3A_592 = arith.addf %gather3A_590, %gather3A_591 : vector<16xf32>
      %mul3A_593 = arith.constant 16 : i32
      %mul3A_594 = arith.muli %add3A_454, %mul3A_593 : i32
      %swap3A_595 = arith.constant 12 : i32
      %swap3A_596 = arith.index_cast %swap3A_595 : i32 to index
      %swap3A_597 = arith.index_cast %mul3A_594 : i32 to index
      %swap3A_598 = tpu.vector_load %arg10[%swap3A_596, %swap3A_597] {strides = array<i32>} : memref<16x1024xf32, #tpu.memory_space<vmem>>, vector<16xf32>,
      tpu.vector_store %arg10[%swap3A_596, %swap3A_597], %add3A_592 {strides = array<i32>} : memref<16x1024xf32, #tpu.memory_space<vmem>>, vector<16xf32>,
      %broadcast_in_dim3A_599 = arith.constant 13 : i32
      %broadcast_in_dim3A_600 = vector.broadcast %broadcast_in_dim3A_599 : i32 to vector<16xi32>
      %gather3A_601 = tpu.vector_load_idx %arg6[%add3A_458, %broadcast_in_dim3A_600] : memref<1024x16xf32, #tpu.memory_space<vmem>>[vector<16xi32>, vector<16xi32>], vector<16xf32>,
      %gather3A_602 = tpu.vector_load_idx %arg8[%add3A_458, %broadcast_in_dim3A_600] : memref<1024x16xf32, #tpu.memory_space<vmem>>[vector<16xi32>, vector<16xi32>], vector<16xf32>,
      %add3A_603 = arith.addf %gather3A_601, %gather3A_602 : vector<16xf32>
      %mul3A_604 = arith.constant 16 : i32
      %mul3A_605 = arith.muli %add3A_454, %mul3A_604 : i32
      %swap3A_606 = arith.constant 13 : i32
      %swap3A_607 = arith.index_cast %swap3A_606 : i32 to index
      %swap3A_608 = arith.index_cast %mul3A_605 : i32 to index
      %swap3A_609 = tpu.vector_load %arg10[%swap3A_607, %swap3A_608] {strides = array<i32>} : memref<16x1024xf32, #tpu.memory_space<vmem>>, vector<16xf32>,
      tpu.vector_store %arg10[%swap3A_607, %swap3A_608], %add3A_603 {strides = array<i32>} : memref<16x1024xf32, #tpu.memory_space<vmem>>, vector<16xf32>,
      %broadcast_in_dim3A_610 = arith.constant 14 : i32
      %broadcast_in_dim3A_611 = vector.broadcast %broadcast_in_dim3A_610 : i32 to vector<16xi32>
      %gather3A_612 = tpu.vector_load_idx %arg6[%add3A_458, %broadcast_in_dim3A_611] : memref<1024x16xf32, #tpu.memory_space<vmem>>[vector<16xi32>, vector<16xi32>], vector<16xf32>,
      %gather3A_613 = tpu.vector_load_idx %arg8[%add3A_458, %broadcast_in_dim3A_611] : memref<1024x16xf32, #tpu.memory_space<vmem>>[vector<16xi32>, vector<16xi32>], vector<16xf32>,
      %add3A_614 = arith.addf %gather3A_612, %gather3A_613 : vector<16xf32>
      %mul3A_615 = arith.constant 16 : i32
      %mul3A_616 = arith.muli %add3A_454, %mul3A_615 : i32
      %swap3A_617 = arith.constant 14 : i32
      %swap3A_618 = arith.index_cast %swap3A_617 : i32 to index
      %swap3A_619 = arith.index_cast %mul3A_616 : i32 to index
      %swap3A_620 = tpu.vector_load %arg10[%swap3A_618, %swap3A_619] {strides = array<i32>} : memref<16x1024xf32, #tpu.memory_space<vmem>>, vector<16xf32>,
      tpu.vector_store %arg10[%swap3A_618, %swap3A_619], %add3A_614 {strides = array<i32>} : memref<16x1024xf32, #tpu.memory_space<vmem>>, vector<16xf32>,
      %broadcast_in_dim3A_621 = arith.constant 15 : i32
      %broadcast_in_dim3A_622 = vector.broadcast %broadcast_in_dim3A_621 : i32 to vector<16xi32>
      %gather3A_623 = tpu.vector_load_idx %arg6[%add3A_458, %broadcast_in_dim3A_622] : memref<1024x16xf32, #tpu.memory_space<vmem>>[vector<16xi32>, vector<16xi32>], vector<16xf32>,
      %gather3A_624 = tpu.vector_load_idx %arg8[%add3A_458, %broadcast_in_dim3A_622] : memref<1024x16xf32, #tpu.memory_space<vmem>>[vector<16xi32>, vector<16xi32>], vector<16xf32>,
      %add3A_625 = arith.addf %gather3A_623, %gather3A_624 : vector<16xf32>
      %mul3A_626 = arith.constant 16 : i32
      %mul3A_627 = arith.muli %add3A_454, %mul3A_626 : i32
      %swap3A_628 = arith.constant 15 : i32
      %swap3A_629 = arith.index_cast %swap3A_628 : i32 to index
      %swap3A_630 = arith.index_cast %mul3A_627 : i32 to index
      %swap3A_631 = tpu.vector_load %arg10[%swap3A_629, %swap3A_630] {strides = array<i32>} : memref<16x1024xf32, #tpu.memory_space<vmem>>, vector<16xf32>,
      tpu.vector_store %arg10[%swap3A_629, %swap3A_630], %add3A_625 {strides = array<i32>} : memref<16x1024xf32, #tpu.memory_space<vmem>>, vector<16xf32>,
    }
    %scan3A_400 = arith.constant 64 : i32
    %add3A_401 = arith.constant 8192 : i32
    %add3A_402 = arith.addi %mul3A_2, %add3A_401 : i32
    %dma_start3A_403 = arith.constant 0 : i32
    %dma_start3A_404 = tpu.memref_slice %arg4[%dma_start3A_403, %add3A_402] : memref<16x327680xf32, #tpu.memory_space<hbm>> -> memref<16x1024xf32, #tpu.memory_space<hbm>>
    %dma_start3A_405 = arith.constant 0 : i32
    %dma_start3A_406 = tpu.memref_slice %arg4[%dma_start3A_405, %add3A_402] : memref<16x327680xf32, #tpu.memory_space<hbm>> -> memref<16x1024xf32, #tpu.memory_space<hbm>>
    tpu.enqueue_dma source(%arg10 : memref<16x1024xf32, #tpu.memory_space<vmem>>) target(%dma_start3A_406 : memref<16x1024xf32, #tpu.memory_space<hbm>>) target_semaphore(%arg13 : memref<!tpu.dma_semaphore, #tpu.memory_space<semaphore_mem>>)
    %dma_wait3A_407 = arith.constant 0 : i32
    %dma_wait3A_408 = arith.constant 9216 : i32
    %dma_wait3A_409 = tpu.memref_slice %arg5[%dma_wait3A_407, %dma_wait3A_408] : memref<2x10240xi32, #tpu.memory_space<vmem>> -> memref<1x1024xi32, #tpu.memory_space<vmem>>
    %dma_wait3A_410 = tpu.memref_squeeze %dma_wait3A_409 : memref<1x1024xi32, #tpu.memory_space<vmem>> -> memref<1024xi32, #tpu.memory_space<vmem>>
    %dma_wait3A_411 = arith.constant 0 : i32
    %dma_wait3A_412 = arith.constant 0 : i32
    %dma_wait3A_413 = tpu.memref_slice %arg2[%dma_wait3A_411, %dma_wait3A_412] : memref<20000x16xf32, #tpu.memory_space<hbm>> -> memref<20000x16xf32, #tpu.memory_space<hbm>>
    tpu.wait_indirect_dma semaphore(%arg12 : memref<!tpu.dma_semaphore, #tpu.memory_space<semaphore_mem>>) src(%dma_wait3A_413 : memref<20000x16xf32, #tpu.memory_space<hbm>>) dst(%arg7 : memref<1024x16xf32, #tpu.memory_space<vmem>>)
    %dma_wait3A_414 = arith.constant 1 : i32
    %dma_wait3A_415 = arith.constant 9216 : i32
    %dma_wait3A_416 = tpu.memref_slice %arg5[%dma_wait3A_414, %dma_wait3A_415] : memref<2x10240xi32, #tpu.memory_space<vmem>> -> memref<1x1024xi32, #tpu.memory_space<vmem>>
    %dma_wait3A_417 = tpu.memref_squeeze %dma_wait3A_416 : memref<1x1024xi32, #tpu.memory_space<vmem>> -> memref<1024xi32, #tpu.memory_space<vmem>>
    %dma_wait3A_418 = arith.constant 0 : i32
    %dma_wait3A_419 = arith.constant 0 : i32
    %dma_wait3A_420 = tpu.memref_slice %arg2[%dma_wait3A_418, %dma_wait3A_419] : memref<20000x16xf32, #tpu.memory_space<hbm>> -> memref<20000x16xf32, #tpu.memory_space<hbm>>
    tpu.wait_indirect_dma semaphore(%arg12 : memref<!tpu.dma_semaphore, #tpu.memory_space<semaphore_mem>>) src(%dma_wait3A_420 : memref<20000x16xf32, #tpu.memory_space<hbm>>) dst(%arg9 : memref<1024x16xf32, #tpu.memory_space<vmem>>)
    %add3A_421 = arith.constant 7168 : i32
    %add3A_422 = arith.addi %mul3A_2, %add3A_421 : i32
    %dma_wait3A_423 = arith.constant 0 : i32
    %dma_wait3A_424 = tpu.memref_slice %arg4[%dma_wait3A_423, %add3A_422] : memref<16x327680xf32, #tpu.memory_space<hbm>> -> memref<16x1024xf32, #tpu.memory_space<hbm>>
    %dma_wait3A_425 = arith.constant 0 : i32
    %dma_wait3A_426 = tpu.memref_slice %arg4[%dma_wait3A_425, %add3A_422] : memref<16x327680xf32, #tpu.memory_space<hbm>> -> memref<16x1024xf32, #tpu.memory_space<hbm>>
    tpu.wait_dma2 semaphore(%arg13 : memref<!tpu.dma_semaphore, #tpu.memory_space<semaphore_mem>>) src(%arg11 : memref<16x1024xf32, #tpu.memory_space<vmem>>) dst(%dma_wait3A_426 : memref<16x1024xf32, #tpu.memory_space<hbm>>)
    %scan3A_427 = arith.constant 0 : i32
    %scan3A_428 = arith.constant 64 : i32
    %scan3A_429 = arith.addi %scan3A_427, %scan3A_428 : i32
    %scan3A_430 = arith.constant 1 : i32
    scf.for %scan3A_450 = %scan3A_427 to %scan3A_429 step %scan3A_430  : i32 {
      %mul3A_451 = arith.constant 1 : i32
      %mul3A_452 = arith.muli %scan3A_450, %mul3A_451 : i32
      %add3A_453 = arith.constant 0 : i32
      %add3A_454 = arith.addi %add3A_453, %mul3A_452 : i32
      %mul3A_455 = arith.constant 16 : i32
      %mul3A_456 = arith.muli %add3A_454, %mul3A_455 : i32
      %add3A_457 = vector.broadcast %mul3A_456 : i32 to vector<16xi32>
      %add3A_458 = arith.addi %add3A_457, %iota3A : vector<16xi32>
      %broadcast_in_dim3A = arith.constant 0 : i32
      %broadcast_in_dim3A_459 = vector.broadcast %broadcast_in_dim3A : i32 to vector<16xi32>
      %gather3A = tpu.vector_load_idx %arg7[%add3A_458, %broadcast_in_dim3A_459] : memref<1024x16xf32, #tpu.memory_space<vmem>>[vector<16xi32>, vector<16xi32>], vector<16xf32>,
      %gather3A_460 = tpu.vector_load_idx %arg9[%add3A_458, %broadcast_in_dim3A_459] : memref<1024x16xf32, #tpu.memory_space<vmem>>[vector<16xi32>, vector<16xi32>], vector<16xf32>,
      %add3A_461 = arith.addf %gather3A, %gather3A_460 : vector<16xf32>
      %mul3A_462 = arith.constant 16 : i32
      %mul3A_463 = arith.muli %add3A_454, %mul3A_462 : i32
      %swap3A = arith.constant 0 : i32
      %swap3A_464 = arith.index_cast %swap3A : i32 to index
      %swap3A_465 = arith.index_cast %mul3A_463 : i32 to index
      %swap3A_466 = tpu.vector_load %arg11[%swap3A_464, %swap3A_465] {strides = array<i32>} : memref<16x1024xf32, #tpu.memory_space<vmem>>, vector<16xf32>,
      tpu.vector_store %arg11[%swap3A_464, %swap3A_465], %add3A_461 {strides = array<i32>} : memref<16x1024xf32, #tpu.memory_space<vmem>>, vector<16xf32>,
      %broadcast_in_dim3A_467 = arith.constant 1 : i32
      %broadcast_in_dim3A_468 = vector.broadcast %broadcast_in_dim3A_467 : i32 to vector<16xi32>
      %gather3A_469 = tpu.vector_load_idx %arg7[%add3A_458, %broadcast_in_dim3A_468] : memref<1024x16xf32, #tpu.memory_space<vmem>>[vector<16xi32>, vector<16xi32>], vector<16xf32>,
      %gather3A_470 = tpu.vector_load_idx %arg9[%add3A_458, %broadcast_in_dim3A_468] : memref<1024x16xf32, #tpu.memory_space<vmem>>[vector<16xi32>, vector<16xi32>], vector<16xf32>,
      %add3A_471 = arith.addf %gather3A_469, %gather3A_470 : vector<16xf32>
      %mul3A_472 = arith.constant 16 : i32
      %mul3A_473 = arith.muli %add3A_454, %mul3A_472 : i32
      %swap3A_474 = arith.constant 1 : i32
      %swap3A_475 = arith.index_cast %swap3A_474 : i32 to index
      %swap3A_476 = arith.index_cast %mul3A_473 : i32 to index
      %swap3A_477 = tpu.vector_load %arg11[%swap3A_475, %swap3A_476] {strides = array<i32>} : memref<16x1024xf32, #tpu.memory_space<vmem>>, vector<16xf32>,
      tpu.vector_store %arg11[%swap3A_475, %swap3A_476], %add3A_471 {strides = array<i32>} : memref<16x1024xf32, #tpu.memory_space<vmem>>, vector<16xf32>,
      %broadcast_in_dim3A_478 = arith.constant 2 : i32
      %broadcast_in_dim3A_479 = vector.broadcast %broadcast_in_dim3A_478 : i32 to vector<16xi32>
      %gather3A_480 = tpu.vector_load_idx %arg7[%add3A_458, %broadcast_in_dim3A_479] : memref<1024x16xf32, #tpu.memory_space<vmem>>[vector<16xi32>, vector<16xi32>], vector<16xf32>,
      %gather3A_481 = tpu.vector_load_idx %arg9[%add3A_458, %broadcast_in_dim3A_479] : memref<1024x16xf32, #tpu.memory_space<vmem>>[vector<16xi32>, vector<16xi32>], vector<16xf32>,
      %add3A_482 = arith.addf %gather3A_480, %gather3A_481 : vector<16xf32>
      %mul3A_483 = arith.constant 16 : i32
      %mul3A_484 = arith.muli %add3A_454, %mul3A_483 : i32
      %swap3A_485 = arith.constant 2 : i32
      %swap3A_486 = arith.index_cast %swap3A_485 : i32 to index
      %swap3A_487 = arith.index_cast %mul3A_484 : i32 to index
      %swap3A_488 = tpu.vector_load %arg11[%swap3A_486, %swap3A_487] {strides = array<i32>} : memref<16x1024xf32, #tpu.memory_space<vmem>>, vector<16xf32>,
      tpu.vector_store %arg11[%swap3A_486, %swap3A_487], %add3A_482 {strides = array<i32>} : memref<16x1024xf32, #tpu.memory_space<vmem>>, vector<16xf32>,
      %broadcast_in_dim3A_489 = arith.constant 3 : i32
      %broadcast_in_dim3A_490 = vector.broadcast %broadcast_in_dim3A_489 : i32 to vector<16xi32>
      %gather3A_491 = tpu.vector_load_idx %arg7[%add3A_458, %broadcast_in_dim3A_490] : memref<1024x16xf32, #tpu.memory_space<vmem>>[vector<16xi32>, vector<16xi32>], vector<16xf32>,
      %gather3A_492 = tpu.vector_load_idx %arg9[%add3A_458, %broadcast_in_dim3A_490] : memref<1024x16xf32, #tpu.memory_space<vmem>>[vector<16xi32>, vector<16xi32>], vector<16xf32>,
      %add3A_493 = arith.addf %gather3A_491, %gather3A_492 : vector<16xf32>
      %mul3A_494 = arith.constant 16 : i32
      %mul3A_495 = arith.muli %add3A_454, %mul3A_494 : i32
      %swap3A_496 = arith.constant 3 : i32
      %swap3A_497 = arith.index_cast %swap3A_496 : i32 to index
      %swap3A_498 = arith.index_cast %mul3A_495 : i32 to index
      %swap3A_499 = tpu.vector_load %arg11[%swap3A_497, %swap3A_498] {strides = array<i32>} : memref<16x1024xf32, #tpu.memory_space<vmem>>, vector<16xf32>,
      tpu.vector_store %arg11[%swap3A_497, %swap3A_498], %add3A_493 {strides = array<i32>} : memref<16x1024xf32, #tpu.memory_space<vmem>>, vector<16xf32>,
      %broadcast_in_dim3A_500 = arith.constant 4 : i32
      %broadcast_in_dim3A_501 = vector.broadcast %broadcast_in_dim3A_500 : i32 to vector<16xi32>
      %gather3A_502 = tpu.vector_load_idx %arg7[%add3A_458, %broadcast_in_dim3A_501] : memref<1024x16xf32, #tpu.memory_space<vmem>>[vector<16xi32>, vector<16xi32>], vector<16xf32>,
      %gather3A_503 = tpu.vector_load_idx %arg9[%add3A_458, %broadcast_in_dim3A_501] : memref<1024x16xf32, #tpu.memory_space<vmem>>[vector<16xi32>, vector<16xi32>], vector<16xf32>,
      %add3A_504 = arith.addf %gather3A_502, %gather3A_503 : vector<16xf32>
      %mul3A_505 = arith.constant 16 : i32
      %mul3A_506 = arith.muli %add3A_454, %mul3A_505 : i32
      %swap3A_507 = arith.constant 4 : i32
      %swap3A_508 = arith.index_cast %swap3A_507 : i32 to index
      %swap3A_509 = arith.index_cast %mul3A_506 : i32 to index
      %swap3A_510 = tpu.vector_load %arg11[%swap3A_508, %swap3A_509] {strides = array<i32>} : memref<16x1024xf32, #tpu.memory_space<vmem>>, vector<16xf32>,
      tpu.vector_store %arg11[%swap3A_508, %swap3A_509], %add3A_504 {strides = array<i32>} : memref<16x1024xf32, #tpu.memory_space<vmem>>, vector<16xf32>,
      %broadcast_in_dim3A_511 = arith.constant 5 : i32
      %broadcast_in_dim3A_512 = vector.broadcast %broadcast_in_dim3A_511 : i32 to vector<16xi32>
      %gather3A_513 = tpu.vector_load_idx %arg7[%add3A_458, %broadcast_in_dim3A_512] : memref<1024x16xf32, #tpu.memory_space<vmem>>[vector<16xi32>, vector<16xi32>], vector<16xf32>,
      %gather3A_514 = tpu.vector_load_idx %arg9[%add3A_458, %broadcast_in_dim3A_512] : memref<1024x16xf32, #tpu.memory_space<vmem>>[vector<16xi32>, vector<16xi32>], vector<16xf32>,
      %add3A_515 = arith.addf %gather3A_513, %gather3A_514 : vector<16xf32>
      %mul3A_516 = arith.constant 16 : i32
      %mul3A_517 = arith.muli %add3A_454, %mul3A_516 : i32
      %swap3A_518 = arith.constant 5 : i32
      %swap3A_519 = arith.index_cast %swap3A_518 : i32 to index
      %swap3A_520 = arith.index_cast %mul3A_517 : i32 to index
      %swap3A_521 = tpu.vector_load %arg11[%swap3A_519, %swap3A_520] {strides = array<i32>} : memref<16x1024xf32, #tpu.memory_space<vmem>>, vector<16xf32>,
      tpu.vector_store %arg11[%swap3A_519, %swap3A_520], %add3A_515 {strides = array<i32>} : memref<16x1024xf32, #tpu.memory_space<vmem>>, vector<16xf32>,
      %broadcast_in_dim3A_522 = arith.constant 6 : i32
      %broadcast_in_dim3A_523 = vector.broadcast %broadcast_in_dim3A_522 : i32 to vector<16xi32>
      %gather3A_524 = tpu.vector_load_idx %arg7[%add3A_458, %broadcast_in_dim3A_523] : memref<1024x16xf32, #tpu.memory_space<vmem>>[vector<16xi32>, vector<16xi32>], vector<16xf32>,
      %gather3A_525 = tpu.vector_load_idx %arg9[%add3A_458, %broadcast_in_dim3A_523] : memref<1024x16xf32, #tpu.memory_space<vmem>>[vector<16xi32>, vector<16xi32>], vector<16xf32>,
      %add3A_526 = arith.addf %gather3A_524, %gather3A_525 : vector<16xf32>
      %mul3A_527 = arith.constant 16 : i32
      %mul3A_528 = arith.muli %add3A_454, %mul3A_527 : i32
      %swap3A_529 = arith.constant 6 : i32
      %swap3A_530 = arith.index_cast %swap3A_529 : i32 to index
      %swap3A_531 = arith.index_cast %mul3A_528 : i32 to index
      %swap3A_532 = tpu.vector_load %arg11[%swap3A_530, %swap3A_531] {strides = array<i32>} : memref<16x1024xf32, #tpu.memory_space<vmem>>, vector<16xf32>,
      tpu.vector_store %arg11[%swap3A_530, %swap3A_531], %add3A_526 {strides = array<i32>} : memref<16x1024xf32, #tpu.memory_space<vmem>>, vector<16xf32>,
      %broadcast_in_dim3A_533 = arith.constant 7 : i32
      %broadcast_in_dim3A_534 = vector.broadcast %broadcast_in_dim3A_533 : i32 to vector<16xi32>
      %gather3A_535 = tpu.vector_load_idx %arg7[%add3A_458, %broadcast_in_dim3A_534] : memref<1024x16xf32, #tpu.memory_space<vmem>>[vector<16xi32>, vector<16xi32>], vector<16xf32>,
      %gather3A_536 = tpu.vector_load_idx %arg9[%add3A_458, %broadcast_in_dim3A_534] : memref<1024x16xf32, #tpu.memory_space<vmem>>[vector<16xi32>, vector<16xi32>], vector<16xf32>,
      %add3A_537 = arith.addf %gather3A_535, %gather3A_536 : vector<16xf32>
      %mul3A_538 = arith.constant 16 : i32
      %mul3A_539 = arith.muli %add3A_454, %mul3A_538 : i32
      %swap3A_540 = arith.constant 7 : i32
      %swap3A_541 = arith.index_cast %swap3A_540 : i32 to index
      %swap3A_542 = arith.index_cast %mul3A_539 : i32 to index
      %swap3A_543 = tpu.vector_load %arg11[%swap3A_541, %swap3A_542] {strides = array<i32>} : memref<16x1024xf32, #tpu.memory_space<vmem>>, vector<16xf32>,
      tpu.vector_store %arg11[%swap3A_541, %swap3A_542], %add3A_537 {strides = array<i32>} : memref<16x1024xf32, #tpu.memory_space<vmem>>, vector<16xf32>,
      %broadcast_in_dim3A_544 = arith.constant 8 : i32
      %broadcast_in_dim3A_545 = vector.broadcast %broadcast_in_dim3A_544 : i32 to vector<16xi32>
      %gather3A_546 = tpu.vector_load_idx %arg7[%add3A_458, %broadcast_in_dim3A_545] : memref<1024x16xf32, #tpu.memory_space<vmem>>[vector<16xi32>, vector<16xi32>], vector<16xf32>,
      %gather3A_547 = tpu.vector_load_idx %arg9[%add3A_458, %broadcast_in_dim3A_545] : memref<1024x16xf32, #tpu.memory_space<vmem>>[vector<16xi32>, vector<16xi32>], vector<16xf32>,
      %add3A_548 = arith.addf %gather3A_546, %gather3A_547 : vector<16xf32>
      %mul3A_549 = arith.constant 16 : i32
      %mul3A_550 = arith.muli %add3A_454, %mul3A_549 : i32
      %swap3A_551 = arith.constant 8 : i32
      %swap3A_552 = arith.index_cast %swap3A_551 : i32 to index
      %swap3A_553 = arith.index_cast %mul3A_550 : i32 to index
      %swap3A_554 = tpu.vector_load %arg11[%swap3A_552, %swap3A_553] {strides = array<i32>} : memref<16x1024xf32, #tpu.memory_space<vmem>>, vector<16xf32>,
      tpu.vector_store %arg11[%swap3A_552, %swap3A_553], %add3A_548 {strides = array<i32>} : memref<16x1024xf32, #tpu.memory_space<vmem>>, vector<16xf32>,
      %broadcast_in_dim3A_555 = arith.constant 9 : i32
      %broadcast_in_dim3A_556 = vector.broadcast %broadcast_in_dim3A_555 : i32 to vector<16xi32>
      %gather3A_557 = tpu.vector_load_idx %arg7[%add3A_458, %broadcast_in_dim3A_556] : memref<1024x16xf32, #tpu.memory_space<vmem>>[vector<16xi32>, vector<16xi32>], vector<16xf32>,
      %gather3A_558 = tpu.vector_load_idx %arg9[%add3A_458, %broadcast_in_dim3A_556] : memref<1024x16xf32, #tpu.memory_space<vmem>>[vector<16xi32>, vector<16xi32>], vector<16xf32>,
      %add3A_559 = arith.addf %gather3A_557, %gather3A_558 : vector<16xf32>
      %mul3A_560 = arith.constant 16 : i32
      %mul3A_561 = arith.muli %add3A_454, %mul3A_560 : i32
      %swap3A_562 = arith.constant 9 : i32
      %swap3A_563 = arith.index_cast %swap3A_562 : i32 to index
      %swap3A_564 = arith.index_cast %mul3A_561 : i32 to index
      %swap3A_565 = tpu.vector_load %arg11[%swap3A_563, %swap3A_564] {strides = array<i32>} : memref<16x1024xf32, #tpu.memory_space<vmem>>, vector<16xf32>,
      tpu.vector_store %arg11[%swap3A_563, %swap3A_564], %add3A_559 {strides = array<i32>} : memref<16x1024xf32, #tpu.memory_space<vmem>>, vector<16xf32>,
      %broadcast_in_dim3A_566 = arith.constant 10 : i32
      %broadcast_in_dim3A_567 = vector.broadcast %broadcast_in_dim3A_566 : i32 to vector<16xi32>
      %gather3A_568 = tpu.vector_load_idx %arg7[%add3A_458, %broadcast_in_dim3A_567] : memref<1024x16xf32, #tpu.memory_space<vmem>>[vector<16xi32>, vector<16xi32>], vector<16xf32>,
      %gather3A_569 = tpu.vector_load_idx %arg9[%add3A_458, %broadcast_in_dim3A_567] : memref<1024x16xf32, #tpu.memory_space<vmem>>[vector<16xi32>, vector<16xi32>], vector<16xf32>,
      %add3A_570 = arith.addf %gather3A_568, %gather3A_569 : vector<16xf32>
      %mul3A_571 = arith.constant 16 : i32
      %mul3A_572 = arith.muli %add3A_454, %mul3A_571 : i32
      %swap3A_573 = arith.constant 10 : i32
      %swap3A_574 = arith.index_cast %swap3A_573 : i32 to index
      %swap3A_575 = arith.index_cast %mul3A_572 : i32 to index
      %swap3A_576 = tpu.vector_load %arg11[%swap3A_574, %swap3A_575] {strides = array<i32>} : memref<16x1024xf32, #tpu.memory_space<vmem>>, vector<16xf32>,
      tpu.vector_store %arg11[%swap3A_574, %swap3A_575], %add3A_570 {strides = array<i32>} : memref<16x1024xf32, #tpu.memory_space<vmem>>, vector<16xf32>,
      %broadcast_in_dim3A_577 = arith.constant 11 : i32
      %broadcast_in_dim3A_578 = vector.broadcast %broadcast_in_dim3A_577 : i32 to vector<16xi32>
      %gather3A_579 = tpu.vector_load_idx %arg7[%add3A_458, %broadcast_in_dim3A_578] : memref<1024x16xf32, #tpu.memory_space<vmem>>[vector<16xi32>, vector<16xi32>], vector<16xf32>,
      %gather3A_580 = tpu.vector_load_idx %arg9[%add3A_458, %broadcast_in_dim3A_578] : memref<1024x16xf32, #tpu.memory_space<vmem>>[vector<16xi32>, vector<16xi32>], vector<16xf32>,
      %add3A_581 = arith.addf %gather3A_579, %gather3A_580 : vector<16xf32>
      %mul3A_582 = arith.constant 16 : i32
      %mul3A_583 = arith.muli %add3A_454, %mul3A_582 : i32
      %swap3A_584 = arith.constant 11 : i32
      %swap3A_585 = arith.index_cast %swap3A_584 : i32 to index
      %swap3A_586 = arith.index_cast %mul3A_583 : i32 to index
      %swap3A_587 = tpu.vector_load %arg11[%swap3A_585, %swap3A_586] {strides = array<i32>} : memref<16x1024xf32, #tpu.memory_space<vmem>>, vector<16xf32>,
      tpu.vector_store %arg11[%swap3A_585, %swap3A_586], %add3A_581 {strides = array<i32>} : memref<16x1024xf32, #tpu.memory_space<vmem>>, vector<16xf32>,
      %broadcast_in_dim3A_588 = arith.constant 12 : i32
      %broadcast_in_dim3A_589 = vector.broadcast %broadcast_in_dim3A_588 : i32 to vector<16xi32>
      %gather3A_590 = tpu.vector_load_idx %arg7[%add3A_458, %broadcast_in_dim3A_589] : memref<1024x16xf32, #tpu.memory_space<vmem>>[vector<16xi32>, vector<16xi32>], vector<16xf32>,
      %gather3A_591 = tpu.vector_load_idx %arg9[%add3A_458, %broadcast_in_dim3A_589] : memref<1024x16xf32, #tpu.memory_space<vmem>>[vector<16xi32>, vector<16xi32>], vector<16xf32>,
      %add3A_592 = arith.addf %gather3A_590, %gather3A_591 : vector<16xf32>
      %mul3A_593 = arith.constant 16 : i32
      %mul3A_594 = arith.muli %add3A_454, %mul3A_593 : i32
      %swap3A_595 = arith.constant 12 : i32
      %swap3A_596 = arith.index_cast %swap3A_595 : i32 to index
      %swap3A_597 = arith.index_cast %mul3A_594 : i32 to index
      %swap3A_598 = tpu.vector_load %arg11[%swap3A_596, %swap3A_597] {strides = array<i32>} : memref<16x1024xf32, #tpu.memory_space<vmem>>, vector<16xf32>,
      tpu.vector_store %arg11[%swap3A_596, %swap3A_597], %add3A_592 {strides = array<i32>} : memref<16x1024xf32, #tpu.memory_space<vmem>>, vector<16xf32>,
      %broadcast_in_dim3A_599 = arith.constant 13 : i32
      %broadcast_in_dim3A_600 = vector.broadcast %broadcast_in_dim3A_599 : i32 to vector<16xi32>
      %gather3A_601 = tpu.vector_load_idx %arg7[%add3A_458, %broadcast_in_dim3A_600] : memref<1024x16xf32, #tpu.memory_space<vmem>>[vector<16xi32>, vector<16xi32>], vector<16xf32>,
      %gather3A_602 = tpu.vector_load_idx %arg9[%add3A_458, %broadcast_in_dim3A_600] : memref<1024x16xf32, #tpu.memory_space<vmem>>[vector<16xi32>, vector<16xi32>], vector<16xf32>,
      %add3A_603 = arith.addf %gather3A_601, %gather3A_602 : vector<16xf32>
      %mul3A_604 = arith.constant 16 : i32
      %mul3A_605 = arith.muli %add3A_454, %mul3A_604 : i32
      %swap3A_606 = arith.constant 13 : i32
      %swap3A_607 = arith.index_cast %swap3A_606 : i32 to index
      %swap3A_608 = arith.index_cast %mul3A_605 : i32 to index
      %swap3A_609 = tpu.vector_load %arg11[%swap3A_607, %swap3A_608] {strides = array<i32>} : memref<16x1024xf32, #tpu.memory_space<vmem>>, vector<16xf32>,
      tpu.vector_store %arg11[%swap3A_607, %swap3A_608], %add3A_603 {strides = array<i32>} : memref<16x1024xf32, #tpu.memory_space<vmem>>, vector<16xf32>,
      %broadcast_in_dim3A_610 = arith.constant 14 : i32
      %broadcast_in_dim3A_611 = vector.broadcast %broadcast_in_dim3A_610 : i32 to vector<16xi32>
      %gather3A_612 = tpu.vector_load_idx %arg7[%add3A_458, %broadcast_in_dim3A_611] : memref<1024x16xf32, #tpu.memory_space<vmem>>[vector<16xi32>, vector<16xi32>], vector<16xf32>,
      %gather3A_613 = tpu.vector_load_idx %arg9[%add3A_458, %broadcast_in_dim3A_611] : memref<1024x16xf32, #tpu.memory_space<vmem>>[vector<16xi32>, vector<16xi32>], vector<16xf32>,
      %add3A_614 = arith.addf %gather3A_612, %gather3A_613 : vector<16xf32>
      %mul3A_615 = arith.constant 16 : i32
      %mul3A_616 = arith.muli %add3A_454, %mul3A_615 : i32
      %swap3A_617 = arith.constant 14 : i32
      %swap3A_618 = arith.index_cast %swap3A_617 : i32 to index
      %swap3A_619 = arith.index_cast %mul3A_616 : i32 to index
      %swap3A_620 = tpu.vector_load %arg11[%swap3A_618, %swap3A_619] {strides = array<i32>} : memref<16x1024xf32, #tpu.memory_space<vmem>>, vector<16xf32>,
      tpu.vector_store %arg11[%swap3A_618, %swap3A_619], %add3A_614 {strides = array<i32>} : memref<16x1024xf32, #tpu.memory_space<vmem>>, vector<16xf32>,
      %broadcast_in_dim3A_621 = arith.constant 15 : i32
      %broadcast_in_dim3A_622 = vector.broadcast %broadcast_in_dim3A_621 : i32 to vector<16xi32>
      %gather3A_623 = tpu.vector_load_idx %arg7[%add3A_458, %broadcast_in_dim3A_622] : memref<1024x16xf32, #tpu.memory_space<vmem>>[vector<16xi32>, vector<16xi32>], vector<16xf32>,
      %gather3A_624 = tpu.vector_load_idx %arg9[%add3A_458, %broadcast_in_dim3A_622] : memref<1024x16xf32, #tpu.memory_space<vmem>>[vector<16xi32>, vector<16xi32>], vector<16xf32>,
      %add3A_625 = arith.addf %gather3A_623, %gather3A_624 : vector<16xf32>
      %mul3A_626 = arith.constant 16 : i32
      %mul3A_627 = arith.muli %add3A_454, %mul3A_626 : i32
      %swap3A_628 = arith.constant 15 : i32
      %swap3A_629 = arith.index_cast %swap3A_628 : i32 to index
      %swap3A_630 = arith.index_cast %mul3A_627 : i32 to index
      %swap3A_631 = tpu.vector_load %arg11[%swap3A_629, %swap3A_630] {strides = array<i32>} : memref<16x1024xf32, #tpu.memory_space<vmem>>, vector<16xf32>,
      tpu.vector_store %arg11[%swap3A_629, %swap3A_630], %add3A_625 {strides = array<i32>} : memref<16x1024xf32, #tpu.memory_space<vmem>>, vector<16xf32>,
    }
    %scan3A_431 = arith.constant 64 : i32
    %add3A_432 = arith.constant 9216 : i32
    %add3A_433 = arith.addi %mul3A_2, %add3A_432 : i32
    %dma_start3A_434 = arith.constant 0 : i32
    %dma_start3A_435 = tpu.memref_slice %arg4[%dma_start3A_434, %add3A_433] : memref<16x327680xf32, #tpu.memory_space<hbm>> -> memref<16x1024xf32, #tpu.memory_space<hbm>>
    %dma_start3A_436 = arith.constant 0 : i32
    %dma_start3A_437 = tpu.memref_slice %arg4[%dma_start3A_436, %add3A_433] : memref<16x327680xf32, #tpu.memory_space<hbm>> -> memref<16x1024xf32, #tpu.memory_space<hbm>>
    tpu.enqueue_dma source(%arg11 : memref<16x1024xf32, #tpu.memory_space<vmem>>) target(%dma_start3A_437 : memref<16x1024xf32, #tpu.memory_space<hbm>>) target_semaphore(%arg13 : memref<!tpu.dma_semaphore, #tpu.memory_space<semaphore_mem>>)
    %add3A_438 = arith.constant 8192 : i32
    %add3A_439 = arith.addi %mul3A_2, %add3A_438 : i32
    %dma_wait3A_440 = arith.constant 0 : i32
    %dma_wait3A_441 = tpu.memref_slice %arg4[%dma_wait3A_440, %add3A_439] : memref<16x327680xf32, #tpu.memory_space<hbm>> -> memref<16x1024xf32, #tpu.memory_space<hbm>>
    %dma_wait3A_442 = arith.constant 0 : i32
    %dma_wait3A_443 = tpu.memref_slice %arg4[%dma_wait3A_442, %add3A_439] : memref<16x327680xf32, #tpu.memory_space<hbm>> -> memref<16x1024xf32, #tpu.memory_space<hbm>>
    tpu.wait_dma2 semaphore(%arg13 : memref<!tpu.dma_semaphore, #tpu.memory_space<semaphore_mem>>) src(%arg10 : memref<16x1024xf32, #tpu.memory_space<vmem>>) dst(%dma_wait3A_443 : memref<16x1024xf32, #tpu.memory_space<hbm>>)
    %add3A_444 = arith.constant 9216 : i32
    %add3A_445 = arith.addi %mul3A_2, %add3A_444 : i32
    %dma_wait3A_446 = arith.constant 0 : i32
    %dma_wait3A_447 = tpu.memref_slice %arg4[%dma_wait3A_446, %add3A_445] : memref<16x327680xf32, #tpu.memory_space<hbm>> -> memref<16x1024xf32, #tpu.memory_space<hbm>>
    %dma_wait3A_448 = arith.constant 0 : i32
    %dma_wait3A_449 = tpu.memref_slice %arg4[%dma_wait3A_448, %add3A_445] : memref<16x327680xf32, #tpu.memory_space<hbm>> -> memref<16x1024xf32, #tpu.memory_space<hbm>>
    tpu.wait_dma2 semaphore(%arg13 : memref<!tpu.dma_semaphore, #tpu.memory_space<semaphore_mem>>) src(%arg11 : memref<16x1024xf32, #tpu.memory_space<vmem>>) dst(%dma_wait3A_449 : memref<16x1024xf32, #tpu.memory_space<hbm>>)
    return
  }
}

module attributes {stable_mosaic.version = 14 : i64} {
  func.func @_pq_body(%arg0: i32, %arg1: memref<2000x128xf32, #tpu.memory_space<vmem>>, %arg2: memref<128x16xf32, #tpu.memory_space<vmem>>, %arg3: memref<128x16xf32, #tpu.memory_space<vmem>>, %arg4: memref<2000x16xf32, #tpu.memory_space<vmem>>) attributes {dimension_semantics = [#tpu.dimension_semantics<arbitrary>], iteration_bounds = array<i64: 10>, scalar_prefetch = 0 : i64, scratch_operands = 0 : i64, tpu.core_type = #tpu.core_type<tc>, window_params = [{transform_indices = @transform_0, window_bounds = array<i64: 2000, 128>}, {pipeline_mode = #tpu.pipeline_mode<synchronous>, transform_indices = @transform_1, window_bounds = array<i64: 128, 16>}, {pipeline_mode = #tpu.pipeline_mode<synchronous>, transform_indices = @transform_2, window_bounds = array<i64: 128, 16>}, {transform_indices = @transform_3, window_bounds = array<i64: 2000, 16>}]} {
    %lt3A = arith.constant 5 : i32
    %lt3A_0 = arith.cmpi slt, %arg0, %lt3A : i32
    %get3A = arith.constant 0 : index
    %get3A_1 = arith.constant 0 : index
    %get3A_2 = vector.load %arg2[%get3A, %get3A_1] : memref<128x16xf32, #tpu.memory_space<vmem>>, vector<128x16xf32>
    %get3A_3 = arith.constant 0 : index
    %get3A_4 = arith.constant 0 : index
    %get3A_5 = vector.load %arg3[%get3A_3, %get3A_4] : memref<128x16xf32, #tpu.memory_space<vmem>>, vector<128x16xf32>
    %select_n3A = arith.select %lt3A_0, %get3A_2, %get3A_5 : vector<128x16xf32>
    %get3A_6 = arith.constant 0 : index
    %get3A_7 = arith.constant 0 : index
    %get3A_8 = vector.load %arg1[%get3A_6, %get3A_7] : memref<2000x128xf32, #tpu.memory_space<vmem>>, vector<2000x128xf32>
    %dot_general3A = arith.constant dense<0.000000e+00> : vector<2000x16xf32>
    %dot_general3A_9 = tpu.matmul %get3A_8, %select_n3A, %dot_general3A {dimension_numbers = #tpu.dot_dimension_numbers<[1], [0], [0], [1], [0, 0, 1, 1], [], []>, transpose_lhs_hint = false} : vector<2000x128xf32>, vector<128x16xf32>, vector<2000x16xf32> -> vector<2000x16xf32>
    %swap3A = arith.constant 0 : index
    %swap3A_10 = arith.constant 0 : index
    %swap3A_11 = vector.load %arg4[%swap3A, %swap3A_10] : memref<2000x16xf32, #tpu.memory_space<vmem>>, vector<2000x16xf32>
    tpu.vector_store %arg4[%swap3A, %swap3A_10], %dot_general3A_9 {strides = array<i32>} : memref<2000x16xf32, #tpu.memory_space<vmem>>, vector<2000x16xf32>,
    return
  }
  func.func @transform_0(%arg0: i32) -> (i32, i32) {
    %jit3A = arith.constant 5 : i32
    %eq3A = arith.constant 0 : i32
    %eq3A_0 = arith.cmpi eq, %jit3A, %eq3A : i32
    %jit3A_1 = arith.constant 1 : i32
    %select_n3A = arith.select %eq3A_0, %jit3A_1, %jit3A : i32
    %rem3A = arith.remsi %arg0, %select_n3A : i32
    %ne3A = arith.constant 0 : i32
    %ne3A_2 = arith.cmpi ne, %rem3A, %ne3A : i32
    %lt3A = arith.constant 0 : i32
    %lt3A_3 = arith.cmpi slt, %rem3A, %lt3A : i32
    %lt3A_4 = arith.constant 0 : i32
    %lt3A_5 = arith.cmpi slt, %select_n3A, %lt3A_4 : i32
    %ne3A_6 = arith.xori %lt3A_3, %lt3A_5 : i1
    %and3A = arith.andi %ne3A_6, %ne3A_2 : i1
    %add3A = arith.addi %rem3A, %select_n3A : i32
    %select_n3A_7 = arith.select %and3A, %add3A, %rem3A : i32
    %c0_i32 = arith.constant 0 : i32
    %c0_i32_8 = arith.constant 0 : i32
    return %select_n3A_7, %c0_i32 : i32, i32
  }
  func.func @transform_1(%arg0: i32) -> (i32, i32) {
    %c0_i32 = arith.constant 0 : i32
    %c0_i32_0 = arith.constant 0 : i32
    %c0_i32_1 = arith.constant 0 : i32
    return %c0_i32, %c0_i32_0 : i32, i32
  }
  func.func @transform_2(%arg0: i32) -> (i32, i32) {
    %c0_i32 = arith.constant 0 : i32
    %c0_i32_0 = arith.constant 0 : i32
    %c0_i32_1 = arith.constant 0 : i32
    return %c0_i32, %c0_i32_0 : i32, i32
  }
  func.func @transform_3(%arg0: i32) -> (i32, i32) {
    %c0_i32 = arith.constant 0 : i32
    %c0_i32_0 = arith.constant 0 : i32
    return %arg0, %c0_i32 : i32, i32
  }
}

module attributes {stable_mosaic.version = 14 : i64} {
  func.func @_dense_body(%arg0: i32, %arg1: memref<16x32000xf32, #tpu.memory_space<vmem>>, %arg2: memref<16x32000xf32, #tpu.memory_space<vmem>>, %arg3: memref<16x16xf32, #tpu.memory_space<vmem>>, %arg4: memref<16x16xf32, #tpu.memory_space<vmem>>, %arg5: memref<16x8xf32, #tpu.memory_space<vmem>>, %arg6: memref<16x32000xf32, #tpu.memory_space<vmem>>) attributes {dimension_semantics = [#tpu.dimension_semantics<arbitrary>], iteration_bounds = array<i64: 10>, scalar_prefetch = 0 : i64, scratch_operands = 0 : i64, tpu.core_type = #tpu.core_type<tc>, window_params = [{transform_indices = @transform_0, window_bounds = array<i64: 16, 32000>}, {transform_indices = @transform_1, window_bounds = array<i64: 16, 32000>}, {pipeline_mode = #tpu.pipeline_mode<synchronous>, transform_indices = @transform_2, window_bounds = array<i64: 16, 16>}, {pipeline_mode = #tpu.pipeline_mode<synchronous>, transform_indices = @transform_3, window_bounds = array<i64: 16, 16>}, {pipeline_mode = #tpu.pipeline_mode<synchronous>, transform_indices = @transform_4, window_bounds = array<i64: 16, 8>}, {transform_indices = @transform_5, window_bounds = array<i64: 16, 32000>}]} {
    %get3A = arith.constant 0 : index
    %get3A_0 = arith.constant 0 : index
    %get3A_1 = vector.load %arg2[%get3A, %get3A_0] : memref<16x32000xf32, #tpu.memory_space<vmem>>, vector<16x32000xf32>
    %get3A_2 = arith.constant 0 : index
    %get3A_3 = arith.constant 0 : index
    %get3A_4 = vector.load %arg1[%get3A_2, %get3A_3] : memref<16x32000xf32, #tpu.memory_space<vmem>>, vector<16x32000xf32>
    %get3A_5 = arith.constant 0 : index
    %get3A_6 = arith.constant 0 : index
    %get3A_7 = vector.load %arg3[%get3A_5, %get3A_6] : memref<16x16xf32, #tpu.memory_space<vmem>>, vector<16x16xf32>
    %dot_general3A = arith.constant dense<0.000000e+00> : vector<16x32000xf32>
    %dot_general3A_8 = tpu.matmul %get3A_7, %get3A_1, %dot_general3A {dimension_numbers = #tpu.dot_dimension_numbers<[1], [0], [0], [1], [0, 0, 1, 1], [], []>, transpose_lhs_hint = false} : vector<16x16xf32>, vector<16x32000xf32>, vector<16x32000xf32> -> vector<16x32000xf32>
    %add3A = arith.addf %get3A_4, %dot_general3A_8 : vector<16x32000xf32>
    %get3A_9 = arith.constant 0 : index
    %get3A_10 = arith.constant 0 : index
    %get3A_11 = vector.load %arg5[%get3A_9, %get3A_10] : memref<16x8xf32, #tpu.memory_space<vmem>>, vector<16x1xf32>
    %add3A_12 = vector.broadcast %get3A_11 : vector<16x1xf32> to vector<16x32000xf32>
    %add3A_13 = arith.addf %add3A, %add3A_12 : vector<16x32000xf32>
    %neg3A = arith.constant 0.000000e+00 : f32
    %neg3A_14 = vector.broadcast %neg3A : f32 to vector<16x32000xf32>
    %neg3A_15 = arith.subf %neg3A_14, %add3A_13 : vector<16x32000xf32>
    %exp3A = math.exp %neg3A_15 : vector<16x32000xf32>
    %add3A_16 = arith.constant 1.000000e+00 : f32
    %add3A_17 = vector.broadcast %add3A_16 : f32 to vector<16x32000xf32>
    %add3A_18 = arith.addf %add3A_17, %exp3A : vector<16x32000xf32>
    %div3A = arith.constant 1.000000e+00 : f32
    %div3A_19 = vector.broadcast %div3A : f32 to vector<16x32000xf32>
    %div3A_20 = arith.divf %div3A_19, %add3A_18 : vector<16x32000xf32>
    %mul3A = arith.mulf %add3A_13, %div3A_20 : vector<16x32000xf32>
    %get3A_21 = arith.constant 0 : index
    %get3A_22 = arith.constant 0 : index
    %get3A_23 = vector.load %arg4[%get3A_21, %get3A_22] : memref<16x16xf32, #tpu.memory_space<vmem>>, vector<16x16xf32>
    %dot_general3A_24 = arith.constant dense<0.000000e+00> : vector<16x32000xf32>
    %dot_general3A_25 = tpu.matmul %get3A_23, %mul3A, %dot_general3A_24 {dimension_numbers = #tpu.dot_dimension_numbers<[1], [0], [0], [1], [0, 0, 1, 1], [], []>, transpose_lhs_hint = false} : vector<16x16xf32>, vector<16x32000xf32>, vector<16x32000xf32> -> vector<16x32000xf32>
    %get3A_26 = arith.constant 0 : index
    %get3A_27 = arith.constant 1 : index
    %get3A_28 = vector.load %arg5[%get3A_26, %get3A_27] : memref<16x8xf32, #tpu.memory_space<vmem>>, vector<16x1xf32>
    %add3A_29 = vector.broadcast %get3A_28 : vector<16x1xf32> to vector<16x32000xf32>
    %add3A_30 = arith.addf %dot_general3A_25, %add3A_29 : vector<16x32000xf32>
    %neg3A_31 = arith.constant 0.000000e+00 : f32
    %neg3A_32 = vector.broadcast %neg3A_31 : f32 to vector<16x32000xf32>
    %neg3A_33 = arith.subf %neg3A_32, %add3A_30 : vector<16x32000xf32>
    %exp3A_34 = math.exp %neg3A_33 : vector<16x32000xf32>
    %add3A_35 = arith.constant 1.000000e+00 : f32
    %add3A_36 = vector.broadcast %add3A_35 : f32 to vector<16x32000xf32>
    %add3A_37 = arith.addf %add3A_36, %exp3A_34 : vector<16x32000xf32>
    %div3A_38 = arith.constant 1.000000e+00 : f32
    %div3A_39 = vector.broadcast %div3A_38 : f32 to vector<16x32000xf32>
    %div3A_40 = arith.divf %div3A_39, %add3A_37 : vector<16x32000xf32>
    %mul3A_41 = arith.mulf %add3A_30, %div3A_40 : vector<16x32000xf32>
    %add3A_42 = arith.addf %get3A_1, %mul3A_41 : vector<16x32000xf32>
    %reduce_sum3A = arith.constant dense<0.000000e+00> : vector<32000xf32>
    %reduce_sum3A_43 = vector.multi_reduction <add>, %add3A_42, %reduce_sum3A [0] : vector<16x32000xf32> to vector<32000xf32>
    %broadcast_in_dim3A = vector.shape_cast %reduce_sum3A_43 : vector<32000xf32> to vector<1x32000xf32>
    %div3A_44 = arith.constant 1.600000e+01 : f32
    %div3A_45 = vector.broadcast %div3A_44 : f32 to vector<1x32000xf32>
    %div3A_46 = arith.divf %broadcast_in_dim3A, %div3A_45 : vector<1x32000xf32>
    %mul3A_47 = arith.mulf %add3A_42, %add3A_42 : vector<16x32000xf32>
    %reduce_sum3A_48 = arith.constant dense<0.000000e+00> : vector<32000xf32>
    %reduce_sum3A_49 = vector.multi_reduction <add>, %mul3A_47, %reduce_sum3A_48 [0] : vector<16x32000xf32> to vector<32000xf32>
    %broadcast_in_dim3A_50 = vector.shape_cast %reduce_sum3A_49 : vector<32000xf32> to vector<1x32000xf32>
    %div3A_51 = arith.constant 1.600000e+01 : f32
    %div3A_52 = vector.broadcast %div3A_51 : f32 to vector<1x32000xf32>
    %div3A_53 = arith.divf %broadcast_in_dim3A_50, %div3A_52 : vector<1x32000xf32>
    %mul3A_54 = arith.mulf %div3A_46, %div3A_46 : vector<1x32000xf32>
    %sub3A = arith.subf %div3A_53, %mul3A_54 : vector<1x32000xf32>
    %sub3A_55 = vector.broadcast %div3A_46 : vector<1x32000xf32> to vector<16x32000xf32>
    %sub3A_56 = arith.subf %add3A_42, %sub3A_55 : vector<16x32000xf32>
    %add3A_57 = arith.constant 9.99999974E-6 : f32
    %add3A_58 = vector.broadcast %add3A_57 : f32 to vector<1x32000xf32>
    %add3A_59 = arith.addf %sub3A, %add3A_58 : vector<1x32000xf32>
    %rsqrt3A = math.rsqrt %add3A_59 : vector<1x32000xf32>
    %mul3A_60 = vector.broadcast %rsqrt3A : vector<1x32000xf32> to vector<16x32000xf32>
    %mul3A_61 = arith.mulf %sub3A_56, %mul3A_60 : vector<16x32000xf32>
    %get3A_62 = arith.constant 0 : index
    %get3A_63 = arith.constant 2 : index
    %get3A_64 = vector.load %arg5[%get3A_62, %get3A_63] : memref<16x8xf32, #tpu.memory_space<vmem>>, vector<16x1xf32>
    %mul3A_65 = vector.broadcast %get3A_64 : vector<16x1xf32> to vector<16x32000xf32>
    %mul3A_66 = arith.mulf %mul3A_61, %mul3A_65 : vector<16x32000xf32>
    %get3A_67 = arith.constant 0 : index
    %get3A_68 = arith.constant 3 : index
    %get3A_69 = vector.load %arg5[%get3A_67, %get3A_68] : memref<16x8xf32, #tpu.memory_space<vmem>>, vector<16x1xf32>
    %add3A_70 = vector.broadcast %get3A_69 : vector<16x1xf32> to vector<16x32000xf32>
    %add3A_71 = arith.addf %mul3A_66, %add3A_70 : vector<16x32000xf32>
    %swap3A = arith.constant 0 : index
    %swap3A_72 = arith.constant 0 : index
    %swap3A_73 = vector.load %arg6[%swap3A, %swap3A_72] : memref<16x32000xf32, #tpu.memory_space<vmem>>, vector<16x32000xf32>
    tpu.vector_store %arg6[%swap3A, %swap3A_72], %add3A_71 {strides = array<i32>} : memref<16x32000xf32, #tpu.memory_space<vmem>>, vector<16x32000xf32>,
    return
  }
  func.func @transform_0(%arg0: i32) -> (i32, i32) {
    %c0_i32 = arith.constant 0 : i32
    %c0_i32_0 = arith.constant 0 : i32
    return %c0_i32, %arg0 : i32, i32
  }
  func.func @transform_1(%arg0: i32) -> (i32, i32) {
    %c0_i32 = arith.constant 0 : i32
    %c0_i32_0 = arith.constant 0 : i32
    return %c0_i32, %arg0 : i32, i32
  }
  func.func @transform_2(%arg0: i32) -> (i32, i32) {
    %c0_i32 = arith.constant 0 : i32
    %c0_i32_0 = arith.constant 0 : i32
    %c0_i32_1 = arith.constant 0 : i32
    return %c0_i32, %c0_i32_0 : i32, i32
  }
  func.func @transform_3(%arg0: i32) -> (i32, i32) {
    %c0_i32 = arith.constant 0 : i32
    %c0_i32_0 = arith.constant 0 : i32
    %c0_i32_1 = arith.constant 0 : i32
    return %c0_i32, %c0_i32_0 : i32, i32
  }
  func.func @transform_4(%arg0: i32) -> (i32, i32) {
    %c0_i32 = arith.constant 0 : i32
    %c0_i32_0 = arith.constant 0 : i32
    %c0_i32_1 = arith.constant 0 : i32
    return %c0_i32, %c0_i32_0 : i32, i32
  }
  func.func @transform_5(%arg0: i32) -> (i32, i32) {
    %c0_i32 = arith.constant 0 : i32
    %c0_i32_0 = arith.constant 0 : i32
    return %c0_i32, %arg0 : i32, i32
  }
}

</mosaic_0001>

<sc_bundles>
// kernel: kernel.5.cloned.1.call-start
scs
__scs_entry_jumppad:
0x0: {  	(pc) =	sbr.rel $0x88, $3  }
0x1: {  	(tag) =	ssettag $0x0;
	lr =	simm.s32 $0x1  }
0x2: {  	[smem:$0x3F98] =	sst lr;
	_ =	strace $0xD0000000  }
0x3: {  	_ = 	snop  }
0x4: {  	_ = 	snop  }
0x5: {  	_ = 	snop  }
0x6: {  	_ = 	snop  }
0x7: {  	_ = 	snop  }
__scs_overlays_trampoline_lowered:
0x8: {  	[smem:$0x3FA7] =	sst s0  }
0x9: {  	[smem:$0x3FA8] =	sst s1  }
0xa: {  	[smem:$0x3FA9] =	sst s2  }
0xb: {  	[smem:$0x3FAA] =	sst s3  }
0xc: {  	[smem:$0x3FAB] =	sst s4  }
0xd: {  	[smem:$0x3FAC] =	sst s5  }
0xe: {  	[smem:$0x3FAD] =	sst s6  }
0xf: {  	[smem:$0x3FAE] =	sst s7  }
0x10: {  	[smem:$0x3FAF] =	sst s8  }
0x11: {  	[smem:$0x3FB0] =	sst s9;
	s0 =	simm.s32 @!p0 $0x0  }
0x12: {  	s1 =	sld [smem:$0x3F96];
	s0 =	simm.s32 @p0 $0x1  }
0x13: {  	[smem:$0x3FB1] =	sst s0;
	s0 =	simm.s32 @!p1 $0x0  }
0x14: {  	s2 =	sld [smem:$0x3F95];
	s0 =	simm.s32 @p1 $0x1  }
0x15: {  	[smem:$0x3FB2] =	sst s0;
	s0 =	simm.s32 @!p2 $0x0  }
0x16: {  	s3 =	sld [smem:$0x3FDB];
	s0 =	simm.s32 @p2 $0x1  }
0x17: {  	s4 =	simm.s32 $0x1BF5;
	[smem:$0x3FB4] =	sst s0  }
0x18: {  	s0 =	sld [smem:$0x3F97];
	_ =	swait.ge [sflag:s4], $0x0  }
0x19: {  	s7 =	sld [smem:$0x3F98]  }
0x1a: {  	s8 =	sadd.s32 $0xFFFFE003, lr  }
0x1b: {  	s9 =	sadd.s32 $0xFFFFFEF7, lr;
	s5 =	simm.s32 $0xFFFFFFFF;
	p2 =	slt.u32 s8, $0xFFFFF086  }
0x1c: {  	p1 =	slt.u32 s9, $0xF7A;
	s5 =	simm.s32 @!p2 $0x0  }
0x1d: {  	s5 =	simm.s32 @p1 $0x1;
	p0 =	seq.s32 s7, s2  }
0x1e: {  	s7 =	smul.u32 @!p0 $0xF7A, s2;
	p2 =	seq.s32 @!p0 s5, $0x0  }
0x1f: {  	s9 =	smul.u32 $0xF7A, s1;
	s8 =	simm.s32 @!p0 $0x1BF5;
	p2 =	por !p2, p0  }
0x20: {  	[sflag:s8] =	ssyncset.s32 @!p0 $0xFFFFF086;
	s6 =	sadd.s32 @!p0 s3, s7;
	s7 =	simm.s32 @!p0 $0x108  }
0x21: {  	s3 =	sadd.s32 s3, s9;
	s6 =	sadd.s32 @!p0 $0x88, s6;
	s7 =	simm.s32 @p2 $0x1082  }
0x22: {  	[simem:s7], [sflag:s8] =	dma.local @!p0 [hbm:s6], $0xF7A  }
0x23: {  	s9 =	sor.u32 $0xD0000000, s2;
	s6 =	simm.s32 $0x108;
	_ =	swait.ge @!p0 [sflag:s8], $0x0  }
0x24: {  	s3 =	sadd.s32 $0x88, s3;
	s6 =	simm.s32 @!p1 $0x1082;
	[sflag:s4] =	ssyncset.s32 $0xFFFFF086  }
0x25: {  	[simem:s6], [sflag:s4] =	dma.local [hbm:s3], $0xF7A  }
0x26: {  	[smem:$0x3F98] =	sst s1;
	(tag) =	ssettag s2;
	_ =	strace s9  }
0x27: {  	s1 =	sld [smem:$0x3FA8]  }
0x28: {  	s2 =	sld [smem:$0x3FA9]  }
0x29: {  	s4 =	sld [smem:$0x3FAB]  }
0x2a: {  	p0 =	seq.s32 s5, $0x0;
	s5 =	sld [smem:$0x3FAC]  }
0x2b: {  	s6 =	sld [smem:$0x3FAD]  }
0x2c: {  	s7 =	sld [smem:$0x3FAE]  }
0x2d: {  	s3 =	simm.s32 $0x108;
	s8 =	sld [smem:$0x3FAF]  }
0x2e: {  	s3 =	simm.s32 @!p0 $0x1082;
	s9 =	sld [smem:$0x3FB0]  }
0x2f: {  	lr =	sadd.s32 s0, s3;
	s0 =	sld [smem:$0x3FA7]  }
0x30: {  	s3 =	sld [smem:$0x3FAA]  }
0x31: {  	[smem:$0x3FB3] =	sst s10  }
0x32: {  	s10 =	sld [smem:$0x3FB1];
	_ =	sdelay $0x3  }
0x33: {  	p0 =	seq.s32 s10, $0x1;
	s10 =	sld [smem:$0x3FB3];
	_ =	sdelay $0x3  }
0x34: {  	[smem:$0x3FB3] =	sst s10  }
0x35: {  	s10 =	sld [smem:$0x3FB2];
	_ =	sdelay $0x3  }
0x36: {  	p1 =	seq.s32 s10, $0x1;
	s10 =	sld [smem:$0x3FB3];
	_ =	sdelay $0x3  }
0x37: {  	[smem:$0x3FB3] =	sst s10  }
0x38: {  	s10 =	sld [smem:$0x3FB4]  }
0x39: {  	_ = 	snop;
	(pc) =	sbr.ind lr, $3  }
0x3a: {  	_ = 	snop  }
0x3b: {  	_ = 	snop  }
0x3c: {  	p2 =	seq.s32 s10, $0x1;
	s10 =	sld [smem:$0x3FB3]  }
0x3d: {  	_ =	shalt  }
0x3e: {  	_ =	shalt  }
0x3f: {  	_ =	shalt  }
0x40: {  	_ =	shalt  }
0x41: {  	_ =	shalt  }
0x42: {  	_ =	shalt  }
0x43: {  	_ =	shalt  }
0x44: {  	_ =	shalt  }
0x45: {  	_ =	shalt  }
0x46: {  	_ =	shalt  }
0x47: {  	_ =	shalt  }
0x48: {  	_ =	shalt  }
0x49: {  	_ =	shalt  }
0x4a: {  	_ =	shalt  }
0x4b: {  	_ =	shalt  }
0x4c: {  	_ =	shalt  }
0x4d: {  	_ =	shalt  }
0x4e: {  	_ =	shalt  }
0x4f: {  	_ =	shalt  }
0x50: {  	_ =	shalt  }
0x51: {  	_ =	shalt  }
0x52: {  	_ =	shalt  }
0x53: {  	_ =	shalt  }
0x54: {  	_ =	shalt  }
0x55: {  	_ =	shalt  }
0x56: {  	_ =	shalt  }
0x57: {  	_ =	shalt  }
0x58: {  	_ =	shalt  }
0x59: {  	_ =	shalt  }
0x5a: {  	_ =	shalt  }
0x5b: {  	_ =	shalt  }
0x5c: {  	_ =	shalt  }
0x5d: {  	_ =	shalt  }
0x5e: {  	_ =	shalt  }
0x5f: {  	_ =	shalt  }
0x60: {  	_ =	shalt  }
0x61: {  	_ =	shalt  }
0x62: {  	_ =	shalt  }
0x63: {  	_ =	shalt  }
0x64: {  	_ =	shalt  }
0x65: {  	_ =	shalt  }
0x66: {  	_ =	shalt  }
0x67: {  	_ =	shalt  }
0x68: {  	_ =	shalt  }
0x69: {  	_ =	shalt  }
0x6a: {  	_ =	shalt  }
0x6b: {  	_ =	shalt  }
0x6c: {  	_ =	shalt  }
0x6d: {  	_ =	shalt  }
0x6e: {  	_ =	shalt  }
0x6f: {  	_ =	shalt  }
0x70: {  	_ =	shalt  }
0x71: {  	_ =	shalt  }
0x72: {  	_ =	shalt  }
0x73: {  	_ =	shalt  }
0x74: {  	_ =	shalt  }
0x75: {  	_ =	shalt  }
0x76: {  	_ =	shalt  }
0x77: {  	_ =	shalt  }
0x78: {  	_ =	shalt  }
0x79: {  	_ =	shalt  }
0x7a: {  	_ =	shalt  }
0x7b: {  	_ =	shalt  }
0x7c: {  	_ =	shalt  }
0x7d: {  	_ =	shalt  }
0x7e: {  	_ =	shalt  }
0x7f: {  	_ =	shalt  }
0x80: {  	_ =	shalt  }
0x81: {  	_ =	shalt  }
0x82: {  	_ =	shalt  }
0x83: {  	_ =	shalt  }
0x84: {  	_ =	shalt  }
0x85: {  	_ =	shalt  }
0x86: {  	_ =	shalt  }
0x87: {  	_ =	shalt  }
.Lfunc_end0:
.L_simem_size_0:
called_computation_lowered:
.L_overlay_start_0:
0x88: {  	s2 =	sld [smem:$0x3FD9]  }
0x89: {  	s3 =	sld [smem:$0x3FFE];
	_ =	sdelay $0x1  }
0x8a: {  	s1 =	srdreg.scid  }
0x8b: {  	s0 =	sand.u32 $0x1, s1  }
0x8c: {  	s17 =	sshll.u32 s0, $0xA;
	s2 =	sadd.s32 s3, s2  }
0x8d: {  	s2 =	sadd.s32 s2, s17  }
0x8e: {  	[smem:$0x3FBF] =	sst s2  }
0x8f: {  	_ = 	snop  }
0x90: {  	s2 =	sld [smem:$0x3FD0];
	(tm) =	ssettm $0x1  }
0x91: {  	s18 =	sld [smem:$0x3FFB];
	_ =	sdelay $0x3  }
0x92: {  	_ =	strace s18  }
0x93: {  	s3 =	sld [smem:$0x3FFC];
	_ =	sdelay $0x3  }
0x94: {  	_ =	strace s3  }
0x95: {  	s3 =	sld [smem:$0x3FFD];
	_ =	sdelay $0x3  }
0x96: {  	_ =	strace s3  }
0x97: {  	_ =	strace $0x8FFFFFFF  }
0x98: {  	s19 =	sld [smem:$0x3FDB];
	_ =	sdelay $0x1  }
0x99: {  	s4 =	simm.s32 $_scs_section_size  }
0x9a: {  	s5 =	simm.s32 $_size__tile_overlayer_lowered;
	s6 =	simm.s32 $_tile_overlayer_lowered  }
0x9b: {  	s22 =	simm.s32 $0x1BFF;
	s21 =	sshll.u32 s6, $0x1;
	s3 =	sadd.s32 s4, s19  }
0x9c: {  	s7 =	simm.s32 $0x0;
	s20 =	sshll.u32 s5, $0x1;
	s5 =	sadd.s32 s21, s3  }
0x9d: {  	[timem:s7], [sflag:s22] =	dma.local [hbm:s5], s20  }
0x9e: {  	_ =	swait.ge [sflag:s22], s20  }
0x9f: {  	s4 =	ssub.s32 $0x0, s20;
	[sflag:s22] =	ssyncset.done $0x0  }
0xa0: {  	[sflag:s22] =	ssyncadd.s32 s4;
	_ =	sdelay $0x1  }
0xa1: {  	s23 =	simm.s32 $0x1B8B  }
0xa2: {  	_ =	swait.ge [sflag:s23], $0x1  }
0xa3: {  	[sflag:s23] =	ssyncset.done $0x0  }
0xa4: {  	s25 =	simm.s32 $0x1B8E;
	s24 =	sld [smem:$0x3FFE];
	[sflag:s23] =	ssyncadd.s32 $0xFFFFFFFF  }
0xa5: {  	s26 =	simm.s32 $execute0_lowered;
	[smem:$0x3FD2] =	sst s25  }
0xa6: {  	s5 =	sshll.u32 s26, $0x1;
	_ =	strace $0x80000046;
	[dreg:$0x1] =	wrdreg $0xFFFFFFFF  }
0xa7: {  	s28 =	simm.s32 $_size_execute0_lowered;
	s3 =	sadd.s32 s3, s5;
	[dreg:$0x0] =	wrdreg $0x0  }
0xa8: {  	s5 =	sshll.u32 s28, $0x1;
	[dreg:$0x2] =	wrdreg s3  }
0xa9: {  	[dreg:$0x3] =	wrdreg s5  }
0xaa: {  	[dreg:$0x4] =	wrdreg $0xC0  }
0xab: {  	_ =	task [dreg:s7], $0x5FFFF  }
0xac: {  	[dreg:$0x1] =	wrdreg $0xFFFFFFFF  }
0xad: {  	[dreg:$0x0] =	wrdreg $0x60  }
0xae: {  	[dreg:$0x2] =	wrdreg s24  }
0xaf: {  	[dreg:$0x3] =	wrdreg s2  }
0xb0: {  	[dreg:$0x4] =	wrdreg $0x9  }
0xb1: {  	_ =	task.clear_ibuf [dreg:s7], $0x5FFFF;
	_ =	strace $0x90000046  }
0xb2: {  	s29 =	simm.s32 $0x9;
	_ =	strace $0x80000048  }
0xb3: {  	_ =	swait.ge [sflag:s29], $0x1  }
0xb4: {  	[sflag:s29] =	ssyncadd.s32 $0xFFFFFFFF  }
0xb5: {  	_ =	strace $0x90000048  }
0xb6: {  	_ =	sfence  }
0xb7: {  	s30 =	sld [smem:$0x0];
	_ =	sdelay $0x2  }
0xb8: {  	s31 =	sshll.u32 s1, $0xD;
	s1 =	sshrl.u32 s1, $0x2  }
0xb9: {  	s3 =	sand.u32 $0x4000, s31;
	s1 =	sadd.s32 s1, s30  }
0xba: {  	s0 =	sor.u32 s3, s0;
	s1 =	sshll.u32 s1, $0x11  }
0xbb: {  	s0 =	sor.u32 s1, s0  }
0xbc: {  	s0 =	sadd.s32 $0x8F2B, s0  }
0xbd: {  	[sflag:s0] =	ssyncadd.remote.s32 $0x1  }
0xbe: {  	_ =	sfence.sel $0xFFFF  }
0xbf: {  	[dreg:$0x0] =	wrdreg $0xFFFFFFFF;
	(pc) =	sbr.abs _section_cstart, $3  }
0xc0: {  	[dreg:$0x1] =	wrdreg $0xFFFFFFFF  }
0xc1: {  	_ =	task.clear_ibuf [dreg:s7], $0x2FFFF;
	_ =	strace $0x9FFFFFFF  }
0xc2: {  	(tm) =	ssettm $0x7FFFFFFF  }
0xc3: {  	_ =	shalt  }
tec
execute0_lowered:
.L_overlay_start_1:
0x0: {  	(tag) =	ssettag $0x1  }
0x1: {  	s0 =	rddreg [dreg:$0x0];
	s1 =	srdreg.scid  }
0x2: {  	s2 =	stileid.u32;
	s4 =	rddreg [dreg:$0x1]  }
0x3: {  	s16 =	simm.s32 $0x3;
	s17 =	simm.s32 $0x400;
	s18 =	simm.s32 $0x5000  }
0x4: {  	s20 =	simm.s32 $0xD000;
	s21 =	simm.s32 $0x9000;
	s23 =	simm.s32 $0x11000  }
0x5: {  	s24 =	simm.s32 $0x1;
	s25 =	simm.s32 $0x50000;
	s26 =	simm.s32 $0x15000  }
0x6: {  	s30 =	simm.s32 $0x19000;
	s1 =	sand.u32 $0x1, s1;
	s3 =	sshll.u32 s2, $0x1  }
0x7: {  	s19 =	simm.s32 $0x0;
	s2 =	simm.s32 $0x0;
	s3 =	sor.u32 s1, s3  }
0x8: {  	[smem:$0x7FF] =	sst s2;
	s1 =	ssub.s32 $0x2, s1;
	s5 =	smul.u32 $0x2800, s3  }
0x9: {  	_ =	strace $0x80000047;
	s6 =	sshrl.u32 s1, $0x1;
	s7 =	smul.u32 $0xA00, s3  }
0xa: {  	s3 =	sadd.s32 $0x2600, s0;
	s1 =	ssub.s32 s1, s6;
	s5 =	sshrl.u32 s5, $0x3  }
0xb: {  	s4 =	sadd.s32 s4, s7;
	s15 =	smax.u32 s1, $0x1;
	s0 =	sadd.s32 s5, s0  }
0xc: {  	s1 =	simm.s32 $0x4C00;
	s5 =	sadd.s32 $0xC400, s0;
	s6 =	sadd.s32 $0xC480, s0  }
0xd: {  	s7 =	sadd.s32 $0xC500, s0;
	s8 =	sadd.s32 $0xC580, s0;
	s9 =	sadd.s32 $0xC600, s0  }
0xe: {  	v0 =	vlaneseq.u32;
	s10 =	sadd.s32 $0xC680, s0;
	s11 =	sadd.s32 $0xC700, s0;
	s12 =	sadd.s32 $0xC780, s0  }
0xf: {  	v0 =	vmul.u32 $0x10, v0;
	s13 =	sadd.s32 $0xC800, s0;
	s14 =	sadd.s32 $0xC880, s0;
	s0 =	simm.s32 $0x2  }
.LBB2_1:
0x10: {  	[tilespmem:s2], [sflag:$0x3] =	stream.linear.gather [hbm4b:s4+s2], $0x5000, $0x38;
	[tilespmem:$0x1D000] =	vst v63  }
0x11: {  	_ =	swait.ge [sflag:s16], $0x5000  }
0x12: {  	[sflag:s16] =	ssyncset.done $0x0  }
0x13: {  	[sflag:s16] =	ssyncadd.s32 $0xFFFFB000  }
0x14: {  	[tilespmem:s18], [sflag:$0x1] =	stream.indirect.gather [hbm4b:s3+s17], $0x10, s2, s17, $0xb8;
	[tilespmem:$0x1D000] =	vst v63  }
0x15: {  	s22 =	simm.s32 $0x2800  }
0x16: {  	[tilespmem:s20], [sflag:$0x1] =	stream.indirect.gather [hbm4b:s3+s17], $0x10, s22, s17, $0xb8;
	[tilespmem:$0x1D000] =	vst v63  }
0x17: {  	_ = 	snop  }
0x18: {  	[tilespmem:s21], [sflag:$0x1] =	stream.indirect.gather [hbm4b:s3+s17], $0x10, s17, s17, $0xb8;
	[tilespmem:$0x1D000] =	vst v63  }
0x19: {  	s31 =	simm.s32 $0x2C00  }
0x1a: {  	v1 =	vmov s2;
	[tilespmem:s23], [sflag:$0x1] =	stream.indirect.gather [hbm4b:s3+s17], $0x10, s31, s17, $0xb8;
	[tilespmem:$0x1D000] =	vst v63  }
0x1b: {  	v1 =	vshll.u32 v1, $0x4;
	_ =	swait.ge [sflag:s24], $0x4000  }
0x1c: {  	v1 =	vor.u32 v0, v1;
	[sflag:s24] =	ssyncset.done $0x0  }
0x1d: {  	[sflag:s24] =	ssyncadd.s32 $0xFFFFC000  }
0x1e: {  	_ =	swait.ge [sflag:s24], $0x4000  }
0x1f: {  	[sflag:s24] =	ssyncset.done $0x0  }
0x20: {  	[sflag:s24] =	ssyncadd.s32 $0xFFFFC000  }
0x21: {  	v2 =	vld.idx.msk [tilespmem:v1+s18+$0x0], $0xffff  }
0x22: {  	v3 =	vld.idx.msk [tilespmem:v1+s20+$0x0], $0xffff;
	_ =	sdelay $0x2  }
0x23: {  	v4 =	vor.u32 $0x1, v1;
	_ =	sdelay $0x1  }
0x24: {  	v2 =	vadd.f32 v3, v2  }
0x25: {  	s22 =	simm.s32 $0x17000  }
0x26: {  	[tilespmem:s22+$0xFFFFE000] =	vst v2  }
0x27: {  	v2 =	vld.idx.msk [tilespmem:v4+s18+$0x0], $0xffff  }
0x28: {  	v3 =	vld.idx.msk [tilespmem:v4+s20+$0x0], $0xffff;
	_ =	sdelay $0x2  }
0x29: {  	v4 =	vor.u32 $0x2, v1;
	_ =	sdelay $0x1  }
0x2a: {  	v2 =	vadd.f32 v3, v2;
	_ =	sdelay $0x1  }
0x2b: {  	[tilespmem:s22+$0xFFFFE400] =	vst v2  }
0x2c: {  	v2 =	vld.idx.msk [tilespmem:v4+s18+$0x0], $0xffff  }
0x2d: {  	v3 =	vld.idx.msk [tilespmem:v4+s20+$0x0], $0xffff;
	_ =	sdelay $0x2  }
0x2e: {  	v4 =	vor.u32 $0x3, v1;
	_ =	sdelay $0x1  }
0x2f: {  	v2 =	vadd.f32 v3, v2;
	_ =	sdelay $0x1  }
0x30: {  	[tilespmem:s22+$0xFFFFE800] =	vst v2  }
0x31: {  	v2 =	vld.idx.msk [tilespmem:v4+s18+$0x0], $0xffff  }
0x32: {  	v3 =	vld.idx.msk [tilespmem:v4+s20+$0x0], $0xffff;
	_ =	sdelay $0x2  }
0x33: {  	v4 =	vor.u32 $0x4, v1;
	_ =	sdelay $0x1  }
0x34: {  	v2 =	vadd.f32 v3, v2;
	_ =	sdelay $0x1  }
0x35: {  	[tilespmem:s22+$0xFFFFEC00] =	vst v2  }
0x36: {  	v2 =	vld.idx.msk [tilespmem:v4+s18+$0x0], $0xffff  }
0x37: {  	v3 =	vld.idx.msk [tilespmem:v4+s20+$0x0], $0xffff;
	_ =	sdelay $0x2  }
0x38: {  	v4 =	vor.u32 $0x5, v1;
	_ =	sdelay $0x1  }
0x39: {  	v2 =	vadd.f32 v3, v2;
	_ =	sdelay $0x1  }
0x3a: {  	[tilespmem:s22+$0xFFFFF000] =	vst v2  }
0x3b: {  	v2 =	vld.idx.msk [tilespmem:v4+s18+$0x0], $0xffff  }
0x3c: {  	v3 =	vld.idx.msk [tilespmem:v4+s20+$0x0], $0xffff;
	_ =	sdelay $0x2  }
0x3d: {  	v4 =	vor.u32 $0x6, v1;
	_ =	sdelay $0x1  }
0x3e: {  	v2 =	vadd.f32 v3, v2;
	_ =	sdelay $0x1  }
0x3f: {  	[tilespmem:s22+$0xFFFFF400] =	vst v2  }
0x40: {  	v2 =	vld.idx.msk [tilespmem:v4+s18+$0x0], $0xffff  }
0x41: {  	v3 =	vld.idx.msk [tilespmem:v4+s20+$0x0], $0xffff;
	_ =	sdelay $0x2  }
0x42: {  	v4 =	vor.u32 $0x7, v1;
	_ =	sdelay $0x1  }
0x43: {  	v2 =	vadd.f32 v3, v2;
	_ =	sdelay $0x1  }
0x44: {  	[tilespmem:s22+$0xFFFFF800] =	vst v2  }
0x45: {  	v2 =	vld.idx.msk [tilespmem:v4+s18+$0x0], $0xffff  }
0x46: {  	v3 =	vld.idx.msk [tilespmem:v4+s20+$0x0], $0xffff;
	_ =	sdelay $0x2  }
0x47: {  	v4 =	vor.u32 $0x8, v1;
	_ =	sdelay $0x1  }
0x48: {  	v2 =	vadd.f32 v3, v2;
	_ =	sdelay $0x1  }
0x49: {  	[tilespmem:s22+$0xFFFFFC00] =	vst v2  }
0x4a: {  	v2 =	vld.idx.msk [tilespmem:v4+s18+$0x0], $0xffff  }
0x4b: {  	v3 =	vld.idx.msk [tilespmem:v4+s20+$0x0], $0xffff;
	_ =	sdelay $0x2  }
0x4c: {  	v4 =	vor.u32 $0x9, v1;
	_ =	sdelay $0x1  }
0x4d: {  	v2 =	vadd.f32 v3, v2;
	_ =	sdelay $0x1  }
0x4e: {  	[tilespmem:s22+$0x0] =	vst v2  }
0x4f: {  	v2 =	vld.idx.msk [tilespmem:v4+s18+$0x0], $0xffff  }
0x50: {  	v3 =	vld.idx.msk [tilespmem:v4+s20+$0x0], $0xffff;
	_ =	sdelay $0x2  }
0x51: {  	v4 =	vor.u32 $0xA, v1;
	_ =	sdelay $0x1  }
0x52: {  	v2 =	vadd.f32 v3, v2;
	_ =	sdelay $0x1  }
0x53: {  	[tilespmem:s22+$0x400] =	vst v2  }
0x54: {  	v2 =	vld.idx.msk [tilespmem:v4+s18+$0x0], $0xffff  }
0x55: {  	v3 =	vld.idx.msk [tilespmem:v4+s20+$0x0], $0xffff;
	_ =	sdelay $0x2  }
0x56: {  	v4 =	vor.u32 $0xB, v1;
	_ =	sdelay $0x1  }
0x57: {  	v2 =	vadd.f32 v3, v2;
	_ =	sdelay $0x1  }
0x58: {  	[tilespmem:s22+$0x800] =	vst v2  }
0x59: {  	v2 =	vld.idx.msk [tilespmem:v4+s18+$0x0], $0xffff  }
0x5a: {  	v3 =	vld.idx.msk [tilespmem:v4+s20+$0x0], $0xffff;
	_ =	sdelay $0x2  }
0x5b: {  	v4 =	vor.u32 $0xC, v1;
	_ =	sdelay $0x1  }
0x5c: {  	v2 =	vadd.f32 v3, v2;
	_ =	sdelay $0x1  }
0x5d: {  	[tilespmem:s22+$0xC00] =	vst v2  }
0x5e: {  	v2 =	vld.idx.msk [tilespmem:v4+s18+$0x0], $0xffff  }
0x5f: {  	v3 =	vld.idx.msk [tilespmem:v4+s20+$0x0], $0xffff;
	_ =	sdelay $0x2  }
0x60: {  	v4 =	vor.u32 $0xD, v1;
	_ =	sdelay $0x1  }
0x61: {  	v2 =	vadd.f32 v3, v2;
	_ =	sdelay $0x1  }
0x62: {  	[tilespmem:s22+$0x1000] =	vst v2  }
0x63: {  	v2 =	vld.idx.msk [tilespmem:v4+s18+$0x0], $0xffff  }
0x64: {  	v3 =	vld.idx.msk [tilespmem:v4+s20+$0x0], $0xffff;
	_ =	sdelay $0x2  }
0x65: {  	v4 =	vor.u32 $0xE, v1;
	_ =	sdelay $0x1  }
0x66: {  	v2 =	vadd.f32 v3, v2;
	_ =	sdelay $0x1  }
0x67: {  	[tilespmem:s22+$0x1400] =	vst v2  }
0x68: {  	v2 =	vld.idx.msk [tilespmem:v4+s18+$0x0], $0xffff  }
0x69: {  	s29 =	simm.s32 $0x10;
	s28 =	simm.s32 $0x17000;
	v3 =	vld.idx.msk [tilespmem:v4+s20+$0x0], $0xffff  }
.LBB2_2:
0x6a: {  	p0 =	sne.s32 s29, $0x3F0  }
0x6b: {  	s22 =	sadd.s32 $0x10, s22;
	s31 =	smov.u32 s29;
	s29 =	sadd.s32 $0x10, s29  }
0x6c: {  	_ = 	snop  }
0x6d: {  	v1 =	vor.u32 $0xF, v1;
	_ =	sdelay $0x1  }
0x6e: {  	v2 =	vadd.f32 v3, v2;
	_ =	sdelay $0x1  }
0x6f: {  	[tilespmem:s28+$0x1800] =	vst v2  }
0x70: {  	v2 =	vld.idx.msk [tilespmem:v1+s18+$0x0], $0xffff  }
0x71: {  	v3 =	vld.idx.msk [tilespmem:v1+s20+$0x0], $0xffff;
	_ =	sdelay $0x1  }
0x72: {  	v1 =	vmov s31  }
0x73: {  	v1 =	vshll.u32 v1, $0x4  }
0x74: {  	v1 =	vor.u32 v0, v1;
	_ =	sdelay $0x1  }
0x75: {  	v2 =	vadd.f32 v3, v2;
	_ =	sdelay $0x1  }
0x76: {  	[tilespmem:s28+$0x1C00] =	vst v2;
	s28 =	smov.u32 s22  }
0x77: {  	v2 =	vld.idx.msk [tilespmem:v1+s18+$0x0], $0xffff  }
0x78: {  	v3 =	vld.idx.msk [tilespmem:v1+s20+$0x0], $0xffff;
	_ =	sdelay $0x3  }
0x79: {  	v4 =	vor.u32 $0x1, v1;
	_ =	sdelay $0x1  }
0x7a: {  	v2 =	vadd.f32 v3, v2;
	_ =	sdelay $0x1  }
0x7b: {  	[tilespmem:s22+$0xFFFFE000] =	vst v2  }
0x7c: {  	v2 =	vld.idx.msk [tilespmem:v4+s18+$0x0], $0xffff  }
0x7d: {  	v3 =	vld.idx.msk [tilespmem:v4+s20+$0x0], $0xffff;
	_ =	sdelay $0x3  }
0x7e: {  	v4 =	vor.u32 $0x2, v1;
	_ =	sdelay $0x1  }
0x7f: {  	v2 =	vadd.f32 v3, v2;
	_ =	sdelay $0x1  }
0x80: {  	[tilespmem:s22+$0xFFFFE400] =	vst v2  }
0x81: {  	v2 =	vld.idx.msk [tilespmem:v4+s18+$0x0], $0xffff  }
0x82: {  	v3 =	vld.idx.msk [tilespmem:v4+s20+$0x0], $0xffff;
	_ =	sdelay $0x3  }
0x83: {  	v4 =	vor.u32 $0x3, v1;
	_ =	sdelay $0x1  }
0x84: {  	v2 =	vadd.f32 v3, v2;
	_ =	sdelay $0x1  }
0x85: {  	[tilespmem:s22+$0xFFFFE800] =	vst v2  }
0x86: {  	v2 =	vld.idx.msk [tilespmem:v4+s18+$0x0], $0xffff  }
0x87: {  	v3 =	vld.idx.msk [tilespmem:v4+s20+$0x0], $0xffff;
	_ =	sdelay $0x3  }
0x88: {  	v4 =	vor.u32 $0x4, v1;
	_ =	sdelay $0x1  }
0x89: {  	v2 =	vadd.f32 v3, v2;
	_ =	sdelay $0x1  }
0x8a: {  	[tilespmem:s22+$0xFFFFEC00] =	vst v2  }
0x8b: {  	v2 =	vld.idx.msk [tilespmem:v4+s18+$0x0], $0xffff  }
0x8c: {  	v3 =	vld.idx.msk [tilespmem:v4+s20+$0x0], $0xffff;
	_ =	sdelay $0x3  }
0x8d: {  	v4 =	vor.u32 $0x5, v1;
	_ =	sdelay $0x1  }
0x8e: {  	v2 =	vadd.f32 v3, v2;
	_ =	sdelay $0x1  }
0x8f: {  	[tilespmem:s22+$0xFFFFF000] =	vst v2  }
0x90: {  	v2 =	vld.idx.msk [tilespmem:v4+s18+$0x0], $0xffff  }
0x91: {  	v3 =	vld.idx.msk [tilespmem:v4+s20+$0x0], $0xffff;
	_ =	sdelay $0x3  }
0x92: {  	v4 =	vor.u32 $0x6, v1;
	_ =	sdelay $0x1  }
0x93: {  	v2 =	vadd.f32 v3, v2;
	_ =	sdelay $0x1  }
0x94: {  	[tilespmem:s22+$0xFFFFF400] =	vst v2  }
0x95: {  	v2 =	vld.idx.msk [tilespmem:v4+s18+$0x0], $0xffff  }
0x96: {  	v3 =	vld.idx.msk [tilespmem:v4+s20+$0x0], $0xffff;
	_ =	sdelay $0x3  }
0x97: {  	v4 =	vor.u32 $0x7, v1;
	_ =	sdelay $0x1  }
0x98: {  	v2 =	vadd.f32 v3, v2;
	_ =	sdelay $0x1  }
0x99: {  	[tilespmem:s22+$0xFFFFF800] =	vst v2  }
0x9a: {  	v2 =	vld.idx.msk [tilespmem:v4+s18+$0x0], $0xffff  }
0x9b: {  	v3 =	vld.idx.msk [tilespmem:v4+s20+$0x0], $0xffff;
	_ =	sdelay $0x3  }
0x9c: {  	v4 =	vor.u32 $0x8, v1;
	_ =	sdelay $0x1  }
0x9d: {  	v2 =	vadd.f32 v3, v2;
	_ =	sdelay $0x1  }
0x9e: {  	[tilespmem:s22+$0xFFFFFC00] =	vst v2  }
0x9f: {  	v2 =	vld.idx.msk [tilespmem:v4+s18+$0x0], $0xffff  }
0xa0: {  	v3 =	vld.idx.msk [tilespmem:v4+s20+$0x0], $0xffff;
	_ =	sdelay $0x3  }
0xa1: {  	v4 =	vor.u32 $0x9, v1;
	_ =	sdelay $0x1  }
0xa2: {  	v2 =	vadd.f32 v3, v2;
	_ =	sdelay $0x1  }
0xa3: {  	[tilespmem:s22+$0x0] =	vst v2  }
0xa4: {  	v2 =	vld.idx.msk [tilespmem:v4+s18+$0x0], $0xffff  }
0xa5: {  	v3 =	vld.idx.msk [tilespmem:v4+s20+$0x0], $0xffff;
	_ =	sdelay $0x3  }
0xa6: {  	v4 =	vor.u32 $0xA, v1;
	_ =	sdelay $0x1  }
0xa7: {  	v2 =	vadd.f32 v3, v2;
	_ =	sdelay $0x1  }
0xa8: {  	[tilespmem:s22+$0x400] =	vst v2  }
0xa9: {  	v2 =	vld.idx.msk [tilespmem:v4+s18+$0x0], $0xffff  }
0xaa: {  	v3 =	vld.idx.msk [tilespmem:v4+s20+$0x0], $0xffff;
	_ =	sdelay $0x3  }
0xab: {  	v4 =	vor.u32 $0xB, v1;
	_ =	sdelay $0x1  }
0xac: {  	v2 =	vadd.f32 v3, v2;
	_ =	sdelay $0x1  }
0xad: {  	[tilespmem:s22+$0x800] =	vst v2  }
0xae: {  	v2 =	vld.idx.msk [tilespmem:v4+s18+$0x0], $0xffff  }
0xaf: {  	v3 =	vld.idx.msk [tilespmem:v4+s20+$0x0], $0xffff;
	_ =	sdelay $0x3  }
0xb0: {  	v4 =	vor.u32 $0xC, v1;
	_ =	sdelay $0x1  }
0xb1: {  	v2 =	vadd.f32 v3, v2;
	_ =	sdelay $0x1  }
0xb2: {  	[tilespmem:s22+$0xC00] =	vst v2  }
0xb3: {  	v2 =	vld.idx.msk [tilespmem:v4+s18+$0x0], $0xffff  }
0xb4: {  	v3 =	vld.idx.msk [tilespmem:v4+s20+$0x0], $0xffff;
	_ =	sdelay $0x3  }
0xb5: {  	v4 =	vor.u32 $0xD, v1;
	_ =	sdelay $0x1  }
0xb6: {  	v2 =	vadd.f32 v3, v2;
	_ =	sdelay $0x1  }
0xb7: {  	[tilespmem:s22+$0x1000] =	vst v2  }
0xb8: {  	v2 =	vld.idx.msk [tilespmem:v4+s18+$0x0], $0xffff  }
0xb9: {  	v3 =	vld.idx.msk [tilespmem:v4+s20+$0x0], $0xffff;
	_ =	sdelay $0x3  }
0xba: {  	v4 =	vor.u32 $0xE, v1;
	_ =	sdelay $0x1  }
.Ltmp0:
0xbb: {  	v2 =	vadd.f32 v3, v2;
	(pc) =	sbr.rel @p0 .LBB2_2-.Ltmp0, $4  }
0xbc: {  	_ = 	snop  }
0xbd: {  	[tilespmem:s22+$0x1400] =	vst v2  }
0xbe: {  	v2 =	vld.idx.msk [tilespmem:v4+s18+$0x0], $0xffff  }
0xbf: {  	v3 =	vld.idx.msk [tilespmem:v4+s20+$0x0], $0xffff  }
0xc0: {  	_ =	sdelay $0x1  }
0xc1: {  	v1 =	vor.u32 $0xF, v1;
	_ =	sdelay $0x1  }
0xc2: {  	v2 =	vadd.f32 v3, v2;
	_ =	sdelay $0x1  }
0xc3: {  	[tilespmem:s28+$0x1800] =	vst v2  }
0xc4: {  	v2 =	vld.idx.msk [tilespmem:v1+s18+$0x0], $0xffff  }
0xc5: {  	v1 =	vld.idx.msk [tilespmem:v1+s20+$0x0], $0xffff;
	_ =	sdelay $0x4  }
0xc6: {  	v1 =	vadd.f32 v1, v2;
	_ =	sdelay $0x1  }
0xc7: {  	[tilespmem:s28+$0x1C00] =	vst v1  }
0xc8: {  	[hbm4b:s5+s17] =	stream.strided.scatter [tilespmem:s26], [sflag:$0x2], $0x4000, s25, s17, $0x38;
	[tilespmem:$0x1D000] =	vst v63  }
0xc9: {  	s22 =	simm.s32 $0x800  }
0xca: {  	[tilespmem:s18], [sflag:$0x1] =	stream.indirect.gather [hbm4b:s3+s17], $0x10, s22, s17, $0xb8;
	[tilespmem:$0x1D000] =	vst v63  }
0xcb: {  	s31 =	simm.s32 $0x0;
	s28 =	simm.s32 $0x3000  }
0xcc: {  	v1 =	vmov s31;
	[tilespmem:s20], [sflag:$0x1] =	stream.indirect.gather [hbm4b:s3+s17], $0x10, s28, s17, $0xb8;
	[tilespmem:$0x1D000] =	vst v63  }
0xcd: {  	v1 =	vshll.u32 v1, $0x4;
	_ =	swait.ge [sflag:s24], $0x4000  }
0xce: {  	v1 =	vor.u32 v0, v1;
	[sflag:s24] =	ssyncset.done $0x0  }
0xcf: {  	[sflag:s24] =	ssyncadd.s32 $0xFFFFC000  }
0xd0: {  	_ =	swait.ge [sflag:s24], $0x4000  }
0xd1: {  	[sflag:s24] =	ssyncset.done $0x0  }
0xd2: {  	[sflag:s24] =	ssyncadd.s32 $0xFFFFC000  }
0xd3: {  	v2 =	vld.idx.msk [tilespmem:v1+s21+$0x0], $0xffff  }
0xd4: {  	v3 =	vld.idx.msk [tilespmem:v1+s23+$0x0], $0xffff;
	_ =	sdelay $0x2  }
0xd5: {  	v4 =	vor.u32 $0x1, v1;
	_ =	sdelay $0x1  }
0xd6: {  	v2 =	vadd.f32 v3, v2  }
0xd7: {  	s22 =	simm.s32 $0x1B000  }
0xd8: {  	[tilespmem:s22+$0xFFFFE000] =	vst v2  }
0xd9: {  	v2 =	vld.idx.msk [tilespmem:v4+s21+$0x0], $0xffff  }
0xda: {  	v3 =	vld.idx.msk [tilespmem:v4+s23+$0x0], $0xffff;
	_ =	sdelay $0x2  }
0xdb: {  	v4 =	vor.u32 $0x2, v1;
	_ =	sdelay $0x1  }
0xdc: {  	v2 =	vadd.f32 v3, v2;
	_ =	sdelay $0x1  }
0xdd: {  	[tilespmem:s22+$0xFFFFE400] =	vst v2  }
0xde: {  	v2 =	vld.idx.msk [tilespmem:v4+s21+$0x0], $0xffff  }
0xdf: {  	v3 =	vld.idx.msk [tilespmem:v4+s23+$0x0], $0xffff;
	_ =	sdelay $0x2  }
0xe0: {  	v4 =	vor.u32 $0x3, v1;
	_ =	sdelay $0x1  }
0xe1: {  	v2 =	vadd.f32 v3, v2;
	_ =	sdelay $0x1  }
0xe2: {  	[tilespmem:s22+$0xFFFFE800] =	vst v2  }
0xe3: {  	v2 =	vld.idx.msk [tilespmem:v4+s21+$0x0], $0xffff  }
0xe4: {  	v3 =	vld.idx.msk [tilespmem:v4+s23+$0x0], $0xffff;
	_ =	sdelay $0x2  }
0xe5: {  	v4 =	vor.u32 $0x4, v1;
	_ =	sdelay $0x1  }
0xe6: {  	v2 =	vadd.f32 v3, v2;
	_ =	sdelay $0x1  }
0xe7: {  	[tilespmem:s22+$0xFFFFEC00] =	vst v2  }
0xe8: {  	v2 =	vld.idx.msk [tilespmem:v4+s21+$0x0], $0xffff  }
0xe9: {  	v3 =	vld.idx.msk [tilespmem:v4+s23+$0x0], $0xffff;
	_ =	sdelay $0x2  }
0xea: {  	v4 =	vor.u32 $0x5, v1;
	_ =	sdelay $0x1  }
0xeb: {  	v2 =	vadd.f32 v3, v2;
	_ =	sdelay $0x1  }
0xec: {  	[tilespmem:s22+$0xFFFFF000] =	vst v2  }
0xed: {  	v2 =	vld.idx.msk [tilespmem:v4+s21+$0x0], $0xffff  }
0xee: {  	v3 =	vld.idx.msk [tilespmem:v4+s23+$0x0], $0xffff;
	_ =	sdelay $0x2  }
0xef: {  	v4 =	vor.u32 $0x6, v1;
	_ =	sdelay $0x1  }
0xf0: {  	v2 =	vadd.f32 v3, v2;
	_ =	sdelay $0x1  }
0xf1: {  	[tilespmem:s22+$0xFFFFF400] =	vst v2  }
0xf2: {  	v2 =	vld.idx.msk [tilespmem:v4+s21+$0x0], $0xffff  }
0xf3: {  	v3 =	vld.idx.msk [tilespmem:v4+s23+$0x0], $0xffff;
	_ =	sdelay $0x2  }
0xf4: {  	v4 =	vor.u32 $0x7, v1;
	_ =	sdelay $0x1  }
0xf5: {  	v2 =	vadd.f32 v3, v2;
	_ =	sdelay $0x1  }
0xf6: {  	[tilespmem:s22+$0xFFFFF800] =	vst v2  }
0xf7: {  	v2 =	vld.idx.msk [tilespmem:v4+s21+$0x0], $0xffff  }
0xf8: {  	v3 =	vld.idx.msk [tilespmem:v4+s23+$0x0], $0xffff;
	_ =	sdelay $0x2  }
0xf9: {  	v4 =	vor.u32 $0x8, v1;
	_ =	sdelay $0x1  }
0xfa: {  	v2 =	vadd.f32 v3, v2;
	_ =	sdelay $0x1  }
0xfb: {  	[tilespmem:s22+$0xFFFFFC00] =	vst v2  }
0xfc: {  	v2 =	vld.idx.msk [tilespmem:v4+s21+$0x0], $0xffff  }
0xfd: {  	v3 =	vld.idx.msk [tilespmem:v4+s23+$0x0], $0xffff;
	_ =	sdelay $0x2  }
0xfe: {  	v4 =	vor.u32 $0x9, v1;
	_ =	sdelay $0x1  }
0xff: {  	v2 =	vadd.f32 v3, v2;
	_ =	sdelay $0x1  }
0x100: {  	[tilespmem:s22+$0x0] =	vst v2  }
0x101: {  	v2 =	vld.idx.msk [tilespmem:v4+s21+$0x0], $0xffff  }
0x102: {  	v3 =	vld.idx.msk [tilespmem:v4+s23+$0x0], $0xffff;
	_ =	sdelay $0x2  }
0x103: {  	v4 =	vor.u32 $0xA, v1;
	_ =	sdelay $0x1  }
0x104: {  	v2 =	vadd.f32 v3, v2;
	_ =	sdelay $0x1  }
0x105: {  	[tilespmem:s22+$0x400] =	vst v2  }
0x106: {  	v2 =	vld.idx.msk [tilespmem:v4+s21+$0x0], $0xffff  }
0x107: {  	v3 =	vld.idx.msk [tilespmem:v4+s23+$0x0], $0xffff;
	_ =	sdelay $0x2  }
0x108: {  	v4 =	vor.u32 $0xB, v1;
	_ =	sdelay $0x1  }
0x109: {  	v2 =	vadd.f32 v3, v2;
	_ =	sdelay $0x1  }
0x10a: {  	[tilespmem:s22+$0x800] =	vst v2  }
0x10b: {  	v2 =	vld.idx.msk [tilespmem:v4+s21+$0x0], $0xffff  }
0x10c: {  	v3 =	vld.idx.msk [tilespmem:v4+s23+$0x0], $0xffff;
	_ =	sdelay $0x2  }
0x10d: {  	v4 =	vor.u32 $0xC, v1;
	_ =	sdelay $0x1  }
0x10e: {  	v2 =	vadd.f32 v3, v2;
	_ =	sdelay $0x1  }
0x10f: {  	[tilespmem:s22+$0xC00] =	vst v2  }
0x110: {  	v2 =	vld.idx.msk [tilespmem:v4+s21+$0x0], $0xffff  }
0x111: {  	v3 =	vld.idx.msk [tilespmem:v4+s23+$0x0], $0xffff;
	_ =	sdelay $0x2  }
0x112: {  	v4 =	vor.u32 $0xD, v1;
	_ =	sdelay $0x1  }
0x113: {  	v2 =	vadd.f32 v3, v2;
	_ =	sdelay $0x1  }
0x114: {  	[tilespmem:s22+$0x1000] =	vst v2  }
0x115: {  	v2 =	vld.idx.msk [tilespmem:v4+s21+$0x0], $0xffff  }
0x116: {  	v3 =	vld.idx.msk [tilespmem:v4+s23+$0x0], $0xffff;
	_ =	sdelay $0x2  }
0x117: {  	v4 =	vor.u32 $0xE, v1;
	_ =	sdelay $0x1  }
0x118: {  	v2 =	vadd.f32 v3, v2;
	_ =	sdelay $0x1  }
0x119: {  	[tilespmem:s22+$0x1400] =	vst v2  }
0x11a: {  	v2 =	vld.idx.msk [tilespmem:v4+s21+$0x0], $0xffff  }
0x11b: {  	s29 =	simm.s32 $0x10;
	s28 =	simm.s32 $0x1B000;
	v3 =	vld.idx.msk [tilespmem:v4+s23+$0x0], $0xffff  }
.LBB2_4:
0x11c: {  	p0 =	sne.s32 s29, $0x3F0  }
0x11d: {  	s22 =	sadd.s32 $0x10, s22;
	s31 =	smov.u32 s29;
	s29 =	sadd.s32 $0x10, s29  }
0x11e: {  	_ = 	snop  }
0x11f: {  	v1 =	vor.u32 $0xF, v1;
	_ =	sdelay $0x1  }
0x120: {  	v2 =	vadd.f32 v3, v2;
	_ =	sdelay $0x1  }
0x121: {  	[tilespmem:s28+$0x1800] =	vst v2  }
0x122: {  	v2 =	vld.idx.msk [tilespmem:v1+s21+$0x0], $0xffff  }
0x123: {  	v3 =	vld.idx.msk [tilespmem:v1+s23+$0x0], $0xffff;
	_ =	sdelay $0x1  }
0x124: {  	v1 =	vmov s31  }
0x125: {  	v1 =	vshll.u32 v1, $0x4  }
0x126: {  	v1 =	vor.u32 v0, v1;
	_ =	sdelay $0x1  }
0x127: {  	v2 =	vadd.f32 v3, v2;
	_ =	sdelay $0x1  }
0x128: {  	[tilespmem:s28+$0x1C00] =	vst v2;
	s28 =	smov.u32 s22  }
0x129: {  	v2 =	vld.idx.msk [tilespmem:v1+s21+$0x0], $0xffff  }
0x12a: {  	v3 =	vld.idx.msk [tilespmem:v1+s23+$0x0], $0xffff;
	_ =	sdelay $0x3  }
0x12b: {  	v4 =	vor.u32 $0x1, v1;
	_ =	sdelay $0x1  }
0x12c: {  	v2 =	vadd.f32 v3, v2;
	_ =	sdelay $0x1  }
0x12d: {  	[tilespmem:s22+$0xFFFFE000] =	vst v2  }
0x12e: {  	v2 =	vld.idx.msk [tilespmem:v4+s21+$0x0], $0xffff  }
0x12f: {  	v3 =	vld.idx.msk [tilespmem:v4+s23+$0x0], $0xffff;
	_ =	sdelay $0x3  }
0x130: {  	v4 =	vor.u32 $0x2, v1;
	_ =	sdelay $0x1  }
0x131: {  	v2 =	vadd.f32 v3, v2;
	_ =	sdelay $0x1  }
0x132: {  	[tilespmem:s22+$0xFFFFE400] =	vst v2  }
0x133: {  	v2 =	vld.idx.msk [tilespmem:v4+s21+$0x0], $0xffff  }
0x134: {  	v3 =	vld.idx.msk [tilespmem:v4+s23+$0x0], $0xffff;
	_ =	sdelay $0x3  }
0x135: {  	v4 =	vor.u32 $0x3, v1;
	_ =	sdelay $0x1  }
0x136: {  	v2 =	vadd.f32 v3, v2;
	_ =	sdelay $0x1  }
0x137: {  	[tilespmem:s22+$0xFFFFE800] =	vst v2  }
0x138: {  	v2 =	vld.idx.msk [tilespmem:v4+s21+$0x0], $0xffff  }
0x139: {  	v3 =	vld.idx.msk [tilespmem:v4+s23+$0x0], $0xffff;
	_ =	sdelay $0x3  }
0x13a: {  	v4 =	vor.u32 $0x4, v1;
	_ =	sdelay $0x1  }
0x13b: {  	v2 =	vadd.f32 v3, v2;
	_ =	sdelay $0x1  }
0x13c: {  	[tilespmem:s22+$0xFFFFEC00] =	vst v2  }
0x13d: {  	v2 =	vld.idx.msk [tilespmem:v4+s21+$0x0], $0xffff  }
0x13e: {  	v3 =	vld.idx.msk [tilespmem:v4+s23+$0x0], $0xffff;
	_ =	sdelay $0x3  }
0x13f: {  	v4 =	vor.u32 $0x5, v1;
	_ =	sdelay $0x1  }
0x140: {  	v2 =	vadd.f32 v3, v2;
	_ =	sdelay $0x1  }
0x141: {  	[tilespmem:s22+$0xFFFFF000] =	vst v2  }
0x142: {  	v2 =	vld.idx.msk [tilespmem:v4+s21+$0x0], $0xffff  }
0x143: {  	v3 =	vld.idx.msk [tilespmem:v4+s23+$0x0], $0xffff;
	_ =	sdelay $0x3  }
0x144: {  	v4 =	vor.u32 $0x6, v1;
	_ =	sdelay $0x1  }
0x145: {  	v2 =	vadd.f32 v3, v2;
	_ =	sdelay $0x1  }
0x146: {  	[tilespmem:s22+$0xFFFFF400] =	vst v2  }
0x147: {  	v2 =	vld.idx.msk [tilespmem:v4+s21+$0x0], $0xffff  }
0x148: {  	v3 =	vld.idx.msk [tilespmem:v4+s23+$0x0], $0xffff;
	_ =	sdelay $0x3  }
0x149: {  	v4 =	vor.u32 $0x7, v1;
	_ =	sdelay $0x1  }
0x14a: {  	v2 =	vadd.f32 v3, v2;
	_ =	sdelay $0x1  }
0x14b: {  	[tilespmem:s22+$0xFFFFF800] =	vst v2  }
0x14c: {  	v2 =	vld.idx.msk [tilespmem:v4+s21+$0x0], $0xffff  }
0x14d: {  	v3 =	vld.idx.msk [tilespmem:v4+s23+$0x0], $0xffff;
	_ =	sdelay $0x3  }
0x14e: {  	v4 =	vor.u32 $0x8, v1;
	_ =	sdelay $0x1  }
0x14f: {  	v2 =	vadd.f32 v3, v2;
	_ =	sdelay $0x1  }
0x150: {  	[tilespmem:s22+$0xFFFFFC00] =	vst v2  }
0x151: {  	v2 =	vld.idx.msk [tilespmem:v4+s21+$0x0], $0xffff  }
0x152: {  	v3 =	vld.idx.msk [tilespmem:v4+s23+$0x0], $0xffff;
	_ =	sdelay $0x3  }
0x153: {  	v4 =	vor.u32 $0x9, v1;
	_ =	sdelay $0x1  }
0x154: {  	v2 =	vadd.f32 v3, v2;
	_ =	sdelay $0x1  }
0x155: {  	[tilespmem:s22+$0x0] =	vst v2  }
0x156: {  	v2 =	vld.idx.msk [tilespmem:v4+s21+$0x0], $0xffff  }
0x157: {  	v3 =	vld.idx.msk [tilespmem:v4+s23+$0x0], $0xffff;
	_ =	sdelay $0x3  }
0x158: {  	v4 =	vor.u32 $0xA, v1;
	_ =	sdelay $0x1  }
0x159: {  	v2 =	vadd.f32 v3, v2;
	_ =	sdelay $0x1  }
0x15a: {  	[tilespmem:s22+$0x400] =	vst v2  }
0x15b: {  	v2 =	vld.idx.msk [tilespmem:v4+s21+$0x0], $0xffff  }
0x15c: {  	v3 =	vld.idx.msk [tilespmem:v4+s23+$0x0], $0xffff;
	_ =	sdelay $0x3  }
0x15d: {  	v4 =	vor.u32 $0xB, v1;
	_ =	sdelay $0x1  }
0x15e: {  	v2 =	vadd.f32 v3, v2;
	_ =	sdelay $0x1  }
0x15f: {  	[tilespmem:s22+$0x800] =	vst v2  }
0x160: {  	v2 =	vld.idx.msk [tilespmem:v4+s21+$0x0], $0xffff  }
0x161: {  	v3 =	vld.idx.msk [tilespmem:v4+s23+$0x0], $0xffff;
	_ =	sdelay $0x3  }
0x162: {  	v4 =	vor.u32 $0xC, v1;
	_ =	sdelay $0x1  }
0x163: {  	v2 =	vadd.f32 v3, v2;
	_ =	sdelay $0x1  }
0x164: {  	[tilespmem:s22+$0xC00] =	vst v2  }
0x165: {  	v2 =	vld.idx.msk [tilespmem:v4+s21+$0x0], $0xffff  }
0x166: {  	v3 =	vld.idx.msk [tilespmem:v4+s23+$0x0], $0xffff;
	_ =	sdelay $0x3  }
0x167: {  	v4 =	vor.u32 $0xD, v1;
	_ =	sdelay $0x1  }
0x168: {  	v2 =	vadd.f32 v3, v2;
	_ =	sdelay $0x1  }
0x169: {  	[tilespmem:s22+$0x1000] =	vst v2  }
0x16a: {  	v2 =	vld.idx.msk [tilespmem:v4+s21+$0x0], $0xffff  }
0x16b: {  	v3 =	vld.idx.msk [tilespmem:v4+s23+$0x0], $0xffff;
	_ =	sdelay $0x3  }
0x16c: {  	v4 =	vor.u32 $0xE, v1;
	_ =	sdelay $0x1  }
.Ltmp1:
0x16d: {  	v2 =	vadd.f32 v3, v2;
	(pc) =	sbr.rel @p0 .LBB2_4-.Ltmp1, $4  }
0x16e: {  	_ = 	snop  }
0x16f: {  	[tilespmem:s22+$0x1400] =	vst v2  }
0x170: {  	v2 =	vld.idx.msk [tilespmem:v4+s21+$0x0], $0xffff  }
0x171: {  	v3 =	vld.idx.msk [tilespmem:v4+s23+$0x0], $0xffff  }
0x172: {  	_ =	sdelay $0x1  }
0x173: {  	v1 =	vor.u32 $0xF, v1;
	_ =	sdelay $0x1  }
0x174: {  	v2 =	vadd.f32 v3, v2;
	_ =	sdelay $0x1  }
0x175: {  	[tilespmem:s28+$0x1800] =	vst v2  }
0x176: {  	v2 =	vld.idx.msk [tilespmem:v1+s21+$0x0], $0xffff  }
0x177: {  	v1 =	vld.idx.msk [tilespmem:v1+s23+$0x0], $0xffff;
	_ =	sdelay $0x4  }
0x178: {  	v1 =	vadd.f32 v1, v2;
	_ =	sdelay $0x1  }
0x179: {  	[tilespmem:s28+$0x1C00] =	vst v1  }
0x17a: {  	[hbm4b:s6+s17] =	stream.strided.scatter [tilespmem:s30], [sflag:$0x2], $0x4000, s25, s17, $0x38;
	[tilespmem:$0x1D000] =	vst v63  }
0x17b: {  	s22 =	simm.s32 $0xC00  }
0x17c: {  	[tilespmem:s21], [sflag:$0x1] =	stream.indirect.gather [hbm4b:s3+s17], $0x10, s22, s17, $0xb8;
	[tilespmem:$0x1D000] =	vst v63  }
0x17d: {  	s31 =	simm.s32 $0x3400  }
0x17e: {  	[tilespmem:s23], [sflag:$0x1] =	stream.indirect.gather [hbm4b:s3+s17], $0x10, s31, s17, $0xb8;
	[tilespmem:$0x1D000] =	vst v63  }
0x17f: {  	_ =	swait.ge [sflag:s24], $0x4000  }
0x180: {  	s31 =	simm.s32 $0x0;
	[sflag:s24] =	ssyncset.done $0x0  }
0x181: {  	v1 =	vmov s31;
	[sflag:s24] =	ssyncadd.s32 $0xFFFFC000  }
0x182: {  	v1 =	vshll.u32 v1, $0x4;
	_ =	swait.ge [sflag:s24], $0x4000  }
0x183: {  	v1 =	vor.u32 v0, v1;
	[sflag:s24] =	ssyncset.done $0x0  }
0x184: {  	[sflag:s24] =	ssyncadd.s32 $0xFFFFC000  }
0x185: {  	_ =	swait.ge [sflag:s0], $0x4000  }
0x186: {  	[sflag:s0] =	ssyncset.done $0x0  }
0x187: {  	[sflag:s0] =	ssyncadd.s32 $0xFFFFC000  }
0x188: {  	v2 =	vld.idx.msk [tilespmem:v1+s18+$0x0], $0xffff  }
0x189: {  	v3 =	vld.idx.msk [tilespmem:v1+s20+$0x0], $0xffff;
	_ =	sdelay $0x2  }
0x18a: {  	v4 =	vor.u32 $0x1, v1;
	_ =	sdelay $0x1  }
0x18b: {  	v2 =	vadd.f32 v3, v2  }
0x18c: {  	s22 =	simm.s32 $0x17000  }
0x18d: {  	[tilespmem:s22+$0xFFFFE000] =	vst v2  }
0x18e: {  	v2 =	vld.idx.msk [tilespmem:v4+s18+$0x0], $0xffff  }
0x18f: {  	v3 =	vld.idx.msk [tilespmem:v4+s20+$0x0], $0xffff;
	_ =	sdelay $0x2  }
0x190: {  	v4 =	vor.u32 $0x2, v1;
	_ =	sdelay $0x1  }
0x191: {  	v2 =	vadd.f32 v3, v2;
	_ =	sdelay $0x1  }
0x192: {  	[tilespmem:s22+$0xFFFFE400] =	vst v2  }
0x193: {  	v2 =	vld.idx.msk [tilespmem:v4+s18+$0x0], $0xffff  }
0x194: {  	v3 =	vld.idx.msk [tilespmem:v4+s20+$0x0], $0xffff;
	_ =	sdelay $0x2  }
0x195: {  	v4 =	vor.u32 $0x3, v1;
	_ =	sdelay $0x1  }
0x196: {  	v2 =	vadd.f32 v3, v2;
	_ =	sdelay $0x1  }
0x197: {  	[tilespmem:s22+$0xFFFFE800] =	vst v2  }
0x198: {  	v2 =	vld.idx.msk [tilespmem:v4+s18+$0x0], $0xffff  }
0x199: {  	v3 =	vld.idx.msk [tilespmem:v4+s20+$0x0], $0xffff;
	_ =	sdelay $0x2  }
0x19a: {  	v4 =	vor.u32 $0x4, v1;
	_ =	sdelay $0x1  }
0x19b: {  	v2 =	vadd.f32 v3, v2;
	_ =	sdelay $0x1  }
0x19c: {  	[tilespmem:s22+$0xFFFFEC00] =	vst v2  }
0x19d: {  	v2 =	vld.idx.msk [tilespmem:v4+s18+$0x0], $0xffff  }
0x19e: {  	v3 =	vld.idx.msk [tilespmem:v4+s20+$0x0], $0xffff;
	_ =	sdelay $0x2  }
0x19f: {  	v4 =	vor.u32 $0x5, v1;
	_ =	sdelay $0x1  }
0x1a0: {  	v2 =	vadd.f32 v3, v2;
	_ =	sdelay $0x1  }
0x1a1: {  	[tilespmem:s22+$0xFFFFF000] =	vst v2  }
0x1a2: {  	v2 =	vld.idx.msk [tilespmem:v4+s18+$0x0], $0xffff  }
0x1a3: {  	v3 =	vld.idx.msk [tilespmem:v4+s20+$0x0], $0xffff;
	_ =	sdelay $0x2  }
0x1a4: {  	v4 =	vor.u32 $0x6, v1;
	_ =	sdelay $0x1  }
0x1a5: {  	v2 =	vadd.f32 v3, v2;
	_ =	sdelay $0x1  }
0x1a6: {  	[tilespmem:s22+$0xFFFFF400] =	vst v2  }
0x1a7: {  	v2 =	vld.idx.msk [tilespmem:v4+s18+$0x0], $0xffff  }
0x1a8: {  	v3 =	vld.idx.msk [tilespmem:v4+s20+$0x0], $0xffff;
	_ =	sdelay $0x2  }
0x1a9: {  	v4 =	vor.u32 $0x7, v1;
	_ =	sdelay $0x1  }
0x1aa: {  	v2 =	vadd.f32 v3, v2;
	_ =	sdelay $0x1  }
0x1ab: {  	[tilespmem:s22+$0xFFFFF800] =	vst v2  }
0x1ac: {  	v2 =	vld.idx.msk [tilespmem:v4+s18+$0x0], $0xffff  }
0x1ad: {  	v3 =	vld.idx.msk [tilespmem:v4+s20+$0x0], $0xffff;
	_ =	sdelay $0x2  }
0x1ae: {  	v4 =	vor.u32 $0x8, v1;
	_ =	sdelay $0x1  }
0x1af: {  	v2 =	vadd.f32 v3, v2;
	_ =	sdelay $0x1  }
0x1b0: {  	[tilespmem:s22+$0xFFFFFC00] =	vst v2  }
0x1b1: {  	v2 =	vld.idx.msk [tilespmem:v4+s18+$0x0], $0xffff  }
0x1b2: {  	v3 =	vld.idx.msk [tilespmem:v4+s20+$0x0], $0xffff;
	_ =	sdelay $0x2  }
0x1b3: {  	v4 =	vor.u32 $0x9, v1;
	_ =	sdelay $0x1  }
0x1b4: {  	v2 =	vadd.f32 v3, v2;
	_ =	sdelay $0x1  }
0x1b5: {  	[tilespmem:s22+$0x0] =	vst v2  }
0x1b6: {  	v2 =	vld.idx.msk [tilespmem:v4+s18+$0x0], $0xffff  }
0x1b7: {  	v3 =	vld.idx.msk [tilespmem:v4+s20+$0x0], $0xffff;
	_ =	sdelay $0x2  }
0x1b8: {  	v4 =	vor.u32 $0xA, v1;
	_ =	sdelay $0x1  }
0x1b9: {  	v2 =	vadd.f32 v3, v2;
	_ =	sdelay $0x1  }
0x1ba: {  	[tilespmem:s22+$0x400] =	vst v2  }
0x1bb: {  	v2 =	vld.idx.msk [tilespmem:v4+s18+$0x0], $0xffff  }
0x1bc: {  	v3 =	vld.idx.msk [tilespmem:v4+s20+$0x0], $0xffff;
	_ =	sdelay $0x2  }
0x1bd: {  	v4 =	vor.u32 $0xB, v1;
	_ =	sdelay $0x1  }
0x1be: {  	v2 =	vadd.f32 v3, v2;
	_ =	sdelay $0x1  }
0x1bf: {  	[tilespmem:s22+$0x800] =	vst v2  }
0x1c0: {  	v2 =	vld.idx.msk [tilespmem:v4+s18+$0x0], $0xffff  }
0x1c1: {  	v3 =	vld.idx.msk [tilespmem:v4+s20+$0x0], $0xffff;
	_ =	sdelay $0x2  }
0x1c2: {  	v4 =	vor.u32 $0xC, v1;
	_ =	sdelay $0x1  }
0x1c3: {  	v2 =	vadd.f32 v3, v2;
	_ =	sdelay $0x1  }
0x1c4: {  	[tilespmem:s22+$0xC00] =	vst v2  }
0x1c5: {  	v2 =	vld.idx.msk [tilespmem:v4+s18+$0x0], $0xffff  }
0x1c6: {  	v3 =	vld.idx.msk [tilespmem:v4+s20+$0x0], $0xffff;
	_ =	sdelay $0x2  }
0x1c7: {  	v4 =	vor.u32 $0xD, v1;
	_ =	sdelay $0x1  }
0x1c8: {  	v2 =	vadd.f32 v3, v2;
	_ =	sdelay $0x1  }
0x1c9: {  	[tilespmem:s22+$0x1000] =	vst v2  }
0x1ca: {  	v2 =	vld.idx.msk [tilespmem:v4+s18+$0x0], $0xffff  }
0x1cb: {  	v3 =	vld.idx.msk [tilespmem:v4+s20+$0x0], $0xffff;
	_ =	sdelay $0x2  }
0x1cc: {  	v4 =	vor.u32 $0xE, v1;
	_ =	sdelay $0x1  }
0x1cd: {  	v2 =	vadd.f32 v3, v2;
	_ =	sdelay $0x1  }
0x1ce: {  	[tilespmem:s22+$0x1400] =	vst v2  }
0x1cf: {  	v2 =	vld.idx.msk [tilespmem:v4+s18+$0x0], $0xffff  }
0x1d0: {  	s29 =	simm.s32 $0x10;
	s28 =	simm.s32 $0x17000;
	v3 =	vld.idx.msk [tilespmem:v4+s20+$0x0], $0xffff  }
.LBB2_6:
0x1d1: {  	p0 =	sne.s32 s29, $0x3F0  }
0x1d2: {  	s22 =	sadd.s32 $0x10, s22;
	s31 =	smov.u32 s29;
	s29 =	sadd.s32 $0x10, s29  }
0x1d3: {  	_ = 	snop  }
0x1d4: {  	v1 =	vor.u32 $0xF, v1;
	_ =	sdelay $0x1  }
0x1d5: {  	v2 =	vadd.f32 v3, v2;
	_ =	sdelay $0x1  }
0x1d6: {  	[tilespmem:s28+$0x1800] =	vst v2  }
0x1d7: {  	v2 =	vld.idx.msk [tilespmem:v1+s18+$0x0], $0xffff  }
0x1d8: {  	v3 =	vld.idx.msk [tilespmem:v1+s20+$0x0], $0xffff;
	_ =	sdelay $0x1  }
0x1d9: {  	v1 =	vmov s31  }
0x1da: {  	v1 =	vshll.u32 v1, $0x4  }
0x1db: {  	v1 =	vor.u32 v0, v1;
	_ =	sdelay $0x1  }
0x1dc: {  	v2 =	vadd.f32 v3, v2;
	_ =	sdelay $0x1  }
0x1dd: {  	[tilespmem:s28+$0x1C00] =	vst v2;
	s28 =	smov.u32 s22  }
0x1de: {  	v2 =	vld.idx.msk [tilespmem:v1+s18+$0x0], $0xffff  }
0x1df: {  	v3 =	vld.idx.msk [tilespmem:v1+s20+$0x0], $0xffff;
	_ =	sdelay $0x3  }
0x1e0: {  	v4 =	vor.u32 $0x1, v1;
	_ =	sdelay $0x1  }
0x1e1: {  	v2 =	vadd.f32 v3, v2;
	_ =	sdelay $0x1  }
0x1e2: {  	[tilespmem:s22+$0xFFFFE000] =	vst v2  }
0x1e3: {  	v2 =	vld.idx.msk [tilespmem:v4+s18+$0x0], $0xffff  }
0x1e4: {  	v3 =	vld.idx.msk [tilespmem:v4+s20+$0x0], $0xffff;
	_ =	sdelay $0x3  }
0x1e5: {  	v4 =	vor.u32 $0x2, v1;
	_ =	sdelay $0x1  }
0x1e6: {  	v2 =	vadd.f32 v3, v2;
	_ =	sdelay $0x1  }
0x1e7: {  	[tilespmem:s22+$0xFFFFE400] =	vst v2  }
0x1e8: {  	v2 =	vld.idx.msk [tilespmem:v4+s18+$0x0], $0xffff  }
0x1e9: {  	v3 =	vld.idx.msk [tilespmem:v4+s20+$0x0], $0xffff;
	_ =	sdelay $0x3  }
0x1ea: {  	v4 =	vor.u32 $0x3, v1;
	_ =	sdelay $0x1  }
0x1eb: {  	v2 =	vadd.f32 v3, v2;
	_ =	sdelay $0x1  }
0x1ec: {  	[tilespmem:s22+$0xFFFFE800] =	vst v2  }
0x1ed: {  	v2 =	vld.idx.msk [tilespmem:v4+s18+$0x0], $0xffff  }
0x1ee: {  	v3 =	vld.idx.msk [tilespmem:v4+s20+$0x0], $0xffff;
	_ =	sdelay $0x3  }
0x1ef: {  	v4 =	vor.u32 $0x4, v1;
	_ =	sdelay $0x1  }
0x1f0: {  	v2 =	vadd.f32 v3, v2;
	_ =	sdelay $0x1  }
0x1f1: {  	[tilespmem:s22+$0xFFFFEC00] =	vst v2  }
0x1f2: {  	v2 =	vld.idx.msk [tilespmem:v4+s18+$0x0], $0xffff  }
0x1f3: {  	v3 =	vld.idx.msk [tilespmem:v4+s20+$0x0], $0xffff;
	_ =	sdelay $0x3  }
0x1f4: {  	v4 =	vor.u32 $0x5, v1;
	_ =	sdelay $0x1  }
0x1f5: {  	v2 =	vadd.f32 v3, v2;
	_ =	sdelay $0x1  }
0x1f6: {  	[tilespmem:s22+$0xFFFFF000] =	vst v2  }
0x1f7: {  	v2 =	vld.idx.msk [tilespmem:v4+s18+$0x0], $0xffff  }
0x1f8: {  	v3 =	vld.idx.msk [tilespmem:v4+s20+$0x0], $0xffff;
	_ =	sdelay $0x3  }
0x1f9: {  	v4 =	vor.u32 $0x6, v1;
	_ =	sdelay $0x1  }
0x1fa: {  	v2 =	vadd.f32 v3, v2;
	_ =	sdelay $0x1  }
0x1fb: {  	[tilespmem:s22+$0xFFFFF400] =	vst v2  }
0x1fc: {  	v2 =	vld.idx.msk [tilespmem:v4+s18+$0x0], $0xffff  }
0x1fd: {  	v3 =	vld.idx.msk [tilespmem:v4+s20+$0x0], $0xffff;
	_ =	sdelay $0x3  }
0x1fe: {  	v4 =	vor.u32 $0x7, v1;
	_ =	sdelay $0x1  }
0x1ff: {  	v2 =	vadd.f32 v3, v2;
	_ =	sdelay $0x1  }
0x200: {  	[tilespmem:s22+$0xFFFFF800] =	vst v2  }
0x201: {  	v2 =	vld.idx.msk [tilespmem:v4+s18+$0x0], $0xffff  }
0x202: {  	v3 =	vld.idx.msk [tilespmem:v4+s20+$0x0], $0xffff;
	_ =	sdelay $0x3  }
0x203: {  	v4 =	vor.u32 $0x8, v1;
	_ =	sdelay $0x1  }
0x204: {  	v2 =	vadd.f32 v3, v2;
	_ =	sdelay $0x1  }
0x205: {  	[tilespmem:s22+$0xFFFFFC00] =	vst v2  }
0x206: {  	v2 =	vld.idx.msk [tilespmem:v4+s18+$0x0], $0xffff  }
0x207: {  	v3 =	vld.idx.msk [tilespmem:v4+s20+$0x0], $0xffff;
	_ =	sdelay $0x3  }
0x208: {  	v4 =	vor.u32 $0x9, v1;
	_ =	sdelay $0x1  }
0x209: {  	v2 =	vadd.f32 v3, v2;
	_ =	sdelay $0x1  }
0x20a: {  	[tilespmem:s22+$0x0] =	vst v2  }
0x20b: {  	v2 =	vld.idx.msk [tilespmem:v4+s18+$0x0], $0xffff  }
0x20c: {  	v3 =	vld.idx.msk [tilespmem:v4+s20+$0x0], $0xffff;
	_ =	sdelay $0x3  }
0x20d: {  	v4 =	vor.u32 $0xA, v1;
	_ =	sdelay $0x1  }
0x20e: {  	v2 =	vadd.f32 v3, v2;
	_ =	sdelay $0x1  }
0x20f: {  	[tilespmem:s22+$0x400] =	vst v2  }
0x210: {  	v2 =	vld.idx.msk [tilespmem:v4+s18+$0x0], $0xffff  }
0x211: {  	v3 =	vld.idx.msk [tilespmem:v4+s20+$0x0], $0xffff;
	_ =	sdelay $0x3  }
0x212: {  	v4 =	vor.u32 $0xB, v1;
	_ =	sdelay $0x1  }
0x213: {  	v2 =	vadd.f32 v3, v2;
	_ =	sdelay $0x1  }
0x214: {  	[tilespmem:s22+$0x800] =	vst v2  }
0x215: {  	v2 =	vld.idx.msk [tilespmem:v4+s18+$0x0], $0xffff  }
0x216: {  	v3 =	vld.idx.msk [tilespmem:v4+s20+$0x0], $0xffff;
	_ =	sdelay $0x3  }
0x217: {  	v4 =	vor.u32 $0xC, v1;
	_ =	sdelay $0x1  }
0x218: {  	v2 =	vadd.f32 v3, v2;
	_ =	sdelay $0x1  }
0x219: {  	[tilespmem:s22+$0xC00] =	vst v2  }
0x21a: {  	v2 =	vld.idx.msk [tilespmem:v4+s18+$0x0], $0xffff  }
0x21b: {  	v3 =	vld.idx.msk [tilespmem:v4+s20+$0x0], $0xffff;
	_ =	sdelay $0x3  }
0x21c: {  	v4 =	vor.u32 $0xD, v1;
	_ =	sdelay $0x1  }
0x21d: {  	v2 =	vadd.f32 v3, v2;
	_ =	sdelay $0x1  }
0x21e: {  	[tilespmem:s22+$0x1000] =	vst v2  }
0x21f: {  	v2 =	vld.idx.msk [tilespmem:v4+s18+$0x0], $0xffff  }
0x220: {  	v3 =	vld.idx.msk [tilespmem:v4+s20+$0x0], $0xffff;
	_ =	sdelay $0x3  }
0x221: {  	v4 =	vor.u32 $0xE, v1;
	_ =	sdelay $0x1  }
.Ltmp2:
0x222: {  	v2 =	vadd.f32 v3, v2;
	(pc) =	sbr.rel @p0 .LBB2_6-.Ltmp2, $4  }
0x223: {  	_ = 	snop  }
0x224: {  	[tilespmem:s22+$0x1400] =	vst v2  }
0x225: {  	v2 =	vld.idx.msk [tilespmem:v4+s18+$0x0], $0xffff  }
0x226: {  	v3 =	vld.idx.msk [tilespmem:v4+s20+$0x0], $0xffff  }
0x227: {  	_ =	sdelay $0x1  }
0x228: {  	v1 =	vor.u32 $0xF, v1;
	_ =	sdelay $0x1  }
0x229: {  	v2 =	vadd.f32 v3, v2;
	_ =	sdelay $0x1  }
0x22a: {  	[tilespmem:s28+$0x1800] =	vst v2  }
0x22b: {  	v2 =	vld.idx.msk [tilespmem:v1+s18+$0x0], $0xffff  }
0x22c: {  	v1 =	vld.idx.msk [tilespmem:v1+s20+$0x0], $0xffff;
	_ =	sdelay $0x4  }
0x22d: {  	v1 =	vadd.f32 v1, v2;
	_ =	sdelay $0x1  }
0x22e: {  	[tilespmem:s28+$0x1C00] =	vst v1  }
0x22f: {  	[hbm4b:s7+s17] =	stream.strided.scatter [tilespmem:s26], [sflag:$0x2], $0x4000, s25, s17, $0x38;
	[tilespmem:$0x1D000] =	vst v63  }
0x230: {  	s22 =	simm.s32 $0x1000  }
0x231: {  	[tilespmem:s18], [sflag:$0x1] =	stream.indirect.gather [hbm4b:s3+s17], $0x10, s22, s17, $0xb8;
	[tilespmem:$0x1D000] =	vst v63  }
0x232: {  	s31 =	simm.s32 $0x3800  }
0x233: {  	[tilespmem:s20], [sflag:$0x1] =	stream.indirect.gather [hbm4b:s3+s17], $0x10, s31, s17, $0xb8;
	[tilespmem:$0x1D000] =	vst v63  }
0x234: {  	_ =	swait.ge [sflag:s24], $0x4000  }
0x235: {  	s31 =	simm.s32 $0x0;
	[sflag:s24] =	ssyncset.done $0x0  }
0x236: {  	v1 =	vmov s31;
	[sflag:s24] =	ssyncadd.s32 $0xFFFFC000  }
0x237: {  	v1 =	vshll.u32 v1, $0x4;
	_ =	swait.ge [sflag:s24], $0x4000  }
0x238: {  	v1 =	vor.u32 v0, v1;
	[sflag:s24] =	ssyncset.done $0x0  }
0x239: {  	[sflag:s24] =	ssyncadd.s32 $0xFFFFC000  }
0x23a: {  	_ =	swait.ge [sflag:s0], $0x4000  }
0x23b: {  	[sflag:s0] =	ssyncset.done $0x0  }
0x23c: {  	[sflag:s0] =	ssyncadd.s32 $0xFFFFC000  }
0x23d: {  	v2 =	vld.idx.msk [tilespmem:v1+s21+$0x0], $0xffff  }
0x23e: {  	v3 =	vld.idx.msk [tilespmem:v1+s23+$0x0], $0xffff;
	_ =	sdelay $0x2  }
0x23f: {  	v4 =	vor.u32 $0x1, v1;
	_ =	sdelay $0x1  }
0x240: {  	v2 =	vadd.f32 v3, v2  }
0x241: {  	s22 =	simm.s32 $0x1B000  }
0x242: {  	[tilespmem:s22+$0xFFFFE000] =	vst v2  }
0x243: {  	v2 =	vld.idx.msk [tilespmem:v4+s21+$0x0], $0xffff  }
0x244: {  	v3 =	vld.idx.msk [tilespmem:v4+s23+$0x0], $0xffff;
	_ =	sdelay $0x2  }
0x245: {  	v4 =	vor.u32 $0x2, v1;
	_ =	sdelay $0x1  }
0x246: {  	v2 =	vadd.f32 v3, v2;
	_ =	sdelay $0x1  }
0x247: {  	[tilespmem:s22+$0xFFFFE400] =	vst v2  }
0x248: {  	v2 =	vld.idx.msk [tilespmem:v4+s21+$0x0], $0xffff  }
0x249: {  	v3 =	vld.idx.msk [tilespmem:v4+s23+$0x0], $0xffff;
	_ =	sdelay $0x2  }
0x24a: {  	v4 =	vor.u32 $0x3, v1;
	_ =	sdelay $0x1  }
0x24b: {  	v2 =	vadd.f32 v3, v2;
	_ =	sdelay $0x1  }
0x24c: {  	[tilespmem:s22+$0xFFFFE800] =	vst v2  }
0x24d: {  	v2 =	vld.idx.msk [tilespmem:v4+s21+$0x0], $0xffff  }
0x24e: {  	v3 =	vld.idx.msk [tilespmem:v4+s23+$0x0], $0xffff;
	_ =	sdelay $0x2  }
0x24f: {  	v4 =	vor.u32 $0x4, v1;
	_ =	sdelay $0x1  }
0x250: {  	v2 =	vadd.f32 v3, v2;
	_ =	sdelay $0x1  }
0x251: {  	[tilespmem:s22+$0xFFFFEC00] =	vst v2  }
0x252: {  	v2 =	vld.idx.msk [tilespmem:v4+s21+$0x0], $0xffff  }
0x253: {  	v3 =	vld.idx.msk [tilespmem:v4+s23+$0x0], $0xffff;
	_ =	sdelay $0x2  }
0x254: {  	v4 =	vor.u32 $0x5, v1;
	_ =	sdelay $0x1  }
0x255: {  	v2 =	vadd.f32 v3, v2;
	_ =	sdelay $0x1  }
0x256: {  	[tilespmem:s22+$0xFFFFF000] =	vst v2  }
0x257: {  	v2 =	vld.idx.msk [tilespmem:v4+s21+$0x0], $0xffff  }
0x258: {  	v3 =	vld.idx.msk [tilespmem:v4+s23+$0x0], $0xffff;
	_ =	sdelay $0x2  }
0x259: {  	v4 =	vor.u32 $0x6, v1;
	_ =	sdelay $0x1  }
0x25a: {  	v2 =	vadd.f32 v3, v2;
	_ =	sdelay $0x1  }
0x25b: {  	[tilespmem:s22+$0xFFFFF400] =	vst v2  }
0x25c: {  	v2 =	vld.idx.msk [tilespmem:v4+s21+$0x0], $0xffff  }
0x25d: {  	v3 =	vld.idx.msk [tilespmem:v4+s23+$0x0], $0xffff;
	_ =	sdelay $0x2  }
0x25e: {  	v4 =	vor.u32 $0x7, v1;
	_ =	sdelay $0x1  }
0x25f: {  	v2 =	vadd.f32 v3, v2;
	_ =	sdelay $0x1  }
0x260: {  	[tilespmem:s22+$0xFFFFF800] =	vst v2  }
0x261: {  	v2 =	vld.idx.msk [tilespmem:v4+s21+$0x0], $0xffff  }
0x262: {  	v3 =	vld.idx.msk [tilespmem:v4+s23+$0x0], $0xffff;
	_ =	sdelay $0x2  }
0x263: {  	v4 =	vor.u32 $0x8, v1;
	_ =	sdelay $0x1  }
0x264: {  	v2 =	vadd.f32 v3, v2;
	_ =	sdelay $0x1  }
0x265: {  	[tilespmem:s22+$0xFFFFFC00] =	vst v2  }
0x266: {  	v2 =	vld.idx.msk [tilespmem:v4+s21+$0x0], $0xffff  }
0x267: {  	v3 =	vld.idx.msk [tilespmem:v4+s23+$0x0], $0xffff;
	_ =	sdelay $0x2  }
0x268: {  	v4 =	vor.u32 $0x9, v1;
	_ =	sdelay $0x1  }
0x269: {  	v2 =	vadd.f32 v3, v2;
	_ =	sdelay $0x1  }
0x26a: {  	[tilespmem:s22+$0x0] =	vst v2  }
0x26b: {  	v2 =	vld.idx.msk [tilespmem:v4+s21+$0x0], $0xffff  }
0x26c: {  	v3 =	vld.idx.msk [tilespmem:v4+s23+$0x0], $0xffff;
	_ =	sdelay $0x2  }
0x26d: {  	v4 =	vor.u32 $0xA, v1;
	_ =	sdelay $0x1  }
0x26e: {  	v2 =	vadd.f32 v3, v2;
	_ =	sdelay $0x1  }
0x26f: {  	[tilespmem:s22+$0x400] =	vst v2  }
0x270: {  	v2 =	vld.idx.msk [tilespmem:v4+s21+$0x0], $0xffff  }
0x271: {  	v3 =	vld.idx.msk [tilespmem:v4+s23+$0x0], $0xffff;
	_ =	sdelay $0x2  }
0x272: {  	v4 =	vor.u32 $0xB, v1;
	_ =	sdelay $0x1  }
0x273: {  	v2 =	vadd.f32 v3, v2;
	_ =	sdelay $0x1  }
0x274: {  	[tilespmem:s22+$0x800] =	vst v2  }
0x275: {  	v2 =	vld.idx.msk [tilespmem:v4+s21+$0x0], $0xffff  }
0x276: {  	v3 =	vld.idx.msk [tilespmem:v4+s23+$0x0], $0xffff;
	_ =	sdelay $0x2  }
0x277: {  	v4 =	vor.u32 $0xC, v1;
	_ =	sdelay $0x1  }
0x278: {  	v2 =	vadd.f32 v3, v2;
	_ =	sdelay $0x1  }
0x279: {  	[tilespmem:s22+$0xC00] =	vst v2  }
0x27a: {  	v2 =	vld.idx.msk [tilespmem:v4+s21+$0x0], $0xffff  }
0x27b: {  	v3 =	vld.idx.msk [tilespmem:v4+s23+$0x0], $0xffff;
	_ =	sdelay $0x2  }
0x27c: {  	v4 =	vor.u32 $0xD, v1;
	_ =	sdelay $0x1  }
0x27d: {  	v2 =	vadd.f32 v3, v2;
	_ =	sdelay $0x1  }
0x27e: {  	[tilespmem:s22+$0x1000] =	vst v2  }
0x27f: {  	v2 =	vld.idx.msk [tilespmem:v4+s21+$0x0], $0xffff  }
0x280: {  	v3 =	vld.idx.msk [tilespmem:v4+s23+$0x0], $0xffff;
	_ =	sdelay $0x2  }
0x281: {  	v4 =	vor.u32 $0xE, v1;
	_ =	sdelay $0x1  }
0x282: {  	v2 =	vadd.f32 v3, v2;
	_ =	sdelay $0x1  }
0x283: {  	[tilespmem:s22+$0x1400] =	vst v2  }
0x284: {  	v2 =	vld.idx.msk [tilespmem:v4+s21+$0x0], $0xffff  }
0x285: {  	s29 =	simm.s32 $0x10;
	s28 =	simm.s32 $0x1B000;
	v3 =	vld.idx.msk [tilespmem:v4+s23+$0x0], $0xffff  }
.LBB2_8:
0x286: {  	p0 =	sne.s32 s29, $0x3F0  }
0x287: {  	s22 =	sadd.s32 $0x10, s22;
	s31 =	smov.u32 s29;
	s29 =	sadd.s32 $0x10, s29  }
0x288: {  	_ = 	snop  }
0x289: {  	v1 =	vor.u32 $0xF, v1;
	_ =	sdelay $0x1  }
0x28a: {  	v2 =	vadd.f32 v3, v2;
	_ =	sdelay $0x1  }
0x28b: {  	[tilespmem:s28+$0x1800] =	vst v2  }
0x28c: {  	v2 =	vld.idx.msk [tilespmem:v1+s21+$0x0], $0xffff  }
0x28d: {  	v3 =	vld.idx.msk [tilespmem:v1+s23+$0x0], $0xffff;
	_ =	sdelay $0x1  }
0x28e: {  	v1 =	vmov s31  }
0x28f: {  	v1 =	vshll.u32 v1, $0x4  }
0x290: {  	v1 =	vor.u32 v0, v1;
	_ =	sdelay $0x1  }
0x291: {  	v2 =	vadd.f32 v3, v2;
	_ =	sdelay $0x1  }
0x292: {  	[tilespmem:s28+$0x1C00] =	vst v2;
	s28 =	smov.u32 s22  }
0x293: {  	v2 =	vld.idx.msk [tilespmem:v1+s21+$0x0], $0xffff  }
0x294: {  	v3 =	vld.idx.msk [tilespmem:v1+s23+$0x0], $0xffff;
	_ =	sdelay $0x3  }
0x295: {  	v4 =	vor.u32 $0x1, v1;
	_ =	sdelay $0x1  }
0x296: {  	v2 =	vadd.f32 v3, v2;
	_ =	sdelay $0x1  }
0x297: {  	[tilespmem:s22+$0xFFFFE000] =	vst v2  }
0x298: {  	v2 =	vld.idx.msk [tilespmem:v4+s21+$0x0], $0xffff  }
0x299: {  	v3 =	vld.idx.msk [tilespmem:v4+s23+$0x0], $0xffff;
	_ =	sdelay $0x3  }
0x29a: {  	v4 =	vor.u32 $0x2, v1;
	_ =	sdelay $0x1  }
0x29b: {  	v2 =	vadd.f32 v3, v2;
	_ =	sdelay $0x1  }
0x29c: {  	[tilespmem:s22+$0xFFFFE400] =	vst v2  }
0x29d: {  	v2 =	vld.idx.msk [tilespmem:v4+s21+$0x0], $0xffff  }
0x29e: {  	v3 =	vld.idx.msk [tilespmem:v4+s23+$0x0], $0xffff;
	_ =	sdelay $0x3  }
0x29f: {  	v4 =	vor.u32 $0x3, v1;
	_ =	sdelay $0x1  }
0x2a0: {  	v2 =	vadd.f32 v3, v2;
	_ =	sdelay $0x1  }
0x2a1: {  	[tilespmem:s22+$0xFFFFE800] =	vst v2  }
0x2a2: {  	v2 =	vld.idx.msk [tilespmem:v4+s21+$0x0], $0xffff  }
0x2a3: {  	v3 =	vld.idx.msk [tilespmem:v4+s23+$0x0], $0xffff;
	_ =	sdelay $0x3  }
0x2a4: {  	v4 =	vor.u32 $0x4, v1;
	_ =	sdelay $0x1  }
0x2a5: {  	v2 =	vadd.f32 v3, v2;
	_ =	sdelay $0x1  }
0x2a6: {  	[tilespmem:s22+$0xFFFFEC00] =	vst v2  }
0x2a7: {  	v2 =	vld.idx.msk [tilespmem:v4+s21+$0x0], $0xffff  }
0x2a8: {  	v3 =	vld.idx.msk [tilespmem:v4+s23+$0x0], $0xffff;
	_ =	sdelay $0x3  }
0x2a9: {  	v4 =	vor.u32 $0x5, v1;
	_ =	sdelay $0x1  }
0x2aa: {  	v2 =	vadd.f32 v3, v2;
	_ =	sdelay $0x1  }
0x2ab: {  	[tilespmem:s22+$0xFFFFF000] =	vst v2  }
0x2ac: {  	v2 =	vld.idx.msk [tilespmem:v4+s21+$0x0], $0xffff  }
0x2ad: {  	v3 =	vld.idx.msk [tilespmem:v4+s23+$0x0], $0xffff;
	_ =	sdelay $0x3  }
0x2ae: {  	v4 =	vor.u32 $0x6, v1;
	_ =	sdelay $0x1  }
0x2af: {  	v2 =	vadd.f32 v3, v2;
	_ =	sdelay $0x1  }
0x2b0: {  	[tilespmem:s22+$0xFFFFF400] =	vst v2  }
0x2b1: {  	v2 =	vld.idx.msk [tilespmem:v4+s21+$0x0], $0xffff  }
0x2b2: {  	v3 =	vld.idx.msk [tilespmem:v4+s23+$0x0], $0xffff;
	_ =	sdelay $0x3  }
0x2b3: {  	v4 =	vor.u32 $0x7, v1;
	_ =	sdelay $0x1  }
0x2b4: {  	v2 =	vadd.f32 v3, v2;
	_ =	sdelay $0x1  }
0x2b5: {  	[tilespmem:s22+$0xFFFFF800] =	vst v2  }
0x2b6: {  	v2 =	vld.idx.msk [tilespmem:v4+s21+$0x0], $0xffff  }
0x2b7: {  	v3 =	vld.idx.msk [tilespmem:v4+s23+$0x0], $0xffff;
	_ =	sdelay $0x3  }
0x2b8: {  	v4 =	vor.u32 $0x8, v1;
	_ =	sdelay $0x1  }
0x2b9: {  	v2 =	vadd.f32 v3, v2;
	_ =	sdelay $0x1  }
0x2ba: {  	[tilespmem:s22+$0xFFFFFC00] =	vst v2  }
0x2bb: {  	v2 =	vld.idx.msk [tilespmem:v4+s21+$0x0], $0xffff  }
0x2bc: {  	v3 =	vld.idx.msk [tilespmem:v4+s23+$0x0], $0xffff;
	_ =	sdelay $0x3  }
0x2bd: {  	v4 =	vor.u32 $0x9, v1;
	_ =	sdelay $0x1  }
0x2be: {  	v2 =	vadd.f32 v3, v2;
	_ =	sdelay $0x1  }
0x2bf: {  	[tilespmem:s22+$0x0] =	vst v2  }
0x2c0: {  	v2 =	vld.idx.msk [tilespmem:v4+s21+$0x0], $0xffff  }
0x2c1: {  	v3 =	vld.idx.msk [tilespmem:v4+s23+$0x0], $0xffff;
	_ =	sdelay $0x3  }
0x2c2: {  	v4 =	vor.u32 $0xA, v1;
	_ =	sdelay $0x1  }
0x2c3: {  	v2 =	vadd.f32 v3, v2;
	_ =	sdelay $0x1  }
0x2c4: {  	[tilespmem:s22+$0x400] =	vst v2  }
0x2c5: {  	v2 =	vld.idx.msk [tilespmem:v4+s21+$0x0], $0xffff  }
0x2c6: {  	v3 =	vld.idx.msk [tilespmem:v4+s23+$0x0], $0xffff;
	_ =	sdelay $0x3  }
0x2c7: {  	v4 =	vor.u32 $0xB, v1;
	_ =	sdelay $0x1  }
0x2c8: {  	v2 =	vadd.f32 v3, v2;
	_ =	sdelay $0x1  }
0x2c9: {  	[tilespmem:s22+$0x800] =	vst v2  }
0x2ca: {  	v2 =	vld.idx.msk [tilespmem:v4+s21+$0x0], $0xffff  }
0x2cb: {  	v3 =	vld.idx.msk [tilespmem:v4+s23+$0x0], $0xffff;
	_ =	sdelay $0x3  }
0x2cc: {  	v4 =	vor.u32 $0xC, v1;
	_ =	sdelay $0x1  }
0x2cd: {  	v2 =	vadd.f32 v3, v2;
	_ =	sdelay $0x1  }
0x2ce: {  	[tilespmem:s22+$0xC00] =	vst v2  }
0x2cf: {  	v2 =	vld.idx.msk [tilespmem:v4+s21+$0x0], $0xffff  }
0x2d0: {  	v3 =	vld.idx.msk [tilespmem:v4+s23+$0x0], $0xffff;
	_ =	sdelay $0x3  }
0x2d1: {  	v4 =	vor.u32 $0xD, v1;
	_ =	sdelay $0x1  }
0x2d2: {  	v2 =	vadd.f32 v3, v2;
	_ =	sdelay $0x1  }
0x2d3: {  	[tilespmem:s22+$0x1000] =	vst v2  }
0x2d4: {  	v2 =	vld.idx.msk [tilespmem:v4+s21+$0x0], $0xffff  }
0x2d5: {  	v3 =	vld.idx.msk [tilespmem:v4+s23+$0x0], $0xffff;
	_ =	sdelay $0x3  }
0x2d6: {  	v4 =	vor.u32 $0xE, v1;
	_ =	sdelay $0x1  }
.Ltmp3:
0x2d7: {  	v2 =	vadd.f32 v3, v2;
	(pc) =	sbr.rel @p0 .LBB2_8-.Ltmp3, $4  }
0x2d8: {  	_ = 	snop  }
0x2d9: {  	[tilespmem:s22+$0x1400] =	vst v2  }
0x2da: {  	v2 =	vld.idx.msk [tilespmem:v4+s21+$0x0], $0xffff  }
0x2db: {  	v3 =	vld.idx.msk [tilespmem:v4+s23+$0x0], $0xffff  }
0x2dc: {  	_ =	sdelay $0x1  }
0x2dd: {  	v1 =	vor.u32 $0xF, v1;
	_ =	sdelay $0x1  }
0x2de: {  	v2 =	vadd.f32 v3, v2;
	_ =	sdelay $0x1  }
0x2df: {  	[tilespmem:s28+$0x1800] =	vst v2  }
0x2e0: {  	v2 =	vld.idx.msk [tilespmem:v1+s21+$0x0], $0xffff  }
0x2e1: {  	v1 =	vld.idx.msk [tilespmem:v1+s23+$0x0], $0xffff;
	_ =	sdelay $0x4  }
0x2e2: {  	v1 =	vadd.f32 v1, v2;
	_ =	sdelay $0x1  }
0x2e3: {  	[tilespmem:s28+$0x1C00] =	vst v1  }
0x2e4: {  	[hbm4b:s8+s17] =	stream.strided.scatter [tilespmem:s30], [sflag:$0x2], $0x4000, s25, s17, $0x38;
	[tilespmem:$0x1D000] =	vst v63  }
0x2e5: {  	s22 =	simm.s32 $0x1400  }
0x2e6: {  	[tilespmem:s21], [sflag:$0x1] =	stream.indirect.gather [hbm4b:s3+s17], $0x10, s22, s17, $0xb8;
	[tilespmem:$0x1D000] =	vst v63  }
0x2e7: {  	s31 =	simm.s32 $0x3C00  }
0x2e8: {  	[tilespmem:s23], [sflag:$0x1] =	stream.indirect.gather [hbm4b:s3+s17], $0x10, s31, s17, $0xb8;
	[tilespmem:$0x1D000] =	vst v63  }
0x2e9: {  	_ =	swait.ge [sflag:s24], $0x4000  }
0x2ea: {  	s31 =	simm.s32 $0x0;
	[sflag:s24] =	ssyncset.done $0x0  }
0x2eb: {  	v1 =	vmov s31;
	[sflag:s24] =	ssyncadd.s32 $0xFFFFC000  }
0x2ec: {  	v1 =	vshll.u32 v1, $0x4;
	_ =	swait.ge [sflag:s24], $0x4000  }
0x2ed: {  	v1 =	vor.u32 v0, v1;
	[sflag:s24] =	ssyncset.done $0x0  }
0x2ee: {  	[sflag:s24] =	ssyncadd.s32 $0xFFFFC000  }
0x2ef: {  	_ =	swait.ge [sflag:s0], $0x4000  }
0x2f0: {  	[sflag:s0] =	ssyncset.done $0x0  }
0x2f1: {  	[sflag:s0] =	ssyncadd.s32 $0xFFFFC000  }
0x2f2: {  	v2 =	vld.idx.msk [tilespmem:v1+s18+$0x0], $0xffff  }
0x2f3: {  	v3 =	vld.idx.msk [tilespmem:v1+s20+$0x0], $0xffff;
	_ =	sdelay $0x2  }
0x2f4: {  	v4 =	vor.u32 $0x1, v1;
	_ =	sdelay $0x1  }
0x2f5: {  	v2 =	vadd.f32 v3, v2  }
0x2f6: {  	s22 =	simm.s32 $0x17000  }
0x2f7: {  	[tilespmem:s22+$0xFFFFE000] =	vst v2  }
0x2f8: {  	v2 =	vld.idx.msk [tilespmem:v4+s18+$0x0], $0xffff  }
0x2f9: {  	v3 =	vld.idx.msk [tilespmem:v4+s20+$0x0], $0xffff;
	_ =	sdelay $0x2  }
0x2fa: {  	v4 =	vor.u32 $0x2, v1;
	_ =	sdelay $0x1  }
0x2fb: {  	v2 =	vadd.f32 v3, v2;
	_ =	sdelay $0x1  }
0x2fc: {  	[tilespmem:s22+$0xFFFFE400] =	vst v2  }
0x2fd: {  	v2 =	vld.idx.msk [tilespmem:v4+s18+$0x0], $0xffff  }
0x2fe: {  	v3 =	vld.idx.msk [tilespmem:v4+s20+$0x0], $0xffff;
	_ =	sdelay $0x2  }
0x2ff: {  	v4 =	vor.u32 $0x3, v1;
	_ =	sdelay $0x1  }
0x300: {  	v2 =	vadd.f32 v3, v2;
	_ =	sdelay $0x1  }
0x301: {  	[tilespmem:s22+$0xFFFFE800] =	vst v2  }
0x302: {  	v2 =	vld.idx.msk [tilespmem:v4+s18+$0x0], $0xffff  }
0x303: {  	v3 =	vld.idx.msk [tilespmem:v4+s20+$0x0], $0xffff;
	_ =	sdelay $0x2  }
0x304: {  	v4 =	vor.u32 $0x4, v1;
	_ =	sdelay $0x1  }
0x305: {  	v2 =	vadd.f32 v3, v2;
	_ =	sdelay $0x1  }
0x306: {  	[tilespmem:s22+$0xFFFFEC00] =	vst v2  }
0x307: {  	v2 =	vld.idx.msk [tilespmem:v4+s18+$0x0], $0xffff  }
0x308: {  	v3 =	vld.idx.msk [tilespmem:v4+s20+$0x0], $0xffff;
	_ =	sdelay $0x2  }
0x309: {  	v4 =	vor.u32 $0x5, v1;
	_ =	sdelay $0x1  }
0x30a: {  	v2 =	vadd.f32 v3, v2;
	_ =	sdelay $0x1  }
0x30b: {  	[tilespmem:s22+$0xFFFFF000] =	vst v2  }
0x30c: {  	v2 =	vld.idx.msk [tilespmem:v4+s18+$0x0], $0xffff  }
0x30d: {  	v3 =	vld.idx.msk [tilespmem:v4+s20+$0x0], $0xffff;
	_ =	sdelay $0x2  }
0x30e: {  	v4 =	vor.u32 $0x6, v1;
	_ =	sdelay $0x1  }
0x30f: {  	v2 =	vadd.f32 v3, v2;
	_ =	sdelay $0x1  }
0x310: {  	[tilespmem:s22+$0xFFFFF400] =	vst v2  }
0x311: {  	v2 =	vld.idx.msk [tilespmem:v4+s18+$0x0], $0xffff  }
0x312: {  	v3 =	vld.idx.msk [tilespmem:v4+s20+$0x0], $0xffff;
	_ =	sdelay $0x2  }
0x313: {  	v4 =	vor.u32 $0x7, v1;
	_ =	sdelay $0x1  }
0x314: {  	v2 =	vadd.f32 v3, v2;
	_ =	sdelay $0x1  }
0x315: {  	[tilespmem:s22+$0xFFFFF800] =	vst v2  }
0x316: {  	v2 =	vld.idx.msk [tilespmem:v4+s18+$0x0], $0xffff  }
0x317: {  	v3 =	vld.idx.msk [tilespmem:v4+s20+$0x0], $0xffff;
	_ =	sdelay $0x2  }
0x318: {  	v4 =	vor.u32 $0x8, v1;
	_ =	sdelay $0x1  }
0x319: {  	v2 =	vadd.f32 v3, v2;
	_ =	sdelay $0x1  }
0x31a: {  	[tilespmem:s22+$0xFFFFFC00] =	vst v2  }
0x31b: {  	v2 =	vld.idx.msk [tilespmem:v4+s18+$0x0], $0xffff  }
0x31c: {  	v3 =	vld.idx.msk [tilespmem:v4+s20+$0x0], $0xffff;
	_ =	sdelay $0x2  }
0x31d: {  	v4 =	vor.u32 $0x9, v1;
	_ =	sdelay $0x1  }
0x31e: {  	v2 =	vadd.f32 v3, v2;
	_ =	sdelay $0x1  }
0x31f: {  	[tilespmem:s22+$0x0] =	vst v2  }
0x320: {  	v2 =	vld.idx.msk [tilespmem:v4+s18+$0x0], $0xffff  }
0x321: {  	v3 =	vld.idx.msk [tilespmem:v4+s20+$0x0], $0xffff;
	_ =	sdelay $0x2  }
0x322: {  	v4 =	vor.u32 $0xA, v1;
	_ =	sdelay $0x1  }
0x323: {  	v2 =	vadd.f32 v3, v2;
	_ =	sdelay $0x1  }
0x324: {  	[tilespmem:s22+$0x400] =	vst v2  }
0x325: {  	v2 =	vld.idx.msk [tilespmem:v4+s18+$0x0], $0xffff  }
0x326: {  	v3 =	vld.idx.msk [tilespmem:v4+s20+$0x0], $0xffff;
	_ =	sdelay $0x2  }
0x327: {  	v4 =	vor.u32 $0xB, v1;
	_ =	sdelay $0x1  }
0x328: {  	v2 =	vadd.f32 v3, v2;
	_ =	sdelay $0x1  }
0x329: {  	[tilespmem:s22+$0x800] =	vst v2  }
0x32a: {  	v2 =	vld.idx.msk [tilespmem:v4+s18+$0x0], $0xffff  }
0x32b: {  	v3 =	vld.idx.msk [tilespmem:v4+s20+$0x0], $0xffff;
	_ =	sdelay $0x2  }
0x32c: {  	v4 =	vor.u32 $0xC, v1;
	_ =	sdelay $0x1  }
0x32d: {  	v2 =	vadd.f32 v3, v2;
	_ =	sdelay $0x1  }
0x32e: {  	[tilespmem:s22+$0xC00] =	vst v2  }
0x32f: {  	v2 =	vld.idx.msk [tilespmem:v4+s18+$0x0], $0xffff  }
0x330: {  	v3 =	vld.idx.msk [tilespmem:v4+s20+$0x0], $0xffff;
	_ =	sdelay $0x2  }
0x331: {  	v4 =	vor.u32 $0xD, v1;
	_ =	sdelay $0x1  }
0x332: {  	v2 =	vadd.f32 v3, v2;
	_ =	sdelay $0x1  }
0x333: {  	[tilespmem:s22+$0x1000] =	vst v2  }
0x334: {  	v2 =	vld.idx.msk [tilespmem:v4+s18+$0x0], $0xffff  }
0x335: {  	v3 =	vld.idx.msk [tilespmem:v4+s20+$0x0], $0xffff;
	_ =	sdelay $0x2  }
0x336: {  	v4 =	vor.u32 $0xE, v1;
	_ =	sdelay $0x1  }
0x337: {  	v2 =	vadd.f32 v3, v2;
	_ =	sdelay $0x1  }
0x338: {  	[tilespmem:s22+$0x1400] =	vst v2  }
0x339: {  	v2 =	vld.idx.msk [tilespmem:v4+s18+$0x0], $0xffff  }
0x33a: {  	s29 =	simm.s32 $0x10;
	s28 =	simm.s32 $0x17000;
	v3 =	vld.idx.msk [tilespmem:v4+s20+$0x0], $0xffff  }
.LBB2_10:
0x33b: {  	p0 =	sne.s32 s29, $0x3F0  }
0x33c: {  	s22 =	sadd.s32 $0x10, s22;
	s31 =	smov.u32 s29;
	s29 =	sadd.s32 $0x10, s29  }
0x33d: {  	_ = 	snop  }
0x33e: {  	v1 =	vor.u32 $0xF, v1;
	_ =	sdelay $0x1  }
0x33f: {  	v2 =	vadd.f32 v3, v2;
	_ =	sdelay $0x1  }
0x340: {  	[tilespmem:s28+$0x1800] =	vst v2  }
0x341: {  	v2 =	vld.idx.msk [tilespmem:v1+s18+$0x0], $0xffff  }
0x342: {  	v3 =	vld.idx.msk [tilespmem:v1+s20+$0x0], $0xffff;
	_ =	sdelay $0x1  }
0x343: {  	v1 =	vmov s31  }
0x344: {  	v1 =	vshll.u32 v1, $0x4  }
0x345: {  	v1 =	vor.u32 v0, v1;
	_ =	sdelay $0x1  }
0x346: {  	v2 =	vadd.f32 v3, v2;
	_ =	sdelay $0x1  }
0x347: {  	[tilespmem:s28+$0x1C00] =	vst v2;
	s28 =	smov.u32 s22  }
0x348: {  	v2 =	vld.idx.msk [tilespmem:v1+s18+$0x0], $0xffff  }
0x349: {  	v3 =	vld.idx.msk [tilespmem:v1+s20+$0x0], $0xffff;
	_ =	sdelay $0x3  }
0x34a: {  	v4 =	vor.u32 $0x1, v1;
	_ =	sdelay $0x1  }
0x34b: {  	v2 =	vadd.f32 v3, v2;
	_ =	sdelay $0x1  }
0x34c: {  	[tilespmem:s22+$0xFFFFE000] =	vst v2  }
0x34d: {  	v2 =	vld.idx.msk [tilespmem:v4+s18+$0x0], $0xffff  }
0x34e: {  	v3 =	vld.idx.msk [tilespmem:v4+s20+$0x0], $0xffff;
	_ =	sdelay $0x3  }
0x34f: {  	v4 =	vor.u32 $0x2, v1;
	_ =	sdelay $0x1  }
0x350: {  	v2 =	vadd.f32 v3, v2;
	_ =	sdelay $0x1  }
0x351: {  	[tilespmem:s22+$0xFFFFE400] =	vst v2  }
0x352: {  	v2 =	vld.idx.msk [tilespmem:v4+s18+$0x0], $0xffff  }
0x353: {  	v3 =	vld.idx.msk [tilespmem:v4+s20+$0x0], $0xffff;
	_ =	sdelay $0x3  }
0x354: {  	v4 =	vor.u32 $0x3, v1;
	_ =	sdelay $0x1  }
0x355: {  	v2 =	vadd.f32 v3, v2;
	_ =	sdelay $0x1  }
0x356: {  	[tilespmem:s22+$0xFFFFE800] =	vst v2  }
0x357: {  	v2 =	vld.idx.msk [tilespmem:v4+s18+$0x0], $0xffff  }
0x358: {  	v3 =	vld.idx.msk [tilespmem:v4+s20+$0x0], $0xffff;
	_ =	sdelay $0x3  }
0x359: {  	v4 =	vor.u32 $0x4, v1;
	_ =	sdelay $0x1  }
0x35a: {  	v2 =	vadd.f32 v3, v2;
	_ =	sdelay $0x1  }
0x35b: {  	[tilespmem:s22+$0xFFFFEC00] =	vst v2  }
0x35c: {  	v2 =	vld.idx.msk [tilespmem:v4+s18+$0x0], $0xffff  }
0x35d: {  	v3 =	vld.idx.msk [tilespmem:v4+s20+$0x0], $0xffff;
	_ =	sdelay $0x3  }
0x35e: {  	v4 =	vor.u32 $0x5, v1;
	_ =	sdelay $0x1  }
0x35f: {  	v2 =	vadd.f32 v3, v2;
	_ =	sdelay $0x1  }
0x360: {  	[tilespmem:s22+$0xFFFFF000] =	vst v2  }
0x361: {  	v2 =	vld.idx.msk [tilespmem:v4+s18+$0x0], $0xffff  }
0x362: {  	v3 =	vld.idx.msk [tilespmem:v4+s20+$0x0], $0xffff;
	_ =	sdelay $0x3  }
0x363: {  	v4 =	vor.u32 $0x6, v1;
	_ =	sdelay $0x1  }
0x364: {  	v2 =	vadd.f32 v3, v2;
	_ =	sdelay $0x1  }
0x365: {  	[tilespmem:s22+$0xFFFFF400] =	vst v2  }
0x366: {  	v2 =	vld.idx.msk [tilespmem:v4+s18+$0x0], $0xffff  }
0x367: {  	v3 =	vld.idx.msk [tilespmem:v4+s20+$0x0], $0xffff;
	_ =	sdelay $0x3  }
0x368: {  	v4 =	vor.u32 $0x7, v1;
	_ =	sdelay $0x1  }
0x369: {  	v2 =	vadd.f32 v3, v2;
	_ =	sdelay $0x1  }
0x36a: {  	[tilespmem:s22+$0xFFFFF800] =	vst v2  }
0x36b: {  	v2 =	vld.idx.msk [tilespmem:v4+s18+$0x0], $0xffff  }
0x36c: {  	v3 =	vld.idx.msk [tilespmem:v4+s20+$0x0], $0xffff;
	_ =	sdelay $0x3  }
0x36d: {  	v4 =	vor.u32 $0x8, v1;
	_ =	sdelay $0x1  }
0x36e: {  	v2 =	vadd.f32 v3, v2;
	_ =	sdelay $0x1  }
0x36f: {  	[tilespmem:s22+$0xFFFFFC00] =	vst v2  }
0x370: {  	v2 =	vld.idx.msk [tilespmem:v4+s18+$0x0], $0xffff  }
0x371: {  	v3 =	vld.idx.msk [tilespmem:v4+s20+$0x0], $0xffff;
	_ =	sdelay $0x3  }
0x372: {  	v4 =	vor.u32 $0x9, v1;
	_ =	sdelay $0x1  }
0x373: {  	v2 =	vadd.f32 v3, v2;
	_ =	sdelay $0x1  }
0x374: {  	[tilespmem:s22+$0x0] =	vst v2  }
0x375: {  	v2 =	vld.idx.msk [tilespmem:v4+s18+$0x0], $0xffff  }
0x376: {  	v3 =	vld.idx.msk [tilespmem:v4+s20+$0x0], $0xffff;
	_ =	sdelay $0x3  }
0x377: {  	v4 =	vor.u32 $0xA, v1;
	_ =	sdelay $0x1  }
0x378: {  	v2 =	vadd.f32 v3, v2;
	_ =	sdelay $0x1  }
0x379: {  	[tilespmem:s22+$0x400] =	vst v2  }
0x37a: {  	v2 =	vld.idx.msk [tilespmem:v4+s18+$0x0], $0xffff  }
0x37b: {  	v3 =	vld.idx.msk [tilespmem:v4+s20+$0x0], $0xffff;
	_ =	sdelay $0x3  }
0x37c: {  	v4 =	vor.u32 $0xB, v1;
	_ =	sdelay $0x1  }
0x37d: {  	v2 =	vadd.f32 v3, v2;
	_ =	sdelay $0x1  }
0x37e: {  	[tilespmem:s22+$0x800] =	vst v2  }
0x37f: {  	v2 =	vld.idx.msk [tilespmem:v4+s18+$0x0], $0xffff  }
0x380: {  	v3 =	vld.idx.msk [tilespmem:v4+s20+$0x0], $0xffff;
	_ =	sdelay $0x3  }
0x381: {  	v4 =	vor.u32 $0xC, v1;
	_ =	sdelay $0x1  }
0x382: {  	v2 =	vadd.f32 v3, v2;
	_ =	sdelay $0x1  }
0x383: {  	[tilespmem:s22+$0xC00] =	vst v2  }
0x384: {  	v2 =	vld.idx.msk [tilespmem:v4+s18+$0x0], $0xffff  }
0x385: {  	v3 =	vld.idx.msk [tilespmem:v4+s20+$0x0], $0xffff;
	_ =	sdelay $0x3  }
0x386: {  	v4 =	vor.u32 $0xD, v1;
	_ =	sdelay $0x1  }
0x387: {  	v2 =	vadd.f32 v3, v2;
	_ =	sdelay $0x1  }
0x388: {  	[tilespmem:s22+$0x1000] =	vst v2  }
0x389: {  	v2 =	vld.idx.msk [tilespmem:v4+s18+$0x0], $0xffff  }
0x38a: {  	v3 =	vld.idx.msk [tilespmem:v4+s20+$0x0], $0xffff;
	_ =	sdelay $0x3  }
0x38b: {  	v4 =	vor.u32 $0xE, v1;
	_ =	sdelay $0x1  }
.Ltmp4:
0x38c: {  	v2 =	vadd.f32 v3, v2;
	(pc) =	sbr.rel @p0 .LBB2_10-.Ltmp4, $4  }
0x38d: {  	_ = 	snop  }
0x38e: {  	[tilespmem:s22+$0x1400] =	vst v2  }
0x38f: {  	v2 =	vld.idx.msk [tilespmem:v4+s18+$0x0], $0xffff  }
0x390: {  	v3 =	vld.idx.msk [tilespmem:v4+s20+$0x0], $0xffff  }
0x391: {  	_ =	sdelay $0x1  }
0x392: {  	v1 =	vor.u32 $0xF, v1;
	_ =	sdelay $0x1  }
0x393: {  	v2 =	vadd.f32 v3, v2;
	_ =	sdelay $0x1  }
0x394: {  	[tilespmem:s28+$0x1800] =	vst v2  }
0x395: {  	v2 =	vld.idx.msk [tilespmem:v1+s18+$0x0], $0xffff  }
0x396: {  	v1 =	vld.idx.msk [tilespmem:v1+s20+$0x0], $0xffff;
	_ =	sdelay $0x4  }
0x397: {  	v1 =	vadd.f32 v1, v2;
	_ =	sdelay $0x1  }
0x398: {  	[tilespmem:s28+$0x1C00] =	vst v1  }
0x399: {  	[hbm4b:s9+s17] =	stream.strided.scatter [tilespmem:s26], [sflag:$0x2], $0x4000, s25, s17, $0x38;
	[tilespmem:$0x1D000] =	vst v63  }
0x39a: {  	s22 =	simm.s32 $0x1800  }
0x39b: {  	[tilespmem:s18], [sflag:$0x1] =	stream.indirect.gather [hbm4b:s3+s17], $0x10, s22, s17, $0xb8;
	[tilespmem:$0x1D000] =	vst v63  }
0x39c: {  	s31 =	simm.s32 $0x4000  }
0x39d: {  	[tilespmem:s20], [sflag:$0x1] =	stream.indirect.gather [hbm4b:s3+s17], $0x10, s31, s17, $0xb8;
	[tilespmem:$0x1D000] =	vst v63  }
0x39e: {  	_ =	swait.ge [sflag:s24], $0x4000  }
0x39f: {  	s31 =	simm.s32 $0x0;
	[sflag:s24] =	ssyncset.done $0x0  }
0x3a0: {  	v1 =	vmov s31;
	[sflag:s24] =	ssyncadd.s32 $0xFFFFC000  }
0x3a1: {  	v1 =	vshll.u32 v1, $0x4;
	_ =	swait.ge [sflag:s24], $0x4000  }
0x3a2: {  	v1 =	vor.u32 v0, v1;
	[sflag:s24] =	ssyncset.done $0x0  }
0x3a3: {  	[sflag:s24] =	ssyncadd.s32 $0xFFFFC000  }
0x3a4: {  	_ =	swait.ge [sflag:s0], $0x4000  }
0x3a5: {  	[sflag:s0] =	ssyncset.done $0x0  }
0x3a6: {  	[sflag:s0] =	ssyncadd.s32 $0xFFFFC000  }
0x3a7: {  	v2 =	vld.idx.msk [tilespmem:v1+s21+$0x0], $0xffff  }
0x3a8: {  	v3 =	vld.idx.msk [tilespmem:v1+s23+$0x0], $0xffff;
	_ =	sdelay $0x2  }
0x3a9: {  	v4 =	vor.u32 $0x1, v1;
	_ =	sdelay $0x1  }
0x3aa: {  	v2 =	vadd.f32 v3, v2  }
0x3ab: {  	s22 =	simm.s32 $0x1B000  }
0x3ac: {  	[tilespmem:s22+$0xFFFFE000] =	vst v2  }
0x3ad: {  	v2 =	vld.idx.msk [tilespmem:v4+s21+$0x0], $0xffff  }
0x3ae: {  	v3 =	vld.idx.msk [tilespmem:v4+s23+$0x0], $0xffff;
	_ =	sdelay $0x2  }
0x3af: {  	v4 =	vor.u32 $0x2, v1;
	_ =	sdelay $0x1  }
0x3b0: {  	v2 =	vadd.f32 v3, v2;
	_ =	sdelay $0x1  }
0x3b1: {  	[tilespmem:s22+$0xFFFFE400] =	vst v2  }
0x3b2: {  	v2 =	vld.idx.msk [tilespmem:v4+s21+$0x0], $0xffff  }
0x3b3: {  	v3 =	vld.idx.msk [tilespmem:v4+s23+$0x0], $0xffff;
	_ =	sdelay $0x2  }
0x3b4: {  	v4 =	vor.u32 $0x3, v1;
	_ =	sdelay $0x1  }
0x3b5: {  	v2 =	vadd.f32 v3, v2;
	_ =	sdelay $0x1  }
0x3b6: {  	[tilespmem:s22+$0xFFFFE800] =	vst v2  }
0x3b7: {  	v2 =	vld.idx.msk [tilespmem:v4+s21+$0x0], $0xffff  }
0x3b8: {  	v3 =	vld.idx.msk [tilespmem:v4+s23+$0x0], $0xffff;
	_ =	sdelay $0x2  }
0x3b9: {  	v4 =	vor.u32 $0x4, v1;
	_ =	sdelay $0x1  }
0x3ba: {  	v2 =	vadd.f32 v3, v2;
	_ =	sdelay $0x1  }
0x3bb: {  	[tilespmem:s22+$0xFFFFEC00] =	vst v2  }
0x3bc: {  	v2 =	vld.idx.msk [tilespmem:v4+s21+$0x0], $0xffff  }
0x3bd: {  	v3 =	vld.idx.msk [tilespmem:v4+s23+$0x0], $0xffff;
	_ =	sdelay $0x2  }
0x3be: {  	v4 =	vor.u32 $0x5, v1;
	_ =	sdelay $0x1  }
0x3bf: {  	v2 =	vadd.f32 v3, v2;
	_ =	sdelay $0x1  }
0x3c0: {  	[tilespmem:s22+$0xFFFFF000] =	vst v2  }
0x3c1: {  	v2 =	vld.idx.msk [tilespmem:v4+s21+$0x0], $0xffff  }
0x3c2: {  	v3 =	vld.idx.msk [tilespmem:v4+s23+$0x0], $0xffff;
	_ =	sdelay $0x2  }
0x3c3: {  	v4 =	vor.u32 $0x6, v1;
	_ =	sdelay $0x1  }
0x3c4: {  	v2 =	vadd.f32 v3, v2;
	_ =	sdelay $0x1  }
0x3c5: {  	[tilespmem:s22+$0xFFFFF400] =	vst v2  }
0x3c6: {  	v2 =	vld.idx.msk [tilespmem:v4+s21+$0x0], $0xffff  }
0x3c7: {  	v3 =	vld.idx.msk [tilespmem:v4+s23+$0x0], $0xffff;
	_ =	sdelay $0x2  }
0x3c8: {  	v4 =	vor.u32 $0x7, v1;
	_ =	sdelay $0x1  }
0x3c9: {  	v2 =	vadd.f32 v3, v2;
	_ =	sdelay $0x1  }
0x3ca: {  	[tilespmem:s22+$0xFFFFF800] =	vst v2  }
0x3cb: {  	v2 =	vld.idx.msk [tilespmem:v4+s21+$0x0], $0xffff  }
0x3cc: {  	v3 =	vld.idx.msk [tilespmem:v4+s23+$0x0], $0xffff;
	_ =	sdelay $0x2  }
0x3cd: {  	v4 =	vor.u32 $0x8, v1;
	_ =	sdelay $0x1  }
0x3ce: {  	v2 =	vadd.f32 v3, v2;
	_ =	sdelay $0x1  }
0x3cf: {  	[tilespmem:s22+$0xFFFFFC00] =	vst v2  }
0x3d0: {  	v2 =	vld.idx.msk [tilespmem:v4+s21+$0x0], $0xffff  }
0x3d1: {  	v3 =	vld.idx.msk [tilespmem:v4+s23+$0x0], $0xffff;
	_ =	sdelay $0x2  }
0x3d2: {  	v4 =	vor.u32 $0x9, v1;
	_ =	sdelay $0x1  }
0x3d3: {  	v2 =	vadd.f32 v3, v2;
	_ =	sdelay $0x1  }
0x3d4: {  	[tilespmem:s22+$0x0] =	vst v2  }
0x3d5: {  	v2 =	vld.idx.msk [tilespmem:v4+s21+$0x0], $0xffff  }
0x3d6: {  	v3 =	vld.idx.msk [tilespmem:v4+s23+$0x0], $0xffff;
	_ =	sdelay $0x2  }
0x3d7: {  	v4 =	vor.u32 $0xA, v1;
	_ =	sdelay $0x1  }
0x3d8: {  	v2 =	vadd.f32 v3, v2;
	_ =	sdelay $0x1  }
0x3d9: {  	[tilespmem:s22+$0x400] =	vst v2  }
0x3da: {  	v2 =	vld.idx.msk [tilespmem:v4+s21+$0x0], $0xffff  }
0x3db: {  	v3 =	vld.idx.msk [tilespmem:v4+s23+$0x0], $0xffff;
	_ =	sdelay $0x2  }
0x3dc: {  	v4 =	vor.u32 $0xB, v1;
	_ =	sdelay $0x1  }
0x3dd: {  	v2 =	vadd.f32 v3, v2;
	_ =	sdelay $0x1  }
0x3de: {  	[tilespmem:s22+$0x800] =	vst v2  }
0x3df: {  	v2 =	vld.idx.msk [tilespmem:v4+s21+$0x0], $0xffff  }
0x3e0: {  	v3 =	vld.idx.msk [tilespmem:v4+s23+$0x0], $0xffff;
	_ =	sdelay $0x2  }
0x3e1: {  	v4 =	vor.u32 $0xC, v1;
	_ =	sdelay $0x1  }
0x3e2: {  	v2 =	vadd.f32 v3, v2;
	_ =	sdelay $0x1  }
0x3e3: {  	[tilespmem:s22+$0xC00] =	vst v2  }
0x3e4: {  	v2 =	vld.idx.msk [tilespmem:v4+s21+$0x0], $0xffff  }
0x3e5: {  	v3 =	vld.idx.msk [tilespmem:v4+s23+$0x0], $0xffff;
	_ =	sdelay $0x2  }
0x3e6: {  	v4 =	vor.u32 $0xD, v1;
	_ =	sdelay $0x1  }
0x3e7: {  	v2 =	vadd.f32 v3, v2;
	_ =	sdelay $0x1  }
0x3e8: {  	[tilespmem:s22+$0x1000] =	vst v2  }
0x3e9: {  	v2 =	vld.idx.msk [tilespmem:v4+s21+$0x0], $0xffff  }
0x3ea: {  	v3 =	vld.idx.msk [tilespmem:v4+s23+$0x0], $0xffff;
	_ =	sdelay $0x2  }
0x3eb: {  	v4 =	vor.u32 $0xE, v1;
	_ =	sdelay $0x1  }
0x3ec: {  	v2 =	vadd.f32 v3, v2;
	_ =	sdelay $0x1  }
0x3ed: {  	[tilespmem:s22+$0x1400] =	vst v2  }
0x3ee: {  	v2 =	vld.idx.msk [tilespmem:v4+s21+$0x0], $0xffff  }
0x3ef: {  	s29 =	simm.s32 $0x10;
	s28 =	simm.s32 $0x1B000;
	v3 =	vld.idx.msk [tilespmem:v4+s23+$0x0], $0xffff  }
.LBB2_12:
0x3f0: {  	p0 =	sne.s32 s29, $0x3F0  }
0x3f1: {  	s22 =	sadd.s32 $0x10, s22;
	s31 =	smov.u32 s29;
	s29 =	sadd.s32 $0x10, s29  }
0x3f2: {  	_ = 	snop  }
0x3f3: {  	v1 =	vor.u32 $0xF, v1;
	_ =	sdelay $0x1  }
0x3f4: {  	v2 =	vadd.f32 v3, v2;
	_ =	sdelay $0x1  }
0x3f5: {  	[tilespmem:s28+$0x1800] =	vst v2  }
0x3f6: {  	v2 =	vld.idx.msk [tilespmem:v1+s21+$0x0], $0xffff  }
0x3f7: {  	v3 =	vld.idx.msk [tilespmem:v1+s23+$0x0], $0xffff;
	_ =	sdelay $0x1  }
0x3f8: {  	v1 =	vmov s31  }
0x3f9: {  	v1 =	vshll.u32 v1, $0x4  }
0x3fa: {  	v1 =	vor.u32 v0, v1;
	_ =	sdelay $0x1  }
0x3fb: {  	v2 =	vadd.f32 v3, v2;
	_ =	sdelay $0x1  }
0x3fc: {  	[tilespmem:s28+$0x1C00] =	vst v2;
	s28 =	smov.u32 s22  }
0x3fd: {  	v2 =	vld.idx.msk [tilespmem:v1+s21+$0x0], $0xffff  }
0x3fe: {  	v3 =	vld.idx.msk [tilespmem:v1+s23+$0x0], $0xffff;
	_ =	sdelay $0x3  }
0x3ff: {  	v4 =	vor.u32 $0x1, v1;
	_ =	sdelay $0x1  }
0x400: {  	v2 =	vadd.f32 v3, v2;
	_ =	sdelay $0x1  }
0x401: {  	[tilespmem:s22+$0xFFFFE000] =	vst v2  }
0x402: {  	v2 =	vld.idx.msk [tilespmem:v4+s21+$0x0], $0xffff  }
0x403: {  	v3 =	vld.idx.msk [tilespmem:v4+s23+$0x0], $0xffff;
	_ =	sdelay $0x3  }
0x404: {  	v4 =	vor.u32 $0x2, v1;
	_ =	sdelay $0x1  }
0x405: {  	v2 =	vadd.f32 v3, v2;
	_ =	sdelay $0x1  }
0x406: {  	[tilespmem:s22+$0xFFFFE400] =	vst v2  }
0x407: {  	v2 =	vld.idx.msk [tilespmem:v4+s21+$0x0], $0xffff  }
0x408: {  	v3 =	vld.idx.msk [tilespmem:v4+s23+$0x0], $0xffff;
	_ =	sdelay $0x3  }
0x409: {  	v4 =	vor.u32 $0x3, v1;
	_ =	sdelay $0x1  }
0x40a: {  	v2 =	vadd.f32 v3, v2;
	_ =	sdelay $0x1  }
0x40b: {  	[tilespmem:s22+$0xFFFFE800] =	vst v2  }
0x40c: {  	v2 =	vld.idx.msk [tilespmem:v4+s21+$0x0], $0xffff  }
0x40d: {  	v3 =	vld.idx.msk [tilespmem:v4+s23+$0x0], $0xffff;
	_ =	sdelay $0x3  }
0x40e: {  	v4 =	vor.u32 $0x4, v1;
	_ =	sdelay $0x1  }
0x40f: {  	v2 =	vadd.f32 v3, v2;
	_ =	sdelay $0x1  }
0x410: {  	[tilespmem:s22+$0xFFFFEC00] =	vst v2  }
0x411: {  	v2 =	vld.idx.msk [tilespmem:v4+s21+$0x0], $0xffff  }
0x412: {  	v3 =	vld.idx.msk [tilespmem:v4+s23+$0x0], $0xffff;
	_ =	sdelay $0x3  }
0x413: {  	v4 =	vor.u32 $0x5, v1;
	_ =	sdelay $0x1  }
0x414: {  	v2 =	vadd.f32 v3, v2;
	_ =	sdelay $0x1  }
0x415: {  	[tilespmem:s22+$0xFFFFF000] =	vst v2  }
0x416: {  	v2 =	vld.idx.msk [tilespmem:v4+s21+$0x0], $0xffff  }
0x417: {  	v3 =	vld.idx.msk [tilespmem:v4+s23+$0x0], $0xffff;
	_ =	sdelay $0x3  }
0x418: {  	v4 =	vor.u32 $0x6, v1;
	_ =	sdelay $0x1  }
0x419: {  	v2 =	vadd.f32 v3, v2;
	_ =	sdelay $0x1  }
0x41a: {  	[tilespmem:s22+$0xFFFFF400] =	vst v2  }
0x41b: {  	v2 =	vld.idx.msk [tilespmem:v4+s21+$0x0], $0xffff  }
0x41c: {  	v3 =	vld.idx.msk [tilespmem:v4+s23+$0x0], $0xffff;
	_ =	sdelay $0x3  }
0x41d: {  	v4 =	vor.u32 $0x7, v1;
	_ =	sdelay $0x1  }
0x41e: {  	v2 =	vadd.f32 v3, v2;
	_ =	sdelay $0x1  }
0x41f: {  	[tilespmem:s22+$0xFFFFF800] =	vst v2  }
0x420: {  	v2 =	vld.idx.msk [tilespmem:v4+s21+$0x0], $0xffff  }
0x421: {  	v3 =	vld.idx.msk [tilespmem:v4+s23+$0x0], $0xffff;
	_ =	sdelay $0x3  }
0x422: {  	v4 =	vor.u32 $0x8, v1;
	_ =	sdelay $0x1  }
0x423: {  	v2 =	vadd.f32 v3, v2;
	_ =	sdelay $0x1  }
0x424: {  	[tilespmem:s22+$0xFFFFFC00] =	vst v2  }
0x425: {  	v2 =	vld.idx.msk [tilespmem:v4+s21+$0x0], $0xffff  }
0x426: {  	v3 =	vld.idx.msk [tilespmem:v4+s23+$0x0], $0xffff;
	_ =	sdelay $0x3  }
0x427: {  	v4 =	vor.u32 $0x9, v1;
	_ =	sdelay $0x1  }
0x428: {  	v2 =	vadd.f32 v3, v2;
	_ =	sdelay $0x1  }
0x429: {  	[tilespmem:s22+$0x0] =	vst v2  }
0x42a: {  	v2 =	vld.idx.msk [tilespmem:v4+s21+$0x0], $0xffff  }
0x42b: {  	v3 =	vld.idx.msk [tilespmem:v4+s23+$0x0], $0xffff;
	_ =	sdelay $0x3  }
0x42c: {  	v4 =	vor.u32 $0xA, v1;
	_ =	sdelay $0x1  }
0x42d: {  	v2 =	vadd.f32 v3, v2;
	_ =	sdelay $0x1  }
0x42e: {  	[tilespmem:s22+$0x400] =	vst v2  }
0x42f: {  	v2 =	vld.idx.msk [tilespmem:v4+s21+$0x0], $0xffff  }
0x430: {  	v3 =	vld.idx.msk [tilespmem:v4+s23+$0x0], $0xffff;
	_ =	sdelay $0x3  }
0x431: {  	v4 =	vor.u32 $0xB, v1;
	_ =	sdelay $0x1  }
0x432: {  	v2 =	vadd.f32 v3, v2;
	_ =	sdelay $0x1  }
0x433: {  	[tilespmem:s22+$0x800] =	vst v2  }
0x434: {  	v2 =	vld.idx.msk [tilespmem:v4+s21+$0x0], $0xffff  }
0x435: {  	v3 =	vld.idx.msk [tilespmem:v4+s23+$0x0], $0xffff;
	_ =	sdelay $0x3  }
0x436: {  	v4 =	vor.u32 $0xC, v1;
	_ =	sdelay $0x1  }
0x437: {  	v2 =	vadd.f32 v3, v2;
	_ =	sdelay $0x1  }
0x438: {  	[tilespmem:s22+$0xC00] =	vst v2  }
0x439: {  	v2 =	vld.idx.msk [tilespmem:v4+s21+$0x0], $0xffff  }
0x43a: {  	v3 =	vld.idx.msk [tilespmem:v4+s23+$0x0], $0xffff;
	_ =	sdelay $0x3  }
0x43b: {  	v4 =	vor.u32 $0xD, v1;
	_ =	sdelay $0x1  }
0x43c: {  	v2 =	vadd.f32 v3, v2;
	_ =	sdelay $0x1  }
0x43d: {  	[tilespmem:s22+$0x1000] =	vst v2  }
0x43e: {  	v2 =	vld.idx.msk [tilespmem:v4+s21+$0x0], $0xffff  }
0x43f: {  	v3 =	vld.idx.msk [tilespmem:v4+s23+$0x0], $0xffff;
	_ =	sdelay $0x3  }
0x440: {  	v4 =	vor.u32 $0xE, v1;
	_ =	sdelay $0x1  }
.Ltmp5:
0x441: {  	v2 =	vadd.f32 v3, v2;
	(pc) =	sbr.rel @p0 .LBB2_12-.Ltmp5, $4  }
0x442: {  	_ = 	snop  }
0x443: {  	[tilespmem:s22+$0x1400] =	vst v2  }
0x444: {  	v2 =	vld.idx.msk [tilespmem:v4+s21+$0x0], $0xffff  }
0x445: {  	v3 =	vld.idx.msk [tilespmem:v4+s23+$0x0], $0xffff  }
0x446: {  	_ =	sdelay $0x1  }
0x447: {  	v1 =	vor.u32 $0xF, v1;
	_ =	sdelay $0x1  }
0x448: {  	v2 =	vadd.f32 v3, v2;
	_ =	sdelay $0x1  }
0x449: {  	[tilespmem:s28+$0x1800] =	vst v2  }
0x44a: {  	v2 =	vld.idx.msk [tilespmem:v1+s21+$0x0], $0xffff  }
0x44b: {  	v1 =	vld.idx.msk [tilespmem:v1+s23+$0x0], $0xffff;
	_ =	sdelay $0x4  }
0x44c: {  	v1 =	vadd.f32 v1, v2;
	_ =	sdelay $0x1  }
0x44d: {  	[tilespmem:s28+$0x1C00] =	vst v1  }
0x44e: {  	[hbm4b:s10+s17] =	stream.strided.scatter [tilespmem:s30], [sflag:$0x2], $0x4000, s25, s17, $0x38;
	[tilespmem:$0x1D000] =	vst v63  }
0x44f: {  	s22 =	simm.s32 $0x1C00  }
0x450: {  	[tilespmem:s21], [sflag:$0x1] =	stream.indirect.gather [hbm4b:s3+s17], $0x10, s22, s17, $0xb8;
	[tilespmem:$0x1D000] =	vst v63  }
0x451: {  	s31 =	simm.s32 $0x4400  }
0x452: {  	[tilespmem:s23], [sflag:$0x1] =	stream.indirect.gather [hbm4b:s3+s17], $0x10, s31, s17, $0xb8;
	[tilespmem:$0x1D000] =	vst v63  }
0x453: {  	_ =	swait.ge [sflag:s24], $0x4000  }
0x454: {  	s31 =	simm.s32 $0x0;
	[sflag:s24] =	ssyncset.done $0x0  }
0x455: {  	v1 =	vmov s31;
	[sflag:s24] =	ssyncadd.s32 $0xFFFFC000  }
0x456: {  	v1 =	vshll.u32 v1, $0x4;
	_ =	swait.ge [sflag:s24], $0x4000  }
0x457: {  	v1 =	vor.u32 v0, v1;
	[sflag:s24] =	ssyncset.done $0x0  }
0x458: {  	[sflag:s24] =	ssyncadd.s32 $0xFFFFC000  }
0x459: {  	_ =	swait.ge [sflag:s0], $0x4000  }
0x45a: {  	[sflag:s0] =	ssyncset.done $0x0  }
0x45b: {  	[sflag:s0] =	ssyncadd.s32 $0xFFFFC000  }
0x45c: {  	v2 =	vld.idx.msk [tilespmem:v1+s18+$0x0], $0xffff  }
0x45d: {  	v3 =	vld.idx.msk [tilespmem:v1+s20+$0x0], $0xffff;
	_ =	sdelay $0x2  }
0x45e: {  	v4 =	vor.u32 $0x1, v1;
	_ =	sdelay $0x1  }
0x45f: {  	v2 =	vadd.f32 v3, v2  }
0x460: {  	s22 =	simm.s32 $0x17000  }
0x461: {  	[tilespmem:s22+$0xFFFFE000] =	vst v2  }
0x462: {  	v2 =	vld.idx.msk [tilespmem:v4+s18+$0x0], $0xffff  }
0x463: {  	v3 =	vld.idx.msk [tilespmem:v4+s20+$0x0], $0xffff;
	_ =	sdelay $0x2  }
0x464: {  	v4 =	vor.u32 $0x2, v1;
	_ =	sdelay $0x1  }
0x465: {  	v2 =	vadd.f32 v3, v2;
	_ =	sdelay $0x1  }
0x466: {  	[tilespmem:s22+$0xFFFFE400] =	vst v2  }
0x467: {  	v2 =	vld.idx.msk [tilespmem:v4+s18+$0x0], $0xffff  }
0x468: {  	v3 =	vld.idx.msk [tilespmem:v4+s20+$0x0], $0xffff;
	_ =	sdelay $0x2  }
0x469: {  	v4 =	vor.u32 $0x3, v1;
	_ =	sdelay $0x1  }
0x46a: {  	v2 =	vadd.f32 v3, v2;
	_ =	sdelay $0x1  }
0x46b: {  	[tilespmem:s22+$0xFFFFE800] =	vst v2  }
0x46c: {  	v2 =	vld.idx.msk [tilespmem:v4+s18+$0x0], $0xffff  }
0x46d: {  	v3 =	vld.idx.msk [tilespmem:v4+s20+$0x0], $0xffff;
	_ =	sdelay $0x2  }
0x46e: {  	v4 =	vor.u32 $0x4, v1;
	_ =	sdelay $0x1  }
0x46f: {  	v2 =	vadd.f32 v3, v2;
	_ =	sdelay $0x1  }
0x470: {  	[tilespmem:s22+$0xFFFFEC00] =	vst v2  }
0x471: {  	v2 =	vld.idx.msk [tilespmem:v4+s18+$0x0], $0xffff  }
0x472: {  	v3 =	vld.idx.msk [tilespmem:v4+s20+$0x0], $0xffff;
	_ =	sdelay $0x2  }
0x473: {  	v4 =	vor.u32 $0x5, v1;
	_ =	sdelay $0x1  }
0x474: {  	v2 =	vadd.f32 v3, v2;
	_ =	sdelay $0x1  }
0x475: {  	[tilespmem:s22+$0xFFFFF000] =	vst v2  }
0x476: {  	v2 =	vld.idx.msk [tilespmem:v4+s18+$0x0], $0xffff  }
0x477: {  	v3 =	vld.idx.msk [tilespmem:v4+s20+$0x0], $0xffff;
	_ =	sdelay $0x2  }
0x478: {  	v4 =	vor.u32 $0x6, v1;
	_ =	sdelay $0x1  }
0x479: {  	v2 =	vadd.f32 v3, v2;
	_ =	sdelay $0x1  }
0x47a: {  	[tilespmem:s22+$0xFFFFF400] =	vst v2  }
0x47b: {  	v2 =	vld.idx.msk [tilespmem:v4+s18+$0x0], $0xffff  }
0x47c: {  	v3 =	vld.idx.msk [tilespmem:v4+s20+$0x0], $0xffff;
	_ =	sdelay $0x2  }
0x47d: {  	v4 =	vor.u32 $0x7, v1;
	_ =	sdelay $0x1  }
0x47e: {  	v2 =	vadd.f32 v3, v2;
	_ =	sdelay $0x1  }
0x47f: {  	[tilespmem:s22+$0xFFFFF800] =	vst v2  }
0x480: {  	v2 =	vld.idx.msk [tilespmem:v4+s18+$0x0], $0xffff  }
0x481: {  	v3 =	vld.idx.msk [tilespmem:v4+s20+$0x0], $0xffff;
	_ =	sdelay $0x2  }
0x482: {  	v4 =	vor.u32 $0x8, v1;
	_ =	sdelay $0x1  }
0x483: {  	v2 =	vadd.f32 v3, v2;
	_ =	sdelay $0x1  }
0x484: {  	[tilespmem:s22+$0xFFFFFC00] =	vst v2  }
0x485: {  	v2 =	vld.idx.msk [tilespmem:v4+s18+$0x0], $0xffff  }
0x486: {  	v3 =	vld.idx.msk [tilespmem:v4+s20+$0x0], $0xffff;
	_ =	sdelay $0x2  }
0x487: {  	v4 =	vor.u32 $0x9, v1;
	_ =	sdelay $0x1  }
0x488: {  	v2 =	vadd.f32 v3, v2;
	_ =	sdelay $0x1  }
0x489: {  	[tilespmem:s22+$0x0] =	vst v2  }
0x48a: {  	v2 =	vld.idx.msk [tilespmem:v4+s18+$0x0], $0xffff  }
0x48b: {  	v3 =	vld.idx.msk [tilespmem:v4+s20+$0x0], $0xffff;
	_ =	sdelay $0x2  }
0x48c: {  	v4 =	vor.u32 $0xA, v1;
	_ =	sdelay $0x1  }
0x48d: {  	v2 =	vadd.f32 v3, v2;
	_ =	sdelay $0x1  }
0x48e: {  	[tilespmem:s22+$0x400] =	vst v2  }
0x48f: {  	v2 =	vld.idx.msk [tilespmem:v4+s18+$0x0], $0xffff  }
0x490: {  	v3 =	vld.idx.msk [tilespmem:v4+s20+$0x0], $0xffff;
	_ =	sdelay $0x2  }
0x491: {  	v4 =	vor.u32 $0xB, v1;
	_ =	sdelay $0x1  }
0x492: {  	v2 =	vadd.f32 v3, v2;
	_ =	sdelay $0x1  }
0x493: {  	[tilespmem:s22+$0x800] =	vst v2  }
0x494: {  	v2 =	vld.idx.msk [tilespmem:v4+s18+$0x0], $0xffff  }
0x495: {  	v3 =	vld.idx.msk [tilespmem:v4+s20+$0x0], $0xffff;
	_ =	sdelay $0x2  }
0x496: {  	v4 =	vor.u32 $0xC, v1;
	_ =	sdelay $0x1  }
0x497: {  	v2 =	vadd.f32 v3, v2;
	_ =	sdelay $0x1  }
0x498: {  	[tilespmem:s22+$0xC00] =	vst v2  }
0x499: {  	v2 =	vld.idx.msk [tilespmem:v4+s18+$0x0], $0xffff  }
0x49a: {  	v3 =	vld.idx.msk [tilespmem:v4+s20+$0x0], $0xffff;
	_ =	sdelay $0x2  }
0x49b: {  	v4 =	vor.u32 $0xD, v1;
	_ =	sdelay $0x1  }
0x49c: {  	v2 =	vadd.f32 v3, v2;
	_ =	sdelay $0x1  }
0x49d: {  	[tilespmem:s22+$0x1000] =	vst v2  }
0x49e: {  	v2 =	vld.idx.msk [tilespmem:v4+s18+$0x0], $0xffff  }
0x49f: {  	v3 =	vld.idx.msk [tilespmem:v4+s20+$0x0], $0xffff;
	_ =	sdelay $0x2  }
0x4a0: {  	v4 =	vor.u32 $0xE, v1;
	_ =	sdelay $0x1  }
0x4a1: {  	v2 =	vadd.f32 v3, v2;
	_ =	sdelay $0x1  }
0x4a2: {  	[tilespmem:s22+$0x1400] =	vst v2  }
0x4a3: {  	v2 =	vld.idx.msk [tilespmem:v4+s18+$0x0], $0xffff  }
0x4a4: {  	s29 =	simm.s32 $0x10;
	s28 =	simm.s32 $0x17000;
	v3 =	vld.idx.msk [tilespmem:v4+s20+$0x0], $0xffff  }
.LBB2_14:
0x4a5: {  	p0 =	sne.s32 s29, $0x3F0  }
0x4a6: {  	s22 =	sadd.s32 $0x10, s22;
	s31 =	smov.u32 s29;
	s29 =	sadd.s32 $0x10, s29  }
0x4a7: {  	_ = 	snop  }
0x4a8: {  	v1 =	vor.u32 $0xF, v1;
	_ =	sdelay $0x1  }
0x4a9: {  	v2 =	vadd.f32 v3, v2;
	_ =	sdelay $0x1  }
0x4aa: {  	[tilespmem:s28+$0x1800] =	vst v2  }
0x4ab: {  	v2 =	vld.idx.msk [tilespmem:v1+s18+$0x0], $0xffff  }
0x4ac: {  	v3 =	vld.idx.msk [tilespmem:v1+s20+$0x0], $0xffff;
	_ =	sdelay $0x1  }
0x4ad: {  	v1 =	vmov s31  }
0x4ae: {  	v1 =	vshll.u32 v1, $0x4  }
0x4af: {  	v1 =	vor.u32 v0, v1;
	_ =	sdelay $0x1  }
0x4b0: {  	v2 =	vadd.f32 v3, v2;
	_ =	sdelay $0x1  }
0x4b1: {  	[tilespmem:s28+$0x1C00] =	vst v2;
	s28 =	smov.u32 s22  }
0x4b2: {  	v2 =	vld.idx.msk [tilespmem:v1+s18+$0x0], $0xffff  }
0x4b3: {  	v3 =	vld.idx.msk [tilespmem:v1+s20+$0x0], $0xffff;
	_ =	sdelay $0x3  }
0x4b4: {  	v4 =	vor.u32 $0x1, v1;
	_ =	sdelay $0x1  }
0x4b5: {  	v2 =	vadd.f32 v3, v2;
	_ =	sdelay $0x1  }
0x4b6: {  	[tilespmem:s22+$0xFFFFE000] =	vst v2  }
0x4b7: {  	v2 =	vld.idx.msk [tilespmem:v4+s18+$0x0], $0xffff  }
0x4b8: {  	v3 =	vld.idx.msk [tilespmem:v4+s20+$0x0], $0xffff;
	_ =	sdelay $0x3  }
0x4b9: {  	v4 =	vor.u32 $0x2, v1;
	_ =	sdelay $0x1  }
0x4ba: {  	v2 =	vadd.f32 v3, v2;
	_ =	sdelay $0x1  }
0x4bb: {  	[tilespmem:s22+$0xFFFFE400] =	vst v2  }
0x4bc: {  	v2 =	vld.idx.msk [tilespmem:v4+s18+$0x0], $0xffff  }
0x4bd: {  	v3 =	vld.idx.msk [tilespmem:v4+s20+$0x0], $0xffff;
	_ =	sdelay $0x3  }
0x4be: {  	v4 =	vor.u32 $0x3, v1;
	_ =	sdelay $0x1  }
0x4bf: {  	v2 =	vadd.f32 v3, v2;
	_ =	sdelay $0x1  }
0x4c0: {  	[tilespmem:s22+$0xFFFFE800] =	vst v2  }
0x4c1: {  	v2 =	vld.idx.msk [tilespmem:v4+s18+$0x0], $0xffff  }
0x4c2: {  	v3 =	vld.idx.msk [tilespmem:v4+s20+$0x0], $0xffff;
	_ =	sdelay $0x3  }
0x4c3: {  	v4 =	vor.u32 $0x4, v1;
	_ =	sdelay $0x1  }
0x4c4: {  	v2 =	vadd.f32 v3, v2;
	_ =	sdelay $0x1  }
0x4c5: {  	[tilespmem:s22+$0xFFFFEC00] =	vst v2  }
0x4c6: {  	v2 =	vld.idx.msk [tilespmem:v4+s18+$0x0], $0xffff  }
0x4c7: {  	v3 =	vld.idx.msk [tilespmem:v4+s20+$0x0], $0xffff;
	_ =	sdelay $0x3  }
0x4c8: {  	v4 =	vor.u32 $0x5, v1;
	_ =	sdelay $0x1  }
0x4c9: {  	v2 =	vadd.f32 v3, v2;
	_ =	sdelay $0x1  }
0x4ca: {  	[tilespmem:s22+$0xFFFFF000] =	vst v2  }
0x4cb: {  	v2 =	vld.idx.msk [tilespmem:v4+s18+$0x0], $0xffff  }
0x4cc: {  	v3 =	vld.idx.msk [tilespmem:v4+s20+$0x0], $0xffff;
	_ =	sdelay $0x3  }
0x4cd: {  	v4 =	vor.u32 $0x6, v1;
	_ =	sdelay $0x1  }
0x4ce: {  	v2 =	vadd.f32 v3, v2;
	_ =	sdelay $0x1  }
0x4cf: {  	[tilespmem:s22+$0xFFFFF400] =	vst v2  }
0x4d0: {  	v2 =	vld.idx.msk [tilespmem:v4+s18+$0x0], $0xffff  }
0x4d1: {  	v3 =	vld.idx.msk [tilespmem:v4+s20+$0x0], $0xffff;
	_ =	sdelay $0x3  }
0x4d2: {  	v4 =	vor.u32 $0x7, v1;
	_ =	sdelay $0x1  }
0x4d3: {  	v2 =	vadd.f32 v3, v2;
	_ =	sdelay $0x1  }
0x4d4: {  	[tilespmem:s22+$0xFFFFF800] =	vst v2  }
0x4d5: {  	v2 =	vld.idx.msk [tilespmem:v4+s18+$0x0], $0xffff  }
0x4d6: {  	v3 =	vld.idx.msk [tilespmem:v4+s20+$0x0], $0xffff;
	_ =	sdelay $0x3  }
0x4d7: {  	v4 =	vor.u32 $0x8, v1;
	_ =	sdelay $0x1  }
0x4d8: {  	v2 =	vadd.f32 v3, v2;
	_ =	sdelay $0x1  }
0x4d9: {  	[tilespmem:s22+$0xFFFFFC00] =	vst v2  }
0x4da: {  	v2 =	vld.idx.msk [tilespmem:v4+s18+$0x0], $0xffff  }
0x4db: {  	v3 =	vld.idx.msk [tilespmem:v4+s20+$0x0], $0xffff;
	_ =	sdelay $0x3  }
0x4dc: {  	v4 =	vor.u32 $0x9, v1;
	_ =	sdelay $0x1  }
0x4dd: {  	v2 =	vadd.f32 v3, v2;
	_ =	sdelay $0x1  }
0x4de: {  	[tilespmem:s22+$0x0] =	vst v2  }
0x4df: {  	v2 =	vld.idx.msk [tilespmem:v4+s18+$0x0], $0xffff  }
0x4e0: {  	v3 =	vld.idx.msk [tilespmem:v4+s20+$0x0], $0xffff;
	_ =	sdelay $0x3  }
0x4e1: {  	v4 =	vor.u32 $0xA, v1;
	_ =	sdelay $0x1  }
0x4e2: {  	v2 =	vadd.f32 v3, v2;
	_ =	sdelay $0x1  }
0x4e3: {  	[tilespmem:s22+$0x400] =	vst v2  }
0x4e4: {  	v2 =	vld.idx.msk [tilespmem:v4+s18+$0x0], $0xffff  }
0x4e5: {  	v3 =	vld.idx.msk [tilespmem:v4+s20+$0x0], $0xffff;
	_ =	sdelay $0x3  }
0x4e6: {  	v4 =	vor.u32 $0xB, v1;
	_ =	sdelay $0x1  }
0x4e7: {  	v2 =	vadd.f32 v3, v2;
	_ =	sdelay $0x1  }
0x4e8: {  	[tilespmem:s22+$0x800] =	vst v2  }
0x4e9: {  	v2 =	vld.idx.msk [tilespmem:v4+s18+$0x0], $0xffff  }
0x4ea: {  	v3 =	vld.idx.msk [tilespmem:v4+s20+$0x0], $0xffff;
	_ =	sdelay $0x3  }
0x4eb: {  	v4 =	vor.u32 $0xC, v1;
	_ =	sdelay $0x1  }
0x4ec: {  	v2 =	vadd.f32 v3, v2;
	_ =	sdelay $0x1  }
0x4ed: {  	[tilespmem:s22+$0xC00] =	vst v2  }
0x4ee: {  	v2 =	vld.idx.msk [tilespmem:v4+s18+$0x0], $0xffff  }
0x4ef: {  	v3 =	vld.idx.msk [tilespmem:v4+s20+$0x0], $0xffff;
	_ =	sdelay $0x3  }
0x4f0: {  	v4 =	vor.u32 $0xD, v1;
	_ =	sdelay $0x1  }
0x4f1: {  	v2 =	vadd.f32 v3, v2;
	_ =	sdelay $0x1  }
0x4f2: {  	[tilespmem:s22+$0x1000] =	vst v2  }
0x4f3: {  	v2 =	vld.idx.msk [tilespmem:v4+s18+$0x0], $0xffff  }
0x4f4: {  	v3 =	vld.idx.msk [tilespmem:v4+s20+$0x0], $0xffff;
	_ =	sdelay $0x3  }
0x4f5: {  	v4 =	vor.u32 $0xE, v1;
	_ =	sdelay $0x1  }
.Ltmp6:
0x4f6: {  	v2 =	vadd.f32 v3, v2;
	(pc) =	sbr.rel @p0 .LBB2_14-.Ltmp6, $4  }
0x4f7: {  	_ = 	snop  }
0x4f8: {  	[tilespmem:s22+$0x1400] =	vst v2  }
0x4f9: {  	v2 =	vld.idx.msk [tilespmem:v4+s18+$0x0], $0xffff  }
0x4fa: {  	v3 =	vld.idx.msk [tilespmem:v4+s20+$0x0], $0xffff  }
0x4fb: {  	_ =	sdelay $0x1  }
0x4fc: {  	v1 =	vor.u32 $0xF, v1;
	_ =	sdelay $0x1  }
0x4fd: {  	v2 =	vadd.f32 v3, v2;
	_ =	sdelay $0x1  }
0x4fe: {  	[tilespmem:s28+$0x1800] =	vst v2  }
0x4ff: {  	v2 =	vld.idx.msk [tilespmem:v1+s18+$0x0], $0xffff  }
0x500: {  	v1 =	vld.idx.msk [tilespmem:v1+s20+$0x0], $0xffff;
	_ =	sdelay $0x4  }
0x501: {  	v1 =	vadd.f32 v1, v2;
	_ =	sdelay $0x1  }
0x502: {  	[tilespmem:s28+$0x1C00] =	vst v1  }
0x503: {  	[hbm4b:s11+s17] =	stream.strided.scatter [tilespmem:s26], [sflag:$0x2], $0x4000, s25, s17, $0x38;
	[tilespmem:$0x1D000] =	vst v63  }
0x504: {  	s22 =	simm.s32 $0x2000  }
0x505: {  	[tilespmem:s18], [sflag:$0x1] =	stream.indirect.gather [hbm4b:s3+s17], $0x10, s22, s17, $0xb8;
	[tilespmem:$0x1D000] =	vst v63  }
0x506: {  	s31 =	simm.s32 $0x4800  }
0x507: {  	[tilespmem:s20], [sflag:$0x1] =	stream.indirect.gather [hbm4b:s3+s17], $0x10, s31, s17, $0xb8;
	[tilespmem:$0x1D000] =	vst v63  }
0x508: {  	_ =	swait.ge [sflag:s24], $0x4000  }
0x509: {  	s31 =	simm.s32 $0x0;
	[sflag:s24] =	ssyncset.done $0x0  }
0x50a: {  	v1 =	vmov s31;
	[sflag:s24] =	ssyncadd.s32 $0xFFFFC000  }
0x50b: {  	v1 =	vshll.u32 v1, $0x4;
	_ =	swait.ge [sflag:s24], $0x4000  }
0x50c: {  	v1 =	vor.u32 v0, v1;
	[sflag:s24] =	ssyncset.done $0x0  }
0x50d: {  	[sflag:s24] =	ssyncadd.s32 $0xFFFFC000  }
0x50e: {  	_ =	swait.ge [sflag:s0], $0x4000  }
0x50f: {  	[sflag:s0] =	ssyncset.done $0x0  }
0x510: {  	[sflag:s0] =	ssyncadd.s32 $0xFFFFC000  }
0x511: {  	v2 =	vld.idx.msk [tilespmem:v1+s21+$0x0], $0xffff  }
0x512: {  	v3 =	vld.idx.msk [tilespmem:v1+s23+$0x0], $0xffff;
	_ =	sdelay $0x2  }
0x513: {  	v4 =	vor.u32 $0x1, v1;
	_ =	sdelay $0x1  }
0x514: {  	v2 =	vadd.f32 v3, v2  }
0x515: {  	s22 =	simm.s32 $0x1B000  }
0x516: {  	[tilespmem:s22+$0xFFFFE000] =	vst v2  }
0x517: {  	v2 =	vld.idx.msk [tilespmem:v4+s21+$0x0], $0xffff  }
0x518: {  	v3 =	vld.idx.msk [tilespmem:v4+s23+$0x0], $0xffff;
	_ =	sdelay $0x2  }
0x519: {  	v4 =	vor.u32 $0x2, v1;
	_ =	sdelay $0x1  }
0x51a: {  	v2 =	vadd.f32 v3, v2;
	_ =	sdelay $0x1  }
0x51b: {  	[tilespmem:s22+$0xFFFFE400] =	vst v2  }
0x51c: {  	v2 =	vld.idx.msk [tilespmem:v4+s21+$0x0], $0xffff  }
0x51d: {  	v3 =	vld.idx.msk [tilespmem:v4+s23+$0x0], $0xffff;
	_ =	sdelay $0x2  }
0x51e: {  	v4 =	vor.u32 $0x3, v1;
	_ =	sdelay $0x1  }
0x51f: {  	v2 =	vadd.f32 v3, v2;
	_ =	sdelay $0x1  }
0x520: {  	[tilespmem:s22+$0xFFFFE800] =	vst v2  }
0x521: {  	v2 =	vld.idx.msk [tilespmem:v4+s21+$0x0], $0xffff  }
0x522: {  	v3 =	vld.idx.msk [tilespmem:v4+s23+$0x0], $0xffff;
	_ =	sdelay $0x2  }
0x523: {  	v4 =	vor.u32 $0x4, v1;
	_ =	sdelay $0x1  }
0x524: {  	v2 =	vadd.f32 v3, v2;
	_ =	sdelay $0x1  }
0x525: {  	[tilespmem:s22+$0xFFFFEC00] =	vst v2  }
0x526: {  	v2 =	vld.idx.msk [tilespmem:v4+s21+$0x0], $0xffff  }
0x527: {  	v3 =	vld.idx.msk [tilespmem:v4+s23+$0x0], $0xffff;
	_ =	sdelay $0x2  }
0x528: {  	v4 =	vor.u32 $0x5, v1;
	_ =	sdelay $0x1  }
0x529: {  	v2 =	vadd.f32 v3, v2;
	_ =	sdelay $0x1  }
0x52a: {  	[tilespmem:s22+$0xFFFFF000] =	vst v2  }
0x52b: {  	v2 =	vld.idx.msk [tilespmem:v4+s21+$0x0], $0xffff  }
0x52c: {  	v3 =	vld.idx.msk [tilespmem:v4+s23+$0x0], $0xffff;
	_ =	sdelay $0x2  }
0x52d: {  	v4 =	vor.u32 $0x6, v1;
	_ =	sdelay $0x1  }
0x52e: {  	v2 =	vadd.f32 v3, v2;
	_ =	sdelay $0x1  }
0x52f: {  	[tilespmem:s22+$0xFFFFF400] =	vst v2  }
0x530: {  	v2 =	vld.idx.msk [tilespmem:v4+s21+$0x0], $0xffff  }
0x531: {  	v3 =	vld.idx.msk [tilespmem:v4+s23+$0x0], $0xffff;
	_ =	sdelay $0x2  }
0x532: {  	v4 =	vor.u32 $0x7, v1;
	_ =	sdelay $0x1  }
0x533: {  	v2 =	vadd.f32 v3, v2;
	_ =	sdelay $0x1  }
0x534: {  	[tilespmem:s22+$0xFFFFF800] =	vst v2  }
0x535: {  	v2 =	vld.idx.msk [tilespmem:v4+s21+$0x0], $0xffff  }
0x536: {  	v3 =	vld.idx.msk [tilespmem:v4+s23+$0x0], $0xffff;
	_ =	sdelay $0x2  }
0x537: {  	v4 =	vor.u32 $0x8, v1;
	_ =	sdelay $0x1  }
0x538: {  	v2 =	vadd.f32 v3, v2;
	_ =	sdelay $0x1  }
0x539: {  	[tilespmem:s22+$0xFFFFFC00] =	vst v2  }
0x53a: {  	v2 =	vld.idx.msk [tilespmem:v4+s21+$0x0], $0xffff  }
0x53b: {  	v3 =	vld.idx.msk [tilespmem:v4+s23+$0x0], $0xffff;
	_ =	sdelay $0x2  }
0x53c: {  	v4 =	vor.u32 $0x9, v1;
	_ =	sdelay $0x1  }
0x53d: {  	v2 =	vadd.f32 v3, v2;
	_ =	sdelay $0x1  }
0x53e: {  	[tilespmem:s22+$0x0] =	vst v2  }
0x53f: {  	v2 =	vld.idx.msk [tilespmem:v4+s21+$0x0], $0xffff  }
0x540: {  	v3 =	vld.idx.msk [tilespmem:v4+s23+$0x0], $0xffff;
	_ =	sdelay $0x2  }
0x541: {  	v4 =	vor.u32 $0xA, v1;
	_ =	sdelay $0x1  }
0x542: {  	v2 =	vadd.f32 v3, v2;
	_ =	sdelay $0x1  }
0x543: {  	[tilespmem:s22+$0x400] =	vst v2  }
0x544: {  	v2 =	vld.idx.msk [tilespmem:v4+s21+$0x0], $0xffff  }
0x545: {  	v3 =	vld.idx.msk [tilespmem:v4+s23+$0x0], $0xffff;
	_ =	sdelay $0x2  }
0x546: {  	v4 =	vor.u32 $0xB, v1;
	_ =	sdelay $0x1  }
0x547: {  	v2 =	vadd.f32 v3, v2;
	_ =	sdelay $0x1  }
0x548: {  	[tilespmem:s22+$0x800] =	vst v2  }
0x549: {  	v2 =	vld.idx.msk [tilespmem:v4+s21+$0x0], $0xffff  }
0x54a: {  	v3 =	vld.idx.msk [tilespmem:v4+s23+$0x0], $0xffff;
	_ =	sdelay $0x2  }
0x54b: {  	v4 =	vor.u32 $0xC, v1;
	_ =	sdelay $0x1  }
0x54c: {  	v2 =	vadd.f32 v3, v2;
	_ =	sdelay $0x1  }
0x54d: {  	[tilespmem:s22+$0xC00] =	vst v2  }
0x54e: {  	v2 =	vld.idx.msk [tilespmem:v4+s21+$0x0], $0xffff  }
0x54f: {  	v3 =	vld.idx.msk [tilespmem:v4+s23+$0x0], $0xffff;
	_ =	sdelay $0x2  }
0x550: {  	v4 =	vor.u32 $0xD, v1;
	_ =	sdelay $0x1  }
0x551: {  	v2 =	vadd.f32 v3, v2;
	_ =	sdelay $0x1  }
0x552: {  	[tilespmem:s22+$0x1000] =	vst v2  }
0x553: {  	v2 =	vld.idx.msk [tilespmem:v4+s21+$0x0], $0xffff  }
0x554: {  	v3 =	vld.idx.msk [tilespmem:v4+s23+$0x0], $0xffff;
	_ =	sdelay $0x2  }
0x555: {  	v4 =	vor.u32 $0xE, v1;
	_ =	sdelay $0x1  }
0x556: {  	v2 =	vadd.f32 v3, v2;
	_ =	sdelay $0x1  }
0x557: {  	[tilespmem:s22+$0x1400] =	vst v2  }
0x558: {  	v2 =	vld.idx.msk [tilespmem:v4+s21+$0x0], $0xffff  }
0x559: {  	s29 =	simm.s32 $0x10;
	s28 =	simm.s32 $0x1B000;
	v3 =	vld.idx.msk [tilespmem:v4+s23+$0x0], $0xffff  }
.LBB2_16:
0x55a: {  	p0 =	sne.s32 s29, $0x3F0  }
0x55b: {  	s22 =	sadd.s32 $0x10, s22;
	s31 =	smov.u32 s29;
	s29 =	sadd.s32 $0x10, s29  }
0x55c: {  	_ = 	snop  }
0x55d: {  	v1 =	vor.u32 $0xF, v1;
	_ =	sdelay $0x1  }
0x55e: {  	v2 =	vadd.f32 v3, v2;
	_ =	sdelay $0x1  }
0x55f: {  	[tilespmem:s28+$0x1800] =	vst v2  }
0x560: {  	v2 =	vld.idx.msk [tilespmem:v1+s21+$0x0], $0xffff  }
0x561: {  	v3 =	vld.idx.msk [tilespmem:v1+s23+$0x0], $0xffff;
	_ =	sdelay $0x1  }
0x562: {  	v1 =	vmov s31  }
0x563: {  	v1 =	vshll.u32 v1, $0x4  }
0x564: {  	v1 =	vor.u32 v0, v1;
	_ =	sdelay $0x1  }
0x565: {  	v2 =	vadd.f32 v3, v2;
	_ =	sdelay $0x1  }
0x566: {  	[tilespmem:s28+$0x1C00] =	vst v2;
	s28 =	smov.u32 s22  }
0x567: {  	v2 =	vld.idx.msk [tilespmem:v1+s21+$0x0], $0xffff  }
0x568: {  	v3 =	vld.idx.msk [tilespmem:v1+s23+$0x0], $0xffff;
	_ =	sdelay $0x3  }
0x569: {  	v4 =	vor.u32 $0x1, v1;
	_ =	sdelay $0x1  }
0x56a: {  	v2 =	vadd.f32 v3, v2;
	_ =	sdelay $0x1  }
0x56b: {  	[tilespmem:s22+$0xFFFFE000] =	vst v2  }
0x56c: {  	v2 =	vld.idx.msk [tilespmem:v4+s21+$0x0], $0xffff  }
0x56d: {  	v3 =	vld.idx.msk [tilespmem:v4+s23+$0x0], $0xffff;
	_ =	sdelay $0x3  }
0x56e: {  	v4 =	vor.u32 $0x2, v1;
	_ =	sdelay $0x1  }
0x56f: {  	v2 =	vadd.f32 v3, v2;
	_ =	sdelay $0x1  }
0x570: {  	[tilespmem:s22+$0xFFFFE400] =	vst v2  }
0x571: {  	v2 =	vld.idx.msk [tilespmem:v4+s21+$0x0], $0xffff  }
0x572: {  	v3 =	vld.idx.msk [tilespmem:v4+s23+$0x0], $0xffff;
	_ =	sdelay $0x3  }
0x573: {  	v4 =	vor.u32 $0x3, v1;
	_ =	sdelay $0x1  }
0x574: {  	v2 =	vadd.f32 v3, v2;
	_ =	sdelay $0x1  }
0x575: {  	[tilespmem:s22+$0xFFFFE800] =	vst v2  }
0x576: {  	v2 =	vld.idx.msk [tilespmem:v4+s21+$0x0], $0xffff  }
0x577: {  	v3 =	vld.idx.msk [tilespmem:v4+s23+$0x0], $0xffff;
	_ =	sdelay $0x3  }
0x578: {  	v4 =	vor.u32 $0x4, v1;
	_ =	sdelay $0x1  }
0x579: {  	v2 =	vadd.f32 v3, v2;
	_ =	sdelay $0x1  }
0x57a: {  	[tilespmem:s22+$0xFFFFEC00] =	vst v2  }
0x57b: {  	v2 =	vld.idx.msk [tilespmem:v4+s21+$0x0], $0xffff  }
0x57c: {  	v3 =	vld.idx.msk [tilespmem:v4+s23+$0x0], $0xffff;
	_ =	sdelay $0x3  }
0x57d: {  	v4 =	vor.u32 $0x5, v1;
	_ =	sdelay $0x1  }
0x57e: {  	v2 =	vadd.f32 v3, v2;
	_ =	sdelay $0x1  }
0x57f: {  	[tilespmem:s22+$0xFFFFF000] =	vst v2  }
0x580: {  	v2 =	vld.idx.msk [tilespmem:v4+s21+$0x0], $0xffff  }
0x581: {  	v3 =	vld.idx.msk [tilespmem:v4+s23+$0x0], $0xffff;
	_ =	sdelay $0x3  }
0x582: {  	v4 =	vor.u32 $0x6, v1;
	_ =	sdelay $0x1  }
0x583: {  	v2 =	vadd.f32 v3, v2;
	_ =	sdelay $0x1  }
0x584: {  	[tilespmem:s22+$0xFFFFF400] =	vst v2  }
0x585: {  	v2 =	vld.idx.msk [tilespmem:v4+s21+$0x0], $0xffff  }
0x586: {  	v3 =	vld.idx.msk [tilespmem:v4+s23+$0x0], $0xffff;
	_ =	sdelay $0x3  }
0x587: {  	v4 =	vor.u32 $0x7, v1;
	_ =	sdelay $0x1  }
0x588: {  	v2 =	vadd.f32 v3, v2;
	_ =	sdelay $0x1  }
0x589: {  	[tilespmem:s22+$0xFFFFF800] =	vst v2  }
0x58a: {  	v2 =	vld.idx.msk [tilespmem:v4+s21+$0x0], $0xffff  }
0x58b: {  	v3 =	vld.idx.msk [tilespmem:v4+s23+$0x0], $0xffff;
	_ =	sdelay $0x3  }
0x58c: {  	v4 =	vor.u32 $0x8, v1;
	_ =	sdelay $0x1  }
0x58d: {  	v2 =	vadd.f32 v3, v2;
	_ =	sdelay $0x1  }
0x58e: {  	[tilespmem:s22+$0xFFFFFC00] =	vst v2  }
0x58f: {  	v2 =	vld.idx.msk [tilespmem:v4+s21+$0x0], $0xffff  }
0x590: {  	v3 =	vld.idx.msk [tilespmem:v4+s23+$0x0], $0xffff;
	_ =	sdelay $0x3  }
0x591: {  	v4 =	vor.u32 $0x9, v1;
	_ =	sdelay $0x1  }
0x592: {  	v2 =	vadd.f32 v3, v2;
	_ =	sdelay $0x1  }
0x593: {  	[tilespmem:s22+$0x0] =	vst v2  }
0x594: {  	v2 =	vld.idx.msk [tilespmem:v4+s21+$0x0], $0xffff  }
0x595: {  	v3 =	vld.idx.msk [tilespmem:v4+s23+$0x0], $0xffff;
	_ =	sdelay $0x3  }
0x596: {  	v4 =	vor.u32 $0xA, v1;
	_ =	sdelay $0x1  }
0x597: {  	v2 =	vadd.f32 v3, v2;
	_ =	sdelay $0x1  }
0x598: {  	[tilespmem:s22+$0x400] =	vst v2  }
0x599: {  	v2 =	vld.idx.msk [tilespmem:v4+s21+$0x0], $0xffff  }
0x59a: {  	v3 =	vld.idx.msk [tilespmem:v4+s23+$0x0], $0xffff;
	_ =	sdelay $0x3  }
0x59b: {  	v4 =	vor.u32 $0xB, v1;
	_ =	sdelay $0x1  }
0x59c: {  	v2 =	vadd.f32 v3, v2;
	_ =	sdelay $0x1  }
0x59d: {  	[tilespmem:s22+$0x800] =	vst v2  }
0x59e: {  	v2 =	vld.idx.msk [tilespmem:v4+s21+$0x0], $0xffff  }
0x59f: {  	v3 =	vld.idx.msk [tilespmem:v4+s23+$0x0], $0xffff;
	_ =	sdelay $0x3  }
0x5a0: {  	v4 =	vor.u32 $0xC, v1;
	_ =	sdelay $0x1  }
0x5a1: {  	v2 =	vadd.f32 v3, v2;
	_ =	sdelay $0x1  }
0x5a2: {  	[tilespmem:s22+$0xC00] =	vst v2  }
0x5a3: {  	v2 =	vld.idx.msk [tilespmem:v4+s21+$0x0], $0xffff  }
0x5a4: {  	v3 =	vld.idx.msk [tilespmem:v4+s23+$0x0], $0xffff;
	_ =	sdelay $0x3  }
0x5a5: {  	v4 =	vor.u32 $0xD, v1;
	_ =	sdelay $0x1  }
0x5a6: {  	v2 =	vadd.f32 v3, v2;
	_ =	sdelay $0x1  }
0x5a7: {  	[tilespmem:s22+$0x1000] =	vst v2  }
0x5a8: {  	v2 =	vld.idx.msk [tilespmem:v4+s21+$0x0], $0xffff  }
0x5a9: {  	v3 =	vld.idx.msk [tilespmem:v4+s23+$0x0], $0xffff;
	_ =	sdelay $0x3  }
0x5aa: {  	v4 =	vor.u32 $0xE, v1;
	_ =	sdelay $0x1  }
.Ltmp7:
0x5ab: {  	v2 =	vadd.f32 v3, v2;
	(pc) =	sbr.rel @p0 .LBB2_16-.Ltmp7, $4  }
0x5ac: {  	_ = 	snop  }
0x5ad: {  	[tilespmem:s22+$0x1400] =	vst v2  }
0x5ae: {  	v2 =	vld.idx.msk [tilespmem:v4+s21+$0x0], $0xffff  }
0x5af: {  	v3 =	vld.idx.msk [tilespmem:v4+s23+$0x0], $0xffff  }
0x5b0: {  	_ =	sdelay $0x1  }
0x5b1: {  	v1 =	vor.u32 $0xF, v1;
	_ =	sdelay $0x1  }
0x5b2: {  	v2 =	vadd.f32 v3, v2;
	_ =	sdelay $0x1  }
0x5b3: {  	[tilespmem:s28+$0x1800] =	vst v2  }
0x5b4: {  	v2 =	vld.idx.msk [tilespmem:v1+s21+$0x0], $0xffff  }
0x5b5: {  	v1 =	vld.idx.msk [tilespmem:v1+s23+$0x0], $0xffff;
	_ =	sdelay $0x4  }
0x5b6: {  	v1 =	vadd.f32 v1, v2;
	_ =	sdelay $0x1  }
0x5b7: {  	[tilespmem:s28+$0x1C00] =	vst v1  }
0x5b8: {  	[hbm4b:s12+s17] =	stream.strided.scatter [tilespmem:s30], [sflag:$0x2], $0x4000, s25, s17, $0x38;
	[tilespmem:$0x1D000] =	vst v63  }
0x5b9: {  	s22 =	simm.s32 $0x2400  }
0x5ba: {  	[tilespmem:s21], [sflag:$0x1] =	stream.indirect.gather [hbm4b:s3+s17], $0x10, s22, s17, $0xb8;
	[tilespmem:$0x1D000] =	vst v63  }
0x5bb: {  	_ = 	snop  }
0x5bc: {  	[tilespmem:s23], [sflag:$0x1] =	stream.indirect.gather [hbm4b:s3+s17], $0x10, s1, s17, $0xb8;
	[tilespmem:$0x1D000] =	vst v63  }
0x5bd: {  	_ =	swait.ge [sflag:s24], $0x4000  }
0x5be: {  	s31 =	simm.s32 $0x0;
	[sflag:s24] =	ssyncset.done $0x0  }
0x5bf: {  	v1 =	vmov s31;
	[sflag:s24] =	ssyncadd.s32 $0xFFFFC000  }
0x5c0: {  	v1 =	vshll.u32 v1, $0x4;
	_ =	swait.ge [sflag:s24], $0x4000  }
0x5c1: {  	v1 =	vor.u32 v0, v1;
	[sflag:s24] =	ssyncset.done $0x0  }
0x5c2: {  	[sflag:s24] =	ssyncadd.s32 $0xFFFFC000  }
0x5c3: {  	_ =	swait.ge [sflag:s0], $0x4000  }
0x5c4: {  	[sflag:s0] =	ssyncset.done $0x0  }
0x5c5: {  	[sflag:s0] =	ssyncadd.s32 $0xFFFFC000  }
0x5c6: {  	v2 =	vld.idx.msk [tilespmem:v1+s18+$0x0], $0xffff  }
0x5c7: {  	v3 =	vld.idx.msk [tilespmem:v1+s20+$0x0], $0xffff;
	_ =	sdelay $0x2  }
0x5c8: {  	v4 =	vor.u32 $0x1, v1;
	_ =	sdelay $0x1  }
0x5c9: {  	v2 =	vadd.f32 v3, v2  }
0x5ca: {  	s22 =	simm.s32 $0x17000  }
0x5cb: {  	[tilespmem:s22+$0xFFFFE000] =	vst v2  }
0x5cc: {  	v2 =	vld.idx.msk [tilespmem:v4+s18+$0x0], $0xffff  }
0x5cd: {  	v3 =	vld.idx.msk [tilespmem:v4+s20+$0x0], $0xffff;
	_ =	sdelay $0x2  }
0x5ce: {  	v4 =	vor.u32 $0x2, v1;
	_ =	sdelay $0x1  }
0x5cf: {  	v2 =	vadd.f32 v3, v2;
	_ =	sdelay $0x1  }
0x5d0: {  	[tilespmem:s22+$0xFFFFE400] =	vst v2  }
0x5d1: {  	v2 =	vld.idx.msk [tilespmem:v4+s18+$0x0], $0xffff  }
0x5d2: {  	v3 =	vld.idx.msk [tilespmem:v4+s20+$0x0], $0xffff;
	_ =	sdelay $0x2  }
0x5d3: {  	v4 =	vor.u32 $0x3, v1;
	_ =	sdelay $0x1  }
0x5d4: {  	v2 =	vadd.f32 v3, v2;
	_ =	sdelay $0x1  }
0x5d5: {  	[tilespmem:s22+$0xFFFFE800] =	vst v2  }
0x5d6: {  	v2 =	vld.idx.msk [tilespmem:v4+s18+$0x0], $0xffff  }
0x5d7: {  	v3 =	vld.idx.msk [tilespmem:v4+s20+$0x0], $0xffff;
	_ =	sdelay $0x2  }
0x5d8: {  	v4 =	vor.u32 $0x4, v1;
	_ =	sdelay $0x1  }
0x5d9: {  	v2 =	vadd.f32 v3, v2;
	_ =	sdelay $0x1  }
0x5da: {  	[tilespmem:s22+$0xFFFFEC00] =	vst v2  }
0x5db: {  	v2 =	vld.idx.msk [tilespmem:v4+s18+$0x0], $0xffff  }
0x5dc: {  	v3 =	vld.idx.msk [tilespmem:v4+s20+$0x0], $0xffff;
	_ =	sdelay $0x2  }
0x5dd: {  	v4 =	vor.u32 $0x5, v1;
	_ =	sdelay $0x1  }
0x5de: {  	v2 =	vadd.f32 v3, v2;
	_ =	sdelay $0x1  }
0x5df: {  	[tilespmem:s22+$0xFFFFF000] =	vst v2  }
0x5e0: {  	v2 =	vld.idx.msk [tilespmem:v4+s18+$0x0], $0xffff  }
0x5e1: {  	v3 =	vld.idx.msk [tilespmem:v4+s20+$0x0], $0xffff;
	_ =	sdelay $0x2  }
0x5e2: {  	v4 =	vor.u32 $0x6, v1;
	_ =	sdelay $0x1  }
0x5e3: {  	v2 =	vadd.f32 v3, v2;
	_ =	sdelay $0x1  }
0x5e4: {  	[tilespmem:s22+$0xFFFFF400] =	vst v2  }
0x5e5: {  	v2 =	vld.idx.msk [tilespmem:v4+s18+$0x0], $0xffff  }
0x5e6: {  	v3 =	vld.idx.msk [tilespmem:v4+s20+$0x0], $0xffff;
	_ =	sdelay $0x2  }
0x5e7: {  	v4 =	vor.u32 $0x7, v1;
	_ =	sdelay $0x1  }
0x5e8: {  	v2 =	vadd.f32 v3, v2;
	_ =	sdelay $0x1  }
0x5e9: {  	[tilespmem:s22+$0xFFFFF800] =	vst v2  }
0x5ea: {  	v2 =	vld.idx.msk [tilespmem:v4+s18+$0x0], $0xffff  }
0x5eb: {  	v3 =	vld.idx.msk [tilespmem:v4+s20+$0x0], $0xffff;
	_ =	sdelay $0x2  }
0x5ec: {  	v4 =	vor.u32 $0x8, v1;
	_ =	sdelay $0x1  }
0x5ed: {  	v2 =	vadd.f32 v3, v2;
	_ =	sdelay $0x1  }
0x5ee: {  	[tilespmem:s22+$0xFFFFFC00] =	vst v2  }
0x5ef: {  	v2 =	vld.idx.msk [tilespmem:v4+s18+$0x0], $0xffff  }
0x5f0: {  	v3 =	vld.idx.msk [tilespmem:v4+s20+$0x0], $0xffff;
	_ =	sdelay $0x2  }
0x5f1: {  	v4 =	vor.u32 $0x9, v1;
	_ =	sdelay $0x1  }
0x5f2: {  	v2 =	vadd.f32 v3, v2;
	_ =	sdelay $0x1  }
0x5f3: {  	[tilespmem:s22+$0x0] =	vst v2  }
0x5f4: {  	v2 =	vld.idx.msk [tilespmem:v4+s18+$0x0], $0xffff  }
0x5f5: {  	v3 =	vld.idx.msk [tilespmem:v4+s20+$0x0], $0xffff;
	_ =	sdelay $0x2  }
0x5f6: {  	v4 =	vor.u32 $0xA, v1;
	_ =	sdelay $0x1  }
0x5f7: {  	v2 =	vadd.f32 v3, v2;
	_ =	sdelay $0x1  }
0x5f8: {  	[tilespmem:s22+$0x400] =	vst v2  }
0x5f9: {  	v2 =	vld.idx.msk [tilespmem:v4+s18+$0x0], $0xffff  }
0x5fa: {  	v3 =	vld.idx.msk [tilespmem:v4+s20+$0x0], $0xffff;
	_ =	sdelay $0x2  }
0x5fb: {  	v4 =	vor.u32 $0xB, v1;
	_ =	sdelay $0x1  }
0x5fc: {  	v2 =	vadd.f32 v3, v2;
	_ =	sdelay $0x1  }
0x5fd: {  	[tilespmem:s22+$0x800] =	vst v2  }
0x5fe: {  	v2 =	vld.idx.msk [tilespmem:v4+s18+$0x0], $0xffff  }
0x5ff: {  	v3 =	vld.idx.msk [tilespmem:v4+s20+$0x0], $0xffff;
	_ =	sdelay $0x2  }
0x600: {  	v4 =	vor.u32 $0xC, v1;
	_ =	sdelay $0x1  }
0x601: {  	v2 =	vadd.f32 v3, v2;
	_ =	sdelay $0x1  }
0x602: {  	[tilespmem:s22+$0xC00] =	vst v2  }
0x603: {  	v2 =	vld.idx.msk [tilespmem:v4+s18+$0x0], $0xffff  }
0x604: {  	v3 =	vld.idx.msk [tilespmem:v4+s20+$0x0], $0xffff;
	_ =	sdelay $0x2  }
0x605: {  	v4 =	vor.u32 $0xD, v1;
	_ =	sdelay $0x1  }
0x606: {  	v2 =	vadd.f32 v3, v2;
	_ =	sdelay $0x1  }
0x607: {  	[tilespmem:s22+$0x1000] =	vst v2  }
0x608: {  	v2 =	vld.idx.msk [tilespmem:v4+s18+$0x0], $0xffff  }
0x609: {  	v3 =	vld.idx.msk [tilespmem:v4+s20+$0x0], $0xffff;
	_ =	sdelay $0x2  }
0x60a: {  	v4 =	vor.u32 $0xE, v1;
	_ =	sdelay $0x1  }
0x60b: {  	v2 =	vadd.f32 v3, v2;
	_ =	sdelay $0x1  }
0x60c: {  	[tilespmem:s22+$0x1400] =	vst v2  }
0x60d: {  	v2 =	vld.idx.msk [tilespmem:v4+s18+$0x0], $0xffff  }
0x60e: {  	s29 =	simm.s32 $0x10;
	s28 =	simm.s32 $0x17000;
	v3 =	vld.idx.msk [tilespmem:v4+s20+$0x0], $0xffff  }
.LBB2_18:
0x60f: {  	p0 =	sne.s32 s29, $0x3F0  }
0x610: {  	s22 =	sadd.s32 $0x10, s22;
	s31 =	smov.u32 s29;
	s29 =	sadd.s32 $0x10, s29  }
0x611: {  	_ = 	snop  }
0x612: {  	v1 =	vor.u32 $0xF, v1;
	_ =	sdelay $0x1  }
0x613: {  	v2 =	vadd.f32 v3, v2;
	_ =	sdelay $0x1  }
0x614: {  	[tilespmem:s28+$0x1800] =	vst v2  }
0x615: {  	v2 =	vld.idx.msk [tilespmem:v1+s18+$0x0], $0xffff  }
0x616: {  	v3 =	vld.idx.msk [tilespmem:v1+s20+$0x0], $0xffff;
	_ =	sdelay $0x1  }
0x617: {  	v1 =	vmov s31  }
0x618: {  	v1 =	vshll.u32 v1, $0x4  }
0x619: {  	v1 =	vor.u32 v0, v1;
	_ =	sdelay $0x1  }
0x61a: {  	v2 =	vadd.f32 v3, v2;
	_ =	sdelay $0x1  }
0x61b: {  	[tilespmem:s28+$0x1C00] =	vst v2;
	s28 =	smov.u32 s22  }
0x61c: {  	v2 =	vld.idx.msk [tilespmem:v1+s18+$0x0], $0xffff  }
0x61d: {  	v3 =	vld.idx.msk [tilespmem:v1+s20+$0x0], $0xffff;
	_ =	sdelay $0x3  }
0x61e: {  	v4 =	vor.u32 $0x1, v1;
	_ =	sdelay $0x1  }
0x61f: {  	v2 =	vadd.f32 v3, v2;
	_ =	sdelay $0x1  }
0x620: {  	[tilespmem:s22+$0xFFFFE000] =	vst v2  }
0x621: {  	v2 =	vld.idx.msk [tilespmem:v4+s18+$0x0], $0xffff  }
0x622: {  	v3 =	vld.idx.msk [tilespmem:v4+s20+$0x0], $0xffff;
	_ =	sdelay $0x3  }
0x623: {  	v4 =	vor.u32 $0x2, v1;
	_ =	sdelay $0x1  }
0x624: {  	v2 =	vadd.f32 v3, v2;
	_ =	sdelay $0x1  }
0x625: {  	[tilespmem:s22+$0xFFFFE400] =	vst v2  }
0x626: {  	v2 =	vld.idx.msk [tilespmem:v4+s18+$0x0], $0xffff  }
0x627: {  	v3 =	vld.idx.msk [tilespmem:v4+s20+$0x0], $0xffff;
	_ =	sdelay $0x3  }
0x628: {  	v4 =	vor.u32 $0x3, v1;
	_ =	sdelay $0x1  }
0x629: {  	v2 =	vadd.f32 v3, v2;
	_ =	sdelay $0x1  }
0x62a: {  	[tilespmem:s22+$0xFFFFE800] =	vst v2  }
0x62b: {  	v2 =	vld.idx.msk [tilespmem:v4+s18+$0x0], $0xffff  }
0x62c: {  	v3 =	vld.idx.msk [tilespmem:v4+s20+$0x0], $0xffff;
	_ =	sdelay $0x3  }
0x62d: {  	v4 =	vor.u32 $0x4, v1;
	_ =	sdelay $0x1  }
0x62e: {  	v2 =	vadd.f32 v3, v2;
	_ =	sdelay $0x1  }
0x62f: {  	[tilespmem:s22+$0xFFFFEC00] =	vst v2  }
0x630: {  	v2 =	vld.idx.msk [tilespmem:v4+s18+$0x0], $0xffff  }
0x631: {  	v3 =	vld.idx.msk [tilespmem:v4+s20+$0x0], $0xffff;
	_ =	sdelay $0x3  }
0x632: {  	v4 =	vor.u32 $0x5, v1;
	_ =	sdelay $0x1  }
0x633: {  	v2 =	vadd.f32 v3, v2;
	_ =	sdelay $0x1  }
0x634: {  	[tilespmem:s22+$0xFFFFF000] =	vst v2  }
0x635: {  	v2 =	vld.idx.msk [tilespmem:v4+s18+$0x0], $0xffff  }
0x636: {  	v3 =	vld.idx.msk [tilespmem:v4+s20+$0x0], $0xffff;
	_ =	sdelay $0x3  }
0x637: {  	v4 =	vor.u32 $0x6, v1;
	_ =	sdelay $0x1  }
0x638: {  	v2 =	vadd.f32 v3, v2;
	_ =	sdelay $0x1  }
0x639: {  	[tilespmem:s22+$0xFFFFF400] =	vst v2  }
0x63a: {  	v2 =	vld.idx.msk [tilespmem:v4+s18+$0x0], $0xffff  }
0x63b: {  	v3 =	vld.idx.msk [tilespmem:v4+s20+$0x0], $0xffff;
	_ =	sdelay $0x3  }
0x63c: {  	v4 =	vor.u32 $0x7, v1;
	_ =	sdelay $0x1  }
0x63d: {  	v2 =	vadd.f32 v3, v2;
	_ =	sdelay $0x1  }
0x63e: {  	[tilespmem:s22+$0xFFFFF800] =	vst v2  }
0x63f: {  	v2 =	vld.idx.msk [tilespmem:v4+s18+$0x0], $0xffff  }
0x640: {  	v3 =	vld.idx.msk [tilespmem:v4+s20+$0x0], $0xffff;
	_ =	sdelay $0x3  }
0x641: {  	v4 =	vor.u32 $0x8, v1;
	_ =	sdelay $0x1  }
0x642: {  	v2 =	vadd.f32 v3, v2;
	_ =	sdelay $0x1  }
0x643: {  	[tilespmem:s22+$0xFFFFFC00] =	vst v2  }
0x644: {  	v2 =	vld.idx.msk [tilespmem:v4+s18+$0x0], $0xffff  }
0x645: {  	v3 =	vld.idx.msk [tilespmem:v4+s20+$0x0], $0xffff;
	_ =	sdelay $0x3  }
0x646: {  	v4 =	vor.u32 $0x9, v1;
	_ =	sdelay $0x1  }
0x647: {  	v2 =	vadd.f32 v3, v2;
	_ =	sdelay $0x1  }
0x648: {  	[tilespmem:s22+$0x0] =	vst v2  }
0x649: {  	v2 =	vld.idx.msk [tilespmem:v4+s18+$0x0], $0xffff  }
0x64a: {  	v3 =	vld.idx.msk [tilespmem:v4+s20+$0x0], $0xffff;
	_ =	sdelay $0x3  }
0x64b: {  	v4 =	vor.u32 $0xA, v1;
	_ =	sdelay $0x1  }
0x64c: {  	v2 =	vadd.f32 v3, v2;
	_ =	sdelay $0x1  }
0x64d: {  	[tilespmem:s22+$0x400] =	vst v2  }
0x64e: {  	v2 =	vld.idx.msk [tilespmem:v4+s18+$0x0], $0xffff  }
0x64f: {  	v3 =	vld.idx.msk [tilespmem:v4+s20+$0x0], $0xffff;
	_ =	sdelay $0x3  }
0x650: {  	v4 =	vor.u32 $0xB, v1;
	_ =	sdelay $0x1  }
0x651: {  	v2 =	vadd.f32 v3, v2;
	_ =	sdelay $0x1  }
0x652: {  	[tilespmem:s22+$0x800] =	vst v2  }
0x653: {  	v2 =	vld.idx.msk [tilespmem:v4+s18+$0x0], $0xffff  }
0x654: {  	v3 =	vld.idx.msk [tilespmem:v4+s20+$0x0], $0xffff;
	_ =	sdelay $0x3  }
0x655: {  	v4 =	vor.u32 $0xC, v1;
	_ =	sdelay $0x1  }
0x656: {  	v2 =	vadd.f32 v3, v2;
	_ =	sdelay $0x1  }
0x657: {  	[tilespmem:s22+$0xC00] =	vst v2  }
0x658: {  	v2 =	vld.idx.msk [tilespmem:v4+s18+$0x0], $0xffff  }
0x659: {  	v3 =	vld.idx.msk [tilespmem:v4+s20+$0x0], $0xffff;
	_ =	sdelay $0x3  }
0x65a: {  	v4 =	vor.u32 $0xD, v1;
	_ =	sdelay $0x1  }
0x65b: {  	v2 =	vadd.f32 v3, v2;
	_ =	sdelay $0x1  }
0x65c: {  	[tilespmem:s22+$0x1000] =	vst v2  }
0x65d: {  	v2 =	vld.idx.msk [tilespmem:v4+s18+$0x0], $0xffff  }
0x65e: {  	v3 =	vld.idx.msk [tilespmem:v4+s20+$0x0], $0xffff;
	_ =	sdelay $0x3  }
0x65f: {  	v4 =	vor.u32 $0xE, v1;
	_ =	sdelay $0x1  }
.Ltmp8:
0x660: {  	v2 =	vadd.f32 v3, v2;
	(pc) =	sbr.rel @p0 .LBB2_18-.Ltmp8, $4  }
0x661: {  	_ = 	snop  }
0x662: {  	[tilespmem:s22+$0x1400] =	vst v2  }
0x663: {  	v2 =	vld.idx.msk [tilespmem:v4+s18+$0x0], $0xffff  }
0x664: {  	v3 =	vld.idx.msk [tilespmem:v4+s20+$0x0], $0xffff  }
0x665: {  	_ =	sdelay $0x1  }
0x666: {  	v1 =	vor.u32 $0xF, v1;
	_ =	sdelay $0x1  }
0x667: {  	v2 =	vadd.f32 v3, v2;
	_ =	sdelay $0x1  }
0x668: {  	[tilespmem:s28+$0x1800] =	vst v2  }
0x669: {  	v2 =	vld.idx.msk [tilespmem:v1+s18+$0x0], $0xffff  }
0x66a: {  	v1 =	vld.idx.msk [tilespmem:v1+s20+$0x0], $0xffff;
	_ =	sdelay $0x4  }
0x66b: {  	v1 =	vadd.f32 v1, v2;
	_ =	sdelay $0x1  }
0x66c: {  	[tilespmem:s28+$0x1C00] =	vst v1  }
0x66d: {  	[hbm4b:s13+s17] =	stream.strided.scatter [tilespmem:s26], [sflag:$0x2], $0x4000, s25, s17, $0x38;
	[tilespmem:$0x1D000] =	vst v63  }
0x66e: {  	_ =	swait.ge [sflag:s24], $0x4000  }
0x66f: {  	s22 =	simm.s32 $0x0;
	[sflag:s24] =	ssyncset.done $0x0  }
0x670: {  	v1 =	vmov s22;
	[sflag:s24] =	ssyncadd.s32 $0xFFFFC000  }
0x671: {  	v1 =	vshll.u32 v1, $0x4;
	_ =	swait.ge [sflag:s24], $0x4000  }
0x672: {  	v1 =	vor.u32 v0, v1;
	[sflag:s24] =	ssyncset.done $0x0  }
0x673: {  	[sflag:s24] =	ssyncadd.s32 $0xFFFFC000  }
0x674: {  	_ =	swait.ge [sflag:s0], $0x4000  }
0x675: {  	[sflag:s0] =	ssyncset.done $0x0  }
0x676: {  	[sflag:s0] =	ssyncadd.s32 $0xFFFFC000  }
0x677: {  	v2 =	vld.idx.msk [tilespmem:v1+s21+$0x0], $0xffff  }
0x678: {  	v3 =	vld.idx.msk [tilespmem:v1+s23+$0x0], $0xffff;
	_ =	sdelay $0x2  }
0x679: {  	v4 =	vor.u32 $0x1, v1;
	_ =	sdelay $0x1  }
0x67a: {  	v2 =	vadd.f32 v3, v2  }
0x67b: {  	s22 =	simm.s32 $0x1B000  }
0x67c: {  	[tilespmem:s22+$0xFFFFE000] =	vst v2  }
0x67d: {  	v2 =	vld.idx.msk [tilespmem:v4+s21+$0x0], $0xffff  }
0x67e: {  	v3 =	vld.idx.msk [tilespmem:v4+s23+$0x0], $0xffff;
	_ =	sdelay $0x2  }
0x67f: {  	v4 =	vor.u32 $0x2, v1;
	_ =	sdelay $0x1  }
0x680: {  	v2 =	vadd.f32 v3, v2;
	_ =	sdelay $0x1  }
0x681: {  	[tilespmem:s22+$0xFFFFE400] =	vst v2  }
0x682: {  	v2 =	vld.idx.msk [tilespmem:v4+s21+$0x0], $0xffff  }
0x683: {  	v3 =	vld.idx.msk [tilespmem:v4+s23+$0x0], $0xffff;
	_ =	sdelay $0x2  }
0x684: {  	v4 =	vor.u32 $0x3, v1;
	_ =	sdelay $0x1  }
0x685: {  	v2 =	vadd.f32 v3, v2;
	_ =	sdelay $0x1  }
0x686: {  	[tilespmem:s22+$0xFFFFE800] =	vst v2  }
0x687: {  	v2 =	vld.idx.msk [tilespmem:v4+s21+$0x0], $0xffff  }
0x688: {  	v3 =	vld.idx.msk [tilespmem:v4+s23+$0x0], $0xffff;
	_ =	sdelay $0x2  }
0x689: {  	v4 =	vor.u32 $0x4, v1;
	_ =	sdelay $0x1  }
0x68a: {  	v2 =	vadd.f32 v3, v2;
	_ =	sdelay $0x1  }
0x68b: {  	[tilespmem:s22+$0xFFFFEC00] =	vst v2  }
0x68c: {  	v2 =	vld.idx.msk [tilespmem:v4+s21+$0x0], $0xffff  }
0x68d: {  	v3 =	vld.idx.msk [tilespmem:v4+s23+$0x0], $0xffff;
	_ =	sdelay $0x2  }
0x68e: {  	v4 =	vor.u32 $0x5, v1;
	_ =	sdelay $0x1  }
0x68f: {  	v2 =	vadd.f32 v3, v2;
	_ =	sdelay $0x1  }
0x690: {  	[tilespmem:s22+$0xFFFFF000] =	vst v2  }
0x691: {  	v2 =	vld.idx.msk [tilespmem:v4+s21+$0x0], $0xffff  }
0x692: {  	v3 =	vld.idx.msk [tilespmem:v4+s23+$0x0], $0xffff;
	_ =	sdelay $0x2  }
0x693: {  	v4 =	vor.u32 $0x6, v1;
	_ =	sdelay $0x1  }
0x694: {  	v2 =	vadd.f32 v3, v2;
	_ =	sdelay $0x1  }
0x695: {  	[tilespmem:s22+$0xFFFFF400] =	vst v2  }
0x696: {  	v2 =	vld.idx.msk [tilespmem:v4+s21+$0x0], $0xffff  }
0x697: {  	v3 =	vld.idx.msk [tilespmem:v4+s23+$0x0], $0xffff;
	_ =	sdelay $0x2  }
0x698: {  	v4 =	vor.u32 $0x7, v1;
	_ =	sdelay $0x1  }
0x699: {  	v2 =	vadd.f32 v3, v2;
	_ =	sdelay $0x1  }
0x69a: {  	[tilespmem:s22+$0xFFFFF800] =	vst v2  }
0x69b: {  	v2 =	vld.idx.msk [tilespmem:v4+s21+$0x0], $0xffff  }
0x69c: {  	v3 =	vld.idx.msk [tilespmem:v4+s23+$0x0], $0xffff;
	_ =	sdelay $0x2  }
0x69d: {  	v4 =	vor.u32 $0x8, v1;
	_ =	sdelay $0x1  }
0x69e: {  	v2 =	vadd.f32 v3, v2;
	_ =	sdelay $0x1  }
0x69f: {  	[tilespmem:s22+$0xFFFFFC00] =	vst v2  }
0x6a0: {  	v2 =	vld.idx.msk [tilespmem:v4+s21+$0x0], $0xffff  }
0x6a1: {  	v3 =	vld.idx.msk [tilespmem:v4+s23+$0x0], $0xffff;
	_ =	sdelay $0x2  }
0x6a2: {  	v4 =	vor.u32 $0x9, v1;
	_ =	sdelay $0x1  }
0x6a3: {  	v2 =	vadd.f32 v3, v2;
	_ =	sdelay $0x1  }
0x6a4: {  	[tilespmem:s22+$0x0] =	vst v2  }
0x6a5: {  	v2 =	vld.idx.msk [tilespmem:v4+s21+$0x0], $0xffff  }
0x6a6: {  	v3 =	vld.idx.msk [tilespmem:v4+s23+$0x0], $0xffff;
	_ =	sdelay $0x2  }
0x6a7: {  	v4 =	vor.u32 $0xA, v1;
	_ =	sdelay $0x1  }
0x6a8: {  	v2 =	vadd.f32 v3, v2;
	_ =	sdelay $0x1  }
0x6a9: {  	[tilespmem:s22+$0x400] =	vst v2  }
0x6aa: {  	v2 =	vld.idx.msk [tilespmem:v4+s21+$0x0], $0xffff  }
0x6ab: {  	v3 =	vld.idx.msk [tilespmem:v4+s23+$0x0], $0xffff;
	_ =	sdelay $0x2  }
0x6ac: {  	v4 =	vor.u32 $0xB, v1;
	_ =	sdelay $0x1  }
0x6ad: {  	v2 =	vadd.f32 v3, v2;
	_ =	sdelay $0x1  }
0x6ae: {  	[tilespmem:s22+$0x800] =	vst v2  }
0x6af: {  	v2 =	vld.idx.msk [tilespmem:v4+s21+$0x0], $0xffff  }
0x6b0: {  	v3 =	vld.idx.msk [tilespmem:v4+s23+$0x0], $0xffff;
	_ =	sdelay $0x2  }
0x6b1: {  	v4 =	vor.u32 $0xC, v1;
	_ =	sdelay $0x1  }
0x6b2: {  	v2 =	vadd.f32 v3, v2;
	_ =	sdelay $0x1  }
0x6b3: {  	[tilespmem:s22+$0xC00] =	vst v2  }
0x6b4: {  	v2 =	vld.idx.msk [tilespmem:v4+s21+$0x0], $0xffff  }
0x6b5: {  	v3 =	vld.idx.msk [tilespmem:v4+s23+$0x0], $0xffff;
	_ =	sdelay $0x2  }
0x6b6: {  	v4 =	vor.u32 $0xD, v1;
	_ =	sdelay $0x1  }
0x6b7: {  	v2 =	vadd.f32 v3, v2;
	_ =	sdelay $0x1  }
0x6b8: {  	[tilespmem:s22+$0x1000] =	vst v2  }
0x6b9: {  	v2 =	vld.idx.msk [tilespmem:v4+s21+$0x0], $0xffff  }
0x6ba: {  	v3 =	vld.idx.msk [tilespmem:v4+s23+$0x0], $0xffff;
	_ =	sdelay $0x2  }
0x6bb: {  	v4 =	vor.u32 $0xE, v1;
	_ =	sdelay $0x1  }
0x6bc: {  	v2 =	vadd.f32 v3, v2;
	_ =	sdelay $0x1  }
0x6bd: {  	[tilespmem:s22+$0x1400] =	vst v2  }
0x6be: {  	v2 =	vld.idx.msk [tilespmem:v4+s21+$0x0], $0xffff  }
0x6bf: {  	s29 =	simm.s32 $0x10;
	s28 =	simm.s32 $0x1B000;
	v3 =	vld.idx.msk [tilespmem:v4+s23+$0x0], $0xffff  }
.LBB2_20:
0x6c0: {  	p0 =	sne.s32 s29, $0x3F0  }
0x6c1: {  	s22 =	sadd.s32 $0x10, s22;
	s31 =	smov.u32 s29;
	s29 =	sadd.s32 $0x10, s29  }
0x6c2: {  	_ = 	snop  }
0x6c3: {  	v1 =	vor.u32 $0xF, v1;
	_ =	sdelay $0x1  }
0x6c4: {  	v2 =	vadd.f32 v3, v2;
	_ =	sdelay $0x1  }
0x6c5: {  	[tilespmem:s28+$0x1800] =	vst v2  }
0x6c6: {  	v2 =	vld.idx.msk [tilespmem:v1+s21+$0x0], $0xffff  }
0x6c7: {  	v3 =	vld.idx.msk [tilespmem:v1+s23+$0x0], $0xffff;
	_ =	sdelay $0x1  }
0x6c8: {  	v1 =	vmov s31  }
0x6c9: {  	v1 =	vshll.u32 v1, $0x4  }
0x6ca: {  	v1 =	vor.u32 v0, v1;
	_ =	sdelay $0x1  }
0x6cb: {  	v2 =	vadd.f32 v3, v2;
	_ =	sdelay $0x1  }
0x6cc: {  	[tilespmem:s28+$0x1C00] =	vst v2;
	s28 =	smov.u32 s22  }
0x6cd: {  	v2 =	vld.idx.msk [tilespmem:v1+s21+$0x0], $0xffff  }
0x6ce: {  	v3 =	vld.idx.msk [tilespmem:v1+s23+$0x0], $0xffff;
	_ =	sdelay $0x3  }
0x6cf: {  	v4 =	vor.u32 $0x1, v1;
	_ =	sdelay $0x1  }
0x6d0: {  	v2 =	vadd.f32 v3, v2;
	_ =	sdelay $0x1  }
0x6d1: {  	[tilespmem:s22+$0xFFFFE000] =	vst v2  }
0x6d2: {  	v2 =	vld.idx.msk [tilespmem:v4+s21+$0x0], $0xffff  }
0x6d3: {  	v3 =	vld.idx.msk [tilespmem:v4+s23+$0x0], $0xffff;
	_ =	sdelay $0x3  }
0x6d4: {  	v4 =	vor.u32 $0x2, v1;
	_ =	sdelay $0x1  }
0x6d5: {  	v2 =	vadd.f32 v3, v2;
	_ =	sdelay $0x1  }
0x6d6: {  	[tilespmem:s22+$0xFFFFE400] =	vst v2  }
0x6d7: {  	v2 =	vld.idx.msk [tilespmem:v4+s21+$0x0], $0xffff  }
0x6d8: {  	v3 =	vld.idx.msk [tilespmem:v4+s23+$0x0], $0xffff;
	_ =	sdelay $0x3  }
0x6d9: {  	v4 =	vor.u32 $0x3, v1;
	_ =	sdelay $0x1  }
0x6da: {  	v2 =	vadd.f32 v3, v2;
	_ =	sdelay $0x1  }
0x6db: {  	[tilespmem:s22+$0xFFFFE800] =	vst v2  }
0x6dc: {  	v2 =	vld.idx.msk [tilespmem:v4+s21+$0x0], $0xffff  }
0x6dd: {  	v3 =	vld.idx.msk [tilespmem:v4+s23+$0x0], $0xffff;
	_ =	sdelay $0x3  }
0x6de: {  	v4 =	vor.u32 $0x4, v1;
	_ =	sdelay $0x1  }
0x6df: {  	v2 =	vadd.f32 v3, v2;
	_ =	sdelay $0x1  }
0x6e0: {  	[tilespmem:s22+$0xFFFFEC00] =	vst v2  }
0x6e1: {  	v2 =	vld.idx.msk [tilespmem:v4+s21+$0x0], $0xffff  }
0x6e2: {  	v3 =	vld.idx.msk [tilespmem:v4+s23+$0x0], $0xffff;
	_ =	sdelay $0x3  }
0x6e3: {  	v4 =	vor.u32 $0x5, v1;
	_ =	sdelay $0x1  }
0x6e4: {  	v2 =	vadd.f32 v3, v2;
	_ =	sdelay $0x1  }
0x6e5: {  	[tilespmem:s22+$0xFFFFF000] =	vst v2  }
0x6e6: {  	v2 =	vld.idx.msk [tilespmem:v4+s21+$0x0], $0xffff  }
0x6e7: {  	v3 =	vld.idx.msk [tilespmem:v4+s23+$0x0], $0xffff;
	_ =	sdelay $0x3  }
0x6e8: {  	v4 =	vor.u32 $0x6, v1;
	_ =	sdelay $0x1  }
0x6e9: {  	v2 =	vadd.f32 v3, v2;
	_ =	sdelay $0x1  }
0x6ea: {  	[tilespmem:s22+$0xFFFFF400] =	vst v2  }
0x6eb: {  	v2 =	vld.idx.msk [tilespmem:v4+s21+$0x0], $0xffff  }
0x6ec: {  	v3 =	vld.idx.msk [tilespmem:v4+s23+$0x0], $0xffff;
	_ =	sdelay $0x3  }
0x6ed: {  	v4 =	vor.u32 $0x7, v1;
	_ =	sdelay $0x1  }
0x6ee: {  	v2 =	vadd.f32 v3, v2;
	_ =	sdelay $0x1  }
0x6ef: {  	[tilespmem:s22+$0xFFFFF800] =	vst v2  }
0x6f0: {  	v2 =	vld.idx.msk [tilespmem:v4+s21+$0x0], $0xffff  }
0x6f1: {  	v3 =	vld.idx.msk [tilespmem:v4+s23+$0x0], $0xffff;
	_ =	sdelay $0x3  }
0x6f2: {  	v4 =	vor.u32 $0x8, v1;
	_ =	sdelay $0x1  }
0x6f3: {  	v2 =	vadd.f32 v3, v2;
	_ =	sdelay $0x1  }
0x6f4: {  	[tilespmem:s22+$0xFFFFFC00] =	vst v2  }
0x6f5: {  	v2 =	vld.idx.msk [tilespmem:v4+s21+$0x0], $0xffff  }
0x6f6: {  	v3 =	vld.idx.msk [tilespmem:v4+s23+$0x0], $0xffff;
	_ =	sdelay $0x3  }
0x6f7: {  	v4 =	vor.u32 $0x9, v1;
	_ =	sdelay $0x1  }
0x6f8: {  	v2 =	vadd.f32 v3, v2;
	_ =	sdelay $0x1  }
0x6f9: {  	[tilespmem:s22+$0x0] =	vst v2  }
0x6fa: {  	v2 =	vld.idx.msk [tilespmem:v4+s21+$0x0], $0xffff  }
0x6fb: {  	v3 =	vld.idx.msk [tilespmem:v4+s23+$0x0], $0xffff;
	_ =	sdelay $0x3  }
0x6fc: {  	v4 =	vor.u32 $0xA, v1;
	_ =	sdelay $0x1  }
0x6fd: {  	v2 =	vadd.f32 v3, v2;
	_ =	sdelay $0x1  }
0x6fe: {  	[tilespmem:s22+$0x400] =	vst v2  }
0x6ff: {  	v2 =	vld.idx.msk [tilespmem:v4+s21+$0x0], $0xffff  }
0x700: {  	v3 =	vld.idx.msk [tilespmem:v4+s23+$0x0], $0xffff;
	_ =	sdelay $0x3  }
0x701: {  	v4 =	vor.u32 $0xB, v1;
	_ =	sdelay $0x1  }
0x702: {  	v2 =	vadd.f32 v3, v2;
	_ =	sdelay $0x1  }
0x703: {  	[tilespmem:s22+$0x800] =	vst v2  }
0x704: {  	v2 =	vld.idx.msk [tilespmem:v4+s21+$0x0], $0xffff  }
0x705: {  	v3 =	vld.idx.msk [tilespmem:v4+s23+$0x0], $0xffff;
	_ =	sdelay $0x3  }
0x706: {  	v4 =	vor.u32 $0xC, v1;
	_ =	sdelay $0x1  }
0x707: {  	v2 =	vadd.f32 v3, v2;
	_ =	sdelay $0x1  }
0x708: {  	[tilespmem:s22+$0xC00] =	vst v2  }
0x709: {  	v2 =	vld.idx.msk [tilespmem:v4+s21+$0x0], $0xffff  }
0x70a: {  	v3 =	vld.idx.msk [tilespmem:v4+s23+$0x0], $0xffff;
	_ =	sdelay $0x3  }
0x70b: {  	v4 =	vor.u32 $0xD, v1;
	_ =	sdelay $0x1  }
0x70c: {  	v2 =	vadd.f32 v3, v2;
	_ =	sdelay $0x1  }
0x70d: {  	[tilespmem:s22+$0x1000] =	vst v2  }
0x70e: {  	v2 =	vld.idx.msk [tilespmem:v4+s21+$0x0], $0xffff  }
0x70f: {  	v3 =	vld.idx.msk [tilespmem:v4+s23+$0x0], $0xffff;
	_ =	sdelay $0x3  }
0x710: {  	v4 =	vor.u32 $0xE, v1;
	_ =	sdelay $0x1  }
.Ltmp9:
0x711: {  	v2 =	vadd.f32 v3, v2;
	(pc) =	sbr.rel @p0 .LBB2_20-.Ltmp9, $4  }
0x712: {  	_ = 	snop  }
0x713: {  	[tilespmem:s22+$0x1400] =	vst v2  }
0x714: {  	v2 =	vld.idx.msk [tilespmem:v4+s21+$0x0], $0xffff  }
0x715: {  	v3 =	vld.idx.msk [tilespmem:v4+s23+$0x0], $0xffff  }
0x716: {  	_ =	sdelay $0x1  }
0x717: {  	v1 =	vor.u32 $0xF, v1;
	_ =	sdelay $0x1  }
0x718: {  	v2 =	vadd.f32 v3, v2;
	_ =	sdelay $0x1  }
0x719: {  	[tilespmem:s28+$0x1800] =	vst v2  }
0x71a: {  	v2 =	vld.idx.msk [tilespmem:v1+s21+$0x0], $0xffff  }
0x71b: {  	v1 =	vld.idx.msk [tilespmem:v1+s23+$0x0], $0xffff;
	_ =	sdelay $0x4  }
0x71c: {  	v1 =	vadd.f32 v1, v2;
	_ =	sdelay $0x1  }
0x71d: {  	s19 =	sadd.s32 $0x1, s19;
	[tilespmem:s28+$0x1C00] =	vst v1  }
0x71e: {  	[hbm4b:s14+s17] =	stream.strided.scatter [tilespmem:s30], [sflag:$0x2], $0x4000, s25, s17, $0x38;
	[tilespmem:$0x1D000] =	vst v63  }
0x71f: {  	p0 =	sne.s32 s19, s15;
	_ =	swait.ge [sflag:s0], $0x4000  }
.Ltmp10:
0x720: {  	[sflag:s0] =	ssyncset.done $0x0;
	(pc) =	sbr.rel @p0 .LBB2_1-.Ltmp10, $4  }
0x721: {  	[sflag:s0] =	ssyncadd.s32 $0xFFFFC000  }
0x722: {  	_ =	swait.ge [sflag:s0], $0x4000  }
0x723: {  	[sflag:s0] =	ssyncset.done $0x0  }
0x724: {  	[sflag:s0] =	ssyncadd.s32 $0xFFFFC000  }
0x725: {  	_ =	sfence.sel $0x180000  }
0x726: {  	[bflag:$0x0] =	sbarrier.arrive $0xFFFF  }
0x727: {  	_ =	strace $0x90000047  }
0x728: {  	s0 =	stileid.u32;
	[bflag:$0x2] =	sbarrier.arrive $0xFFFF  }
0x729: {  	p0 =	sne.s32 s0, $0x0;
	s0 =	rddreg [dreg:$0x2]  }
0x72a: {  	s0 =	sadd.s32 @!p0 $0x100000, s0  }
0x72b: {  	[sflag:s0] =	ssyncadd.tile.s32 @!p0 $0x1;
	_ =	shalt  }
.Lfunc_end2:
_tile_overlayer_lowered:
.L_overlay_start_2:
0x72c: {  	(tag) =	ssettag $0x2  }
0x72d: {  	s0 =	rddreg [dreg:$0x0];
	s2 =	stileid.u32  }
0x72e: {  	s1 =	rddreg [dreg:$0x1];
	p0 =	sne.s32 s2, $0x0  }
0x72f: {  	s3 =	rddreg [dreg:$0x2];
	[bflag:$0x3] =	sbarrier.arrive $0xFFFF;
	s2 =	simm.s32 @!p0 $0x1C03  }
0x730: {  	[timem:s3], [sflag:s2] =	dma.local @!p0 [hbm:s0], s1  }
0x731: {  	s0 =	simm.s32 @!p0 $0x3  }
0x732: {  	_ =	swait.ge @!p0 [sflag:s0], s1  }
0x733: {  	s1 =	ssub.s32 @!p0 $0x0, s1;
	[sflag:s0] =	ssyncset.done @!p0 $0x0  }
0x734: {  	[sflag:s0] =	ssyncadd.s32 @!p0 s1  }
0x735: {  	[bflag:$0x3] =	sbarrier.arrive $0xFFFF  }
0x736: {  	_ =	shalt  }

</sc_bundles>
